<compile_context>
chip_gen: v7x
topology: tpu7x:2x2x1
jax: 0.10.2.dev20260603
libtpu: 0.0.44.dev20260713+nightly
codegen_flags: <defaults>
</compile_context>

<pallas_src>
import functools

import jax
import jax.numpy as jnp
from jax import lax
from jax.experimental import pallas as pl
from jax.experimental.pallas import tpu as pltpu
from jax.experimental.pallas import tpu_sc as plsc

N = 10000
E = 320000
D = 128
L = 3

NC = 2
NS = 16
NW = NC * NS
CK = 128
NCHUNK = 80
EPW = NCHUNK * CK
EPAD = NW * EPW
NPAD = 10112
DUMMY = N
NSTAGE = 2
CPS = NCHUNK // NSTAGE

def _fill_rows(ref, value):
    vals = jnp.full((16,), value, jnp.float32)

    def fr(r, carry):
        for k in range(D // 16):
            ref[r, pl.ds(16 * k, 16)] = vals
        return carry

    lax.fori_loop(0, CK, fr, 0)


def _zero_acc(rows_a, acc_sh, s):
    _fill_rows(rows_a, 0.0)
    base = s * (NPAD // NS)
    for t in range((NPAD // NS) // CK):
        pltpu.sync_copy(rows_a, acc_sh.at[pl.ds(base + CK * t, CK)])
    rem = (NPAD // NS) % CK
    if rem:
        pltpu.sync_copy(rows_a.at[pl.ds(0, rem)],
                        acc_sh.at[pl.ds(base + (NPAD // NS) - rem, rem)])


def _agg_loop(u_hbm, src_hbm, dst_hbm, src_v, dst_v, rows_a, rows_b,
              acc_sh, sema, semb, wid):
    for st in range(NSTAGE):
        pltpu.sync_copy(src_hbm.at[wid].at[pl.ds(st * CPS, CPS)], src_v)
        pltpu.sync_copy(dst_hbm.at[wid].at[pl.ds(st * CPS, CPS)], dst_v)
        pltpu.async_copy(u_hbm.at[src_v.at[0]], rows_a, sema)

        def body(i, carry):
            j0 = 2 * i
            pltpu.async_copy(u_hbm.at[src_v.at[j0 + 1]], rows_b, semb)
            pltpu.make_async_copy(u_hbm.at[src_v.at[j0]], rows_a, sema).wait()
            pltpu.sync_copy(rows_a, acc_sh.at[dst_v.at[j0]], add=True)
            pltpu.async_copy(u_hbm.at[src_v.at[j0 + 2]], rows_a, sema)
            pltpu.make_async_copy(u_hbm.at[src_v.at[j0 + 1]], rows_b,
                                  semb).wait()
            pltpu.sync_copy(rows_b, acc_sh.at[dst_v.at[j0 + 1]], add=True)
            return carry

        lax.fori_loop(0, (CPS - 2) // 2, body, 0)
        jlast = CPS - 2
        pltpu.async_copy(u_hbm.at[src_v.at[jlast + 1]], rows_b, semb)
        pltpu.make_async_copy(u_hbm.at[src_v.at[jlast]], rows_a, sema).wait()
        pltpu.sync_copy(rows_a, acc_sh.at[dst_v.at[jlast]], add=True)
        pltpu.make_async_copy(u_hbm.at[src_v.at[jlast + 1]], rows_b,
                              semb).wait()
        pltpu.sync_copy(rows_b, acc_sh.at[dst_v.at[jlast + 1]], add=True)


def _sc_aggregate_body(u_hbm, src_hbm, dst_hbm, out_hbm,
                       src_v, dst_v, rows_a, rows_b, acc_sh, sema, semb):
    c = lax.axis_index("c")
    s = lax.axis_index("s")
    wid = s * NC + c
    _zero_acc(rows_a, acc_sh, s)
    plsc.subcore_barrier()
    _agg_loop(u_hbm, src_hbm, dst_hbm, src_v, dst_v, rows_a, rows_b,
              acc_sh, sema, semb, wid)
    plsc.subcore_barrier()
    orows = NPAD // NS
    pltpu.sync_copy(acc_sh.at[pl.ds(s * orows, orows)],
                    out_hbm.at[c].at[pl.ds(s * orows, orows)])


def _sc_agg_deg_body(u_hbm, src_hbm, dst_hbm, s_out, deg_out,
                     src_v, dst_v, rows_a, rows_b, acc_sh, sema, semb):
    c = lax.axis_index("c")
    s = lax.axis_index("s")
    wid = s * NC + c
    orows = NPAD // NS
    _zero_acc(rows_a, acc_sh, s)
    _fill_rows(rows_a, 1.0)
    plsc.subcore_barrier()
    for st in range(NSTAGE):
        pltpu.sync_copy(dst_hbm.at[wid].at[pl.ds(st * CPS, CPS)], dst_v)

        def dbody(j, carry):
            pltpu.sync_copy(rows_a, acc_sh.at[dst_v.at[j]], add=True)
            return carry

        lax.fori_loop(0, CPS, dbody, 0)
    plsc.subcore_barrier()
    pltpu.sync_copy(acc_sh.at[pl.ds(s * orows, orows)],
                    deg_out.at[c].at[pl.ds(s * orows, orows)])
    _zero_acc(rows_a, acc_sh, s)
    plsc.subcore_barrier()
    _agg_loop(u_hbm, src_hbm, dst_hbm, src_v, dst_v, rows_a, rows_b,
              acc_sh, sema, semb, wid)
    plsc.subcore_barrier()
    pltpu.sync_copy(acc_sh.at[pl.ds(s * orows, orows)],
                    s_out.at[c].at[pl.ds(s * orows, orows)])


@functools.cache
def _sc_kernels():
    mesh = plsc.VectorSubcoreMesh(core_axis_name="c", subcore_axis_name="s")
    sc_aggregate = functools.partial(
        pl.kernel,
        mesh=mesh,
        out_type=jax.ShapeDtypeStruct((NC, NPAD, D), jnp.float32),
        scratch_types=[
            pltpu.VMEM((CPS, CK), jnp.int32),
            pltpu.VMEM((CPS, CK), jnp.int32),
            pltpu.VMEM((CK, D), jnp.float32),
            pltpu.VMEM((CK, D), jnp.float32),
            pltpu.VMEM_SHARED((NPAD, D), jnp.float32),
            pltpu.SemaphoreType.DMA,
            pltpu.SemaphoreType.DMA,
        ],
    )(_sc_aggregate_body)
    sc_agg_deg = functools.partial(
        pl.kernel,
        mesh=mesh,
        out_type=[jax.ShapeDtypeStruct((NC, NPAD, D), jnp.float32),
                  jax.ShapeDtypeStruct((NC, NPAD, D), jnp.float32)],
        scratch_types=[
            pltpu.VMEM((CPS, CK), jnp.int32),
            pltpu.VMEM((CPS, CK), jnp.int32),
            pltpu.VMEM((CK, D), jnp.float32),
            pltpu.VMEM((CK, D), jnp.float32),
            pltpu.VMEM_SHARED((NPAD, D), jnp.float32),
            pltpu.SemaphoreType.DMA,
            pltpu.SemaphoreType.DMA,
        ],
    )(_sc_agg_deg_body)
    return sc_aggregate, sc_agg_deg


ROWS = 2000
GRID = N // ROWS
_HI = lax.Precision.HIGHEST


def _ln_relu(h, g, b):
    m = jnp.mean(h, axis=-1, keepdims=True)
    d = h - m
    v = jnp.mean(d * d, axis=-1, keepdims=True)
    y = d * lax.rsqrt(v + 1e-5) * g + b
    return jnp.maximum(y, 0.0)


def _tc_pre_body(x_ref, wpre_ref, bpre_ref, g_ref, b_ref, h_ref, u_ref):
    h = jnp.dot(x_ref[...], wpre_ref[...], precision=_HI) + bpre_ref[...]
    h_ref[...] = h
    u_ref[...] = _ln_relu(h, g_ref[...], b_ref[...])


def _agg_update(s_ref, d_ref, u, h, wl, bl, wr):
    cnt = d_ref[0][:, 0:1] + d_ref[1][:, 0:1]
    inv = 1.0 / jnp.maximum(cnt, 1.0)
    agg = (s_ref[0] + s_ref[1]) * inv
    return (jnp.dot(agg, wl, precision=_HI) + bl
            + jnp.dot(u, wr, precision=_HI) + h)


def _tc_mid_body(s_ref, d_ref, u_ref, h_ref,
                 wl_ref, bl_ref, wr_ref, g_ref, b_ref, ho_ref, uo_ref):
    hn = _agg_update(s_ref, d_ref, u_ref[...], h_ref[...], wl_ref[...],
                     bl_ref[...], wr_ref[...])
    ho_ref[...] = hn
    uo_ref[...] = _ln_relu(hn, g_ref[...], b_ref[...])


def _tc_final_body(s_ref, d_ref, u_ref, h_ref,
                   wl_ref, bl_ref, wr_ref, gf_ref, bf_ref,
                   wpost_ref, bpost_ref, out_ref):
    hn = _agg_update(s_ref, d_ref, u_ref[...], h_ref[...], wl_ref[...],
                     bl_ref[...], wr_ref[...])
    t = _ln_relu(hn, gf_ref[...], bf_ref[...])
    out_ref[...] = jnp.dot(t, wpost_ref[...], precision=_HI) + bpost_ref[...]


def _row_spec():
    return pl.BlockSpec((ROWS, D), lambda i: (i, 0))


def _s_spec():
    return pl.BlockSpec((NC, ROWS, D), lambda i: (0, i, 0))


def _deg_spec():
    return pl.BlockSpec((NC, ROWS, 16), lambda i: (0, i, 0))


def _w_spec():
    return pl.BlockSpec((D, D), lambda i: (0, 0))


def _b_spec():
    return pl.BlockSpec((1, D), lambda i: (0, 0))


_tc_pre = pl.pallas_call(
    _tc_pre_body,
    grid=(GRID,),
    in_specs=[_row_spec(), _w_spec(), _b_spec(), _b_spec(), _b_spec()],
    out_specs=[_row_spec(), _row_spec()],
    out_shape=[jax.ShapeDtypeStruct((N, D), jnp.float32),
               jax.ShapeDtypeStruct((N, D), jnp.float32)],
)

_tc_mid = pl.pallas_call(
    _tc_mid_body,
    grid=(GRID,),
    in_specs=[_s_spec(), _deg_spec(),
              _row_spec(), _row_spec(), _w_spec(), _b_spec(), _w_spec(),
              _b_spec(), _b_spec()],
    out_specs=[_row_spec(), _row_spec()],
    out_shape=[jax.ShapeDtypeStruct((N, D), jnp.float32),
               jax.ShapeDtypeStruct((N, D), jnp.float32)],
)

_tc_final = pl.pallas_call(
    _tc_final_body,
    grid=(GRID,),
    in_specs=[_s_spec(), _deg_spec(),
              _row_spec(), _row_spec(), _w_spec(), _b_spec(), _w_spec(),
              _b_spec(), _b_spec(), _w_spec(), _b_spec()],
    out_specs=_row_spec(),
    out_shape=jax.ShapeDtypeStruct((N, D), jnp.float32),
)


def kernel(x, edge_index, W_pre, b_pre, ln_g, ln_b, Wl, bl, Wr,
           ln_gf, ln_bf, W_post, b_post):
    src = edge_index[0]
    dst = edge_index[1]
    epw_real = E // NW
    padw = EPW - epw_real
    w_ids = jnp.arange(NW, dtype=jnp.int32)[:, None]
    p_ids = jnp.arange(padw, dtype=jnp.int32)[None, :]
    pad_src = (w_ids * padw + p_ids) % N
    pad_dst = DUMMY + w_ids * 3 + p_ids % 3
    src_p = jnp.concatenate(
        [src.reshape(NW, epw_real), pad_src], axis=1).reshape(NW, NCHUNK, CK)
    dst_p = jnp.concatenate(
        [dst.reshape(NW, epw_real), pad_dst], axis=1).reshape(NW, NCHUNK, CK)
    sc_aggregate, sc_agg_deg = _sc_kernels()

    h, u = _tc_pre(x, W_pre.T, b_pre[None], ln_g[0][None], ln_b[0][None])
    out = None
    deg = None
    for l in range(L):
        if l == 0:
            S, degf = sc_agg_deg(u, src_p, dst_p)
            deg = degf[:, :, :16]
        else:
            S = sc_aggregate(u, src_p, dst_p)
        if l < L - 1:
            h, u = _tc_mid(S, deg, u, h,
                           Wl[l].T, bl[l][None], Wr[l].T,
                           ln_g[l + 1][None], ln_b[l + 1][None])
        else:
            out = _tc_final(S, deg, u, h,
                            Wl[l].T, bl[l][None], Wr[l].T,
                            ln_gf[None], ln_bf[None],
                            W_post.T, b_post[None])
    return out

# --- scband reference (transcript-rebuilt; emitter-appended) ---
"""Pipeline reference for scband-gnn-37014028156991 (READ-ONLY COPY).

The authoritative reference and input builder live on the scoring server;
editing this copy changes nothing except your own understanding.
"""

import jax, jax.numpy as jnp
import numpy as np

N = 10000
E = 320000
D = 128
L = 3

def setup_inputs(seed: int = 0) -> dict:
    key = jax.random.key(seed)
    ks = jax.random.split(key, 16)
    s = 1.0 / np.sqrt(D)
    inp = {}
    inp['x'] = jax.random.normal(ks[0], (N, D), dtype=jnp.float32)
    inp['edge_index'] = jax.random.randint(ks[1], (2, E), 0, N, dtype=jnp.int32)
    inp['W_pre'] = jax.random.uniform(ks[2], (D, D), dtype=jnp.float32, minval=-s, maxval=s)
    inp['b_pre'] = jax.random.uniform(ks[3], (D,), dtype=jnp.float32, minval=-s, maxval=s)
    inp['ln_g'] = jnp.ones((L, D), dtype=jnp.float32)
    inp['ln_b'] = jnp.zeros((L, D), dtype=jnp.float32)
    inp['Wl'] = jax.random.uniform(ks[4], (L, D, D), dtype=jnp.float32, minval=-s, maxval=s)
    inp['bl'] = jax.random.uniform(ks[5], (L, D), dtype=jnp.float32, minval=-s, maxval=s)
    inp['Wr'] = jax.random.uniform(ks[6], (L, D, D), dtype=jnp.float32, minval=-s, maxval=s)
    inp['ln_gf'] = jnp.ones((D,), dtype=jnp.float32)
    inp['ln_bf'] = jnp.zeros((D,), dtype=jnp.float32)
    inp['W_post'] = jax.random.uniform(ks[7], (D, D), dtype=jnp.float32, minval=-s, maxval=s)
    inp['b_post'] = jax.random.uniform(ks[8], (D,), dtype=jnp.float32, minval=-s, maxval=s)
    return inp

def _layer_norm(h, g, b):
    m = jnp.mean(h, axis=-1, keepdims=True)
    v = jnp.mean(jnp.square(h - m), axis=-1, keepdims=True)
    return (h - m) / jnp.sqrt(v + 1e-5) * g + b

def _sage(h, src, dst, Wl, bl, Wr):
    msg = h[src]  # gather [E, D]
    summed = jax.ops.segment_sum(msg, dst, num_segments=N)
    cnt = jax.ops.segment_sum(jnp.ones((src.shape[0], 1), h.dtype), dst, num_segments=N)
    agg = jnp.where(cnt > 0, summed / jnp.maximum(cnt, 1.0), 0.0)
    return agg @ Wl.T + bl + h @ Wr.T

def reference(x, edge_index, W_pre, b_pre, ln_g, ln_b, Wl, bl, Wr, ln_gf, ln_bf, W_post, b_post):
    src = edge_index[0]
    dst = edge_index[1]
    h = x @ W_pre.T + b_pre
    for l in range(L):
        u = _layer_norm(h, ln_g[l], ln_b[l])
        u = jax.nn.relu(u)
        u = _sage(u, src, dst, Wl[l], bl[l], Wr[l])
        h = u + h
    h = jax.nn.relu(_layer_norm(h, ln_gf, ln_bf))
    out = h @ W_post.T + b_post
    return out

if __name__ == "__main__":
    import jax
    _d = setup_inputs()
    print(jax.jit(kernel)(*tuple(_d.values())))

</pallas_src>

<mosaic_0001>
#map = affine_map<(d0, d1) -> (0, 0)>
#map1 = affine_map<(d0, d1) -> (0, 0, 0)>
module attributes {stable_mosaic.version = 14 : i64} {
  func.func @_sc_aggregate_body(%arg0: i32, %arg1: i32, %arg2: memref<10000x128xf32, #tpu.memory_space<hbm>>, %arg3: memref<32x80x128xi32, #tpu.memory_space<hbm>>, %arg4: memref<32x80x128xi32, #tpu.memory_space<hbm>>, %arg5: memref<2x10112x128xf32, #tpu.memory_space<hbm>>, %arg6: memref<40x128xi32, #tpu.memory_space<vmem>>, %arg7: memref<40x128xi32, #tpu.memory_space<vmem>>, %arg8: memref<128x128xf32, #tpu.memory_space<vmem>>, %arg9: memref<128x128xf32, #tpu.memory_space<vmem>>, %arg10: memref<10112x128xf32, #tpu.memory_space<vmem_shared>>, %arg11: memref<!tpu.dma_semaphore, #tpu.memory_space<semaphore_mem>>, %arg12: memref<!tpu.dma_semaphore, #tpu.memory_space<semaphore_mem>>) attributes {dimension_semantics = [#tpu.dimension_semantics<core_parallel>, #tpu.dimension_semantics<subcore_parallel>], iteration_bounds = array<i64: 2, 16>, scalar_prefetch = 0 : i64, scratch_operands = 7 : i64, tpu.core_type = #tpu.core_type<sc_vector_subcore>, window_params = [{transform_indices = #map}, {transform_indices = #map1}, {transform_indices = #map1}, {transform_indices = #map1}]} {
    %mul3A = arith.constant 2 : i32
    %mul3A_0 = arith.muli %arg1, %mul3A : i32
    %add3A = arith.addi %mul3A_0, %arg0 : i32
    %broadcast_in_dim3A = arith.constant 0.000000e+00 : f32
    %broadcast_in_dim3A_1 = vector.broadcast %broadcast_in_dim3A : f32 to vector<16xf32>
    %scan3A = arith.constant 0 : i32
    %scan3A_2 = arith.constant 0 : i32
    %scan3A_3 = arith.constant 128 : i32
    %scan3A_4 = arith.addi %scan3A_2, %scan3A_3 : i32
    %scan3A_5 = arith.constant 1 : i32
    scf.for %scan3A_94 = %scan3A_2 to %scan3A_4 step %scan3A_5  : i32 {
      %swap3A = arith.index_cast %scan3A_94 : i32 to index
      %swap3A_95 = arith.constant 0 : index
      %swap3A_96 = tpu.vector_load %arg8[%swap3A, %swap3A_95] {strides = array<i32>} : memref<128x128xf32, #tpu.memory_space<vmem>>, vector<1x16xf32>,
      %swap3A_97 = vector.shape_cast %swap3A_96 : vector<1x16xf32> to vector<16xf32>
      %swap3A_98 = vector.shape_cast %broadcast_in_dim3A_1 : vector<16xf32> to vector<1x16xf32>
      tpu.vector_store %arg8[%swap3A, %swap3A_95], %swap3A_98 {strides = array<i32>} : memref<128x128xf32, #tpu.memory_space<vmem>>, vector<1x16xf32>,
      %swap3A_99 = arith.index_cast %scan3A_94 : i32 to index
      %swap3A_100 = arith.constant 16 : index
      %swap3A_101 = tpu.vector_load %arg8[%swap3A_99, %swap3A_100] {strides = array<i32>} : memref<128x128xf32, #tpu.memory_space<vmem>>, vector<1x16xf32>,
      %swap3A_102 = vector.shape_cast %swap3A_101 : vector<1x16xf32> to vector<16xf32>
      %swap3A_103 = vector.shape_cast %broadcast_in_dim3A_1 : vector<16xf32> to vector<1x16xf32>
      tpu.vector_store %arg8[%swap3A_99, %swap3A_100], %swap3A_103 {strides = array<i32>} : memref<128x128xf32, #tpu.memory_space<vmem>>, vector<1x16xf32>,
      %swap3A_104 = arith.index_cast %scan3A_94 : i32 to index
      %swap3A_105 = arith.constant 32 : index
      %swap3A_106 = tpu.vector_load %arg8[%swap3A_104, %swap3A_105] {strides = array<i32>} : memref<128x128xf32, #tpu.memory_space<vmem>>, vector<1x16xf32>,
      %swap3A_107 = vector.shape_cast %swap3A_106 : vector<1x16xf32> to vector<16xf32>
      %swap3A_108 = vector.shape_cast %broadcast_in_dim3A_1 : vector<16xf32> to vector<1x16xf32>
      tpu.vector_store %arg8[%swap3A_104, %swap3A_105], %swap3A_108 {strides = array<i32>} : memref<128x128xf32, #tpu.memory_space<vmem>>, vector<1x16xf32>,
      %swap3A_109 = arith.index_cast %scan3A_94 : i32 to index
      %swap3A_110 = arith.constant 48 : index
      %swap3A_111 = tpu.vector_load %arg8[%swap3A_109, %swap3A_110] {strides = array<i32>} : memref<128x128xf32, #tpu.memory_space<vmem>>, vector<1x16xf32>,
      %swap3A_112 = vector.shape_cast %swap3A_111 : vector<1x16xf32> to vector<16xf32>
      %swap3A_113 = vector.shape_cast %broadcast_in_dim3A_1 : vector<16xf32> to vector<1x16xf32>
      tpu.vector_store %arg8[%swap3A_109, %swap3A_110], %swap3A_113 {strides = array<i32>} : memref<128x128xf32, #tpu.memory_space<vmem>>, vector<1x16xf32>,
      %swap3A_114 = arith.index_cast %scan3A_94 : i32 to index
      %swap3A_115 = arith.constant 64 : index
      %swap3A_116 = tpu.vector_load %arg8[%swap3A_114, %swap3A_115] {strides = array<i32>} : memref<128x128xf32, #tpu.memory_space<vmem>>, vector<1x16xf32>,
      %swap3A_117 = vector.shape_cast %swap3A_116 : vector<1x16xf32> to vector<16xf32>
      %swap3A_118 = vector.shape_cast %broadcast_in_dim3A_1 : vector<16xf32> to vector<1x16xf32>
      tpu.vector_store %arg8[%swap3A_114, %swap3A_115], %swap3A_118 {strides = array<i32>} : memref<128x128xf32, #tpu.memory_space<vmem>>, vector<1x16xf32>,
      %swap3A_119 = arith.index_cast %scan3A_94 : i32 to index
      %swap3A_120 = arith.constant 80 : index
      %swap3A_121 = tpu.vector_load %arg8[%swap3A_119, %swap3A_120] {strides = array<i32>} : memref<128x128xf32, #tpu.memory_space<vmem>>, vector<1x16xf32>,
      %swap3A_122 = vector.shape_cast %swap3A_121 : vector<1x16xf32> to vector<16xf32>
      %swap3A_123 = vector.shape_cast %broadcast_in_dim3A_1 : vector<16xf32> to vector<1x16xf32>
      tpu.vector_store %arg8[%swap3A_119, %swap3A_120], %swap3A_123 {strides = array<i32>} : memref<128x128xf32, #tpu.memory_space<vmem>>, vector<1x16xf32>,
      %swap3A_124 = arith.index_cast %scan3A_94 : i32 to index
      %swap3A_125 = arith.constant 96 : index
      %swap3A_126 = tpu.vector_load %arg8[%swap3A_124, %swap3A_125] {strides = array<i32>} : memref<128x128xf32, #tpu.memory_space<vmem>>, vector<1x16xf32>,
      %swap3A_127 = vector.shape_cast %swap3A_126 : vector<1x16xf32> to vector<16xf32>
      %swap3A_128 = vector.shape_cast %broadcast_in_dim3A_1 : vector<16xf32> to vector<1x16xf32>
      tpu.vector_store %arg8[%swap3A_124, %swap3A_125], %swap3A_128 {strides = array<i32>} : memref<128x128xf32, #tpu.memory_space<vmem>>, vector<1x16xf32>,
      %swap3A_129 = arith.index_cast %scan3A_94 : i32 to index
      %swap3A_130 = arith.constant 112 : index
      %swap3A_131 = tpu.vector_load %arg8[%swap3A_129, %swap3A_130] {strides = array<i32>} : memref<128x128xf32, #tpu.memory_space<vmem>>, vector<1x16xf32>,
      %swap3A_132 = vector.shape_cast %swap3A_131 : vector<1x16xf32> to vector<16xf32>
      %swap3A_133 = vector.shape_cast %broadcast_in_dim3A_1 : vector<16xf32> to vector<1x16xf32>
      tpu.vector_store %arg8[%swap3A_129, %swap3A_130], %swap3A_133 {strides = array<i32>} : memref<128x128xf32, #tpu.memory_space<vmem>>, vector<1x16xf32>,
    }
    %scan3A_6 = arith.constant 128 : i32
    %mul3A_7 = arith.constant 632 : i32
    %mul3A_8 = arith.muli %arg1, %mul3A_7 : i32
    %add3A_9 = arith.constant 0 : i32
    %add3A_10 = arith.addi %mul3A_8, %add3A_9 : i32
    "tpu.region"() ({
      %run_scoped3A_94 = tpu.sem_alloc : memref<!tpu.dma_semaphore, #tpu.memory_space<semaphore_mem>>
      %dma_start3A_95 = arith.constant 0 : i32
      %dma_start3A_96 = tpu.memref_slice %arg10[%add3A_10, %dma_start3A_95] : memref<10112x128xf32, #tpu.memory_space<vmem_shared>> -> memref<128x128xf32, #tpu.memory_space<vmem_shared>>
      %dma_start3A_97 = arith.constant 0 : i32
      %dma_start3A_98 = tpu.memref_slice %arg10[%add3A_10, %dma_start3A_97] : memref<10112x128xf32, #tpu.memory_space<vmem_shared>> -> memref<128x128xf32, #tpu.memory_space<vmem_shared>>
      tpu.enqueue_dma source(%arg8 : memref<128x128xf32, #tpu.memory_space<vmem>>) target(%dma_start3A_98 : memref<128x128xf32, #tpu.memory_space<vmem_shared>>) target_semaphore(%run_scoped3A_94 : memref<!tpu.dma_semaphore, #tpu.memory_space<semaphore_mem>>)
      %dma_wait3A_99 = arith.constant 0 : i32
      %dma_wait3A_100 = tpu.memref_slice %arg10[%add3A_10, %dma_wait3A_99] : memref<10112x128xf32, #tpu.memory_space<vmem_shared>> -> memref<128x128xf32, #tpu.memory_space<vmem_shared>>
      %dma_wait3A_101 = arith.constant 0 : i32
      %dma_wait3A_102 = tpu.memref_slice %arg10[%add3A_10, %dma_wait3A_101] : memref<10112x128xf32, #tpu.memory_space<vmem_shared>> -> memref<128x128xf32, #tpu.memory_space<vmem_shared>>
      tpu.wait_dma2 semaphore(%run_scoped3A_94 : memref<!tpu.dma_semaphore, #tpu.memory_space<semaphore_mem>>) src(%arg8 : memref<128x128xf32, #tpu.memory_space<vmem>>) dst(%dma_wait3A_102 : memref<128x128xf32, #tpu.memory_space<vmem_shared>>)
      tpu.yield
    }) : () -> ()
    %add3A_11 = arith.constant 128 : i32
    %add3A_12 = arith.addi %mul3A_8, %add3A_11 : i32
    "tpu.region"() ({
      %run_scoped3A_94 = tpu.sem_alloc : memref<!tpu.dma_semaphore, #tpu.memory_space<semaphore_mem>>
      %dma_start3A_95 = arith.constant 0 : i32
      %dma_start3A_96 = tpu.memref_slice %arg10[%add3A_12, %dma_start3A_95] : memref<10112x128xf32, #tpu.memory_space<vmem_shared>> -> memref<128x128xf32, #tpu.memory_space<vmem_shared>>
      %dma_start3A_97 = arith.constant 0 : i32
      %dma_start3A_98 = tpu.memref_slice %arg10[%add3A_12, %dma_start3A_97] : memref<10112x128xf32, #tpu.memory_space<vmem_shared>> -> memref<128x128xf32, #tpu.memory_space<vmem_shared>>
      tpu.enqueue_dma source(%arg8 : memref<128x128xf32, #tpu.memory_space<vmem>>) target(%dma_start3A_98 : memref<128x128xf32, #tpu.memory_space<vmem_shared>>) target_semaphore(%run_scoped3A_94 : memref<!tpu.dma_semaphore, #tpu.memory_space<semaphore_mem>>)
      %dma_wait3A_99 = arith.constant 0 : i32
      %dma_wait3A_100 = tpu.memref_slice %arg10[%add3A_12, %dma_wait3A_99] : memref<10112x128xf32, #tpu.memory_space<vmem_shared>> -> memref<128x128xf32, #tpu.memory_space<vmem_shared>>
      %dma_wait3A_101 = arith.constant 0 : i32
      %dma_wait3A_102 = tpu.memref_slice %arg10[%add3A_12, %dma_wait3A_101] : memref<10112x128xf32, #tpu.memory_space<vmem_shared>> -> memref<128x128xf32, #tpu.memory_space<vmem_shared>>
      tpu.wait_dma2 semaphore(%run_scoped3A_94 : memref<!tpu.dma_semaphore, #tpu.memory_space<semaphore_mem>>) src(%arg8 : memref<128x128xf32, #tpu.memory_space<vmem>>) dst(%dma_wait3A_102 : memref<128x128xf32, #tpu.memory_space<vmem_shared>>)
      tpu.yield
    }) : () -> ()
    %add3A_13 = arith.constant 256 : i32
    %add3A_14 = arith.addi %mul3A_8, %add3A_13 : i32
    "tpu.region"() ({
      %run_scoped3A_94 = tpu.sem_alloc : memref<!tpu.dma_semaphore, #tpu.memory_space<semaphore_mem>>
      %dma_start3A_95 = arith.constant 0 : i32
      %dma_start3A_96 = tpu.memref_slice %arg10[%add3A_14, %dma_start3A_95] : memref<10112x128xf32, #tpu.memory_space<vmem_shared>> -> memref<128x128xf32, #tpu.memory_space<vmem_shared>>
      %dma_start3A_97 = arith.constant 0 : i32
      %dma_start3A_98 = tpu.memref_slice %arg10[%add3A_14, %dma_start3A_97] : memref<10112x128xf32, #tpu.memory_space<vmem_shared>> -> memref<128x128xf32, #tpu.memory_space<vmem_shared>>
      tpu.enqueue_dma source(%arg8 : memref<128x128xf32, #tpu.memory_space<vmem>>) target(%dma_start3A_98 : memref<128x128xf32, #tpu.memory_space<vmem_shared>>) target_semaphore(%run_scoped3A_94 : memref<!tpu.dma_semaphore, #tpu.memory_space<semaphore_mem>>)
      %dma_wait3A_99 = arith.constant 0 : i32
      %dma_wait3A_100 = tpu.memref_slice %arg10[%add3A_14, %dma_wait3A_99] : memref<10112x128xf32, #tpu.memory_space<vmem_shared>> -> memref<128x128xf32, #tpu.memory_space<vmem_shared>>
      %dma_wait3A_101 = arith.constant 0 : i32
      %dma_wait3A_102 = tpu.memref_slice %arg10[%add3A_14, %dma_wait3A_101] : memref<10112x128xf32, #tpu.memory_space<vmem_shared>> -> memref<128x128xf32, #tpu.memory_space<vmem_shared>>
      tpu.wait_dma2 semaphore(%run_scoped3A_94 : memref<!tpu.dma_semaphore, #tpu.memory_space<semaphore_mem>>) src(%arg8 : memref<128x128xf32, #tpu.memory_space<vmem>>) dst(%dma_wait3A_102 : memref<128x128xf32, #tpu.memory_space<vmem_shared>>)
      tpu.yield
    }) : () -> ()
    %add3A_15 = arith.constant 384 : i32
    %add3A_16 = arith.addi %mul3A_8, %add3A_15 : i32
    "tpu.region"() ({
      %run_scoped3A_94 = tpu.sem_alloc : memref<!tpu.dma_semaphore, #tpu.memory_space<semaphore_mem>>
      %dma_start3A_95 = arith.constant 0 : i32
      %dma_start3A_96 = tpu.memref_slice %arg10[%add3A_16, %dma_start3A_95] : memref<10112x128xf32, #tpu.memory_space<vmem_shared>> -> memref<128x128xf32, #tpu.memory_space<vmem_shared>>
      %dma_start3A_97 = arith.constant 0 : i32
      %dma_start3A_98 = tpu.memref_slice %arg10[%add3A_16, %dma_start3A_97] : memref<10112x128xf32, #tpu.memory_space<vmem_shared>> -> memref<128x128xf32, #tpu.memory_space<vmem_shared>>
      tpu.enqueue_dma source(%arg8 : memref<128x128xf32, #tpu.memory_space<vmem>>) target(%dma_start3A_98 : memref<128x128xf32, #tpu.memory_space<vmem_shared>>) target_semaphore(%run_scoped3A_94 : memref<!tpu.dma_semaphore, #tpu.memory_space<semaphore_mem>>)
      %dma_wait3A_99 = arith.constant 0 : i32
      %dma_wait3A_100 = tpu.memref_slice %arg10[%add3A_16, %dma_wait3A_99] : memref<10112x128xf32, #tpu.memory_space<vmem_shared>> -> memref<128x128xf32, #tpu.memory_space<vmem_shared>>
      %dma_wait3A_101 = arith.constant 0 : i32
      %dma_wait3A_102 = tpu.memref_slice %arg10[%add3A_16, %dma_wait3A_101] : memref<10112x128xf32, #tpu.memory_space<vmem_shared>> -> memref<128x128xf32, #tpu.memory_space<vmem_shared>>
      tpu.wait_dma2 semaphore(%run_scoped3A_94 : memref<!tpu.dma_semaphore, #tpu.memory_space<semaphore_mem>>) src(%arg8 : memref<128x128xf32, #tpu.memory_space<vmem>>) dst(%dma_wait3A_102 : memref<128x128xf32, #tpu.memory_space<vmem_shared>>)
      tpu.yield
    }) : () -> ()
    %add3A_17 = arith.constant 632 : i32
    %add3A_18 = arith.addi %mul3A_8, %add3A_17 : i32
    %sub3A = arith.constant 120 : i32
    %sub3A_19 = arith.subi %add3A_18, %sub3A : i32
    "tpu.region"() ({
      %run_scoped3A_94 = tpu.sem_alloc : memref<!tpu.dma_semaphore, #tpu.memory_space<semaphore_mem>>
      %dma_start3A_95 = arith.constant 0 : i32
      %dma_start3A_96 = arith.constant 0 : i32
      %dma_start3A_97 = tpu.memref_slice %arg8[%dma_start3A_95, %dma_start3A_96] : memref<128x128xf32, #tpu.memory_space<vmem>> -> memref<120x128xf32, #tpu.memory_space<vmem>>
      %dma_start3A_98 = arith.constant 0 : i32
      %dma_start3A_99 = tpu.memref_slice %arg10[%sub3A_19, %dma_start3A_98] : memref<10112x128xf32, #tpu.memory_space<vmem_shared>> -> memref<120x128xf32, #tpu.memory_space<vmem_shared>>
      %dma_start3A_100 = arith.constant 0 : i32
      %dma_start3A_101 = tpu.memref_slice %arg10[%sub3A_19, %dma_start3A_100] : memref<10112x128xf32, #tpu.memory_space<vmem_shared>> -> memref<120x128xf32, #tpu.memory_space<vmem_shared>>
      %dma_start3A_102 = arith.constant 0 : i32
      %dma_start3A_103 = arith.constant 0 : i32
      %dma_start3A_104 = tpu.memref_slice %arg8[%dma_start3A_102, %dma_start3A_103] : memref<128x128xf32, #tpu.memory_space<vmem>> -> memref<120x128xf32, #tpu.memory_space<vmem>>
      tpu.enqueue_dma source(%dma_start3A_104 : memref<120x128xf32, #tpu.memory_space<vmem>>) target(%dma_start3A_101 : memref<120x128xf32, #tpu.memory_space<vmem_shared>>) target_semaphore(%run_scoped3A_94 : memref<!tpu.dma_semaphore, #tpu.memory_space<semaphore_mem>>)
      %dma_wait3A_105 = arith.constant 0 : i32
      %dma_wait3A_106 = arith.constant 0 : i32
      %dma_wait3A_107 = tpu.memref_slice %arg8[%dma_wait3A_105, %dma_wait3A_106] : memref<128x128xf32, #tpu.memory_space<vmem>> -> memref<120x128xf32, #tpu.memory_space<vmem>>
      %dma_wait3A_108 = arith.constant 0 : i32
      %dma_wait3A_109 = tpu.memref_slice %arg10[%sub3A_19, %dma_wait3A_108] : memref<10112x128xf32, #tpu.memory_space<vmem_shared>> -> memref<120x128xf32, #tpu.memory_space<vmem_shared>>
      %dma_wait3A_110 = arith.constant 0 : i32
      %dma_wait3A_111 = tpu.memref_slice %arg10[%sub3A_19, %dma_wait3A_110] : memref<10112x128xf32, #tpu.memory_space<vmem_shared>> -> memref<120x128xf32, #tpu.memory_space<vmem_shared>>
      %dma_wait3A_112 = arith.constant 0 : i32
      %dma_wait3A_113 = arith.constant 0 : i32
      %dma_wait3A_114 = tpu.memref_slice %arg8[%dma_wait3A_112, %dma_wait3A_113] : memref<128x128xf32, #tpu.memory_space<vmem>> -> memref<120x128xf32, #tpu.memory_space<vmem>>
      tpu.wait_dma2 semaphore(%run_scoped3A_94 : memref<!tpu.dma_semaphore, #tpu.memory_space<semaphore_mem>>) src(%dma_wait3A_114 : memref<120x128xf32, #tpu.memory_space<vmem>>) dst(%dma_wait3A_111 : memref<120x128xf32, #tpu.memory_space<vmem_shared>>)
      tpu.yield
    }) : () -> ()
    %barrier3A = arith.constant 0 : index
    tpu.barrier barrier_id(%barrier3A)
    "tpu.region"() ({
      %run_scoped3A_94 = tpu.sem_alloc : memref<!tpu.dma_semaphore, #tpu.memory_space<semaphore_mem>>
      %dma_start3A_95 = arith.constant 0 : i32
      %dma_start3A_96 = arith.constant 0 : i32
      %dma_start3A_97 = tpu.memref_slice %arg3[%add3A, %dma_start3A_95, %dma_start3A_96] : memref<32x80x128xi32, #tpu.memory_space<hbm>> -> memref<1x80x128xi32, #tpu.memory_space<hbm>>
      %dma_start3A_98 = tpu.memref_squeeze %dma_start3A_97 : memref<1x80x128xi32, #tpu.memory_space<hbm>> -> memref<80x128xi32, #tpu.memory_space<hbm>>
      %dma_start3A_99 = arith.constant 0 : i32
      %dma_start3A_100 = arith.constant 0 : i32
      %dma_start3A_101 = tpu.memref_slice %dma_start3A_98[%dma_start3A_99, %dma_start3A_100] : memref<80x128xi32, #tpu.memory_space<hbm>> -> memref<40x128xi32, #tpu.memory_space<hbm>>
      %dma_start3A_102 = arith.constant 0 : i32
      %dma_start3A_103 = arith.constant 0 : i32
      %dma_start3A_104 = tpu.memref_slice %arg3[%add3A, %dma_start3A_102, %dma_start3A_103] : memref<32x80x128xi32, #tpu.memory_space<hbm>> -> memref<1x80x128xi32, #tpu.memory_space<hbm>>
      %dma_start3A_105 = tpu.memref_squeeze %dma_start3A_104 : memref<1x80x128xi32, #tpu.memory_space<hbm>> -> memref<80x128xi32, #tpu.memory_space<hbm>>
      %dma_start3A_106 = arith.constant 0 : i32
      %dma_start3A_107 = arith.constant 0 : i32
      %dma_start3A_108 = tpu.memref_slice %dma_start3A_105[%dma_start3A_106, %dma_start3A_107] : memref<80x128xi32, #tpu.memory_space<hbm>> -> memref<40x128xi32, #tpu.memory_space<hbm>>
      tpu.enqueue_dma source(%dma_start3A_108 : memref<40x128xi32, #tpu.memory_space<hbm>>) target(%arg6 : memref<40x128xi32, #tpu.memory_space<vmem>>) target_semaphore(%run_scoped3A_94 : memref<!tpu.dma_semaphore, #tpu.memory_space<semaphore_mem>>)
      %dma_wait3A_109 = arith.constant 0 : i32
      %dma_wait3A_110 = arith.constant 0 : i32
      %dma_wait3A_111 = tpu.memref_slice %arg3[%add3A, %dma_wait3A_109, %dma_wait3A_110] : memref<32x80x128xi32, #tpu.memory_space<hbm>> -> memref<1x80x128xi32, #tpu.memory_space<hbm>>
      %dma_wait3A_112 = tpu.memref_squeeze %dma_wait3A_111 : memref<1x80x128xi32, #tpu.memory_space<hbm>> -> memref<80x128xi32, #tpu.memory_space<hbm>>
      %dma_wait3A_113 = arith.constant 0 : i32
      %dma_wait3A_114 = arith.constant 0 : i32
      %dma_wait3A_115 = tpu.memref_slice %dma_wait3A_112[%dma_wait3A_113, %dma_wait3A_114] : memref<80x128xi32, #tpu.memory_space<hbm>> -> memref<40x128xi32, #tpu.memory_space<hbm>>
      %dma_wait3A_116 = arith.constant 0 : i32
      %dma_wait3A_117 = arith.constant 0 : i32
      %dma_wait3A_118 = tpu.memref_slice %arg3[%add3A, %dma_wait3A_116, %dma_wait3A_117] : memref<32x80x128xi32, #tpu.memory_space<hbm>> -> memref<1x80x128xi32, #tpu.memory_space<hbm>>
      %dma_wait3A_119 = tpu.memref_squeeze %dma_wait3A_118 : memref<1x80x128xi32, #tpu.memory_space<hbm>> -> memref<80x128xi32, #tpu.memory_space<hbm>>
      %dma_wait3A_120 = arith.constant 0 : i32
      %dma_wait3A_121 = arith.constant 0 : i32
      %dma_wait3A_122 = tpu.memref_slice %dma_wait3A_119[%dma_wait3A_120, %dma_wait3A_121] : memref<80x128xi32, #tpu.memory_space<hbm>> -> memref<40x128xi32, #tpu.memory_space<hbm>>
      tpu.wait_dma2 semaphore(%run_scoped3A_94 : memref<!tpu.dma_semaphore, #tpu.memory_space<semaphore_mem>>) src(%dma_wait3A_122 : memref<40x128xi32, #tpu.memory_space<hbm>>) dst(%arg6 : memref<40x128xi32, #tpu.memory_space<vmem>>)
      tpu.yield
    }) : () -> ()
    "tpu.region"() ({
      %run_scoped3A_94 = tpu.sem_alloc : memref<!tpu.dma_semaphore, #tpu.memory_space<semaphore_mem>>
      %dma_start3A_95 = arith.constant 0 : i32
      %dma_start3A_96 = arith.constant 0 : i32
      %dma_start3A_97 = tpu.memref_slice %arg4[%add3A, %dma_start3A_95, %dma_start3A_96] : memref<32x80x128xi32, #tpu.memory_space<hbm>> -> memref<1x80x128xi32, #tpu.memory_space<hbm>>
      %dma_start3A_98 = tpu.memref_squeeze %dma_start3A_97 : memref<1x80x128xi32, #tpu.memory_space<hbm>> -> memref<80x128xi32, #tpu.memory_space<hbm>>
      %dma_start3A_99 = arith.constant 0 : i32
      %dma_start3A_100 = arith.constant 0 : i32
      %dma_start3A_101 = tpu.memref_slice %dma_start3A_98[%dma_start3A_99, %dma_start3A_100] : memref<80x128xi32, #tpu.memory_space<hbm>> -> memref<40x128xi32, #tpu.memory_space<hbm>>
      %dma_start3A_102 = arith.constant 0 : i32
      %dma_start3A_103 = arith.constant 0 : i32
      %dma_start3A_104 = tpu.memref_slice %arg4[%add3A, %dma_start3A_102, %dma_start3A_103] : memref<32x80x128xi32, #tpu.memory_space<hbm>> -> memref<1x80x128xi32, #tpu.memory_space<hbm>>
      %dma_start3A_105 = tpu.memref_squeeze %dma_start3A_104 : memref<1x80x128xi32, #tpu.memory_space<hbm>> -> memref<80x128xi32, #tpu.memory_space<hbm>>
      %dma_start3A_106 = arith.constant 0 : i32
      %dma_start3A_107 = arith.constant 0 : i32
      %dma_start3A_108 = tpu.memref_slice %dma_start3A_105[%dma_start3A_106, %dma_start3A_107] : memref<80x128xi32, #tpu.memory_space<hbm>> -> memref<40x128xi32, #tpu.memory_space<hbm>>
      tpu.enqueue_dma source(%dma_start3A_108 : memref<40x128xi32, #tpu.memory_space<hbm>>) target(%arg7 : memref<40x128xi32, #tpu.memory_space<vmem>>) target_semaphore(%run_scoped3A_94 : memref<!tpu.dma_semaphore, #tpu.memory_space<semaphore_mem>>)
      %dma_wait3A_109 = arith.constant 0 : i32
      %dma_wait3A_110 = arith.constant 0 : i32
      %dma_wait3A_111 = tpu.memref_slice %arg4[%add3A, %dma_wait3A_109, %dma_wait3A_110] : memref<32x80x128xi32, #tpu.memory_space<hbm>> -> memref<1x80x128xi32, #tpu.memory_space<hbm>>
      %dma_wait3A_112 = tpu.memref_squeeze %dma_wait3A_111 : memref<1x80x128xi32, #tpu.memory_space<hbm>> -> memref<80x128xi32, #tpu.memory_space<hbm>>
      %dma_wait3A_113 = arith.constant 0 : i32
      %dma_wait3A_114 = arith.constant 0 : i32
      %dma_wait3A_115 = tpu.memref_slice %dma_wait3A_112[%dma_wait3A_113, %dma_wait3A_114] : memref<80x128xi32, #tpu.memory_space<hbm>> -> memref<40x128xi32, #tpu.memory_space<hbm>>
      %dma_wait3A_116 = arith.constant 0 : i32
      %dma_wait3A_117 = arith.constant 0 : i32
      %dma_wait3A_118 = tpu.memref_slice %arg4[%add3A, %dma_wait3A_116, %dma_wait3A_117] : memref<32x80x128xi32, #tpu.memory_space<hbm>> -> memref<1x80x128xi32, #tpu.memory_space<hbm>>
      %dma_wait3A_119 = tpu.memref_squeeze %dma_wait3A_118 : memref<1x80x128xi32, #tpu.memory_space<hbm>> -> memref<80x128xi32, #tpu.memory_space<hbm>>
      %dma_wait3A_120 = arith.constant 0 : i32
      %dma_wait3A_121 = arith.constant 0 : i32
      %dma_wait3A_122 = tpu.memref_slice %dma_wait3A_119[%dma_wait3A_120, %dma_wait3A_121] : memref<80x128xi32, #tpu.memory_space<hbm>> -> memref<40x128xi32, #tpu.memory_space<hbm>>
      tpu.wait_dma2 semaphore(%run_scoped3A_94 : memref<!tpu.dma_semaphore, #tpu.memory_space<semaphore_mem>>) src(%dma_wait3A_122 : memref<40x128xi32, #tpu.memory_space<hbm>>) dst(%arg7 : memref<40x128xi32, #tpu.memory_space<vmem>>)
      tpu.yield
    }) : () -> ()
    %dma_start3A = arith.constant 0 : i32
    %dma_start3A_20 = arith.constant 0 : i32
    %dma_start3A_21 = tpu.memref_slice %arg6[%dma_start3A, %dma_start3A_20] : memref<40x128xi32, #tpu.memory_space<vmem>> -> memref<1x128xi32, #tpu.memory_space<vmem>>
    %dma_start3A_22 = tpu.memref_squeeze %dma_start3A_21 : memref<1x128xi32, #tpu.memory_space<vmem>> -> memref<128xi32, #tpu.memory_space<vmem>>
    %dma_start3A_23 = arith.constant 0 : i32
    %dma_start3A_24 = arith.constant 0 : i32
    %dma_start3A_25 = tpu.memref_slice %arg2[%dma_start3A_23, %dma_start3A_24] : memref<10000x128xf32, #tpu.memory_space<hbm>> -> memref<10000x128xf32, #tpu.memory_space<hbm>>
    tpu.enqueue_indirect_dma source(%dma_start3A_25 : memref<10000x128xf32, #tpu.memory_space<hbm>>) target(%arg8 : memref<128x128xf32, #tpu.memory_space<vmem>>) offsets(%dma_start3A_22 : memref<128xi32, #tpu.memory_space<vmem>>) semaphore(%arg11 : memref<!tpu.dma_semaphore, #tpu.memory_space<semaphore_mem>>)
    %scan3A_26 = arith.constant 0 : i32
    %scan3A_27 = arith.constant 0 : i32
    %scan3A_28 = arith.constant 19 : i32
    %scan3A_29 = arith.addi %scan3A_27, %scan3A_28 : i32
    %scan3A_30 = arith.constant 1 : i32
    scf.for %scan3A_94 = %scan3A_27 to %scan3A_29 step %scan3A_30  : i32 {
      %mul3A_95 = arith.constant 2 : i32
      %mul3A_96 = arith.muli %mul3A_95, %scan3A_94 : i32
      %add3A_97 = arith.constant 1 : i32
      %add3A_98 = arith.addi %mul3A_96, %add3A_97 : i32
      %dma_start3A_99 = arith.constant 0 : i32
      %dma_start3A_100 = tpu.memref_slice %arg6[%add3A_98, %dma_start3A_99] : memref<40x128xi32, #tpu.memory_space<vmem>> -> memref<1x128xi32, #tpu.memory_space<vmem>>
      %dma_start3A_101 = tpu.memref_squeeze %dma_start3A_100 : memref<1x128xi32, #tpu.memory_space<vmem>> -> memref<128xi32, #tpu.memory_space<vmem>>
      %dma_start3A_102 = arith.constant 0 : i32
      %dma_start3A_103 = arith.constant 0 : i32
      %dma_start3A_104 = tpu.memref_slice %arg2[%dma_start3A_102, %dma_start3A_103] : memref<10000x128xf32, #tpu.memory_space<hbm>> -> memref<10000x128xf32, #tpu.memory_space<hbm>>
      tpu.enqueue_indirect_dma source(%dma_start3A_104 : memref<10000x128xf32, #tpu.memory_space<hbm>>) target(%arg9 : memref<128x128xf32, #tpu.memory_space<vmem>>) offsets(%dma_start3A_101 : memref<128xi32, #tpu.memory_space<vmem>>) semaphore(%arg12 : memref<!tpu.dma_semaphore, #tpu.memory_space<semaphore_mem>>)
      %dma_wait3A_105 = arith.constant 0 : i32
      %dma_wait3A_106 = tpu.memref_slice %arg6[%mul3A_96, %dma_wait3A_105] : memref<40x128xi32, #tpu.memory_space<vmem>> -> memref<1x128xi32, #tpu.memory_space<vmem>>
      %dma_wait3A_107 = tpu.memref_squeeze %dma_wait3A_106 : memref<1x128xi32, #tpu.memory_space<vmem>> -> memref<128xi32, #tpu.memory_space<vmem>>
      %dma_wait3A_108 = arith.constant 0 : i32
      %dma_wait3A_109 = arith.constant 0 : i32
      %dma_wait3A_110 = tpu.memref_slice %arg2[%dma_wait3A_108, %dma_wait3A_109] : memref<10000x128xf32, #tpu.memory_space<hbm>> -> memref<10000x128xf32, #tpu.memory_space<hbm>>
      tpu.wait_indirect_dma semaphore(%arg11 : memref<!tpu.dma_semaphore, #tpu.memory_space<semaphore_mem>>) src(%dma_wait3A_110 : memref<10000x128xf32, #tpu.memory_space<hbm>>) dst(%arg8 : memref<128x128xf32, #tpu.memory_space<vmem>>)
      "tpu.region"() ({
        %run_scoped3A_129 = tpu.sem_alloc : memref<!tpu.dma_semaphore, #tpu.memory_space<semaphore_mem>>
        %dma_start3A_130 = arith.constant 0 : i32
        %dma_start3A_131 = tpu.memref_slice %arg7[%mul3A_96, %dma_start3A_130] : memref<40x128xi32, #tpu.memory_space<vmem>> -> memref<1x128xi32, #tpu.memory_space<vmem>>
        %dma_start3A_132 = tpu.memref_squeeze %dma_start3A_131 : memref<1x128xi32, #tpu.memory_space<vmem>> -> memref<128xi32, #tpu.memory_space<vmem>>
        %dma_start3A_133 = arith.constant 0 : i32
        %dma_start3A_134 = arith.constant 0 : i32
        %dma_start3A_135 = tpu.memref_slice %arg10[%dma_start3A_133, %dma_start3A_134] : memref<10112x128xf32, #tpu.memory_space<vmem_shared>> -> memref<10112x128xf32, #tpu.memory_space<vmem_shared>>
        tpu.enqueue_indirect_dma source(%arg8 : memref<128x128xf32, #tpu.memory_space<vmem>>) target(%dma_start3A_135 : memref<10112x128xf32, #tpu.memory_space<vmem_shared>>) offsets(%dma_start3A_132 : memref<128xi32, #tpu.memory_space<vmem>>) semaphore(%run_scoped3A_129 : memref<!tpu.dma_semaphore, #tpu.memory_space<semaphore_mem>>) {add = true}
        %dma_wait3A_136 = arith.constant 0 : i32
        %dma_wait3A_137 = tpu.memref_slice %arg7[%mul3A_96, %dma_wait3A_136] : memref<40x128xi32, #tpu.memory_space<vmem>> -> memref<1x128xi32, #tpu.memory_space<vmem>>
        %dma_wait3A_138 = tpu.memref_squeeze %dma_wait3A_137 : memref<1x128xi32, #tpu.memory_space<vmem>> -> memref<128xi32, #tpu.memory_space<vmem>>
        %dma_wait3A_139 = arith.constant 0 : i32
        %dma_wait3A_140 = arith.constant 0 : i32
        %dma_wait3A_141 = tpu.memref_slice %arg10[%dma_wait3A_139, %dma_wait3A_140] : memref<10112x128xf32, #tpu.memory_space<vmem_shared>> -> memref<10112x128xf32, #tpu.memory_space<vmem_shared>>
        tpu.wait_indirect_dma semaphore(%run_scoped3A_129 : memref<!tpu.dma_semaphore, #tpu.memory_space<semaphore_mem>>) src(%arg8 : memref<128x128xf32, #tpu.memory_space<vmem>>) dst(%dma_wait3A_141 : memref<10112x128xf32, #tpu.memory_space<vmem_shared>>)
        tpu.yield
      }) : () -> ()
      %add3A_111 = arith.constant 2 : i32
      %add3A_112 = arith.addi %mul3A_96, %add3A_111 : i32
      %dma_start3A_113 = arith.constant 0 : i32
      %dma_start3A_114 = tpu.memref_slice %arg6[%add3A_112, %dma_start3A_113] : memref<40x128xi32, #tpu.memory_space<vmem>> -> memref<1x128xi32, #tpu.memory_space<vmem>>
      %dma_start3A_115 = tpu.memref_squeeze %dma_start3A_114 : memref<1x128xi32, #tpu.memory_space<vmem>> -> memref<128xi32, #tpu.memory_space<vmem>>
      %dma_start3A_116 = arith.constant 0 : i32
      %dma_start3A_117 = arith.constant 0 : i32
      %dma_start3A_118 = tpu.memref_slice %arg2[%dma_start3A_116, %dma_start3A_117] : memref<10000x128xf32, #tpu.memory_space<hbm>> -> memref<10000x128xf32, #tpu.memory_space<hbm>>
      tpu.enqueue_indirect_dma source(%dma_start3A_118 : memref<10000x128xf32, #tpu.memory_space<hbm>>) target(%arg8 : memref<128x128xf32, #tpu.memory_space<vmem>>) offsets(%dma_start3A_115 : memref<128xi32, #tpu.memory_space<vmem>>) semaphore(%arg11 : memref<!tpu.dma_semaphore, #tpu.memory_space<semaphore_mem>>)
      %add3A_119 = arith.constant 1 : i32
      %add3A_120 = arith.addi %mul3A_96, %add3A_119 : i32
      %dma_wait3A_121 = arith.constant 0 : i32
      %dma_wait3A_122 = tpu.memref_slice %arg6[%add3A_120, %dma_wait3A_121] : memref<40x128xi32, #tpu.memory_space<vmem>> -> memref<1x128xi32, #tpu.memory_space<vmem>>
      %dma_wait3A_123 = tpu.memref_squeeze %dma_wait3A_122 : memref<1x128xi32, #tpu.memory_space<vmem>> -> memref<128xi32, #tpu.memory_space<vmem>>
      %dma_wait3A_124 = arith.constant 0 : i32
      %dma_wait3A_125 = arith.constant 0 : i32
      %dma_wait3A_126 = tpu.memref_slice %arg2[%dma_wait3A_124, %dma_wait3A_125] : memref<10000x128xf32, #tpu.memory_space<hbm>> -> memref<10000x128xf32, #tpu.memory_space<hbm>>
      tpu.wait_indirect_dma semaphore(%arg12 : memref<!tpu.dma_semaphore, #tpu.memory_space<semaphore_mem>>) src(%dma_wait3A_126 : memref<10000x128xf32, #tpu.memory_space<hbm>>) dst(%arg9 : memref<128x128xf32, #tpu.memory_space<vmem>>)
      %add3A_127 = arith.constant 1 : i32
      %add3A_128 = arith.addi %mul3A_96, %add3A_127 : i32
      "tpu.region"() ({
        %run_scoped3A_129 = tpu.sem_alloc : memref<!tpu.dma_semaphore, #tpu.memory_space<semaphore_mem>>
        %dma_start3A_130 = arith.constant 0 : i32
        %dma_start3A_131 = tpu.memref_slice %arg7[%add3A_128, %dma_start3A_130] : memref<40x128xi32, #tpu.memory_space<vmem>> -> memref<1x128xi32, #tpu.memory_space<vmem>>
        %dma_start3A_132 = tpu.memref_squeeze %dma_start3A_131 : memref<1x128xi32, #tpu.memory_space<vmem>> -> memref<128xi32, #tpu.memory_space<vmem>>
        %dma_start3A_133 = arith.constant 0 : i32
        %dma_start3A_134 = arith.constant 0 : i32
        %dma_start3A_135 = tpu.memref_slice %arg10[%dma_start3A_133, %dma_start3A_134] : memref<10112x128xf32, #tpu.memory_space<vmem_shared>> -> memref<10112x128xf32, #tpu.memory_space<vmem_shared>>
        tpu.enqueue_indirect_dma source(%arg9 : memref<128x128xf32, #tpu.memory_space<vmem>>) target(%dma_start3A_135 : memref<10112x128xf32, #tpu.memory_space<vmem_shared>>) offsets(%dma_start3A_132 : memref<128xi32, #tpu.memory_space<vmem>>) semaphore(%run_scoped3A_129 : memref<!tpu.dma_semaphore, #tpu.memory_space<semaphore_mem>>) {add = true}
        %dma_wait3A_136 = arith.constant 0 : i32
        %dma_wait3A_137 = tpu.memref_slice %arg7[%add3A_128, %dma_wait3A_136] : memref<40x128xi32, #tpu.memory_space<vmem>> -> memref<1x128xi32, #tpu.memory_space<vmem>>
        %dma_wait3A_138 = tpu.memref_squeeze %dma_wait3A_137 : memref<1x128xi32, #tpu.memory_space<vmem>> -> memref<128xi32, #tpu.memory_space<vmem>>
        %dma_wait3A_139 = arith.constant 0 : i32
        %dma_wait3A_140 = arith.constant 0 : i32
        %dma_wait3A_141 = tpu.memref_slice %arg10[%dma_wait3A_139, %dma_wait3A_140] : memref<10112x128xf32, #tpu.memory_space<vmem_shared>> -> memref<10112x128xf32, #tpu.memory_space<vmem_shared>>
        tpu.wait_indirect_dma semaphore(%run_scoped3A_129 : memref<!tpu.dma_semaphore, #tpu.memory_space<semaphore_mem>>) src(%arg9 : memref<128x128xf32, #tpu.memory_space<vmem>>) dst(%dma_wait3A_141 : memref<10112x128xf32, #tpu.memory_space<vmem_shared>>)
        tpu.yield
      }) : () -> ()
    }
    %scan3A_31 = arith.constant 19 : i32
    %dma_start3A_32 = arith.constant 39 : i32
    %dma_start3A_33 = arith.constant 0 : i32
    %dma_start3A_34 = tpu.memref_slice %arg6[%dma_start3A_32, %dma_start3A_33] : memref<40x128xi32, #tpu.memory_space<vmem>> -> memref<1x128xi32, #tpu.memory_space<vmem>>
    %dma_start3A_35 = tpu.memref_squeeze %dma_start3A_34 : memref<1x128xi32, #tpu.memory_space<vmem>> -> memref<128xi32, #tpu.memory_space<vmem>>
    %dma_start3A_36 = arith.constant 0 : i32
    %dma_start3A_37 = arith.constant 0 : i32
    %dma_start3A_38 = tpu.memref_slice %arg2[%dma_start3A_36, %dma_start3A_37] : memref<10000x128xf32, #tpu.memory_space<hbm>> -> memref<10000x128xf32, #tpu.memory_space<hbm>>
    tpu.enqueue_indirect_dma source(%dma_start3A_38 : memref<10000x128xf32, #tpu.memory_space<hbm>>) target(%arg9 : memref<128x128xf32, #tpu.memory_space<vmem>>) offsets(%dma_start3A_35 : memref<128xi32, #tpu.memory_space<vmem>>) semaphore(%arg12 : memref<!tpu.dma_semaphore, #tpu.memory_space<semaphore_mem>>)
    %dma_wait3A = arith.constant 38 : i32
    %dma_wait3A_39 = arith.constant 0 : i32
    %dma_wait3A_40 = tpu.memref_slice %arg6[%dma_wait3A, %dma_wait3A_39] : memref<40x128xi32, #tpu.memory_space<vmem>> -> memref<1x128xi32, #tpu.memory_space<vmem>>
    %dma_wait3A_41 = tpu.memref_squeeze %dma_wait3A_40 : memref<1x128xi32, #tpu.memory_space<vmem>> -> memref<128xi32, #tpu.memory_space<vmem>>
    %dma_wait3A_42 = arith.constant 0 : i32
    %dma_wait3A_43 = arith.constant 0 : i32
    %dma_wait3A_44 = tpu.memref_slice %arg2[%dma_wait3A_42, %dma_wait3A_43] : memref<10000x128xf32, #tpu.memory_space<hbm>> -> memref<10000x128xf32, #tpu.memory_space<hbm>>
    tpu.wait_indirect_dma semaphore(%arg11 : memref<!tpu.dma_semaphore, #tpu.memory_space<semaphore_mem>>) src(%dma_wait3A_44 : memref<10000x128xf32, #tpu.memory_space<hbm>>) dst(%arg8 : memref<128x128xf32, #tpu.memory_space<vmem>>)
    %run_scoped3A = arith.constant 38 : i32
    "tpu.region"() ({
      %run_scoped3A_94 = tpu.sem_alloc : memref<!tpu.dma_semaphore, #tpu.memory_space<semaphore_mem>>
      %dma_start3A_95 = arith.constant 0 : i32
      %dma_start3A_96 = tpu.memref_slice %arg7[%run_scoped3A, %dma_start3A_95] : memref<40x128xi32, #tpu.memory_space<vmem>> -> memref<1x128xi32, #tpu.memory_space<vmem>>
      %dma_start3A_97 = tpu.memref_squeeze %dma_start3A_96 : memref<1x128xi32, #tpu.memory_space<vmem>> -> memref<128xi32, #tpu.memory_space<vmem>>
      %dma_start3A_98 = arith.constant 0 : i32
      %dma_start3A_99 = arith.constant 0 : i32
      %dma_start3A_100 = tpu.memref_slice %arg10[%dma_start3A_98, %dma_start3A_99] : memref<10112x128xf32, #tpu.memory_space<vmem_shared>> -> memref<10112x128xf32, #tpu.memory_space<vmem_shared>>
      tpu.enqueue_indirect_dma source(%arg8 : memref<128x128xf32, #tpu.memory_space<vmem>>) target(%dma_start3A_100 : memref<10112x128xf32, #tpu.memory_space<vmem_shared>>) offsets(%dma_start3A_97 : memref<128xi32, #tpu.memory_space<vmem>>) semaphore(%run_scoped3A_94 : memref<!tpu.dma_semaphore, #tpu.memory_space<semaphore_mem>>) {add = true}
      %dma_wait3A_101 = arith.constant 0 : i32
      %dma_wait3A_102 = tpu.memref_slice %arg7[%run_scoped3A, %dma_wait3A_101] : memref<40x128xi32, #tpu.memory_space<vmem>> -> memref<1x128xi32, #tpu.memory_space<vmem>>
      %dma_wait3A_103 = tpu.memref_squeeze %dma_wait3A_102 : memref<1x128xi32, #tpu.memory_space<vmem>> -> memref<128xi32, #tpu.memory_space<vmem>>
      %dma_wait3A_104 = arith.constant 0 : i32
      %dma_wait3A_105 = arith.constant 0 : i32
      %dma_wait3A_106 = tpu.memref_slice %arg10[%dma_wait3A_104, %dma_wait3A_105] : memref<10112x128xf32, #tpu.memory_space<vmem_shared>> -> memref<10112x128xf32, #tpu.memory_space<vmem_shared>>
      tpu.wait_indirect_dma semaphore(%run_scoped3A_94 : memref<!tpu.dma_semaphore, #tpu.memory_space<semaphore_mem>>) src(%arg8 : memref<128x128xf32, #tpu.memory_space<vmem>>) dst(%dma_wait3A_106 : memref<10112x128xf32, #tpu.memory_space<vmem_shared>>)
      tpu.yield
    }) : () -> ()
    %dma_wait3A_45 = arith.constant 39 : i32
    %dma_wait3A_46 = arith.constant 0 : i32
    %dma_wait3A_47 = tpu.memref_slice %arg6[%dma_wait3A_45, %dma_wait3A_46] : memref<40x128xi32, #tpu.memory_space<vmem>> -> memref<1x128xi32, #tpu.memory_space<vmem>>
    %dma_wait3A_48 = tpu.memref_squeeze %dma_wait3A_47 : memref<1x128xi32, #tpu.memory_space<vmem>> -> memref<128xi32, #tpu.memory_space<vmem>>
    %dma_wait3A_49 = arith.constant 0 : i32
    %dma_wait3A_50 = arith.constant 0 : i32
    %dma_wait3A_51 = tpu.memref_slice %arg2[%dma_wait3A_49, %dma_wait3A_50] : memref<10000x128xf32, #tpu.memory_space<hbm>> -> memref<10000x128xf32, #tpu.memory_space<hbm>>
    tpu.wait_indirect_dma semaphore(%arg12 : memref<!tpu.dma_semaphore, #tpu.memory_space<semaphore_mem>>) src(%dma_wait3A_51 : memref<10000x128xf32, #tpu.memory_space<hbm>>) dst(%arg9 : memref<128x128xf32, #tpu.memory_space<vmem>>)
    %run_scoped3A_52 = arith.constant 39 : i32
    "tpu.region"() ({
      %run_scoped3A_94 = tpu.sem_alloc : memref<!tpu.dma_semaphore, #tpu.memory_space<semaphore_mem>>
      %dma_start3A_95 = arith.constant 0 : i32
      %dma_start3A_96 = tpu.memref_slice %arg7[%run_scoped3A_52, %dma_start3A_95] : memref<40x128xi32, #tpu.memory_space<vmem>> -> memref<1x128xi32, #tpu.memory_space<vmem>>
      %dma_start3A_97 = tpu.memref_squeeze %dma_start3A_96 : memref<1x128xi32, #tpu.memory_space<vmem>> -> memref<128xi32, #tpu.memory_space<vmem>>
      %dma_start3A_98 = arith.constant 0 : i32
      %dma_start3A_99 = arith.constant 0 : i32
      %dma_start3A_100 = tpu.memref_slice %arg10[%dma_start3A_98, %dma_start3A_99] : memref<10112x128xf32, #tpu.memory_space<vmem_shared>> -> memref<10112x128xf32, #tpu.memory_space<vmem_shared>>
      tpu.enqueue_indirect_dma source(%arg9 : memref<128x128xf32, #tpu.memory_space<vmem>>) target(%dma_start3A_100 : memref<10112x128xf32, #tpu.memory_space<vmem_shared>>) offsets(%dma_start3A_97 : memref<128xi32, #tpu.memory_space<vmem>>) semaphore(%run_scoped3A_94 : memref<!tpu.dma_semaphore, #tpu.memory_space<semaphore_mem>>) {add = true}
      %dma_wait3A_101 = arith.constant 0 : i32
      %dma_wait3A_102 = tpu.memref_slice %arg7[%run_scoped3A_52, %dma_wait3A_101] : memref<40x128xi32, #tpu.memory_space<vmem>> -> memref<1x128xi32, #tpu.memory_space<vmem>>
      %dma_wait3A_103 = tpu.memref_squeeze %dma_wait3A_102 : memref<1x128xi32, #tpu.memory_space<vmem>> -> memref<128xi32, #tpu.memory_space<vmem>>
      %dma_wait3A_104 = arith.constant 0 : i32
      %dma_wait3A_105 = arith.constant 0 : i32
      %dma_wait3A_106 = tpu.memref_slice %arg10[%dma_wait3A_104, %dma_wait3A_105] : memref<10112x128xf32, #tpu.memory_space<vmem_shared>> -> memref<10112x128xf32, #tpu.memory_space<vmem_shared>>
      tpu.wait_indirect_dma semaphore(%run_scoped3A_94 : memref<!tpu.dma_semaphore, #tpu.memory_space<semaphore_mem>>) src(%arg9 : memref<128x128xf32, #tpu.memory_space<vmem>>) dst(%dma_wait3A_106 : memref<10112x128xf32, #tpu.memory_space<vmem_shared>>)
      tpu.yield
    }) : () -> ()
    "tpu.region"() ({
      %run_scoped3A_94 = tpu.sem_alloc : memref<!tpu.dma_semaphore, #tpu.memory_space<semaphore_mem>>
      %dma_start3A_95 = arith.constant 0 : i32
      %dma_start3A_96 = arith.constant 0 : i32
      %dma_start3A_97 = tpu.memref_slice %arg3[%add3A, %dma_start3A_95, %dma_start3A_96] : memref<32x80x128xi32, #tpu.memory_space<hbm>> -> memref<1x80x128xi32, #tpu.memory_space<hbm>>
      %dma_start3A_98 = tpu.memref_squeeze %dma_start3A_97 : memref<1x80x128xi32, #tpu.memory_space<hbm>> -> memref<80x128xi32, #tpu.memory_space<hbm>>
      %dma_start3A_99 = arith.constant 40 : i32
      %dma_start3A_100 = arith.constant 0 : i32
      %dma_start3A_101 = tpu.memref_slice %dma_start3A_98[%dma_start3A_99, %dma_start3A_100] : memref<80x128xi32, #tpu.memory_space<hbm>> -> memref<40x128xi32, #tpu.memory_space<hbm>>
      %dma_start3A_102 = arith.constant 0 : i32
      %dma_start3A_103 = arith.constant 0 : i32
      %dma_start3A_104 = tpu.memref_slice %arg3[%add3A, %dma_start3A_102, %dma_start3A_103] : memref<32x80x128xi32, #tpu.memory_space<hbm>> -> memref<1x80x128xi32, #tpu.memory_space<hbm>>
      %dma_start3A_105 = tpu.memref_squeeze %dma_start3A_104 : memref<1x80x128xi32, #tpu.memory_space<hbm>> -> memref<80x128xi32, #tpu.memory_space<hbm>>
      %dma_start3A_106 = arith.constant 40 : i32
      %dma_start3A_107 = arith.constant 0 : i32
      %dma_start3A_108 = tpu.memref_slice %dma_start3A_105[%dma_start3A_106, %dma_start3A_107] : memref<80x128xi32, #tpu.memory_space<hbm>> -> memref<40x128xi32, #tpu.memory_space<hbm>>
      tpu.enqueue_dma source(%dma_start3A_108 : memref<40x128xi32, #tpu.memory_space<hbm>>) target(%arg6 : memref<40x128xi32, #tpu.memory_space<vmem>>) target_semaphore(%run_scoped3A_94 : memref<!tpu.dma_semaphore, #tpu.memory_space<semaphore_mem>>)
      %dma_wait3A_109 = arith.constant 0 : i32
      %dma_wait3A_110 = arith.constant 0 : i32
      %dma_wait3A_111 = tpu.memref_slice %arg3[%add3A, %dma_wait3A_109, %dma_wait3A_110] : memref<32x80x128xi32, #tpu.memory_space<hbm>> -> memref<1x80x128xi32, #tpu.memory_space<hbm>>
      %dma_wait3A_112 = tpu.memref_squeeze %dma_wait3A_111 : memref<1x80x128xi32, #tpu.memory_space<hbm>> -> memref<80x128xi32, #tpu.memory_space<hbm>>
      %dma_wait3A_113 = arith.constant 40 : i32
      %dma_wait3A_114 = arith.constant 0 : i32
      %dma_wait3A_115 = tpu.memref_slice %dma_wait3A_112[%dma_wait3A_113, %dma_wait3A_114] : memref<80x128xi32, #tpu.memory_space<hbm>> -> memref<40x128xi32, #tpu.memory_space<hbm>>
      %dma_wait3A_116 = arith.constant 0 : i32
      %dma_wait3A_117 = arith.constant 0 : i32
      %dma_wait3A_118 = tpu.memref_slice %arg3[%add3A, %dma_wait3A_116, %dma_wait3A_117] : memref<32x80x128xi32, #tpu.memory_space<hbm>> -> memref<1x80x128xi32, #tpu.memory_space<hbm>>
      %dma_wait3A_119 = tpu.memref_squeeze %dma_wait3A_118 : memref<1x80x128xi32, #tpu.memory_space<hbm>> -> memref<80x128xi32, #tpu.memory_space<hbm>>
      %dma_wait3A_120 = arith.constant 40 : i32
      %dma_wait3A_121 = arith.constant 0 : i32
      %dma_wait3A_122 = tpu.memref_slice %dma_wait3A_119[%dma_wait3A_120, %dma_wait3A_121] : memref<80x128xi32, #tpu.memory_space<hbm>> -> memref<40x128xi32, #tpu.memory_space<hbm>>
      tpu.wait_dma2 semaphore(%run_scoped3A_94 : memref<!tpu.dma_semaphore, #tpu.memory_space<semaphore_mem>>) src(%dma_wait3A_122 : memref<40x128xi32, #tpu.memory_space<hbm>>) dst(%arg6 : memref<40x128xi32, #tpu.memory_space<vmem>>)
      tpu.yield
    }) : () -> ()
    "tpu.region"() ({
      %run_scoped3A_94 = tpu.sem_alloc : memref<!tpu.dma_semaphore, #tpu.memory_space<semaphore_mem>>
      %dma_start3A_95 = arith.constant 0 : i32
      %dma_start3A_96 = arith.constant 0 : i32
      %dma_start3A_97 = tpu.memref_slice %arg4[%add3A, %dma_start3A_95, %dma_start3A_96] : memref<32x80x128xi32, #tpu.memory_space<hbm>> -> memref<1x80x128xi32, #tpu.memory_space<hbm>>
      %dma_start3A_98 = tpu.memref_squeeze %dma_start3A_97 : memref<1x80x128xi32, #tpu.memory_space<hbm>> -> memref<80x128xi32, #tpu.memory_space<hbm>>
      %dma_start3A_99 = arith.constant 40 : i32
      %dma_start3A_100 = arith.constant 0 : i32
      %dma_start3A_101 = tpu.memref_slice %dma_start3A_98[%dma_start3A_99, %dma_start3A_100] : memref<80x128xi32, #tpu.memory_space<hbm>> -> memref<40x128xi32, #tpu.memory_space<hbm>>
      %dma_start3A_102 = arith.constant 0 : i32
      %dma_start3A_103 = arith.constant 0 : i32
      %dma_start3A_104 = tpu.memref_slice %arg4[%add3A, %dma_start3A_102, %dma_start3A_103] : memref<32x80x128xi32, #tpu.memory_space<hbm>> -> memref<1x80x128xi32, #tpu.memory_space<hbm>>
      %dma_start3A_105 = tpu.memref_squeeze %dma_start3A_104 : memref<1x80x128xi32, #tpu.memory_space<hbm>> -> memref<80x128xi32, #tpu.memory_space<hbm>>
      %dma_start3A_106 = arith.constant 40 : i32
      %dma_start3A_107 = arith.constant 0 : i32
      %dma_start3A_108 = tpu.memref_slice %dma_start3A_105[%dma_start3A_106, %dma_start3A_107] : memref<80x128xi32, #tpu.memory_space<hbm>> -> memref<40x128xi32, #tpu.memory_space<hbm>>
      tpu.enqueue_dma source(%dma_start3A_108 : memref<40x128xi32, #tpu.memory_space<hbm>>) target(%arg7 : memref<40x128xi32, #tpu.memory_space<vmem>>) target_semaphore(%run_scoped3A_94 : memref<!tpu.dma_semaphore, #tpu.memory_space<semaphore_mem>>)
      %dma_wait3A_109 = arith.constant 0 : i32
      %dma_wait3A_110 = arith.constant 0 : i32
      %dma_wait3A_111 = tpu.memref_slice %arg4[%add3A, %dma_wait3A_109, %dma_wait3A_110] : memref<32x80x128xi32, #tpu.memory_space<hbm>> -> memref<1x80x128xi32, #tpu.memory_space<hbm>>
      %dma_wait3A_112 = tpu.memref_squeeze %dma_wait3A_111 : memref<1x80x128xi32, #tpu.memory_space<hbm>> -> memref<80x128xi32, #tpu.memory_space<hbm>>
      %dma_wait3A_113 = arith.constant 40 : i32
      %dma_wait3A_114 = arith.constant 0 : i32
      %dma_wait3A_115 = tpu.memref_slice %dma_wait3A_112[%dma_wait3A_113, %dma_wait3A_114] : memref<80x128xi32, #tpu.memory_space<hbm>> -> memref<40x128xi32, #tpu.memory_space<hbm>>
      %dma_wait3A_116 = arith.constant 0 : i32
      %dma_wait3A_117 = arith.constant 0 : i32
      %dma_wait3A_118 = tpu.memref_slice %arg4[%add3A, %dma_wait3A_116, %dma_wait3A_117] : memref<32x80x128xi32, #tpu.memory_space<hbm>> -> memref<1x80x128xi32, #tpu.memory_space<hbm>>
      %dma_wait3A_119 = tpu.memref_squeeze %dma_wait3A_118 : memref<1x80x128xi32, #tpu.memory_space<hbm>> -> memref<80x128xi32, #tpu.memory_space<hbm>>
      %dma_wait3A_120 = arith.constant 40 : i32
      %dma_wait3A_121 = arith.constant 0 : i32
      %dma_wait3A_122 = tpu.memref_slice %dma_wait3A_119[%dma_wait3A_120, %dma_wait3A_121] : memref<80x128xi32, #tpu.memory_space<hbm>> -> memref<40x128xi32, #tpu.memory_space<hbm>>
      tpu.wait_dma2 semaphore(%run_scoped3A_94 : memref<!tpu.dma_semaphore, #tpu.memory_space<semaphore_mem>>) src(%dma_wait3A_122 : memref<40x128xi32, #tpu.memory_space<hbm>>) dst(%arg7 : memref<40x128xi32, #tpu.memory_space<vmem>>)
      tpu.yield
    }) : () -> ()
    %dma_start3A_53 = arith.constant 0 : i32
    %dma_start3A_54 = arith.constant 0 : i32
    %dma_start3A_55 = tpu.memref_slice %arg6[%dma_start3A_53, %dma_start3A_54] : memref<40x128xi32, #tpu.memory_space<vmem>> -> memref<1x128xi32, #tpu.memory_space<vmem>>
    %dma_start3A_56 = tpu.memref_squeeze %dma_start3A_55 : memref<1x128xi32, #tpu.memory_space<vmem>> -> memref<128xi32, #tpu.memory_space<vmem>>
    %dma_start3A_57 = arith.constant 0 : i32
    %dma_start3A_58 = arith.constant 0 : i32
    %dma_start3A_59 = tpu.memref_slice %arg2[%dma_start3A_57, %dma_start3A_58] : memref<10000x128xf32, #tpu.memory_space<hbm>> -> memref<10000x128xf32, #tpu.memory_space<hbm>>
    tpu.enqueue_indirect_dma source(%dma_start3A_59 : memref<10000x128xf32, #tpu.memory_space<hbm>>) target(%arg8 : memref<128x128xf32, #tpu.memory_space<vmem>>) offsets(%dma_start3A_56 : memref<128xi32, #tpu.memory_space<vmem>>) semaphore(%arg11 : memref<!tpu.dma_semaphore, #tpu.memory_space<semaphore_mem>>)
    %scan3A_60 = arith.constant 0 : i32
    %scan3A_61 = arith.constant 0 : i32
    %scan3A_62 = arith.constant 19 : i32
    %scan3A_63 = arith.addi %scan3A_61, %scan3A_62 : i32
    %scan3A_64 = arith.constant 1 : i32
    scf.for %scan3A_94 = %scan3A_61 to %scan3A_63 step %scan3A_64  : i32 {
      %mul3A_95 = arith.constant 2 : i32
      %mul3A_96 = arith.muli %mul3A_95, %scan3A_94 : i32
      %add3A_97 = arith.constant 1 : i32
      %add3A_98 = arith.addi %mul3A_96, %add3A_97 : i32
      %dma_start3A_99 = arith.constant 0 : i32
      %dma_start3A_100 = tpu.memref_slice %arg6[%add3A_98, %dma_start3A_99] : memref<40x128xi32, #tpu.memory_space<vmem>> -> memref<1x128xi32, #tpu.memory_space<vmem>>
      %dma_start3A_101 = tpu.memref_squeeze %dma_start3A_100 : memref<1x128xi32, #tpu.memory_space<vmem>> -> memref<128xi32, #tpu.memory_space<vmem>>
      %dma_start3A_102 = arith.constant 0 : i32
      %dma_start3A_103 = arith.constant 0 : i32
      %dma_start3A_104 = tpu.memref_slice %arg2[%dma_start3A_102, %dma_start3A_103] : memref<10000x128xf32, #tpu.memory_space<hbm>> -> memref<10000x128xf32, #tpu.memory_space<hbm>>
      tpu.enqueue_indirect_dma source(%dma_start3A_104 : memref<10000x128xf32, #tpu.memory_space<hbm>>) target(%arg9 : memref<128x128xf32, #tpu.memory_space<vmem>>) offsets(%dma_start3A_101 : memref<128xi32, #tpu.memory_space<vmem>>) semaphore(%arg12 : memref<!tpu.dma_semaphore, #tpu.memory_space<semaphore_mem>>)
      %dma_wait3A_105 = arith.constant 0 : i32
      %dma_wait3A_106 = tpu.memref_slice %arg6[%mul3A_96, %dma_wait3A_105] : memref<40x128xi32, #tpu.memory_space<vmem>> -> memref<1x128xi32, #tpu.memory_space<vmem>>
      %dma_wait3A_107 = tpu.memref_squeeze %dma_wait3A_106 : memref<1x128xi32, #tpu.memory_space<vmem>> -> memref<128xi32, #tpu.memory_space<vmem>>
      %dma_wait3A_108 = arith.constant 0 : i32
      %dma_wait3A_109 = arith.constant 0 : i32
      %dma_wait3A_110 = tpu.memref_slice %arg2[%dma_wait3A_108, %dma_wait3A_109] : memref<10000x128xf32, #tpu.memory_space<hbm>> -> memref<10000x128xf32, #tpu.memory_space<hbm>>
      tpu.wait_indirect_dma semaphore(%arg11 : memref<!tpu.dma_semaphore, #tpu.memory_space<semaphore_mem>>) src(%dma_wait3A_110 : memref<10000x128xf32, #tpu.memory_space<hbm>>) dst(%arg8 : memref<128x128xf32, #tpu.memory_space<vmem>>)
      "tpu.region"() ({
        %run_scoped3A_129 = tpu.sem_alloc : memref<!tpu.dma_semaphore, #tpu.memory_space<semaphore_mem>>
        %dma_start3A_130 = arith.constant 0 : i32
        %dma_start3A_131 = tpu.memref_slice %arg7[%mul3A_96, %dma_start3A_130] : memref<40x128xi32, #tpu.memory_space<vmem>> -> memref<1x128xi32, #tpu.memory_space<vmem>>
        %dma_start3A_132 = tpu.memref_squeeze %dma_start3A_131 : memref<1x128xi32, #tpu.memory_space<vmem>> -> memref<128xi32, #tpu.memory_space<vmem>>
        %dma_start3A_133 = arith.constant 0 : i32
        %dma_start3A_134 = arith.constant 0 : i32
        %dma_start3A_135 = tpu.memref_slice %arg10[%dma_start3A_133, %dma_start3A_134] : memref<10112x128xf32, #tpu.memory_space<vmem_shared>> -> memref<10112x128xf32, #tpu.memory_space<vmem_shared>>
        tpu.enqueue_indirect_dma source(%arg8 : memref<128x128xf32, #tpu.memory_space<vmem>>) target(%dma_start3A_135 : memref<10112x128xf32, #tpu.memory_space<vmem_shared>>) offsets(%dma_start3A_132 : memref<128xi32, #tpu.memory_space<vmem>>) semaphore(%run_scoped3A_129 : memref<!tpu.dma_semaphore, #tpu.memory_space<semaphore_mem>>) {add = true}
        %dma_wait3A_136 = arith.constant 0 : i32
        %dma_wait3A_137 = tpu.memref_slice %arg7[%mul3A_96, %dma_wait3A_136] : memref<40x128xi32, #tpu.memory_space<vmem>> -> memref<1x128xi32, #tpu.memory_space<vmem>>
        %dma_wait3A_138 = tpu.memref_squeeze %dma_wait3A_137 : memref<1x128xi32, #tpu.memory_space<vmem>> -> memref<128xi32, #tpu.memory_space<vmem>>
        %dma_wait3A_139 = arith.constant 0 : i32
        %dma_wait3A_140 = arith.constant 0 : i32
        %dma_wait3A_141 = tpu.memref_slice %arg10[%dma_wait3A_139, %dma_wait3A_140] : memref<10112x128xf32, #tpu.memory_space<vmem_shared>> -> memref<10112x128xf32, #tpu.memory_space<vmem_shared>>
        tpu.wait_indirect_dma semaphore(%run_scoped3A_129 : memref<!tpu.dma_semaphore, #tpu.memory_space<semaphore_mem>>) src(%arg8 : memref<128x128xf32, #tpu.memory_space<vmem>>) dst(%dma_wait3A_141 : memref<10112x128xf32, #tpu.memory_space<vmem_shared>>)
        tpu.yield
      }) : () -> ()
      %add3A_111 = arith.constant 2 : i32
      %add3A_112 = arith.addi %mul3A_96, %add3A_111 : i32
      %dma_start3A_113 = arith.constant 0 : i32
      %dma_start3A_114 = tpu.memref_slice %arg6[%add3A_112, %dma_start3A_113] : memref<40x128xi32, #tpu.memory_space<vmem>> -> memref<1x128xi32, #tpu.memory_space<vmem>>
      %dma_start3A_115 = tpu.memref_squeeze %dma_start3A_114 : memref<1x128xi32, #tpu.memory_space<vmem>> -> memref<128xi32, #tpu.memory_space<vmem>>
      %dma_start3A_116 = arith.constant 0 : i32
      %dma_start3A_117 = arith.constant 0 : i32
      %dma_start3A_118 = tpu.memref_slice %arg2[%dma_start3A_116, %dma_start3A_117] : memref<10000x128xf32, #tpu.memory_space<hbm>> -> memref<10000x128xf32, #tpu.memory_space<hbm>>
      tpu.enqueue_indirect_dma source(%dma_start3A_118 : memref<10000x128xf32, #tpu.memory_space<hbm>>) target(%arg8 : memref<128x128xf32, #tpu.memory_space<vmem>>) offsets(%dma_start3A_115 : memref<128xi32, #tpu.memory_space<vmem>>) semaphore(%arg11 : memref<!tpu.dma_semaphore, #tpu.memory_space<semaphore_mem>>)
      %add3A_119 = arith.constant 1 : i32
      %add3A_120 = arith.addi %mul3A_96, %add3A_119 : i32
      %dma_wait3A_121 = arith.constant 0 : i32
      %dma_wait3A_122 = tpu.memref_slice %arg6[%add3A_120, %dma_wait3A_121] : memref<40x128xi32, #tpu.memory_space<vmem>> -> memref<1x128xi32, #tpu.memory_space<vmem>>
      %dma_wait3A_123 = tpu.memref_squeeze %dma_wait3A_122 : memref<1x128xi32, #tpu.memory_space<vmem>> -> memref<128xi32, #tpu.memory_space<vmem>>
      %dma_wait3A_124 = arith.constant 0 : i32
      %dma_wait3A_125 = arith.constant 0 : i32
      %dma_wait3A_126 = tpu.memref_slice %arg2[%dma_wait3A_124, %dma_wait3A_125] : memref<10000x128xf32, #tpu.memory_space<hbm>> -> memref<10000x128xf32, #tpu.memory_space<hbm>>
      tpu.wait_indirect_dma semaphore(%arg12 : memref<!tpu.dma_semaphore, #tpu.memory_space<semaphore_mem>>) src(%dma_wait3A_126 : memref<10000x128xf32, #tpu.memory_space<hbm>>) dst(%arg9 : memref<128x128xf32, #tpu.memory_space<vmem>>)
      %add3A_127 = arith.constant 1 : i32
      %add3A_128 = arith.addi %mul3A_96, %add3A_127 : i32
      "tpu.region"() ({
        %run_scoped3A_129 = tpu.sem_alloc : memref<!tpu.dma_semaphore, #tpu.memory_space<semaphore_mem>>
        %dma_start3A_130 = arith.constant 0 : i32
        %dma_start3A_131 = tpu.memref_slice %arg7[%add3A_128, %dma_start3A_130] : memref<40x128xi32, #tpu.memory_space<vmem>> -> memref<1x128xi32, #tpu.memory_space<vmem>>
        %dma_start3A_132 = tpu.memref_squeeze %dma_start3A_131 : memref<1x128xi32, #tpu.memory_space<vmem>> -> memref<128xi32, #tpu.memory_space<vmem>>
        %dma_start3A_133 = arith.constant 0 : i32
        %dma_start3A_134 = arith.constant 0 : i32
        %dma_start3A_135 = tpu.memref_slice %arg10[%dma_start3A_133, %dma_start3A_134] : memref<10112x128xf32, #tpu.memory_space<vmem_shared>> -> memref<10112x128xf32, #tpu.memory_space<vmem_shared>>
        tpu.enqueue_indirect_dma source(%arg9 : memref<128x128xf32, #tpu.memory_space<vmem>>) target(%dma_start3A_135 : memref<10112x128xf32, #tpu.memory_space<vmem_shared>>) offsets(%dma_start3A_132 : memref<128xi32, #tpu.memory_space<vmem>>) semaphore(%run_scoped3A_129 : memref<!tpu.dma_semaphore, #tpu.memory_space<semaphore_mem>>) {add = true}
        %dma_wait3A_136 = arith.constant 0 : i32
        %dma_wait3A_137 = tpu.memref_slice %arg7[%add3A_128, %dma_wait3A_136] : memref<40x128xi32, #tpu.memory_space<vmem>> -> memref<1x128xi32, #tpu.memory_space<vmem>>
        %dma_wait3A_138 = tpu.memref_squeeze %dma_wait3A_137 : memref<1x128xi32, #tpu.memory_space<vmem>> -> memref<128xi32, #tpu.memory_space<vmem>>
        %dma_wait3A_139 = arith.constant 0 : i32
        %dma_wait3A_140 = arith.constant 0 : i32
        %dma_wait3A_141 = tpu.memref_slice %arg10[%dma_wait3A_139, %dma_wait3A_140] : memref<10112x128xf32, #tpu.memory_space<vmem_shared>> -> memref<10112x128xf32, #tpu.memory_space<vmem_shared>>
        tpu.wait_indirect_dma semaphore(%run_scoped3A_129 : memref<!tpu.dma_semaphore, #tpu.memory_space<semaphore_mem>>) src(%arg9 : memref<128x128xf32, #tpu.memory_space<vmem>>) dst(%dma_wait3A_141 : memref<10112x128xf32, #tpu.memory_space<vmem_shared>>)
        tpu.yield
      }) : () -> ()
    }
    %scan3A_65 = arith.constant 19 : i32
    %dma_start3A_66 = arith.constant 39 : i32
    %dma_start3A_67 = arith.constant 0 : i32
    %dma_start3A_68 = tpu.memref_slice %arg6[%dma_start3A_66, %dma_start3A_67] : memref<40x128xi32, #tpu.memory_space<vmem>> -> memref<1x128xi32, #tpu.memory_space<vmem>>
    %dma_start3A_69 = tpu.memref_squeeze %dma_start3A_68 : memref<1x128xi32, #tpu.memory_space<vmem>> -> memref<128xi32, #tpu.memory_space<vmem>>
    %dma_start3A_70 = arith.constant 0 : i32
    %dma_start3A_71 = arith.constant 0 : i32
    %dma_start3A_72 = tpu.memref_slice %arg2[%dma_start3A_70, %dma_start3A_71] : memref<10000x128xf32, #tpu.memory_space<hbm>> -> memref<10000x128xf32, #tpu.memory_space<hbm>>
    tpu.enqueue_indirect_dma source(%dma_start3A_72 : memref<10000x128xf32, #tpu.memory_space<hbm>>) target(%arg9 : memref<128x128xf32, #tpu.memory_space<vmem>>) offsets(%dma_start3A_69 : memref<128xi32, #tpu.memory_space<vmem>>) semaphore(%arg12 : memref<!tpu.dma_semaphore, #tpu.memory_space<semaphore_mem>>)
    %dma_wait3A_73 = arith.constant 38 : i32
    %dma_wait3A_74 = arith.constant 0 : i32
    %dma_wait3A_75 = tpu.memref_slice %arg6[%dma_wait3A_73, %dma_wait3A_74] : memref<40x128xi32, #tpu.memory_space<vmem>> -> memref<1x128xi32, #tpu.memory_space<vmem>>
    %dma_wait3A_76 = tpu.memref_squeeze %dma_wait3A_75 : memref<1x128xi32, #tpu.memory_space<vmem>> -> memref<128xi32, #tpu.memory_space<vmem>>
    %dma_wait3A_77 = arith.constant 0 : i32
    %dma_wait3A_78 = arith.constant 0 : i32
    %dma_wait3A_79 = tpu.memref_slice %arg2[%dma_wait3A_77, %dma_wait3A_78] : memref<10000x128xf32, #tpu.memory_space<hbm>> -> memref<10000x128xf32, #tpu.memory_space<hbm>>
    tpu.wait_indirect_dma semaphore(%arg11 : memref<!tpu.dma_semaphore, #tpu.memory_space<semaphore_mem>>) src(%dma_wait3A_79 : memref<10000x128xf32, #tpu.memory_space<hbm>>) dst(%arg8 : memref<128x128xf32, #tpu.memory_space<vmem>>)
    %run_scoped3A_80 = arith.constant 38 : i32
    "tpu.region"() ({
      %run_scoped3A_94 = tpu.sem_alloc : memref<!tpu.dma_semaphore, #tpu.memory_space<semaphore_mem>>
      %dma_start3A_95 = arith.constant 0 : i32
      %dma_start3A_96 = tpu.memref_slice %arg7[%run_scoped3A_80, %dma_start3A_95] : memref<40x128xi32, #tpu.memory_space<vmem>> -> memref<1x128xi32, #tpu.memory_space<vmem>>
      %dma_start3A_97 = tpu.memref_squeeze %dma_start3A_96 : memref<1x128xi32, #tpu.memory_space<vmem>> -> memref<128xi32, #tpu.memory_space<vmem>>
      %dma_start3A_98 = arith.constant 0 : i32
      %dma_start3A_99 = arith.constant 0 : i32
      %dma_start3A_100 = tpu.memref_slice %arg10[%dma_start3A_98, %dma_start3A_99] : memref<10112x128xf32, #tpu.memory_space<vmem_shared>> -> memref<10112x128xf32, #tpu.memory_space<vmem_shared>>
      tpu.enqueue_indirect_dma source(%arg8 : memref<128x128xf32, #tpu.memory_space<vmem>>) target(%dma_start3A_100 : memref<10112x128xf32, #tpu.memory_space<vmem_shared>>) offsets(%dma_start3A_97 : memref<128xi32, #tpu.memory_space<vmem>>) semaphore(%run_scoped3A_94 : memref<!tpu.dma_semaphore, #tpu.memory_space<semaphore_mem>>) {add = true}
      %dma_wait3A_101 = arith.constant 0 : i32
      %dma_wait3A_102 = tpu.memref_slice %arg7[%run_scoped3A_80, %dma_wait3A_101] : memref<40x128xi32, #tpu.memory_space<vmem>> -> memref<1x128xi32, #tpu.memory_space<vmem>>
      %dma_wait3A_103 = tpu.memref_squeeze %dma_wait3A_102 : memref<1x128xi32, #tpu.memory_space<vmem>> -> memref<128xi32, #tpu.memory_space<vmem>>
      %dma_wait3A_104 = arith.constant 0 : i32
      %dma_wait3A_105 = arith.constant 0 : i32
      %dma_wait3A_106 = tpu.memref_slice %arg10[%dma_wait3A_104, %dma_wait3A_105] : memref<10112x128xf32, #tpu.memory_space<vmem_shared>> -> memref<10112x128xf32, #tpu.memory_space<vmem_shared>>
      tpu.wait_indirect_dma semaphore(%run_scoped3A_94 : memref<!tpu.dma_semaphore, #tpu.memory_space<semaphore_mem>>) src(%arg8 : memref<128x128xf32, #tpu.memory_space<vmem>>) dst(%dma_wait3A_106 : memref<10112x128xf32, #tpu.memory_space<vmem_shared>>)
      tpu.yield
    }) : () -> ()
    %dma_wait3A_81 = arith.constant 39 : i32
    %dma_wait3A_82 = arith.constant 0 : i32
    %dma_wait3A_83 = tpu.memref_slice %arg6[%dma_wait3A_81, %dma_wait3A_82] : memref<40x128xi32, #tpu.memory_space<vmem>> -> memref<1x128xi32, #tpu.memory_space<vmem>>
    %dma_wait3A_84 = tpu.memref_squeeze %dma_wait3A_83 : memref<1x128xi32, #tpu.memory_space<vmem>> -> memref<128xi32, #tpu.memory_space<vmem>>
    %dma_wait3A_85 = arith.constant 0 : i32
    %dma_wait3A_86 = arith.constant 0 : i32
    %dma_wait3A_87 = tpu.memref_slice %arg2[%dma_wait3A_85, %dma_wait3A_86] : memref<10000x128xf32, #tpu.memory_space<hbm>> -> memref<10000x128xf32, #tpu.memory_space<hbm>>
    tpu.wait_indirect_dma semaphore(%arg12 : memref<!tpu.dma_semaphore, #tpu.memory_space<semaphore_mem>>) src(%dma_wait3A_87 : memref<10000x128xf32, #tpu.memory_space<hbm>>) dst(%arg9 : memref<128x128xf32, #tpu.memory_space<vmem>>)
    %run_scoped3A_88 = arith.constant 39 : i32
    "tpu.region"() ({
      %run_scoped3A_94 = tpu.sem_alloc : memref<!tpu.dma_semaphore, #tpu.memory_space<semaphore_mem>>
      %dma_start3A_95 = arith.constant 0 : i32
      %dma_start3A_96 = tpu.memref_slice %arg7[%run_scoped3A_88, %dma_start3A_95] : memref<40x128xi32, #tpu.memory_space<vmem>> -> memref<1x128xi32, #tpu.memory_space<vmem>>
      %dma_start3A_97 = tpu.memref_squeeze %dma_start3A_96 : memref<1x128xi32, #tpu.memory_space<vmem>> -> memref<128xi32, #tpu.memory_space<vmem>>
      %dma_start3A_98 = arith.constant 0 : i32
      %dma_start3A_99 = arith.constant 0 : i32
      %dma_start3A_100 = tpu.memref_slice %arg10[%dma_start3A_98, %dma_start3A_99] : memref<10112x128xf32, #tpu.memory_space<vmem_shared>> -> memref<10112x128xf32, #tpu.memory_space<vmem_shared>>
      tpu.enqueue_indirect_dma source(%arg9 : memref<128x128xf32, #tpu.memory_space<vmem>>) target(%dma_start3A_100 : memref<10112x128xf32, #tpu.memory_space<vmem_shared>>) offsets(%dma_start3A_97 : memref<128xi32, #tpu.memory_space<vmem>>) semaphore(%run_scoped3A_94 : memref<!tpu.dma_semaphore, #tpu.memory_space<semaphore_mem>>) {add = true}
      %dma_wait3A_101 = arith.constant 0 : i32
      %dma_wait3A_102 = tpu.memref_slice %arg7[%run_scoped3A_88, %dma_wait3A_101] : memref<40x128xi32, #tpu.memory_space<vmem>> -> memref<1x128xi32, #tpu.memory_space<vmem>>
      %dma_wait3A_103 = tpu.memref_squeeze %dma_wait3A_102 : memref<1x128xi32, #tpu.memory_space<vmem>> -> memref<128xi32, #tpu.memory_space<vmem>>
      %dma_wait3A_104 = arith.constant 0 : i32
      %dma_wait3A_105 = arith.constant 0 : i32
      %dma_wait3A_106 = tpu.memref_slice %arg10[%dma_wait3A_104, %dma_wait3A_105] : memref<10112x128xf32, #tpu.memory_space<vmem_shared>> -> memref<10112x128xf32, #tpu.memory_space<vmem_shared>>
      tpu.wait_indirect_dma semaphore(%run_scoped3A_94 : memref<!tpu.dma_semaphore, #tpu.memory_space<semaphore_mem>>) src(%arg9 : memref<128x128xf32, #tpu.memory_space<vmem>>) dst(%dma_wait3A_106 : memref<10112x128xf32, #tpu.memory_space<vmem_shared>>)
      tpu.yield
    }) : () -> ()
    %barrier3A_89 = arith.constant 0 : index
    tpu.barrier barrier_id(%barrier3A_89)
    %mul3A_90 = arith.constant 632 : i32
    %mul3A_91 = arith.muli %arg1, %mul3A_90 : i32
    %mul3A_92 = arith.constant 632 : i32
    %mul3A_93 = arith.muli %arg1, %mul3A_92 : i32
    "tpu.region"() ({
      %run_scoped3A_94 = tpu.sem_alloc : memref<!tpu.dma_semaphore, #tpu.memory_space<semaphore_mem>>
      %dma_start3A_95 = arith.constant 0 : i32
      %dma_start3A_96 = arith.constant 0 : i32
      %dma_start3A_97 = tpu.memref_slice %arg5[%arg0, %dma_start3A_95, %dma_start3A_96] : memref<2x10112x128xf32, #tpu.memory_space<hbm>> -> memref<1x10112x128xf32, #tpu.memory_space<hbm>>
      %dma_start3A_98 = tpu.memref_squeeze %dma_start3A_97 : memref<1x10112x128xf32, #tpu.memory_space<hbm>> -> memref<10112x128xf32, #tpu.memory_space<hbm>>
      %dma_start3A_99 = arith.constant 0 : i32
      %dma_start3A_100 = tpu.memref_slice %dma_start3A_98[%mul3A_93, %dma_start3A_99] : memref<10112x128xf32, #tpu.memory_space<hbm>> -> memref<632x128xf32, #tpu.memory_space<hbm>>
      %dma_start3A_101 = arith.constant 0 : i32
      %dma_start3A_102 = tpu.memref_slice %arg10[%mul3A_91, %dma_start3A_101] : memref<10112x128xf32, #tpu.memory_space<vmem_shared>> -> memref<632x128xf32, #tpu.memory_space<vmem_shared>>
      tpu.enqueue_dma source(%dma_start3A_102 : memref<632x128xf32, #tpu.memory_space<vmem_shared>>) target(%dma_start3A_100 : memref<632x128xf32, #tpu.memory_space<hbm>>) target_semaphore(%run_scoped3A_94 : memref<!tpu.dma_semaphore, #tpu.memory_space<semaphore_mem>>)
      %dma_wait3A_103 = arith.constant 0 : i32
      %dma_wait3A_104 = arith.constant 0 : i32
      %dma_wait3A_105 = tpu.memref_slice %arg5[%arg0, %dma_wait3A_103, %dma_wait3A_104] : memref<2x10112x128xf32, #tpu.memory_space<hbm>> -> memref<1x10112x128xf32, #tpu.memory_space<hbm>>
      %dma_wait3A_106 = tpu.memref_squeeze %dma_wait3A_105 : memref<1x10112x128xf32, #tpu.memory_space<hbm>> -> memref<10112x128xf32, #tpu.memory_space<hbm>>
      %dma_wait3A_107 = arith.constant 0 : i32
      %dma_wait3A_108 = tpu.memref_slice %dma_wait3A_106[%mul3A_93, %dma_wait3A_107] : memref<10112x128xf32, #tpu.memory_space<hbm>> -> memref<632x128xf32, #tpu.memory_space<hbm>>
      %dma_wait3A_109 = arith.constant 0 : i32
      %dma_wait3A_110 = tpu.memref_slice %arg10[%mul3A_91, %dma_wait3A_109] : memref<10112x128xf32, #tpu.memory_space<vmem_shared>> -> memref<632x128xf32, #tpu.memory_space<vmem_shared>>
      tpu.wait_dma2 semaphore(%run_scoped3A_94 : memref<!tpu.dma_semaphore, #tpu.memory_space<semaphore_mem>>) src(%dma_wait3A_110 : memref<632x128xf32, #tpu.memory_space<vmem_shared>>) dst(%dma_wait3A_108 : memref<632x128xf32, #tpu.memory_space<hbm>>)
      tpu.yield
    }) : () -> ()
    return
  }
}

#map = affine_map<(d0, d1) -> (0, 0)>
#map1 = affine_map<(d0, d1) -> (0, 0, 0)>
module attributes {stable_mosaic.version = 14 : i64} {
  func.func @_sc_aggregate_body(%arg0: i32, %arg1: i32, %arg2: memref<10000x128xf32, #tpu.memory_space<hbm>>, %arg3: memref<32x80x128xi32, #tpu.memory_space<hbm>>, %arg4: memref<32x80x128xi32, #tpu.memory_space<hbm>>, %arg5: memref<2x10112x128xf32, #tpu.memory_space<hbm>>, %arg6: memref<40x128xi32, #tpu.memory_space<vmem>>, %arg7: memref<40x128xi32, #tpu.memory_space<vmem>>, %arg8: memref<128x128xf32, #tpu.memory_space<vmem>>, %arg9: memref<128x128xf32, #tpu.memory_space<vmem>>, %arg10: memref<10112x128xf32, #tpu.memory_space<vmem_shared>>, %arg11: memref<!tpu.dma_semaphore, #tpu.memory_space<semaphore_mem>>, %arg12: memref<!tpu.dma_semaphore, #tpu.memory_space<semaphore_mem>>) attributes {dimension_semantics = [#tpu.dimension_semantics<core_parallel>, #tpu.dimension_semantics<subcore_parallel>], iteration_bounds = array<i64: 2, 16>, scalar_prefetch = 0 : i64, scratch_operands = 7 : i64, tpu.core_type = #tpu.core_type<sc_vector_subcore>, window_params = [{transform_indices = #map}, {transform_indices = #map1}, {transform_indices = #map1}, {transform_indices = #map1}]} {
    %mul3A = arith.constant 2 : i32
    %mul3A_0 = arith.muli %arg1, %mul3A : i32
    %add3A = arith.addi %mul3A_0, %arg0 : i32
    %broadcast_in_dim3A = arith.constant 0.000000e+00 : f32
    %broadcast_in_dim3A_1 = vector.broadcast %broadcast_in_dim3A : f32 to vector<16xf32>
    %scan3A = arith.constant 0 : i32
    %scan3A_2 = arith.constant 0 : i32
    %scan3A_3 = arith.constant 128 : i32
    %scan3A_4 = arith.addi %scan3A_2, %scan3A_3 : i32
    %scan3A_5 = arith.constant 1 : i32
    scf.for %scan3A_94 = %scan3A_2 to %scan3A_4 step %scan3A_5  : i32 {
      %swap3A = arith.index_cast %scan3A_94 : i32 to index
      %swap3A_95 = arith.constant 0 : index
      %swap3A_96 = tpu.vector_load %arg8[%swap3A, %swap3A_95] {strides = array<i32>} : memref<128x128xf32, #tpu.memory_space<vmem>>, vector<1x16xf32>,
      %swap3A_97 = vector.shape_cast %swap3A_96 : vector<1x16xf32> to vector<16xf32>
      %swap3A_98 = vector.shape_cast %broadcast_in_dim3A_1 : vector<16xf32> to vector<1x16xf32>
      tpu.vector_store %arg8[%swap3A, %swap3A_95], %swap3A_98 {strides = array<i32>} : memref<128x128xf32, #tpu.memory_space<vmem>>, vector<1x16xf32>,
      %swap3A_99 = arith.index_cast %scan3A_94 : i32 to index
      %swap3A_100 = arith.constant 16 : index
      %swap3A_101 = tpu.vector_load %arg8[%swap3A_99, %swap3A_100] {strides = array<i32>} : memref<128x128xf32, #tpu.memory_space<vmem>>, vector<1x16xf32>,
      %swap3A_102 = vector.shape_cast %swap3A_101 : vector<1x16xf32> to vector<16xf32>
      %swap3A_103 = vector.shape_cast %broadcast_in_dim3A_1 : vector<16xf32> to vector<1x16xf32>
      tpu.vector_store %arg8[%swap3A_99, %swap3A_100], %swap3A_103 {strides = array<i32>} : memref<128x128xf32, #tpu.memory_space<vmem>>, vector<1x16xf32>,
      %swap3A_104 = arith.index_cast %scan3A_94 : i32 to index
      %swap3A_105 = arith.constant 32 : index
      %swap3A_106 = tpu.vector_load %arg8[%swap3A_104, %swap3A_105] {strides = array<i32>} : memref<128x128xf32, #tpu.memory_space<vmem>>, vector<1x16xf32>,
      %swap3A_107 = vector.shape_cast %swap3A_106 : vector<1x16xf32> to vector<16xf32>
      %swap3A_108 = vector.shape_cast %broadcast_in_dim3A_1 : vector<16xf32> to vector<1x16xf32>
      tpu.vector_store %arg8[%swap3A_104, %swap3A_105], %swap3A_108 {strides = array<i32>} : memref<128x128xf32, #tpu.memory_space<vmem>>, vector<1x16xf32>,
      %swap3A_109 = arith.index_cast %scan3A_94 : i32 to index
      %swap3A_110 = arith.constant 48 : index
      %swap3A_111 = tpu.vector_load %arg8[%swap3A_109, %swap3A_110] {strides = array<i32>} : memref<128x128xf32, #tpu.memory_space<vmem>>, vector<1x16xf32>,
      %swap3A_112 = vector.shape_cast %swap3A_111 : vector<1x16xf32> to vector<16xf32>
      %swap3A_113 = vector.shape_cast %broadcast_in_dim3A_1 : vector<16xf32> to vector<1x16xf32>
      tpu.vector_store %arg8[%swap3A_109, %swap3A_110], %swap3A_113 {strides = array<i32>} : memref<128x128xf32, #tpu.memory_space<vmem>>, vector<1x16xf32>,
      %swap3A_114 = arith.index_cast %scan3A_94 : i32 to index
      %swap3A_115 = arith.constant 64 : index
      %swap3A_116 = tpu.vector_load %arg8[%swap3A_114, %swap3A_115] {strides = array<i32>} : memref<128x128xf32, #tpu.memory_space<vmem>>, vector<1x16xf32>,
      %swap3A_117 = vector.shape_cast %swap3A_116 : vector<1x16xf32> to vector<16xf32>
      %swap3A_118 = vector.shape_cast %broadcast_in_dim3A_1 : vector<16xf32> to vector<1x16xf32>
      tpu.vector_store %arg8[%swap3A_114, %swap3A_115], %swap3A_118 {strides = array<i32>} : memref<128x128xf32, #tpu.memory_space<vmem>>, vector<1x16xf32>,
      %swap3A_119 = arith.index_cast %scan3A_94 : i32 to index
      %swap3A_120 = arith.constant 80 : index
      %swap3A_121 = tpu.vector_load %arg8[%swap3A_119, %swap3A_120] {strides = array<i32>} : memref<128x128xf32, #tpu.memory_space<vmem>>, vector<1x16xf32>,
      %swap3A_122 = vector.shape_cast %swap3A_121 : vector<1x16xf32> to vector<16xf32>
      %swap3A_123 = vector.shape_cast %broadcast_in_dim3A_1 : vector<16xf32> to vector<1x16xf32>
      tpu.vector_store %arg8[%swap3A_119, %swap3A_120], %swap3A_123 {strides = array<i32>} : memref<128x128xf32, #tpu.memory_space<vmem>>, vector<1x16xf32>,
      %swap3A_124 = arith.index_cast %scan3A_94 : i32 to index
      %swap3A_125 = arith.constant 96 : index
      %swap3A_126 = tpu.vector_load %arg8[%swap3A_124, %swap3A_125] {strides = array<i32>} : memref<128x128xf32, #tpu.memory_space<vmem>>, vector<1x16xf32>,
      %swap3A_127 = vector.shape_cast %swap3A_126 : vector<1x16xf32> to vector<16xf32>
      %swap3A_128 = vector.shape_cast %broadcast_in_dim3A_1 : vector<16xf32> to vector<1x16xf32>
      tpu.vector_store %arg8[%swap3A_124, %swap3A_125], %swap3A_128 {strides = array<i32>} : memref<128x128xf32, #tpu.memory_space<vmem>>, vector<1x16xf32>,
      %swap3A_129 = arith.index_cast %scan3A_94 : i32 to index
      %swap3A_130 = arith.constant 112 : index
      %swap3A_131 = tpu.vector_load %arg8[%swap3A_129, %swap3A_130] {strides = array<i32>} : memref<128x128xf32, #tpu.memory_space<vmem>>, vector<1x16xf32>,
      %swap3A_132 = vector.shape_cast %swap3A_131 : vector<1x16xf32> to vector<16xf32>
      %swap3A_133 = vector.shape_cast %broadcast_in_dim3A_1 : vector<16xf32> to vector<1x16xf32>
      tpu.vector_store %arg8[%swap3A_129, %swap3A_130], %swap3A_133 {strides = array<i32>} : memref<128x128xf32, #tpu.memory_space<vmem>>, vector<1x16xf32>,
    }
    %scan3A_6 = arith.constant 128 : i32
    %mul3A_7 = arith.constant 632 : i32
    %mul3A_8 = arith.muli %arg1, %mul3A_7 : i32
    %add3A_9 = arith.constant 0 : i32
    %add3A_10 = arith.addi %mul3A_8, %add3A_9 : i32
    "tpu.region"() ({
      %run_scoped3A_94 = tpu.sem_alloc : memref<!tpu.dma_semaphore, #tpu.memory_space<semaphore_mem>>
      %dma_start3A_95 = arith.constant 0 : i32
      %dma_start3A_96 = tpu.memref_slice %arg10[%add3A_10, %dma_start3A_95] : memref<10112x128xf32, #tpu.memory_space<vmem_shared>> -> memref<128x128xf32, #tpu.memory_space<vmem_shared>>
      %dma_start3A_97 = arith.constant 0 : i32
      %dma_start3A_98 = tpu.memref_slice %arg10[%add3A_10, %dma_start3A_97] : memref<10112x128xf32, #tpu.memory_space<vmem_shared>> -> memref<128x128xf32, #tpu.memory_space<vmem_shared>>
      tpu.enqueue_dma source(%arg8 : memref<128x128xf32, #tpu.memory_space<vmem>>) target(%dma_start3A_98 : memref<128x128xf32, #tpu.memory_space<vmem_shared>>) target_semaphore(%run_scoped3A_94 : memref<!tpu.dma_semaphore, #tpu.memory_space<semaphore_mem>>)
      %dma_wait3A_99 = arith.constant 0 : i32
      %dma_wait3A_100 = tpu.memref_slice %arg10[%add3A_10, %dma_wait3A_99] : memref<10112x128xf32, #tpu.memory_space<vmem_shared>> -> memref<128x128xf32, #tpu.memory_space<vmem_shared>>
      %dma_wait3A_101 = arith.constant 0 : i32
      %dma_wait3A_102 = tpu.memref_slice %arg10[%add3A_10, %dma_wait3A_101] : memref<10112x128xf32, #tpu.memory_space<vmem_shared>> -> memref<128x128xf32, #tpu.memory_space<vmem_shared>>
      tpu.wait_dma2 semaphore(%run_scoped3A_94 : memref<!tpu.dma_semaphore, #tpu.memory_space<semaphore_mem>>) src(%arg8 : memref<128x128xf32, #tpu.memory_space<vmem>>) dst(%dma_wait3A_102 : memref<128x128xf32, #tpu.memory_space<vmem_shared>>)
      tpu.yield
    }) : () -> ()
    %add3A_11 = arith.constant 128 : i32
    %add3A_12 = arith.addi %mul3A_8, %add3A_11 : i32
    "tpu.region"() ({
      %run_scoped3A_94 = tpu.sem_alloc : memref<!tpu.dma_semaphore, #tpu.memory_space<semaphore_mem>>
      %dma_start3A_95 = arith.constant 0 : i32
      %dma_start3A_96 = tpu.memref_slice %arg10[%add3A_12, %dma_start3A_95] : memref<10112x128xf32, #tpu.memory_space<vmem_shared>> -> memref<128x128xf32, #tpu.memory_space<vmem_shared>>
      %dma_start3A_97 = arith.constant 0 : i32
      %dma_start3A_98 = tpu.memref_slice %arg10[%add3A_12, %dma_start3A_97] : memref<10112x128xf32, #tpu.memory_space<vmem_shared>> -> memref<128x128xf32, #tpu.memory_space<vmem_shared>>
      tpu.enqueue_dma source(%arg8 : memref<128x128xf32, #tpu.memory_space<vmem>>) target(%dma_start3A_98 : memref<128x128xf32, #tpu.memory_space<vmem_shared>>) target_semaphore(%run_scoped3A_94 : memref<!tpu.dma_semaphore, #tpu.memory_space<semaphore_mem>>)
      %dma_wait3A_99 = arith.constant 0 : i32
      %dma_wait3A_100 = tpu.memref_slice %arg10[%add3A_12, %dma_wait3A_99] : memref<10112x128xf32, #tpu.memory_space<vmem_shared>> -> memref<128x128xf32, #tpu.memory_space<vmem_shared>>
      %dma_wait3A_101 = arith.constant 0 : i32
      %dma_wait3A_102 = tpu.memref_slice %arg10[%add3A_12, %dma_wait3A_101] : memref<10112x128xf32, #tpu.memory_space<vmem_shared>> -> memref<128x128xf32, #tpu.memory_space<vmem_shared>>
      tpu.wait_dma2 semaphore(%run_scoped3A_94 : memref<!tpu.dma_semaphore, #tpu.memory_space<semaphore_mem>>) src(%arg8 : memref<128x128xf32, #tpu.memory_space<vmem>>) dst(%dma_wait3A_102 : memref<128x128xf32, #tpu.memory_space<vmem_shared>>)
      tpu.yield
    }) : () -> ()
    %add3A_13 = arith.constant 256 : i32
    %add3A_14 = arith.addi %mul3A_8, %add3A_13 : i32
    "tpu.region"() ({
      %run_scoped3A_94 = tpu.sem_alloc : memref<!tpu.dma_semaphore, #tpu.memory_space<semaphore_mem>>
      %dma_start3A_95 = arith.constant 0 : i32
      %dma_start3A_96 = tpu.memref_slice %arg10[%add3A_14, %dma_start3A_95] : memref<10112x128xf32, #tpu.memory_space<vmem_shared>> -> memref<128x128xf32, #tpu.memory_space<vmem_shared>>
      %dma_start3A_97 = arith.constant 0 : i32
      %dma_start3A_98 = tpu.memref_slice %arg10[%add3A_14, %dma_start3A_97] : memref<10112x128xf32, #tpu.memory_space<vmem_shared>> -> memref<128x128xf32, #tpu.memory_space<vmem_shared>>
      tpu.enqueue_dma source(%arg8 : memref<128x128xf32, #tpu.memory_space<vmem>>) target(%dma_start3A_98 : memref<128x128xf32, #tpu.memory_space<vmem_shared>>) target_semaphore(%run_scoped3A_94 : memref<!tpu.dma_semaphore, #tpu.memory_space<semaphore_mem>>)
      %dma_wait3A_99 = arith.constant 0 : i32
      %dma_wait3A_100 = tpu.memref_slice %arg10[%add3A_14, %dma_wait3A_99] : memref<10112x128xf32, #tpu.memory_space<vmem_shared>> -> memref<128x128xf32, #tpu.memory_space<vmem_shared>>
      %dma_wait3A_101 = arith.constant 0 : i32
      %dma_wait3A_102 = tpu.memref_slice %arg10[%add3A_14, %dma_wait3A_101] : memref<10112x128xf32, #tpu.memory_space<vmem_shared>> -> memref<128x128xf32, #tpu.memory_space<vmem_shared>>
      tpu.wait_dma2 semaphore(%run_scoped3A_94 : memref<!tpu.dma_semaphore, #tpu.memory_space<semaphore_mem>>) src(%arg8 : memref<128x128xf32, #tpu.memory_space<vmem>>) dst(%dma_wait3A_102 : memref<128x128xf32, #tpu.memory_space<vmem_shared>>)
      tpu.yield
    }) : () -> ()
    %add3A_15 = arith.constant 384 : i32
    %add3A_16 = arith.addi %mul3A_8, %add3A_15 : i32
    "tpu.region"() ({
      %run_scoped3A_94 = tpu.sem_alloc : memref<!tpu.dma_semaphore, #tpu.memory_space<semaphore_mem>>
      %dma_start3A_95 = arith.constant 0 : i32
      %dma_start3A_96 = tpu.memref_slice %arg10[%add3A_16, %dma_start3A_95] : memref<10112x128xf32, #tpu.memory_space<vmem_shared>> -> memref<128x128xf32, #tpu.memory_space<vmem_shared>>
      %dma_start3A_97 = arith.constant 0 : i32
      %dma_start3A_98 = tpu.memref_slice %arg10[%add3A_16, %dma_start3A_97] : memref<10112x128xf32, #tpu.memory_space<vmem_shared>> -> memref<128x128xf32, #tpu.memory_space<vmem_shared>>
      tpu.enqueue_dma source(%arg8 : memref<128x128xf32, #tpu.memory_space<vmem>>) target(%dma_start3A_98 : memref<128x128xf32, #tpu.memory_space<vmem_shared>>) target_semaphore(%run_scoped3A_94 : memref<!tpu.dma_semaphore, #tpu.memory_space<semaphore_mem>>)
      %dma_wait3A_99 = arith.constant 0 : i32
      %dma_wait3A_100 = tpu.memref_slice %arg10[%add3A_16, %dma_wait3A_99] : memref<10112x128xf32, #tpu.memory_space<vmem_shared>> -> memref<128x128xf32, #tpu.memory_space<vmem_shared>>
      %dma_wait3A_101 = arith.constant 0 : i32
      %dma_wait3A_102 = tpu.memref_slice %arg10[%add3A_16, %dma_wait3A_101] : memref<10112x128xf32, #tpu.memory_space<vmem_shared>> -> memref<128x128xf32, #tpu.memory_space<vmem_shared>>
      tpu.wait_dma2 semaphore(%run_scoped3A_94 : memref<!tpu.dma_semaphore, #tpu.memory_space<semaphore_mem>>) src(%arg8 : memref<128x128xf32, #tpu.memory_space<vmem>>) dst(%dma_wait3A_102 : memref<128x128xf32, #tpu.memory_space<vmem_shared>>)
      tpu.yield
    }) : () -> ()
    %add3A_17 = arith.constant 632 : i32
    %add3A_18 = arith.addi %mul3A_8, %add3A_17 : i32
    %sub3A = arith.constant 120 : i32
    %sub3A_19 = arith.subi %add3A_18, %sub3A : i32
    "tpu.region"() ({
      %run_scoped3A_94 = tpu.sem_alloc : memref<!tpu.dma_semaphore, #tpu.memory_space<semaphore_mem>>
      %dma_start3A_95 = arith.constant 0 : i32
      %dma_start3A_96 = arith.constant 0 : i32
      %dma_start3A_97 = tpu.memref_slice %arg8[%dma_start3A_95, %dma_start3A_96] : memref<128x128xf32, #tpu.memory_space<vmem>> -> memref<120x128xf32, #tpu.memory_space<vmem>>
      %dma_start3A_98 = arith.constant 0 : i32
      %dma_start3A_99 = tpu.memref_slice %arg10[%sub3A_19, %dma_start3A_98] : memref<10112x128xf32, #tpu.memory_space<vmem_shared>> -> memref<120x128xf32, #tpu.memory_space<vmem_shared>>
      %dma_start3A_100 = arith.constant 0 : i32
      %dma_start3A_101 = tpu.memref_slice %arg10[%sub3A_19, %dma_start3A_100] : memref<10112x128xf32, #tpu.memory_space<vmem_shared>> -> memref<120x128xf32, #tpu.memory_space<vmem_shared>>
      %dma_start3A_102 = arith.constant 0 : i32
      %dma_start3A_103 = arith.constant 0 : i32
      %dma_start3A_104 = tpu.memref_slice %arg8[%dma_start3A_102, %dma_start3A_103] : memref<128x128xf32, #tpu.memory_space<vmem>> -> memref<120x128xf32, #tpu.memory_space<vmem>>
      tpu.enqueue_dma source(%dma_start3A_104 : memref<120x128xf32, #tpu.memory_space<vmem>>) target(%dma_start3A_101 : memref<120x128xf32, #tpu.memory_space<vmem_shared>>) target_semaphore(%run_scoped3A_94 : memref<!tpu.dma_semaphore, #tpu.memory_space<semaphore_mem>>)
      %dma_wait3A_105 = arith.constant 0 : i32
      %dma_wait3A_106 = arith.constant 0 : i32
      %dma_wait3A_107 = tpu.memref_slice %arg8[%dma_wait3A_105, %dma_wait3A_106] : memref<128x128xf32, #tpu.memory_space<vmem>> -> memref<120x128xf32, #tpu.memory_space<vmem>>
      %dma_wait3A_108 = arith.constant 0 : i32
      %dma_wait3A_109 = tpu.memref_slice %arg10[%sub3A_19, %dma_wait3A_108] : memref<10112x128xf32, #tpu.memory_space<vmem_shared>> -> memref<120x128xf32, #tpu.memory_space<vmem_shared>>
      %dma_wait3A_110 = arith.constant 0 : i32
      %dma_wait3A_111 = tpu.memref_slice %arg10[%sub3A_19, %dma_wait3A_110] : memref<10112x128xf32, #tpu.memory_space<vmem_shared>> -> memref<120x128xf32, #tpu.memory_space<vmem_shared>>
      %dma_wait3A_112 = arith.constant 0 : i32
      %dma_wait3A_113 = arith.constant 0 : i32
      %dma_wait3A_114 = tpu.memref_slice %arg8[%dma_wait3A_112, %dma_wait3A_113] : memref<128x128xf32, #tpu.memory_space<vmem>> -> memref<120x128xf32, #tpu.memory_space<vmem>>
      tpu.wait_dma2 semaphore(%run_scoped3A_94 : memref<!tpu.dma_semaphore, #tpu.memory_space<semaphore_mem>>) src(%dma_wait3A_114 : memref<120x128xf32, #tpu.memory_space<vmem>>) dst(%dma_wait3A_111 : memref<120x128xf32, #tpu.memory_space<vmem_shared>>)
      tpu.yield
    }) : () -> ()
    %barrier3A = arith.constant 0 : index
    tpu.barrier barrier_id(%barrier3A)
    "tpu.region"() ({
      %run_scoped3A_94 = tpu.sem_alloc : memref<!tpu.dma_semaphore, #tpu.memory_space<semaphore_mem>>
      %dma_start3A_95 = arith.constant 0 : i32
      %dma_start3A_96 = arith.constant 0 : i32
      %dma_start3A_97 = tpu.memref_slice %arg3[%add3A, %dma_start3A_95, %dma_start3A_96] : memref<32x80x128xi32, #tpu.memory_space<hbm>> -> memref<1x80x128xi32, #tpu.memory_space<hbm>>
      %dma_start3A_98 = tpu.memref_squeeze %dma_start3A_97 : memref<1x80x128xi32, #tpu.memory_space<hbm>> -> memref<80x128xi32, #tpu.memory_space<hbm>>
      %dma_start3A_99 = arith.constant 0 : i32
      %dma_start3A_100 = arith.constant 0 : i32
      %dma_start3A_101 = tpu.memref_slice %dma_start3A_98[%dma_start3A_99, %dma_start3A_100] : memref<80x128xi32, #tpu.memory_space<hbm>> -> memref<40x128xi32, #tpu.memory_space<hbm>>
      %dma_start3A_102 = arith.constant 0 : i32
      %dma_start3A_103 = arith.constant 0 : i32
      %dma_start3A_104 = tpu.memref_slice %arg3[%add3A, %dma_start3A_102, %dma_start3A_103] : memref<32x80x128xi32, #tpu.memory_space<hbm>> -> memref<1x80x128xi32, #tpu.memory_space<hbm>>
      %dma_start3A_105 = tpu.memref_squeeze %dma_start3A_104 : memref<1x80x128xi32, #tpu.memory_space<hbm>> -> memref<80x128xi32, #tpu.memory_space<hbm>>
      %dma_start3A_106 = arith.constant 0 : i32
      %dma_start3A_107 = arith.constant 0 : i32
      %dma_start3A_108 = tpu.memref_slice %dma_start3A_105[%dma_start3A_106, %dma_start3A_107] : memref<80x128xi32, #tpu.memory_space<hbm>> -> memref<40x128xi32, #tpu.memory_space<hbm>>
      tpu.enqueue_dma source(%dma_start3A_108 : memref<40x128xi32, #tpu.memory_space<hbm>>) target(%arg6 : memref<40x128xi32, #tpu.memory_space<vmem>>) target_semaphore(%run_scoped3A_94 : memref<!tpu.dma_semaphore, #tpu.memory_space<semaphore_mem>>)
      %dma_wait3A_109 = arith.constant 0 : i32
      %dma_wait3A_110 = arith.constant 0 : i32
      %dma_wait3A_111 = tpu.memref_slice %arg3[%add3A, %dma_wait3A_109, %dma_wait3A_110] : memref<32x80x128xi32, #tpu.memory_space<hbm>> -> memref<1x80x128xi32, #tpu.memory_space<hbm>>
      %dma_wait3A_112 = tpu.memref_squeeze %dma_wait3A_111 : memref<1x80x128xi32, #tpu.memory_space<hbm>> -> memref<80x128xi32, #tpu.memory_space<hbm>>
      %dma_wait3A_113 = arith.constant 0 : i32
      %dma_wait3A_114 = arith.constant 0 : i32
      %dma_wait3A_115 = tpu.memref_slice %dma_wait3A_112[%dma_wait3A_113, %dma_wait3A_114] : memref<80x128xi32, #tpu.memory_space<hbm>> -> memref<40x128xi32, #tpu.memory_space<hbm>>
      %dma_wait3A_116 = arith.constant 0 : i32
      %dma_wait3A_117 = arith.constant 0 : i32
      %dma_wait3A_118 = tpu.memref_slice %arg3[%add3A, %dma_wait3A_116, %dma_wait3A_117] : memref<32x80x128xi32, #tpu.memory_space<hbm>> -> memref<1x80x128xi32, #tpu.memory_space<hbm>>
      %dma_wait3A_119 = tpu.memref_squeeze %dma_wait3A_118 : memref<1x80x128xi32, #tpu.memory_space<hbm>> -> memref<80x128xi32, #tpu.memory_space<hbm>>
      %dma_wait3A_120 = arith.constant 0 : i32
      %dma_wait3A_121 = arith.constant 0 : i32
      %dma_wait3A_122 = tpu.memref_slice %dma_wait3A_119[%dma_wait3A_120, %dma_wait3A_121] : memref<80x128xi32, #tpu.memory_space<hbm>> -> memref<40x128xi32, #tpu.memory_space<hbm>>
      tpu.wait_dma2 semaphore(%run_scoped3A_94 : memref<!tpu.dma_semaphore, #tpu.memory_space<semaphore_mem>>) src(%dma_wait3A_122 : memref<40x128xi32, #tpu.memory_space<hbm>>) dst(%arg6 : memref<40x128xi32, #tpu.memory_space<vmem>>)
      tpu.yield
    }) : () -> ()
    "tpu.region"() ({
      %run_scoped3A_94 = tpu.sem_alloc : memref<!tpu.dma_semaphore, #tpu.memory_space<semaphore_mem>>
      %dma_start3A_95 = arith.constant 0 : i32
      %dma_start3A_96 = arith.constant 0 : i32
      %dma_start3A_97 = tpu.memref_slice %arg4[%add3A, %dma_start3A_95, %dma_start3A_96] : memref<32x80x128xi32, #tpu.memory_space<hbm>> -> memref<1x80x128xi32, #tpu.memory_space<hbm>>
      %dma_start3A_98 = tpu.memref_squeeze %dma_start3A_97 : memref<1x80x128xi32, #tpu.memory_space<hbm>> -> memref<80x128xi32, #tpu.memory_space<hbm>>
      %dma_start3A_99 = arith.constant 0 : i32
      %dma_start3A_100 = arith.constant 0 : i32
      %dma_start3A_101 = tpu.memref_slice %dma_start3A_98[%dma_start3A_99, %dma_start3A_100] : memref<80x128xi32, #tpu.memory_space<hbm>> -> memref<40x128xi32, #tpu.memory_space<hbm>>
      %dma_start3A_102 = arith.constant 0 : i32
      %dma_start3A_103 = arith.constant 0 : i32
      %dma_start3A_104 = tpu.memref_slice %arg4[%add3A, %dma_start3A_102, %dma_start3A_103] : memref<32x80x128xi32, #tpu.memory_space<hbm>> -> memref<1x80x128xi32, #tpu.memory_space<hbm>>
      %dma_start3A_105 = tpu.memref_squeeze %dma_start3A_104 : memref<1x80x128xi32, #tpu.memory_space<hbm>> -> memref<80x128xi32, #tpu.memory_space<hbm>>
      %dma_start3A_106 = arith.constant 0 : i32
      %dma_start3A_107 = arith.constant 0 : i32
      %dma_start3A_108 = tpu.memref_slice %dma_start3A_105[%dma_start3A_106, %dma_start3A_107] : memref<80x128xi32, #tpu.memory_space<hbm>> -> memref<40x128xi32, #tpu.memory_space<hbm>>
      tpu.enqueue_dma source(%dma_start3A_108 : memref<40x128xi32, #tpu.memory_space<hbm>>) target(%arg7 : memref<40x128xi32, #tpu.memory_space<vmem>>) target_semaphore(%run_scoped3A_94 : memref<!tpu.dma_semaphore, #tpu.memory_space<semaphore_mem>>)
      %dma_wait3A_109 = arith.constant 0 : i32
      %dma_wait3A_110 = arith.constant 0 : i32
      %dma_wait3A_111 = tpu.memref_slice %arg4[%add3A, %dma_wait3A_109, %dma_wait3A_110] : memref<32x80x128xi32, #tpu.memory_space<hbm>> -> memref<1x80x128xi32, #tpu.memory_space<hbm>>
      %dma_wait3A_112 = tpu.memref_squeeze %dma_wait3A_111 : memref<1x80x128xi32, #tpu.memory_space<hbm>> -> memref<80x128xi32, #tpu.memory_space<hbm>>
      %dma_wait3A_113 = arith.constant 0 : i32
      %dma_wait3A_114 = arith.constant 0 : i32
      %dma_wait3A_115 = tpu.memref_slice %dma_wait3A_112[%dma_wait3A_113, %dma_wait3A_114] : memref<80x128xi32, #tpu.memory_space<hbm>> -> memref<40x128xi32, #tpu.memory_space<hbm>>
      %dma_wait3A_116 = arith.constant 0 : i32
      %dma_wait3A_117 = arith.constant 0 : i32
      %dma_wait3A_118 = tpu.memref_slice %arg4[%add3A, %dma_wait3A_116, %dma_wait3A_117] : memref<32x80x128xi32, #tpu.memory_space<hbm>> -> memref<1x80x128xi32, #tpu.memory_space<hbm>>
      %dma_wait3A_119 = tpu.memref_squeeze %dma_wait3A_118 : memref<1x80x128xi32, #tpu.memory_space<hbm>> -> memref<80x128xi32, #tpu.memory_space<hbm>>
      %dma_wait3A_120 = arith.constant 0 : i32
      %dma_wait3A_121 = arith.constant 0 : i32
      %dma_wait3A_122 = tpu.memref_slice %dma_wait3A_119[%dma_wait3A_120, %dma_wait3A_121] : memref<80x128xi32, #tpu.memory_space<hbm>> -> memref<40x128xi32, #tpu.memory_space<hbm>>
      tpu.wait_dma2 semaphore(%run_scoped3A_94 : memref<!tpu.dma_semaphore, #tpu.memory_space<semaphore_mem>>) src(%dma_wait3A_122 : memref<40x128xi32, #tpu.memory_space<hbm>>) dst(%arg7 : memref<40x128xi32, #tpu.memory_space<vmem>>)
      tpu.yield
    }) : () -> ()
    %dma_start3A = arith.constant 0 : i32
    %dma_start3A_20 = arith.constant 0 : i32
    %dma_start3A_21 = tpu.memref_slice %arg6[%dma_start3A, %dma_start3A_20] : memref<40x128xi32, #tpu.memory_space<vmem>> -> memref<1x128xi32, #tpu.memory_space<vmem>>
    %dma_start3A_22 = tpu.memref_squeeze %dma_start3A_21 : memref<1x128xi32, #tpu.memory_space<vmem>> -> memref<128xi32, #tpu.memory_space<vmem>>
    %dma_start3A_23 = arith.constant 0 : i32
    %dma_start3A_24 = arith.constant 0 : i32
    %dma_start3A_25 = tpu.memref_slice %arg2[%dma_start3A_23, %dma_start3A_24] : memref<10000x128xf32, #tpu.memory_space<hbm>> -> memref<10000x128xf32, #tpu.memory_space<hbm>>
    tpu.enqueue_indirect_dma source(%dma_start3A_25 : memref<10000x128xf32, #tpu.memory_space<hbm>>) target(%arg8 : memref<128x128xf32, #tpu.memory_space<vmem>>) offsets(%dma_start3A_22 : memref<128xi32, #tpu.memory_space<vmem>>) semaphore(%arg11 : memref<!tpu.dma_semaphore, #tpu.memory_space<semaphore_mem>>)
    %scan3A_26 = arith.constant 0 : i32
    %scan3A_27 = arith.constant 0 : i32
    %scan3A_28 = arith.constant 19 : i32
    %scan3A_29 = arith.addi %scan3A_27, %scan3A_28 : i32
    %scan3A_30 = arith.constant 1 : i32
    scf.for %scan3A_94 = %scan3A_27 to %scan3A_29 step %scan3A_30  : i32 {
      %mul3A_95 = arith.constant 2 : i32
      %mul3A_96 = arith.muli %mul3A_95, %scan3A_94 : i32
      %add3A_97 = arith.constant 1 : i32
      %add3A_98 = arith.addi %mul3A_96, %add3A_97 : i32
      %dma_start3A_99 = arith.constant 0 : i32
      %dma_start3A_100 = tpu.memref_slice %arg6[%add3A_98, %dma_start3A_99] : memref<40x128xi32, #tpu.memory_space<vmem>> -> memref<1x128xi32, #tpu.memory_space<vmem>>
      %dma_start3A_101 = tpu.memref_squeeze %dma_start3A_100 : memref<1x128xi32, #tpu.memory_space<vmem>> -> memref<128xi32, #tpu.memory_space<vmem>>
      %dma_start3A_102 = arith.constant 0 : i32
      %dma_start3A_103 = arith.constant 0 : i32
      %dma_start3A_104 = tpu.memref_slice %arg2[%dma_start3A_102, %dma_start3A_103] : memref<10000x128xf32, #tpu.memory_space<hbm>> -> memref<10000x128xf32, #tpu.memory_space<hbm>>
      tpu.enqueue_indirect_dma source(%dma_start3A_104 : memref<10000x128xf32, #tpu.memory_space<hbm>>) target(%arg9 : memref<128x128xf32, #tpu.memory_space<vmem>>) offsets(%dma_start3A_101 : memref<128xi32, #tpu.memory_space<vmem>>) semaphore(%arg12 : memref<!tpu.dma_semaphore, #tpu.memory_space<semaphore_mem>>)
      %dma_wait3A_105 = arith.constant 0 : i32
      %dma_wait3A_106 = tpu.memref_slice %arg6[%mul3A_96, %dma_wait3A_105] : memref<40x128xi32, #tpu.memory_space<vmem>> -> memref<1x128xi32, #tpu.memory_space<vmem>>
      %dma_wait3A_107 = tpu.memref_squeeze %dma_wait3A_106 : memref<1x128xi32, #tpu.memory_space<vmem>> -> memref<128xi32, #tpu.memory_space<vmem>>
      %dma_wait3A_108 = arith.constant 0 : i32
      %dma_wait3A_109 = arith.constant 0 : i32
      %dma_wait3A_110 = tpu.memref_slice %arg2[%dma_wait3A_108, %dma_wait3A_109] : memref<10000x128xf32, #tpu.memory_space<hbm>> -> memref<10000x128xf32, #tpu.memory_space<hbm>>
      tpu.wait_indirect_dma semaphore(%arg11 : memref<!tpu.dma_semaphore, #tpu.memory_space<semaphore_mem>>) src(%dma_wait3A_110 : memref<10000x128xf32, #tpu.memory_space<hbm>>) dst(%arg8 : memref<128x128xf32, #tpu.memory_space<vmem>>)
      "tpu.region"() ({
        %run_scoped3A_129 = tpu.sem_alloc : memref<!tpu.dma_semaphore, #tpu.memory_space<semaphore_mem>>
        %dma_start3A_130 = arith.constant 0 : i32
        %dma_start3A_131 = tpu.memref_slice %arg7[%mul3A_96, %dma_start3A_130] : memref<40x128xi32, #tpu.memory_space<vmem>> -> memref<1x128xi32, #tpu.memory_space<vmem>>
        %dma_start3A_132 = tpu.memref_squeeze %dma_start3A_131 : memref<1x128xi32, #tpu.memory_space<vmem>> -> memref<128xi32, #tpu.memory_space<vmem>>
        %dma_start3A_133 = arith.constant 0 : i32
        %dma_start3A_134 = arith.constant 0 : i32
        %dma_start3A_135 = tpu.memref_slice %arg10[%dma_start3A_133, %dma_start3A_134] : memref<10112x128xf32, #tpu.memory_space<vmem_shared>> -> memref<10112x128xf32, #tpu.memory_space<vmem_shared>>
        tpu.enqueue_indirect_dma source(%arg8 : memref<128x128xf32, #tpu.memory_space<vmem>>) target(%dma_start3A_135 : memref<10112x128xf32, #tpu.memory_space<vmem_shared>>) offsets(%dma_start3A_132 : memref<128xi32, #tpu.memory_space<vmem>>) semaphore(%run_scoped3A_129 : memref<!tpu.dma_semaphore, #tpu.memory_space<semaphore_mem>>) {add = true}
        %dma_wait3A_136 = arith.constant 0 : i32
        %dma_wait3A_137 = tpu.memref_slice %arg7[%mul3A_96, %dma_wait3A_136] : memref<40x128xi32, #tpu.memory_space<vmem>> -> memref<1x128xi32, #tpu.memory_space<vmem>>
        %dma_wait3A_138 = tpu.memref_squeeze %dma_wait3A_137 : memref<1x128xi32, #tpu.memory_space<vmem>> -> memref<128xi32, #tpu.memory_space<vmem>>
        %dma_wait3A_139 = arith.constant 0 : i32
        %dma_wait3A_140 = arith.constant 0 : i32
        %dma_wait3A_141 = tpu.memref_slice %arg10[%dma_wait3A_139, %dma_wait3A_140] : memref<10112x128xf32, #tpu.memory_space<vmem_shared>> -> memref<10112x128xf32, #tpu.memory_space<vmem_shared>>
        tpu.wait_indirect_dma semaphore(%run_scoped3A_129 : memref<!tpu.dma_semaphore, #tpu.memory_space<semaphore_mem>>) src(%arg8 : memref<128x128xf32, #tpu.memory_space<vmem>>) dst(%dma_wait3A_141 : memref<10112x128xf32, #tpu.memory_space<vmem_shared>>)
        tpu.yield
      }) : () -> ()
      %add3A_111 = arith.constant 2 : i32
      %add3A_112 = arith.addi %mul3A_96, %add3A_111 : i32
      %dma_start3A_113 = arith.constant 0 : i32
      %dma_start3A_114 = tpu.memref_slice %arg6[%add3A_112, %dma_start3A_113] : memref<40x128xi32, #tpu.memory_space<vmem>> -> memref<1x128xi32, #tpu.memory_space<vmem>>
      %dma_start3A_115 = tpu.memref_squeeze %dma_start3A_114 : memref<1x128xi32, #tpu.memory_space<vmem>> -> memref<128xi32, #tpu.memory_space<vmem>>
      %dma_start3A_116 = arith.constant 0 : i32
      %dma_start3A_117 = arith.constant 0 : i32
      %dma_start3A_118 = tpu.memref_slice %arg2[%dma_start3A_116, %dma_start3A_117] : memref<10000x128xf32, #tpu.memory_space<hbm>> -> memref<10000x128xf32, #tpu.memory_space<hbm>>
      tpu.enqueue_indirect_dma source(%dma_start3A_118 : memref<10000x128xf32, #tpu.memory_space<hbm>>) target(%arg8 : memref<128x128xf32, #tpu.memory_space<vmem>>) offsets(%dma_start3A_115 : memref<128xi32, #tpu.memory_space<vmem>>) semaphore(%arg11 : memref<!tpu.dma_semaphore, #tpu.memory_space<semaphore_mem>>)
      %add3A_119 = arith.constant 1 : i32
      %add3A_120 = arith.addi %mul3A_96, %add3A_119 : i32
      %dma_wait3A_121 = arith.constant 0 : i32
      %dma_wait3A_122 = tpu.memref_slice %arg6[%add3A_120, %dma_wait3A_121] : memref<40x128xi32, #tpu.memory_space<vmem>> -> memref<1x128xi32, #tpu.memory_space<vmem>>
      %dma_wait3A_123 = tpu.memref_squeeze %dma_wait3A_122 : memref<1x128xi32, #tpu.memory_space<vmem>> -> memref<128xi32, #tpu.memory_space<vmem>>
      %dma_wait3A_124 = arith.constant 0 : i32
      %dma_wait3A_125 = arith.constant 0 : i32
      %dma_wait3A_126 = tpu.memref_slice %arg2[%dma_wait3A_124, %dma_wait3A_125] : memref<10000x128xf32, #tpu.memory_space<hbm>> -> memref<10000x128xf32, #tpu.memory_space<hbm>>
      tpu.wait_indirect_dma semaphore(%arg12 : memref<!tpu.dma_semaphore, #tpu.memory_space<semaphore_mem>>) src(%dma_wait3A_126 : memref<10000x128xf32, #tpu.memory_space<hbm>>) dst(%arg9 : memref<128x128xf32, #tpu.memory_space<vmem>>)
      %add3A_127 = arith.constant 1 : i32
      %add3A_128 = arith.addi %mul3A_96, %add3A_127 : i32
      "tpu.region"() ({
        %run_scoped3A_129 = tpu.sem_alloc : memref<!tpu.dma_semaphore, #tpu.memory_space<semaphore_mem>>
        %dma_start3A_130 = arith.constant 0 : i32
        %dma_start3A_131 = tpu.memref_slice %arg7[%add3A_128, %dma_start3A_130] : memref<40x128xi32, #tpu.memory_space<vmem>> -> memref<1x128xi32, #tpu.memory_space<vmem>>
        %dma_start3A_132 = tpu.memref_squeeze %dma_start3A_131 : memref<1x128xi32, #tpu.memory_space<vmem>> -> memref<128xi32, #tpu.memory_space<vmem>>
        %dma_start3A_133 = arith.constant 0 : i32
        %dma_start3A_134 = arith.constant 0 : i32
        %dma_start3A_135 = tpu.memref_slice %arg10[%dma_start3A_133, %dma_start3A_134] : memref<10112x128xf32, #tpu.memory_space<vmem_shared>> -> memref<10112x128xf32, #tpu.memory_space<vmem_shared>>
        tpu.enqueue_indirect_dma source(%arg9 : memref<128x128xf32, #tpu.memory_space<vmem>>) target(%dma_start3A_135 : memref<10112x128xf32, #tpu.memory_space<vmem_shared>>) offsets(%dma_start3A_132 : memref<128xi32, #tpu.memory_space<vmem>>) semaphore(%run_scoped3A_129 : memref<!tpu.dma_semaphore, #tpu.memory_space<semaphore_mem>>) {add = true}
        %dma_wait3A_136 = arith.constant 0 : i32
        %dma_wait3A_137 = tpu.memref_slice %arg7[%add3A_128, %dma_wait3A_136] : memref<40x128xi32, #tpu.memory_space<vmem>> -> memref<1x128xi32, #tpu.memory_space<vmem>>
        %dma_wait3A_138 = tpu.memref_squeeze %dma_wait3A_137 : memref<1x128xi32, #tpu.memory_space<vmem>> -> memref<128xi32, #tpu.memory_space<vmem>>
        %dma_wait3A_139 = arith.constant 0 : i32
        %dma_wait3A_140 = arith.constant 0 : i32
        %dma_wait3A_141 = tpu.memref_slice %arg10[%dma_wait3A_139, %dma_wait3A_140] : memref<10112x128xf32, #tpu.memory_space<vmem_shared>> -> memref<10112x128xf32, #tpu.memory_space<vmem_shared>>
        tpu.wait_indirect_dma semaphore(%run_scoped3A_129 : memref<!tpu.dma_semaphore, #tpu.memory_space<semaphore_mem>>) src(%arg9 : memref<128x128xf32, #tpu.memory_space<vmem>>) dst(%dma_wait3A_141 : memref<10112x128xf32, #tpu.memory_space<vmem_shared>>)
        tpu.yield
      }) : () -> ()
    }
    %scan3A_31 = arith.constant 19 : i32
    %dma_start3A_32 = arith.constant 39 : i32
    %dma_start3A_33 = arith.constant 0 : i32
    %dma_start3A_34 = tpu.memref_slice %arg6[%dma_start3A_32, %dma_start3A_33] : memref<40x128xi32, #tpu.memory_space<vmem>> -> memref<1x128xi32, #tpu.memory_space<vmem>>
    %dma_start3A_35 = tpu.memref_squeeze %dma_start3A_34 : memref<1x128xi32, #tpu.memory_space<vmem>> -> memref<128xi32, #tpu.memory_space<vmem>>
    %dma_start3A_36 = arith.constant 0 : i32
    %dma_start3A_37 = arith.constant 0 : i32
    %dma_start3A_38 = tpu.memref_slice %arg2[%dma_start3A_36, %dma_start3A_37] : memref<10000x128xf32, #tpu.memory_space<hbm>> -> memref<10000x128xf32, #tpu.memory_space<hbm>>
    tpu.enqueue_indirect_dma source(%dma_start3A_38 : memref<10000x128xf32, #tpu.memory_space<hbm>>) target(%arg9 : memref<128x128xf32, #tpu.memory_space<vmem>>) offsets(%dma_start3A_35 : memref<128xi32, #tpu.memory_space<vmem>>) semaphore(%arg12 : memref<!tpu.dma_semaphore, #tpu.memory_space<semaphore_mem>>)
    %dma_wait3A = arith.constant 38 : i32
    %dma_wait3A_39 = arith.constant 0 : i32
    %dma_wait3A_40 = tpu.memref_slice %arg6[%dma_wait3A, %dma_wait3A_39] : memref<40x128xi32, #tpu.memory_space<vmem>> -> memref<1x128xi32, #tpu.memory_space<vmem>>
    %dma_wait3A_41 = tpu.memref_squeeze %dma_wait3A_40 : memref<1x128xi32, #tpu.memory_space<vmem>> -> memref<128xi32, #tpu.memory_space<vmem>>
    %dma_wait3A_42 = arith.constant 0 : i32
    %dma_wait3A_43 = arith.constant 0 : i32
    %dma_wait3A_44 = tpu.memref_slice %arg2[%dma_wait3A_42, %dma_wait3A_43] : memref<10000x128xf32, #tpu.memory_space<hbm>> -> memref<10000x128xf32, #tpu.memory_space<hbm>>
    tpu.wait_indirect_dma semaphore(%arg11 : memref<!tpu.dma_semaphore, #tpu.memory_space<semaphore_mem>>) src(%dma_wait3A_44 : memref<10000x128xf32, #tpu.memory_space<hbm>>) dst(%arg8 : memref<128x128xf32, #tpu.memory_space<vmem>>)
    %run_scoped3A = arith.constant 38 : i32
    "tpu.region"() ({
      %run_scoped3A_94 = tpu.sem_alloc : memref<!tpu.dma_semaphore, #tpu.memory_space<semaphore_mem>>
      %dma_start3A_95 = arith.constant 0 : i32
      %dma_start3A_96 = tpu.memref_slice %arg7[%run_scoped3A, %dma_start3A_95] : memref<40x128xi32, #tpu.memory_space<vmem>> -> memref<1x128xi32, #tpu.memory_space<vmem>>
      %dma_start3A_97 = tpu.memref_squeeze %dma_start3A_96 : memref<1x128xi32, #tpu.memory_space<vmem>> -> memref<128xi32, #tpu.memory_space<vmem>>
      %dma_start3A_98 = arith.constant 0 : i32
      %dma_start3A_99 = arith.constant 0 : i32
      %dma_start3A_100 = tpu.memref_slice %arg10[%dma_start3A_98, %dma_start3A_99] : memref<10112x128xf32, #tpu.memory_space<vmem_shared>> -> memref<10112x128xf32, #tpu.memory_space<vmem_shared>>
      tpu.enqueue_indirect_dma source(%arg8 : memref<128x128xf32, #tpu.memory_space<vmem>>) target(%dma_start3A_100 : memref<10112x128xf32, #tpu.memory_space<vmem_shared>>) offsets(%dma_start3A_97 : memref<128xi32, #tpu.memory_space<vmem>>) semaphore(%run_scoped3A_94 : memref<!tpu.dma_semaphore, #tpu.memory_space<semaphore_mem>>) {add = true}
      %dma_wait3A_101 = arith.constant 0 : i32
      %dma_wait3A_102 = tpu.memref_slice %arg7[%run_scoped3A, %dma_wait3A_101] : memref<40x128xi32, #tpu.memory_space<vmem>> -> memref<1x128xi32, #tpu.memory_space<vmem>>
      %dma_wait3A_103 = tpu.memref_squeeze %dma_wait3A_102 : memref<1x128xi32, #tpu.memory_space<vmem>> -> memref<128xi32, #tpu.memory_space<vmem>>
      %dma_wait3A_104 = arith.constant 0 : i32
      %dma_wait3A_105 = arith.constant 0 : i32
      %dma_wait3A_106 = tpu.memref_slice %arg10[%dma_wait3A_104, %dma_wait3A_105] : memref<10112x128xf32, #tpu.memory_space<vmem_shared>> -> memref<10112x128xf32, #tpu.memory_space<vmem_shared>>
      tpu.wait_indirect_dma semaphore(%run_scoped3A_94 : memref<!tpu.dma_semaphore, #tpu.memory_space<semaphore_mem>>) src(%arg8 : memref<128x128xf32, #tpu.memory_space<vmem>>) dst(%dma_wait3A_106 : memref<10112x128xf32, #tpu.memory_space<vmem_shared>>)
      tpu.yield
    }) : () -> ()
    %dma_wait3A_45 = arith.constant 39 : i32
    %dma_wait3A_46 = arith.constant 0 : i32
    %dma_wait3A_47 = tpu.memref_slice %arg6[%dma_wait3A_45, %dma_wait3A_46] : memref<40x128xi32, #tpu.memory_space<vmem>> -> memref<1x128xi32, #tpu.memory_space<vmem>>
    %dma_wait3A_48 = tpu.memref_squeeze %dma_wait3A_47 : memref<1x128xi32, #tpu.memory_space<vmem>> -> memref<128xi32, #tpu.memory_space<vmem>>
    %dma_wait3A_49 = arith.constant 0 : i32
    %dma_wait3A_50 = arith.constant 0 : i32
    %dma_wait3A_51 = tpu.memref_slice %arg2[%dma_wait3A_49, %dma_wait3A_50] : memref<10000x128xf32, #tpu.memory_space<hbm>> -> memref<10000x128xf32, #tpu.memory_space<hbm>>
    tpu.wait_indirect_dma semaphore(%arg12 : memref<!tpu.dma_semaphore, #tpu.memory_space<semaphore_mem>>) src(%dma_wait3A_51 : memref<10000x128xf32, #tpu.memory_space<hbm>>) dst(%arg9 : memref<128x128xf32, #tpu.memory_space<vmem>>)
    %run_scoped3A_52 = arith.constant 39 : i32
    "tpu.region"() ({
      %run_scoped3A_94 = tpu.sem_alloc : memref<!tpu.dma_semaphore, #tpu.memory_space<semaphore_mem>>
      %dma_start3A_95 = arith.constant 0 : i32
      %dma_start3A_96 = tpu.memref_slice %arg7[%run_scoped3A_52, %dma_start3A_95] : memref<40x128xi32, #tpu.memory_space<vmem>> -> memref<1x128xi32, #tpu.memory_space<vmem>>
      %dma_start3A_97 = tpu.memref_squeeze %dma_start3A_96 : memref<1x128xi32, #tpu.memory_space<vmem>> -> memref<128xi32, #tpu.memory_space<vmem>>
      %dma_start3A_98 = arith.constant 0 : i32
      %dma_start3A_99 = arith.constant 0 : i32
      %dma_start3A_100 = tpu.memref_slice %arg10[%dma_start3A_98, %dma_start3A_99] : memref<10112x128xf32, #tpu.memory_space<vmem_shared>> -> memref<10112x128xf32, #tpu.memory_space<vmem_shared>>
      tpu.enqueue_indirect_dma source(%arg9 : memref<128x128xf32, #tpu.memory_space<vmem>>) target(%dma_start3A_100 : memref<10112x128xf32, #tpu.memory_space<vmem_shared>>) offsets(%dma_start3A_97 : memref<128xi32, #tpu.memory_space<vmem>>) semaphore(%run_scoped3A_94 : memref<!tpu.dma_semaphore, #tpu.memory_space<semaphore_mem>>) {add = true}
      %dma_wait3A_101 = arith.constant 0 : i32
      %dma_wait3A_102 = tpu.memref_slice %arg7[%run_scoped3A_52, %dma_wait3A_101] : memref<40x128xi32, #tpu.memory_space<vmem>> -> memref<1x128xi32, #tpu.memory_space<vmem>>
      %dma_wait3A_103 = tpu.memref_squeeze %dma_wait3A_102 : memref<1x128xi32, #tpu.memory_space<vmem>> -> memref<128xi32, #tpu.memory_space<vmem>>
      %dma_wait3A_104 = arith.constant 0 : i32
      %dma_wait3A_105 = arith.constant 0 : i32
      %dma_wait3A_106 = tpu.memref_slice %arg10[%dma_wait3A_104, %dma_wait3A_105] : memref<10112x128xf32, #tpu.memory_space<vmem_shared>> -> memref<10112x128xf32, #tpu.memory_space<vmem_shared>>
      tpu.wait_indirect_dma semaphore(%run_scoped3A_94 : memref<!tpu.dma_semaphore, #tpu.memory_space<semaphore_mem>>) src(%arg9 : memref<128x128xf32, #tpu.memory_space<vmem>>) dst(%dma_wait3A_106 : memref<10112x128xf32, #tpu.memory_space<vmem_shared>>)
      tpu.yield
    }) : () -> ()
    "tpu.region"() ({
      %run_scoped3A_94 = tpu.sem_alloc : memref<!tpu.dma_semaphore, #tpu.memory_space<semaphore_mem>>
      %dma_start3A_95 = arith.constant 0 : i32
      %dma_start3A_96 = arith.constant 0 : i32
      %dma_start3A_97 = tpu.memref_slice %arg3[%add3A, %dma_start3A_95, %dma_start3A_96] : memref<32x80x128xi32, #tpu.memory_space<hbm>> -> memref<1x80x128xi32, #tpu.memory_space<hbm>>
      %dma_start3A_98 = tpu.memref_squeeze %dma_start3A_97 : memref<1x80x128xi32, #tpu.memory_space<hbm>> -> memref<80x128xi32, #tpu.memory_space<hbm>>
      %dma_start3A_99 = arith.constant 40 : i32
      %dma_start3A_100 = arith.constant 0 : i32
      %dma_start3A_101 = tpu.memref_slice %dma_start3A_98[%dma_start3A_99, %dma_start3A_100] : memref<80x128xi32, #tpu.memory_space<hbm>> -> memref<40x128xi32, #tpu.memory_space<hbm>>
      %dma_start3A_102 = arith.constant 0 : i32
      %dma_start3A_103 = arith.constant 0 : i32
      %dma_start3A_104 = tpu.memref_slice %arg3[%add3A, %dma_start3A_102, %dma_start3A_103] : memref<32x80x128xi32, #tpu.memory_space<hbm>> -> memref<1x80x128xi32, #tpu.memory_space<hbm>>
      %dma_start3A_105 = tpu.memref_squeeze %dma_start3A_104 : memref<1x80x128xi32, #tpu.memory_space<hbm>> -> memref<80x128xi32, #tpu.memory_space<hbm>>
      %dma_start3A_106 = arith.constant 40 : i32
      %dma_start3A_107 = arith.constant 0 : i32
      %dma_start3A_108 = tpu.memref_slice %dma_start3A_105[%dma_start3A_106, %dma_start3A_107] : memref<80x128xi32, #tpu.memory_space<hbm>> -> memref<40x128xi32, #tpu.memory_space<hbm>>
      tpu.enqueue_dma source(%dma_start3A_108 : memref<40x128xi32, #tpu.memory_space<hbm>>) target(%arg6 : memref<40x128xi32, #tpu.memory_space<vmem>>) target_semaphore(%run_scoped3A_94 : memref<!tpu.dma_semaphore, #tpu.memory_space<semaphore_mem>>)
      %dma_wait3A_109 = arith.constant 0 : i32
      %dma_wait3A_110 = arith.constant 0 : i32
      %dma_wait3A_111 = tpu.memref_slice %arg3[%add3A, %dma_wait3A_109, %dma_wait3A_110] : memref<32x80x128xi32, #tpu.memory_space<hbm>> -> memref<1x80x128xi32, #tpu.memory_space<hbm>>
      %dma_wait3A_112 = tpu.memref_squeeze %dma_wait3A_111 : memref<1x80x128xi32, #tpu.memory_space<hbm>> -> memref<80x128xi32, #tpu.memory_space<hbm>>
      %dma_wait3A_113 = arith.constant 40 : i32
      %dma_wait3A_114 = arith.constant 0 : i32
      %dma_wait3A_115 = tpu.memref_slice %dma_wait3A_112[%dma_wait3A_113, %dma_wait3A_114] : memref<80x128xi32, #tpu.memory_space<hbm>> -> memref<40x128xi32, #tpu.memory_space<hbm>>
      %dma_wait3A_116 = arith.constant 0 : i32
      %dma_wait3A_117 = arith.constant 0 : i32
      %dma_wait3A_118 = tpu.memref_slice %arg3[%add3A, %dma_wait3A_116, %dma_wait3A_117] : memref<32x80x128xi32, #tpu.memory_space<hbm>> -> memref<1x80x128xi32, #tpu.memory_space<hbm>>
      %dma_wait3A_119 = tpu.memref_squeeze %dma_wait3A_118 : memref<1x80x128xi32, #tpu.memory_space<hbm>> -> memref<80x128xi32, #tpu.memory_space<hbm>>
      %dma_wait3A_120 = arith.constant 40 : i32
      %dma_wait3A_121 = arith.constant 0 : i32
      %dma_wait3A_122 = tpu.memref_slice %dma_wait3A_119[%dma_wait3A_120, %dma_wait3A_121] : memref<80x128xi32, #tpu.memory_space<hbm>> -> memref<40x128xi32, #tpu.memory_space<hbm>>
      tpu.wait_dma2 semaphore(%run_scoped3A_94 : memref<!tpu.dma_semaphore, #tpu.memory_space<semaphore_mem>>) src(%dma_wait3A_122 : memref<40x128xi32, #tpu.memory_space<hbm>>) dst(%arg6 : memref<40x128xi32, #tpu.memory_space<vmem>>)
      tpu.yield
    }) : () -> ()
    "tpu.region"() ({
      %run_scoped3A_94 = tpu.sem_alloc : memref<!tpu.dma_semaphore, #tpu.memory_space<semaphore_mem>>
      %dma_start3A_95 = arith.constant 0 : i32
      %dma_start3A_96 = arith.constant 0 : i32
      %dma_start3A_97 = tpu.memref_slice %arg4[%add3A, %dma_start3A_95, %dma_start3A_96] : memref<32x80x128xi32, #tpu.memory_space<hbm>> -> memref<1x80x128xi32, #tpu.memory_space<hbm>>
      %dma_start3A_98 = tpu.memref_squeeze %dma_start3A_97 : memref<1x80x128xi32, #tpu.memory_space<hbm>> -> memref<80x128xi32, #tpu.memory_space<hbm>>
      %dma_start3A_99 = arith.constant 40 : i32
      %dma_start3A_100 = arith.constant 0 : i32
      %dma_start3A_101 = tpu.memref_slice %dma_start3A_98[%dma_start3A_99, %dma_start3A_100] : memref<80x128xi32, #tpu.memory_space<hbm>> -> memref<40x128xi32, #tpu.memory_space<hbm>>
      %dma_start3A_102 = arith.constant 0 : i32
      %dma_start3A_103 = arith.constant 0 : i32
      %dma_start3A_104 = tpu.memref_slice %arg4[%add3A, %dma_start3A_102, %dma_start3A_103] : memref<32x80x128xi32, #tpu.memory_space<hbm>> -> memref<1x80x128xi32, #tpu.memory_space<hbm>>
      %dma_start3A_105 = tpu.memref_squeeze %dma_start3A_104 : memref<1x80x128xi32, #tpu.memory_space<hbm>> -> memref<80x128xi32, #tpu.memory_space<hbm>>
      %dma_start3A_106 = arith.constant 40 : i32
      %dma_start3A_107 = arith.constant 0 : i32
      %dma_start3A_108 = tpu.memref_slice %dma_start3A_105[%dma_start3A_106, %dma_start3A_107] : memref<80x128xi32, #tpu.memory_space<hbm>> -> memref<40x128xi32, #tpu.memory_space<hbm>>
      tpu.enqueue_dma source(%dma_start3A_108 : memref<40x128xi32, #tpu.memory_space<hbm>>) target(%arg7 : memref<40x128xi32, #tpu.memory_space<vmem>>) target_semaphore(%run_scoped3A_94 : memref<!tpu.dma_semaphore, #tpu.memory_space<semaphore_mem>>)
      %dma_wait3A_109 = arith.constant 0 : i32
      %dma_wait3A_110 = arith.constant 0 : i32
      %dma_wait3A_111 = tpu.memref_slice %arg4[%add3A, %dma_wait3A_109, %dma_wait3A_110] : memref<32x80x128xi32, #tpu.memory_space<hbm>> -> memref<1x80x128xi32, #tpu.memory_space<hbm>>
      %dma_wait3A_112 = tpu.memref_squeeze %dma_wait3A_111 : memref<1x80x128xi32, #tpu.memory_space<hbm>> -> memref<80x128xi32, #tpu.memory_space<hbm>>
      %dma_wait3A_113 = arith.constant 40 : i32
      %dma_wait3A_114 = arith.constant 0 : i32
      %dma_wait3A_115 = tpu.memref_slice %dma_wait3A_112[%dma_wait3A_113, %dma_wait3A_114] : memref<80x128xi32, #tpu.memory_space<hbm>> -> memref<40x128xi32, #tpu.memory_space<hbm>>
      %dma_wait3A_116 = arith.constant 0 : i32
      %dma_wait3A_117 = arith.constant 0 : i32
      %dma_wait3A_118 = tpu.memref_slice %arg4[%add3A, %dma_wait3A_116, %dma_wait3A_117] : memref<32x80x128xi32, #tpu.memory_space<hbm>> -> memref<1x80x128xi32, #tpu.memory_space<hbm>>
      %dma_wait3A_119 = tpu.memref_squeeze %dma_wait3A_118 : memref<1x80x128xi32, #tpu.memory_space<hbm>> -> memref<80x128xi32, #tpu.memory_space<hbm>>
      %dma_wait3A_120 = arith.constant 40 : i32
      %dma_wait3A_121 = arith.constant 0 : i32
      %dma_wait3A_122 = tpu.memref_slice %dma_wait3A_119[%dma_wait3A_120, %dma_wait3A_121] : memref<80x128xi32, #tpu.memory_space<hbm>> -> memref<40x128xi32, #tpu.memory_space<hbm>>
      tpu.wait_dma2 semaphore(%run_scoped3A_94 : memref<!tpu.dma_semaphore, #tpu.memory_space<semaphore_mem>>) src(%dma_wait3A_122 : memref<40x128xi32, #tpu.memory_space<hbm>>) dst(%arg7 : memref<40x128xi32, #tpu.memory_space<vmem>>)
      tpu.yield
    }) : () -> ()
    %dma_start3A_53 = arith.constant 0 : i32
    %dma_start3A_54 = arith.constant 0 : i32
    %dma_start3A_55 = tpu.memref_slice %arg6[%dma_start3A_53, %dma_start3A_54] : memref<40x128xi32, #tpu.memory_space<vmem>> -> memref<1x128xi32, #tpu.memory_space<vmem>>
    %dma_start3A_56 = tpu.memref_squeeze %dma_start3A_55 : memref<1x128xi32, #tpu.memory_space<vmem>> -> memref<128xi32, #tpu.memory_space<vmem>>
    %dma_start3A_57 = arith.constant 0 : i32
    %dma_start3A_58 = arith.constant 0 : i32
    %dma_start3A_59 = tpu.memref_slice %arg2[%dma_start3A_57, %dma_start3A_58] : memref<10000x128xf32, #tpu.memory_space<hbm>> -> memref<10000x128xf32, #tpu.memory_space<hbm>>
    tpu.enqueue_indirect_dma source(%dma_start3A_59 : memref<10000x128xf32, #tpu.memory_space<hbm>>) target(%arg8 : memref<128x128xf32, #tpu.memory_space<vmem>>) offsets(%dma_start3A_56 : memref<128xi32, #tpu.memory_space<vmem>>) semaphore(%arg11 : memref<!tpu.dma_semaphore, #tpu.memory_space<semaphore_mem>>)
    %scan3A_60 = arith.constant 0 : i32
    %scan3A_61 = arith.constant 0 : i32
    %scan3A_62 = arith.constant 19 : i32
    %scan3A_63 = arith.addi %scan3A_61, %scan3A_62 : i32
    %scan3A_64 = arith.constant 1 : i32
    scf.for %scan3A_94 = %scan3A_61 to %scan3A_63 step %scan3A_64  : i32 {
      %mul3A_95 = arith.constant 2 : i32
      %mul3A_96 = arith.muli %mul3A_95, %scan3A_94 : i32
      %add3A_97 = arith.constant 1 : i32
      %add3A_98 = arith.addi %mul3A_96, %add3A_97 : i32
      %dma_start3A_99 = arith.constant 0 : i32
      %dma_start3A_100 = tpu.memref_slice %arg6[%add3A_98, %dma_start3A_99] : memref<40x128xi32, #tpu.memory_space<vmem>> -> memref<1x128xi32, #tpu.memory_space<vmem>>
      %dma_start3A_101 = tpu.memref_squeeze %dma_start3A_100 : memref<1x128xi32, #tpu.memory_space<vmem>> -> memref<128xi32, #tpu.memory_space<vmem>>
      %dma_start3A_102 = arith.constant 0 : i32
      %dma_start3A_103 = arith.constant 0 : i32
      %dma_start3A_104 = tpu.memref_slice %arg2[%dma_start3A_102, %dma_start3A_103] : memref<10000x128xf32, #tpu.memory_space<hbm>> -> memref<10000x128xf32, #tpu.memory_space<hbm>>
      tpu.enqueue_indirect_dma source(%dma_start3A_104 : memref<10000x128xf32, #tpu.memory_space<hbm>>) target(%arg9 : memref<128x128xf32, #tpu.memory_space<vmem>>) offsets(%dma_start3A_101 : memref<128xi32, #tpu.memory_space<vmem>>) semaphore(%arg12 : memref<!tpu.dma_semaphore, #tpu.memory_space<semaphore_mem>>)
      %dma_wait3A_105 = arith.constant 0 : i32
      %dma_wait3A_106 = tpu.memref_slice %arg6[%mul3A_96, %dma_wait3A_105] : memref<40x128xi32, #tpu.memory_space<vmem>> -> memref<1x128xi32, #tpu.memory_space<vmem>>
      %dma_wait3A_107 = tpu.memref_squeeze %dma_wait3A_106 : memref<1x128xi32, #tpu.memory_space<vmem>> -> memref<128xi32, #tpu.memory_space<vmem>>
      %dma_wait3A_108 = arith.constant 0 : i32
      %dma_wait3A_109 = arith.constant 0 : i32
      %dma_wait3A_110 = tpu.memref_slice %arg2[%dma_wait3A_108, %dma_wait3A_109] : memref<10000x128xf32, #tpu.memory_space<hbm>> -> memref<10000x128xf32, #tpu.memory_space<hbm>>
      tpu.wait_indirect_dma semaphore(%arg11 : memref<!tpu.dma_semaphore, #tpu.memory_space<semaphore_mem>>) src(%dma_wait3A_110 : memref<10000x128xf32, #tpu.memory_space<hbm>>) dst(%arg8 : memref<128x128xf32, #tpu.memory_space<vmem>>)
      "tpu.region"() ({
        %run_scoped3A_129 = tpu.sem_alloc : memref<!tpu.dma_semaphore, #tpu.memory_space<semaphore_mem>>
        %dma_start3A_130 = arith.constant 0 : i32
        %dma_start3A_131 = tpu.memref_slice %arg7[%mul3A_96, %dma_start3A_130] : memref<40x128xi32, #tpu.memory_space<vmem>> -> memref<1x128xi32, #tpu.memory_space<vmem>>
        %dma_start3A_132 = tpu.memref_squeeze %dma_start3A_131 : memref<1x128xi32, #tpu.memory_space<vmem>> -> memref<128xi32, #tpu.memory_space<vmem>>
        %dma_start3A_133 = arith.constant 0 : i32
        %dma_start3A_134 = arith.constant 0 : i32
        %dma_start3A_135 = tpu.memref_slice %arg10[%dma_start3A_133, %dma_start3A_134] : memref<10112x128xf32, #tpu.memory_space<vmem_shared>> -> memref<10112x128xf32, #tpu.memory_space<vmem_shared>>
        tpu.enqueue_indirect_dma source(%arg8 : memref<128x128xf32, #tpu.memory_space<vmem>>) target(%dma_start3A_135 : memref<10112x128xf32, #tpu.memory_space<vmem_shared>>) offsets(%dma_start3A_132 : memref<128xi32, #tpu.memory_space<vmem>>) semaphore(%run_scoped3A_129 : memref<!tpu.dma_semaphore, #tpu.memory_space<semaphore_mem>>) {add = true}
        %dma_wait3A_136 = arith.constant 0 : i32
        %dma_wait3A_137 = tpu.memref_slice %arg7[%mul3A_96, %dma_wait3A_136] : memref<40x128xi32, #tpu.memory_space<vmem>> -> memref<1x128xi32, #tpu.memory_space<vmem>>
        %dma_wait3A_138 = tpu.memref_squeeze %dma_wait3A_137 : memref<1x128xi32, #tpu.memory_space<vmem>> -> memref<128xi32, #tpu.memory_space<vmem>>
        %dma_wait3A_139 = arith.constant 0 : i32
        %dma_wait3A_140 = arith.constant 0 : i32
        %dma_wait3A_141 = tpu.memref_slice %arg10[%dma_wait3A_139, %dma_wait3A_140] : memref<10112x128xf32, #tpu.memory_space<vmem_shared>> -> memref<10112x128xf32, #tpu.memory_space<vmem_shared>>
        tpu.wait_indirect_dma semaphore(%run_scoped3A_129 : memref<!tpu.dma_semaphore, #tpu.memory_space<semaphore_mem>>) src(%arg8 : memref<128x128xf32, #tpu.memory_space<vmem>>) dst(%dma_wait3A_141 : memref<10112x128xf32, #tpu.memory_space<vmem_shared>>)
        tpu.yield
      }) : () -> ()
      %add3A_111 = arith.constant 2 : i32
      %add3A_112 = arith.addi %mul3A_96, %add3A_111 : i32
      %dma_start3A_113 = arith.constant 0 : i32
      %dma_start3A_114 = tpu.memref_slice %arg6[%add3A_112, %dma_start3A_113] : memref<40x128xi32, #tpu.memory_space<vmem>> -> memref<1x128xi32, #tpu.memory_space<vmem>>
      %dma_start3A_115 = tpu.memref_squeeze %dma_start3A_114 : memref<1x128xi32, #tpu.memory_space<vmem>> -> memref<128xi32, #tpu.memory_space<vmem>>
      %dma_start3A_116 = arith.constant 0 : i32
      %dma_start3A_117 = arith.constant 0 : i32
      %dma_start3A_118 = tpu.memref_slice %arg2[%dma_start3A_116, %dma_start3A_117] : memref<10000x128xf32, #tpu.memory_space<hbm>> -> memref<10000x128xf32, #tpu.memory_space<hbm>>
      tpu.enqueue_indirect_dma source(%dma_start3A_118 : memref<10000x128xf32, #tpu.memory_space<hbm>>) target(%arg8 : memref<128x128xf32, #tpu.memory_space<vmem>>) offsets(%dma_start3A_115 : memref<128xi32, #tpu.memory_space<vmem>>) semaphore(%arg11 : memref<!tpu.dma_semaphore, #tpu.memory_space<semaphore_mem>>)
      %add3A_119 = arith.constant 1 : i32
      %add3A_120 = arith.addi %mul3A_96, %add3A_119 : i32
      %dma_wait3A_121 = arith.constant 0 : i32
      %dma_wait3A_122 = tpu.memref_slice %arg6[%add3A_120, %dma_wait3A_121] : memref<40x128xi32, #tpu.memory_space<vmem>> -> memref<1x128xi32, #tpu.memory_space<vmem>>
      %dma_wait3A_123 = tpu.memref_squeeze %dma_wait3A_122 : memref<1x128xi32, #tpu.memory_space<vmem>> -> memref<128xi32, #tpu.memory_space<vmem>>
      %dma_wait3A_124 = arith.constant 0 : i32
      %dma_wait3A_125 = arith.constant 0 : i32
      %dma_wait3A_126 = tpu.memref_slice %arg2[%dma_wait3A_124, %dma_wait3A_125] : memref<10000x128xf32, #tpu.memory_space<hbm>> -> memref<10000x128xf32, #tpu.memory_space<hbm>>
      tpu.wait_indirect_dma semaphore(%arg12 : memref<!tpu.dma_semaphore, #tpu.memory_space<semaphore_mem>>) src(%dma_wait3A_126 : memref<10000x128xf32, #tpu.memory_space<hbm>>) dst(%arg9 : memref<128x128xf32, #tpu.memory_space<vmem>>)
      %add3A_127 = arith.constant 1 : i32
      %add3A_128 = arith.addi %mul3A_96, %add3A_127 : i32
      "tpu.region"() ({
        %run_scoped3A_129 = tpu.sem_alloc : memref<!tpu.dma_semaphore, #tpu.memory_space<semaphore_mem>>
        %dma_start3A_130 = arith.constant 0 : i32
        %dma_start3A_131 = tpu.memref_slice %arg7[%add3A_128, %dma_start3A_130] : memref<40x128xi32, #tpu.memory_space<vmem>> -> memref<1x128xi32, #tpu.memory_space<vmem>>
        %dma_start3A_132 = tpu.memref_squeeze %dma_start3A_131 : memref<1x128xi32, #tpu.memory_space<vmem>> -> memref<128xi32, #tpu.memory_space<vmem>>
        %dma_start3A_133 = arith.constant 0 : i32
        %dma_start3A_134 = arith.constant 0 : i32
        %dma_start3A_135 = tpu.memref_slice %arg10[%dma_start3A_133, %dma_start3A_134] : memref<10112x128xf32, #tpu.memory_space<vmem_shared>> -> memref<10112x128xf32, #tpu.memory_space<vmem_shared>>
        tpu.enqueue_indirect_dma source(%arg9 : memref<128x128xf32, #tpu.memory_space<vmem>>) target(%dma_start3A_135 : memref<10112x128xf32, #tpu.memory_space<vmem_shared>>) offsets(%dma_start3A_132 : memref<128xi32, #tpu.memory_space<vmem>>) semaphore(%run_scoped3A_129 : memref<!tpu.dma_semaphore, #tpu.memory_space<semaphore_mem>>) {add = true}
        %dma_wait3A_136 = arith.constant 0 : i32
        %dma_wait3A_137 = tpu.memref_slice %arg7[%add3A_128, %dma_wait3A_136] : memref<40x128xi32, #tpu.memory_space<vmem>> -> memref<1x128xi32, #tpu.memory_space<vmem>>
        %dma_wait3A_138 = tpu.memref_squeeze %dma_wait3A_137 : memref<1x128xi32, #tpu.memory_space<vmem>> -> memref<128xi32, #tpu.memory_space<vmem>>
        %dma_wait3A_139 = arith.constant 0 : i32
        %dma_wait3A_140 = arith.constant 0 : i32
        %dma_wait3A_141 = tpu.memref_slice %arg10[%dma_wait3A_139, %dma_wait3A_140] : memref<10112x128xf32, #tpu.memory_space<vmem_shared>> -> memref<10112x128xf32, #tpu.memory_space<vmem_shared>>
        tpu.wait_indirect_dma semaphore(%run_scoped3A_129 : memref<!tpu.dma_semaphore, #tpu.memory_space<semaphore_mem>>) src(%arg9 : memref<128x128xf32, #tpu.memory_space<vmem>>) dst(%dma_wait3A_141 : memref<10112x128xf32, #tpu.memory_space<vmem_shared>>)
        tpu.yield
      }) : () -> ()
    }
    %scan3A_65 = arith.constant 19 : i32
    %dma_start3A_66 = arith.constant 39 : i32
    %dma_start3A_67 = arith.constant 0 : i32
    %dma_start3A_68 = tpu.memref_slice %arg6[%dma_start3A_66, %dma_start3A_67] : memref<40x128xi32, #tpu.memory_space<vmem>> -> memref<1x128xi32, #tpu.memory_space<vmem>>
    %dma_start3A_69 = tpu.memref_squeeze %dma_start3A_68 : memref<1x128xi32, #tpu.memory_space<vmem>> -> memref<128xi32, #tpu.memory_space<vmem>>
    %dma_start3A_70 = arith.constant 0 : i32
    %dma_start3A_71 = arith.constant 0 : i32
    %dma_start3A_72 = tpu.memref_slice %arg2[%dma_start3A_70, %dma_start3A_71] : memref<10000x128xf32, #tpu.memory_space<hbm>> -> memref<10000x128xf32, #tpu.memory_space<hbm>>
    tpu.enqueue_indirect_dma source(%dma_start3A_72 : memref<10000x128xf32, #tpu.memory_space<hbm>>) target(%arg9 : memref<128x128xf32, #tpu.memory_space<vmem>>) offsets(%dma_start3A_69 : memref<128xi32, #tpu.memory_space<vmem>>) semaphore(%arg12 : memref<!tpu.dma_semaphore, #tpu.memory_space<semaphore_mem>>)
    %dma_wait3A_73 = arith.constant 38 : i32
    %dma_wait3A_74 = arith.constant 0 : i32
    %dma_wait3A_75 = tpu.memref_slice %arg6[%dma_wait3A_73, %dma_wait3A_74] : memref<40x128xi32, #tpu.memory_space<vmem>> -> memref<1x128xi32, #tpu.memory_space<vmem>>
    %dma_wait3A_76 = tpu.memref_squeeze %dma_wait3A_75 : memref<1x128xi32, #tpu.memory_space<vmem>> -> memref<128xi32, #tpu.memory_space<vmem>>
    %dma_wait3A_77 = arith.constant 0 : i32
    %dma_wait3A_78 = arith.constant 0 : i32
    %dma_wait3A_79 = tpu.memref_slice %arg2[%dma_wait3A_77, %dma_wait3A_78] : memref<10000x128xf32, #tpu.memory_space<hbm>> -> memref<10000x128xf32, #tpu.memory_space<hbm>>
    tpu.wait_indirect_dma semaphore(%arg11 : memref<!tpu.dma_semaphore, #tpu.memory_space<semaphore_mem>>) src(%dma_wait3A_79 : memref<10000x128xf32, #tpu.memory_space<hbm>>) dst(%arg8 : memref<128x128xf32, #tpu.memory_space<vmem>>)
    %run_scoped3A_80 = arith.constant 38 : i32
    "tpu.region"() ({
      %run_scoped3A_94 = tpu.sem_alloc : memref<!tpu.dma_semaphore, #tpu.memory_space<semaphore_mem>>
      %dma_start3A_95 = arith.constant 0 : i32
      %dma_start3A_96 = tpu.memref_slice %arg7[%run_scoped3A_80, %dma_start3A_95] : memref<40x128xi32, #tpu.memory_space<vmem>> -> memref<1x128xi32, #tpu.memory_space<vmem>>
      %dma_start3A_97 = tpu.memref_squeeze %dma_start3A_96 : memref<1x128xi32, #tpu.memory_space<vmem>> -> memref<128xi32, #tpu.memory_space<vmem>>
      %dma_start3A_98 = arith.constant 0 : i32
      %dma_start3A_99 = arith.constant 0 : i32
      %dma_start3A_100 = tpu.memref_slice %arg10[%dma_start3A_98, %dma_start3A_99] : memref<10112x128xf32, #tpu.memory_space<vmem_shared>> -> memref<10112x128xf32, #tpu.memory_space<vmem_shared>>
      tpu.enqueue_indirect_dma source(%arg8 : memref<128x128xf32, #tpu.memory_space<vmem>>) target(%dma_start3A_100 : memref<10112x128xf32, #tpu.memory_space<vmem_shared>>) offsets(%dma_start3A_97 : memref<128xi32, #tpu.memory_space<vmem>>) semaphore(%run_scoped3A_94 : memref<!tpu.dma_semaphore, #tpu.memory_space<semaphore_mem>>) {add = true}
      %dma_wait3A_101 = arith.constant 0 : i32
      %dma_wait3A_102 = tpu.memref_slice %arg7[%run_scoped3A_80, %dma_wait3A_101] : memref<40x128xi32, #tpu.memory_space<vmem>> -> memref<1x128xi32, #tpu.memory_space<vmem>>
      %dma_wait3A_103 = tpu.memref_squeeze %dma_wait3A_102 : memref<1x128xi32, #tpu.memory_space<vmem>> -> memref<128xi32, #tpu.memory_space<vmem>>
      %dma_wait3A_104 = arith.constant 0 : i32
      %dma_wait3A_105 = arith.constant 0 : i32
      %dma_wait3A_106 = tpu.memref_slice %arg10[%dma_wait3A_104, %dma_wait3A_105] : memref<10112x128xf32, #tpu.memory_space<vmem_shared>> -> memref<10112x128xf32, #tpu.memory_space<vmem_shared>>
      tpu.wait_indirect_dma semaphore(%run_scoped3A_94 : memref<!tpu.dma_semaphore, #tpu.memory_space<semaphore_mem>>) src(%arg8 : memref<128x128xf32, #tpu.memory_space<vmem>>) dst(%dma_wait3A_106 : memref<10112x128xf32, #tpu.memory_space<vmem_shared>>)
      tpu.yield
    }) : () -> ()
    %dma_wait3A_81 = arith.constant 39 : i32
    %dma_wait3A_82 = arith.constant 0 : i32
    %dma_wait3A_83 = tpu.memref_slice %arg6[%dma_wait3A_81, %dma_wait3A_82] : memref<40x128xi32, #tpu.memory_space<vmem>> -> memref<1x128xi32, #tpu.memory_space<vmem>>
    %dma_wait3A_84 = tpu.memref_squeeze %dma_wait3A_83 : memref<1x128xi32, #tpu.memory_space<vmem>> -> memref<128xi32, #tpu.memory_space<vmem>>
    %dma_wait3A_85 = arith.constant 0 : i32
    %dma_wait3A_86 = arith.constant 0 : i32
    %dma_wait3A_87 = tpu.memref_slice %arg2[%dma_wait3A_85, %dma_wait3A_86] : memref<10000x128xf32, #tpu.memory_space<hbm>> -> memref<10000x128xf32, #tpu.memory_space<hbm>>
    tpu.wait_indirect_dma semaphore(%arg12 : memref<!tpu.dma_semaphore, #tpu.memory_space<semaphore_mem>>) src(%dma_wait3A_87 : memref<10000x128xf32, #tpu.memory_space<hbm>>) dst(%arg9 : memref<128x128xf32, #tpu.memory_space<vmem>>)
    %run_scoped3A_88 = arith.constant 39 : i32
    "tpu.region"() ({
      %run_scoped3A_94 = tpu.sem_alloc : memref<!tpu.dma_semaphore, #tpu.memory_space<semaphore_mem>>
      %dma_start3A_95 = arith.constant 0 : i32
      %dma_start3A_96 = tpu.memref_slice %arg7[%run_scoped3A_88, %dma_start3A_95] : memref<40x128xi32, #tpu.memory_space<vmem>> -> memref<1x128xi32, #tpu.memory_space<vmem>>
      %dma_start3A_97 = tpu.memref_squeeze %dma_start3A_96 : memref<1x128xi32, #tpu.memory_space<vmem>> -> memref<128xi32, #tpu.memory_space<vmem>>
      %dma_start3A_98 = arith.constant 0 : i32
      %dma_start3A_99 = arith.constant 0 : i32
      %dma_start3A_100 = tpu.memref_slice %arg10[%dma_start3A_98, %dma_start3A_99] : memref<10112x128xf32, #tpu.memory_space<vmem_shared>> -> memref<10112x128xf32, #tpu.memory_space<vmem_shared>>
      tpu.enqueue_indirect_dma source(%arg9 : memref<128x128xf32, #tpu.memory_space<vmem>>) target(%dma_start3A_100 : memref<10112x128xf32, #tpu.memory_space<vmem_shared>>) offsets(%dma_start3A_97 : memref<128xi32, #tpu.memory_space<vmem>>) semaphore(%run_scoped3A_94 : memref<!tpu.dma_semaphore, #tpu.memory_space<semaphore_mem>>) {add = true}
      %dma_wait3A_101 = arith.constant 0 : i32
      %dma_wait3A_102 = tpu.memref_slice %arg7[%run_scoped3A_88, %dma_wait3A_101] : memref<40x128xi32, #tpu.memory_space<vmem>> -> memref<1x128xi32, #tpu.memory_space<vmem>>
      %dma_wait3A_103 = tpu.memref_squeeze %dma_wait3A_102 : memref<1x128xi32, #tpu.memory_space<vmem>> -> memref<128xi32, #tpu.memory_space<vmem>>
      %dma_wait3A_104 = arith.constant 0 : i32
      %dma_wait3A_105 = arith.constant 0 : i32
      %dma_wait3A_106 = tpu.memref_slice %arg10[%dma_wait3A_104, %dma_wait3A_105] : memref<10112x128xf32, #tpu.memory_space<vmem_shared>> -> memref<10112x128xf32, #tpu.memory_space<vmem_shared>>
      tpu.wait_indirect_dma semaphore(%run_scoped3A_94 : memref<!tpu.dma_semaphore, #tpu.memory_space<semaphore_mem>>) src(%arg9 : memref<128x128xf32, #tpu.memory_space<vmem>>) dst(%dma_wait3A_106 : memref<10112x128xf32, #tpu.memory_space<vmem_shared>>)
      tpu.yield
    }) : () -> ()
    %barrier3A_89 = arith.constant 0 : index
    tpu.barrier barrier_id(%barrier3A_89)
    %mul3A_90 = arith.constant 632 : i32
    %mul3A_91 = arith.muli %arg1, %mul3A_90 : i32
    %mul3A_92 = arith.constant 632 : i32
    %mul3A_93 = arith.muli %arg1, %mul3A_92 : i32
    "tpu.region"() ({
      %run_scoped3A_94 = tpu.sem_alloc : memref<!tpu.dma_semaphore, #tpu.memory_space<semaphore_mem>>
      %dma_start3A_95 = arith.constant 0 : i32
      %dma_start3A_96 = arith.constant 0 : i32
      %dma_start3A_97 = tpu.memref_slice %arg5[%arg0, %dma_start3A_95, %dma_start3A_96] : memref<2x10112x128xf32, #tpu.memory_space<hbm>> -> memref<1x10112x128xf32, #tpu.memory_space<hbm>>
      %dma_start3A_98 = tpu.memref_squeeze %dma_start3A_97 : memref<1x10112x128xf32, #tpu.memory_space<hbm>> -> memref<10112x128xf32, #tpu.memory_space<hbm>>
      %dma_start3A_99 = arith.constant 0 : i32
      %dma_start3A_100 = tpu.memref_slice %dma_start3A_98[%mul3A_93, %dma_start3A_99] : memref<10112x128xf32, #tpu.memory_space<hbm>> -> memref<632x128xf32, #tpu.memory_space<hbm>>
      %dma_start3A_101 = arith.constant 0 : i32
      %dma_start3A_102 = tpu.memref_slice %arg10[%mul3A_91, %dma_start3A_101] : memref<10112x128xf32, #tpu.memory_space<vmem_shared>> -> memref<632x128xf32, #tpu.memory_space<vmem_shared>>
      tpu.enqueue_dma source(%dma_start3A_102 : memref<632x128xf32, #tpu.memory_space<vmem_shared>>) target(%dma_start3A_100 : memref<632x128xf32, #tpu.memory_space<hbm>>) target_semaphore(%run_scoped3A_94 : memref<!tpu.dma_semaphore, #tpu.memory_space<semaphore_mem>>)
      %dma_wait3A_103 = arith.constant 0 : i32
      %dma_wait3A_104 = arith.constant 0 : i32
      %dma_wait3A_105 = tpu.memref_slice %arg5[%arg0, %dma_wait3A_103, %dma_wait3A_104] : memref<2x10112x128xf32, #tpu.memory_space<hbm>> -> memref<1x10112x128xf32, #tpu.memory_space<hbm>>
      %dma_wait3A_106 = tpu.memref_squeeze %dma_wait3A_105 : memref<1x10112x128xf32, #tpu.memory_space<hbm>> -> memref<10112x128xf32, #tpu.memory_space<hbm>>
      %dma_wait3A_107 = arith.constant 0 : i32
      %dma_wait3A_108 = tpu.memref_slice %dma_wait3A_106[%mul3A_93, %dma_wait3A_107] : memref<10112x128xf32, #tpu.memory_space<hbm>> -> memref<632x128xf32, #tpu.memory_space<hbm>>
      %dma_wait3A_109 = arith.constant 0 : i32
      %dma_wait3A_110 = tpu.memref_slice %arg10[%mul3A_91, %dma_wait3A_109] : memref<10112x128xf32, #tpu.memory_space<vmem_shared>> -> memref<632x128xf32, #tpu.memory_space<vmem_shared>>
      tpu.wait_dma2 semaphore(%run_scoped3A_94 : memref<!tpu.dma_semaphore, #tpu.memory_space<semaphore_mem>>) src(%dma_wait3A_110 : memref<632x128xf32, #tpu.memory_space<vmem_shared>>) dst(%dma_wait3A_108 : memref<632x128xf32, #tpu.memory_space<hbm>>)
      tpu.yield
    }) : () -> ()
    return
  }
}

#map = affine_map<(d0, d1) -> (0, 0)>
#map1 = affine_map<(d0, d1) -> (0, 0, 0)>
module attributes {stable_mosaic.version = 14 : i64} {
  func.func @_sc_agg_deg_body(%arg0: i32, %arg1: i32, %arg2: memref<10000x128xf32, #tpu.memory_space<hbm>>, %arg3: memref<32x80x128xi32, #tpu.memory_space<hbm>>, %arg4: memref<32x80x128xi32, #tpu.memory_space<hbm>>, %arg5: memref<2x10112x128xf32, #tpu.memory_space<hbm>>, %arg6: memref<2x10112x128xf32, #tpu.memory_space<hbm>>, %arg7: memref<40x128xi32, #tpu.memory_space<vmem>>, %arg8: memref<40x128xi32, #tpu.memory_space<vmem>>, %arg9: memref<128x128xf32, #tpu.memory_space<vmem>>, %arg10: memref<128x128xf32, #tpu.memory_space<vmem>>, %arg11: memref<10112x128xf32, #tpu.memory_space<vmem_shared>>, %arg12: memref<!tpu.dma_semaphore, #tpu.memory_space<semaphore_mem>>, %arg13: memref<!tpu.dma_semaphore, #tpu.memory_space<semaphore_mem>>) attributes {dimension_semantics = [#tpu.dimension_semantics<core_parallel>, #tpu.dimension_semantics<subcore_parallel>], iteration_bounds = array<i64: 2, 16>, scalar_prefetch = 0 : i64, scratch_operands = 7 : i64, tpu.core_type = #tpu.core_type<sc_vector_subcore>, window_params = [{transform_indices = #map}, {transform_indices = #map1}, {transform_indices = #map1}, {transform_indices = #map1}, {transform_indices = #map1}]} {
    %mul3A = arith.constant 2 : i32
    %mul3A_0 = arith.muli %arg1, %mul3A : i32
    %add3A = arith.addi %mul3A_0, %arg0 : i32
    %broadcast_in_dim3A = arith.constant 0.000000e+00 : f32
    %broadcast_in_dim3A_1 = vector.broadcast %broadcast_in_dim3A : f32 to vector<16xf32>
    %scan3A = arith.constant 0 : i32
    %scan3A_2 = arith.constant 0 : i32
    %scan3A_3 = arith.constant 128 : i32
    %scan3A_4 = arith.addi %scan3A_2, %scan3A_3 : i32
    %scan3A_5 = arith.constant 1 : i32
    scf.for %scan3A_142 = %scan3A_2 to %scan3A_4 step %scan3A_5  : i32 {
      %swap3A = arith.index_cast %scan3A_142 : i32 to index
      %swap3A_143 = arith.constant 0 : index
      %swap3A_144 = tpu.vector_load %arg9[%swap3A, %swap3A_143] {strides = array<i32>} : memref<128x128xf32, #tpu.memory_space<vmem>>, vector<1x16xf32>,
      %swap3A_145 = vector.shape_cast %swap3A_144 : vector<1x16xf32> to vector<16xf32>
      %swap3A_146 = vector.shape_cast %broadcast_in_dim3A_1 : vector<16xf32> to vector<1x16xf32>
      tpu.vector_store %arg9[%swap3A, %swap3A_143], %swap3A_146 {strides = array<i32>} : memref<128x128xf32, #tpu.memory_space<vmem>>, vector<1x16xf32>,
      %swap3A_147 = arith.index_cast %scan3A_142 : i32 to index
      %swap3A_148 = arith.constant 16 : index
      %swap3A_149 = tpu.vector_load %arg9[%swap3A_147, %swap3A_148] {strides = array<i32>} : memref<128x128xf32, #tpu.memory_space<vmem>>, vector<1x16xf32>,
      %swap3A_150 = vector.shape_cast %swap3A_149 : vector<1x16xf32> to vector<16xf32>
      %swap3A_151 = vector.shape_cast %broadcast_in_dim3A_1 : vector<16xf32> to vector<1x16xf32>
      tpu.vector_store %arg9[%swap3A_147, %swap3A_148], %swap3A_151 {strides = array<i32>} : memref<128x128xf32, #tpu.memory_space<vmem>>, vector<1x16xf32>,
      %swap3A_152 = arith.index_cast %scan3A_142 : i32 to index
      %swap3A_153 = arith.constant 32 : index
      %swap3A_154 = tpu.vector_load %arg9[%swap3A_152, %swap3A_153] {strides = array<i32>} : memref<128x128xf32, #tpu.memory_space<vmem>>, vector<1x16xf32>,
      %swap3A_155 = vector.shape_cast %swap3A_154 : vector<1x16xf32> to vector<16xf32>
      %swap3A_156 = vector.shape_cast %broadcast_in_dim3A_1 : vector<16xf32> to vector<1x16xf32>
      tpu.vector_store %arg9[%swap3A_152, %swap3A_153], %swap3A_156 {strides = array<i32>} : memref<128x128xf32, #tpu.memory_space<vmem>>, vector<1x16xf32>,
      %swap3A_157 = arith.index_cast %scan3A_142 : i32 to index
      %swap3A_158 = arith.constant 48 : index
      %swap3A_159 = tpu.vector_load %arg9[%swap3A_157, %swap3A_158] {strides = array<i32>} : memref<128x128xf32, #tpu.memory_space<vmem>>, vector<1x16xf32>,
      %swap3A_160 = vector.shape_cast %swap3A_159 : vector<1x16xf32> to vector<16xf32>
      %swap3A_161 = vector.shape_cast %broadcast_in_dim3A_1 : vector<16xf32> to vector<1x16xf32>
      tpu.vector_store %arg9[%swap3A_157, %swap3A_158], %swap3A_161 {strides = array<i32>} : memref<128x128xf32, #tpu.memory_space<vmem>>, vector<1x16xf32>,
      %swap3A_162 = arith.index_cast %scan3A_142 : i32 to index
      %swap3A_163 = arith.constant 64 : index
      %swap3A_164 = tpu.vector_load %arg9[%swap3A_162, %swap3A_163] {strides = array<i32>} : memref<128x128xf32, #tpu.memory_space<vmem>>, vector<1x16xf32>,
      %swap3A_165 = vector.shape_cast %swap3A_164 : vector<1x16xf32> to vector<16xf32>
      %swap3A_166 = vector.shape_cast %broadcast_in_dim3A_1 : vector<16xf32> to vector<1x16xf32>
      tpu.vector_store %arg9[%swap3A_162, %swap3A_163], %swap3A_166 {strides = array<i32>} : memref<128x128xf32, #tpu.memory_space<vmem>>, vector<1x16xf32>,
      %swap3A_167 = arith.index_cast %scan3A_142 : i32 to index
      %swap3A_168 = arith.constant 80 : index
      %swap3A_169 = tpu.vector_load %arg9[%swap3A_167, %swap3A_168] {strides = array<i32>} : memref<128x128xf32, #tpu.memory_space<vmem>>, vector<1x16xf32>,
      %swap3A_170 = vector.shape_cast %swap3A_169 : vector<1x16xf32> to vector<16xf32>
      %swap3A_171 = vector.shape_cast %broadcast_in_dim3A_1 : vector<16xf32> to vector<1x16xf32>
      tpu.vector_store %arg9[%swap3A_167, %swap3A_168], %swap3A_171 {strides = array<i32>} : memref<128x128xf32, #tpu.memory_space<vmem>>, vector<1x16xf32>,
      %swap3A_172 = arith.index_cast %scan3A_142 : i32 to index
      %swap3A_173 = arith.constant 96 : index
      %swap3A_174 = tpu.vector_load %arg9[%swap3A_172, %swap3A_173] {strides = array<i32>} : memref<128x128xf32, #tpu.memory_space<vmem>>, vector<1x16xf32>,
      %swap3A_175 = vector.shape_cast %swap3A_174 : vector<1x16xf32> to vector<16xf32>
      %swap3A_176 = vector.shape_cast %broadcast_in_dim3A_1 : vector<16xf32> to vector<1x16xf32>
      tpu.vector_store %arg9[%swap3A_172, %swap3A_173], %swap3A_176 {strides = array<i32>} : memref<128x128xf32, #tpu.memory_space<vmem>>, vector<1x16xf32>,
      %swap3A_177 = arith.index_cast %scan3A_142 : i32 to index
      %swap3A_178 = arith.constant 112 : index
      %swap3A_179 = tpu.vector_load %arg9[%swap3A_177, %swap3A_178] {strides = array<i32>} : memref<128x128xf32, #tpu.memory_space<vmem>>, vector<1x16xf32>,
      %swap3A_180 = vector.shape_cast %swap3A_179 : vector<1x16xf32> to vector<16xf32>
      %swap3A_181 = vector.shape_cast %broadcast_in_dim3A_1 : vector<16xf32> to vector<1x16xf32>
      tpu.vector_store %arg9[%swap3A_177, %swap3A_178], %swap3A_181 {strides = array<i32>} : memref<128x128xf32, #tpu.memory_space<vmem>>, vector<1x16xf32>,
    }
    %scan3A_6 = arith.constant 128 : i32
    %mul3A_7 = arith.constant 632 : i32
    %mul3A_8 = arith.muli %arg1, %mul3A_7 : i32
    %add3A_9 = arith.constant 0 : i32
    %add3A_10 = arith.addi %mul3A_8, %add3A_9 : i32
    "tpu.region"() ({
      %run_scoped3A_142 = tpu.sem_alloc : memref<!tpu.dma_semaphore, #tpu.memory_space<semaphore_mem>>
      %dma_start3A_143 = arith.constant 0 : i32
      %dma_start3A_144 = tpu.memref_slice %arg11[%add3A_10, %dma_start3A_143] : memref<10112x128xf32, #tpu.memory_space<vmem_shared>> -> memref<128x128xf32, #tpu.memory_space<vmem_shared>>
      %dma_start3A_145 = arith.constant 0 : i32
      %dma_start3A_146 = tpu.memref_slice %arg11[%add3A_10, %dma_start3A_145] : memref<10112x128xf32, #tpu.memory_space<vmem_shared>> -> memref<128x128xf32, #tpu.memory_space<vmem_shared>>
      tpu.enqueue_dma source(%arg9 : memref<128x128xf32, #tpu.memory_space<vmem>>) target(%dma_start3A_146 : memref<128x128xf32, #tpu.memory_space<vmem_shared>>) target_semaphore(%run_scoped3A_142 : memref<!tpu.dma_semaphore, #tpu.memory_space<semaphore_mem>>)
      %dma_wait3A_147 = arith.constant 0 : i32
      %dma_wait3A_148 = tpu.memref_slice %arg11[%add3A_10, %dma_wait3A_147] : memref<10112x128xf32, #tpu.memory_space<vmem_shared>> -> memref<128x128xf32, #tpu.memory_space<vmem_shared>>
      %dma_wait3A_149 = arith.constant 0 : i32
      %dma_wait3A_150 = tpu.memref_slice %arg11[%add3A_10, %dma_wait3A_149] : memref<10112x128xf32, #tpu.memory_space<vmem_shared>> -> memref<128x128xf32, #tpu.memory_space<vmem_shared>>
      tpu.wait_dma2 semaphore(%run_scoped3A_142 : memref<!tpu.dma_semaphore, #tpu.memory_space<semaphore_mem>>) src(%arg9 : memref<128x128xf32, #tpu.memory_space<vmem>>) dst(%dma_wait3A_150 : memref<128x128xf32, #tpu.memory_space<vmem_shared>>)
      tpu.yield
    }) : () -> ()
    %add3A_11 = arith.constant 128 : i32
    %add3A_12 = arith.addi %mul3A_8, %add3A_11 : i32
    "tpu.region"() ({
      %run_scoped3A_142 = tpu.sem_alloc : memref<!tpu.dma_semaphore, #tpu.memory_space<semaphore_mem>>
      %dma_start3A_143 = arith.constant 0 : i32
      %dma_start3A_144 = tpu.memref_slice %arg11[%add3A_12, %dma_start3A_143] : memref<10112x128xf32, #tpu.memory_space<vmem_shared>> -> memref<128x128xf32, #tpu.memory_space<vmem_shared>>
      %dma_start3A_145 = arith.constant 0 : i32
      %dma_start3A_146 = tpu.memref_slice %arg11[%add3A_12, %dma_start3A_145] : memref<10112x128xf32, #tpu.memory_space<vmem_shared>> -> memref<128x128xf32, #tpu.memory_space<vmem_shared>>
      tpu.enqueue_dma source(%arg9 : memref<128x128xf32, #tpu.memory_space<vmem>>) target(%dma_start3A_146 : memref<128x128xf32, #tpu.memory_space<vmem_shared>>) target_semaphore(%run_scoped3A_142 : memref<!tpu.dma_semaphore, #tpu.memory_space<semaphore_mem>>)
      %dma_wait3A_147 = arith.constant 0 : i32
      %dma_wait3A_148 = tpu.memref_slice %arg11[%add3A_12, %dma_wait3A_147] : memref<10112x128xf32, #tpu.memory_space<vmem_shared>> -> memref<128x128xf32, #tpu.memory_space<vmem_shared>>
      %dma_wait3A_149 = arith.constant 0 : i32
      %dma_wait3A_150 = tpu.memref_slice %arg11[%add3A_12, %dma_wait3A_149] : memref<10112x128xf32, #tpu.memory_space<vmem_shared>> -> memref<128x128xf32, #tpu.memory_space<vmem_shared>>
      tpu.wait_dma2 semaphore(%run_scoped3A_142 : memref<!tpu.dma_semaphore, #tpu.memory_space<semaphore_mem>>) src(%arg9 : memref<128x128xf32, #tpu.memory_space<vmem>>) dst(%dma_wait3A_150 : memref<128x128xf32, #tpu.memory_space<vmem_shared>>)
      tpu.yield
    }) : () -> ()
    %add3A_13 = arith.constant 256 : i32
    %add3A_14 = arith.addi %mul3A_8, %add3A_13 : i32
    "tpu.region"() ({
      %run_scoped3A_142 = tpu.sem_alloc : memref<!tpu.dma_semaphore, #tpu.memory_space<semaphore_mem>>
      %dma_start3A_143 = arith.constant 0 : i32
      %dma_start3A_144 = tpu.memref_slice %arg11[%add3A_14, %dma_start3A_143] : memref<10112x128xf32, #tpu.memory_space<vmem_shared>> -> memref<128x128xf32, #tpu.memory_space<vmem_shared>>
      %dma_start3A_145 = arith.constant 0 : i32
      %dma_start3A_146 = tpu.memref_slice %arg11[%add3A_14, %dma_start3A_145] : memref<10112x128xf32, #tpu.memory_space<vmem_shared>> -> memref<128x128xf32, #tpu.memory_space<vmem_shared>>
      tpu.enqueue_dma source(%arg9 : memref<128x128xf32, #tpu.memory_space<vmem>>) target(%dma_start3A_146 : memref<128x128xf32, #tpu.memory_space<vmem_shared>>) target_semaphore(%run_scoped3A_142 : memref<!tpu.dma_semaphore, #tpu.memory_space<semaphore_mem>>)
      %dma_wait3A_147 = arith.constant 0 : i32
      %dma_wait3A_148 = tpu.memref_slice %arg11[%add3A_14, %dma_wait3A_147] : memref<10112x128xf32, #tpu.memory_space<vmem_shared>> -> memref<128x128xf32, #tpu.memory_space<vmem_shared>>
      %dma_wait3A_149 = arith.constant 0 : i32
      %dma_wait3A_150 = tpu.memref_slice %arg11[%add3A_14, %dma_wait3A_149] : memref<10112x128xf32, #tpu.memory_space<vmem_shared>> -> memref<128x128xf32, #tpu.memory_space<vmem_shared>>
      tpu.wait_dma2 semaphore(%run_scoped3A_142 : memref<!tpu.dma_semaphore, #tpu.memory_space<semaphore_mem>>) src(%arg9 : memref<128x128xf32, #tpu.memory_space<vmem>>) dst(%dma_wait3A_150 : memref<128x128xf32, #tpu.memory_space<vmem_shared>>)
      tpu.yield
    }) : () -> ()
    %add3A_15 = arith.constant 384 : i32
    %add3A_16 = arith.addi %mul3A_8, %add3A_15 : i32
    "tpu.region"() ({
      %run_scoped3A_142 = tpu.sem_alloc : memref<!tpu.dma_semaphore, #tpu.memory_space<semaphore_mem>>
      %dma_start3A_143 = arith.constant 0 : i32
      %dma_start3A_144 = tpu.memref_slice %arg11[%add3A_16, %dma_start3A_143] : memref<10112x128xf32, #tpu.memory_space<vmem_shared>> -> memref<128x128xf32, #tpu.memory_space<vmem_shared>>
      %dma_start3A_145 = arith.constant 0 : i32
      %dma_start3A_146 = tpu.memref_slice %arg11[%add3A_16, %dma_start3A_145] : memref<10112x128xf32, #tpu.memory_space<vmem_shared>> -> memref<128x128xf32, #tpu.memory_space<vmem_shared>>
      tpu.enqueue_dma source(%arg9 : memref<128x128xf32, #tpu.memory_space<vmem>>) target(%dma_start3A_146 : memref<128x128xf32, #tpu.memory_space<vmem_shared>>) target_semaphore(%run_scoped3A_142 : memref<!tpu.dma_semaphore, #tpu.memory_space<semaphore_mem>>)
      %dma_wait3A_147 = arith.constant 0 : i32
      %dma_wait3A_148 = tpu.memref_slice %arg11[%add3A_16, %dma_wait3A_147] : memref<10112x128xf32, #tpu.memory_space<vmem_shared>> -> memref<128x128xf32, #tpu.memory_space<vmem_shared>>
      %dma_wait3A_149 = arith.constant 0 : i32
      %dma_wait3A_150 = tpu.memref_slice %arg11[%add3A_16, %dma_wait3A_149] : memref<10112x128xf32, #tpu.memory_space<vmem_shared>> -> memref<128x128xf32, #tpu.memory_space<vmem_shared>>
      tpu.wait_dma2 semaphore(%run_scoped3A_142 : memref<!tpu.dma_semaphore, #tpu.memory_space<semaphore_mem>>) src(%arg9 : memref<128x128xf32, #tpu.memory_space<vmem>>) dst(%dma_wait3A_150 : memref<128x128xf32, #tpu.memory_space<vmem_shared>>)
      tpu.yield
    }) : () -> ()
    %add3A_17 = arith.constant 632 : i32
    %add3A_18 = arith.addi %mul3A_8, %add3A_17 : i32
    %sub3A = arith.constant 120 : i32
    %sub3A_19 = arith.subi %add3A_18, %sub3A : i32
    "tpu.region"() ({
      %run_scoped3A_142 = tpu.sem_alloc : memref<!tpu.dma_semaphore, #tpu.memory_space<semaphore_mem>>
      %dma_start3A_143 = arith.constant 0 : i32
      %dma_start3A_144 = arith.constant 0 : i32
      %dma_start3A_145 = tpu.memref_slice %arg9[%dma_start3A_143, %dma_start3A_144] : memref<128x128xf32, #tpu.memory_space<vmem>> -> memref<120x128xf32, #tpu.memory_space<vmem>>
      %dma_start3A_146 = arith.constant 0 : i32
      %dma_start3A_147 = tpu.memref_slice %arg11[%sub3A_19, %dma_start3A_146] : memref<10112x128xf32, #tpu.memory_space<vmem_shared>> -> memref<120x128xf32, #tpu.memory_space<vmem_shared>>
      %dma_start3A_148 = arith.constant 0 : i32
      %dma_start3A_149 = tpu.memref_slice %arg11[%sub3A_19, %dma_start3A_148] : memref<10112x128xf32, #tpu.memory_space<vmem_shared>> -> memref<120x128xf32, #tpu.memory_space<vmem_shared>>
      %dma_start3A_150 = arith.constant 0 : i32
      %dma_start3A_151 = arith.constant 0 : i32
      %dma_start3A_152 = tpu.memref_slice %arg9[%dma_start3A_150, %dma_start3A_151] : memref<128x128xf32, #tpu.memory_space<vmem>> -> memref<120x128xf32, #tpu.memory_space<vmem>>
      tpu.enqueue_dma source(%dma_start3A_152 : memref<120x128xf32, #tpu.memory_space<vmem>>) target(%dma_start3A_149 : memref<120x128xf32, #tpu.memory_space<vmem_shared>>) target_semaphore(%run_scoped3A_142 : memref<!tpu.dma_semaphore, #tpu.memory_space<semaphore_mem>>)
      %dma_wait3A_153 = arith.constant 0 : i32
      %dma_wait3A_154 = arith.constant 0 : i32
      %dma_wait3A_155 = tpu.memref_slice %arg9[%dma_wait3A_153, %dma_wait3A_154] : memref<128x128xf32, #tpu.memory_space<vmem>> -> memref<120x128xf32, #tpu.memory_space<vmem>>
      %dma_wait3A_156 = arith.constant 0 : i32
      %dma_wait3A_157 = tpu.memref_slice %arg11[%sub3A_19, %dma_wait3A_156] : memref<10112x128xf32, #tpu.memory_space<vmem_shared>> -> memref<120x128xf32, #tpu.memory_space<vmem_shared>>
      %dma_wait3A_158 = arith.constant 0 : i32
      %dma_wait3A_159 = tpu.memref_slice %arg11[%sub3A_19, %dma_wait3A_158] : memref<10112x128xf32, #tpu.memory_space<vmem_shared>> -> memref<120x128xf32, #tpu.memory_space<vmem_shared>>
      %dma_wait3A_160 = arith.constant 0 : i32
      %dma_wait3A_161 = arith.constant 0 : i32
      %dma_wait3A_162 = tpu.memref_slice %arg9[%dma_wait3A_160, %dma_wait3A_161] : memref<128x128xf32, #tpu.memory_space<vmem>> -> memref<120x128xf32, #tpu.memory_space<vmem>>
      tpu.wait_dma2 semaphore(%run_scoped3A_142 : memref<!tpu.dma_semaphore, #tpu.memory_space<semaphore_mem>>) src(%dma_wait3A_162 : memref<120x128xf32, #tpu.memory_space<vmem>>) dst(%dma_wait3A_159 : memref<120x128xf32, #tpu.memory_space<vmem_shared>>)
      tpu.yield
    }) : () -> ()
    %broadcast_in_dim3A_20 = arith.constant 1.000000e+00 : f32
    %broadcast_in_dim3A_21 = vector.broadcast %broadcast_in_dim3A_20 : f32 to vector<16xf32>
    %scan3A_22 = arith.constant 0 : i32
    %scan3A_23 = arith.constant 0 : i32
    %scan3A_24 = arith.constant 128 : i32
    %scan3A_25 = arith.addi %scan3A_23, %scan3A_24 : i32
    %scan3A_26 = arith.constant 1 : i32
    scf.for %scan3A_142 = %scan3A_23 to %scan3A_25 step %scan3A_26  : i32 {
      %swap3A = arith.index_cast %scan3A_142 : i32 to index
      %swap3A_143 = arith.constant 0 : index
      %swap3A_144 = tpu.vector_load %arg9[%swap3A, %swap3A_143] {strides = array<i32>} : memref<128x128xf32, #tpu.memory_space<vmem>>, vector<1x16xf32>,
      %swap3A_145 = vector.shape_cast %swap3A_144 : vector<1x16xf32> to vector<16xf32>
      %swap3A_146 = vector.shape_cast %broadcast_in_dim3A_21 : vector<16xf32> to vector<1x16xf32>
      tpu.vector_store %arg9[%swap3A, %swap3A_143], %swap3A_146 {strides = array<i32>} : memref<128x128xf32, #tpu.memory_space<vmem>>, vector<1x16xf32>,
      %swap3A_147 = arith.index_cast %scan3A_142 : i32 to index
      %swap3A_148 = arith.constant 16 : index
      %swap3A_149 = tpu.vector_load %arg9[%swap3A_147, %swap3A_148] {strides = array<i32>} : memref<128x128xf32, #tpu.memory_space<vmem>>, vector<1x16xf32>,
      %swap3A_150 = vector.shape_cast %swap3A_149 : vector<1x16xf32> to vector<16xf32>
      %swap3A_151 = vector.shape_cast %broadcast_in_dim3A_21 : vector<16xf32> to vector<1x16xf32>
      tpu.vector_store %arg9[%swap3A_147, %swap3A_148], %swap3A_151 {strides = array<i32>} : memref<128x128xf32, #tpu.memory_space<vmem>>, vector<1x16xf32>,
      %swap3A_152 = arith.index_cast %scan3A_142 : i32 to index
      %swap3A_153 = arith.constant 32 : index
      %swap3A_154 = tpu.vector_load %arg9[%swap3A_152, %swap3A_153] {strides = array<i32>} : memref<128x128xf32, #tpu.memory_space<vmem>>, vector<1x16xf32>,
      %swap3A_155 = vector.shape_cast %swap3A_154 : vector<1x16xf32> to vector<16xf32>
      %swap3A_156 = vector.shape_cast %broadcast_in_dim3A_21 : vector<16xf32> to vector<1x16xf32>
      tpu.vector_store %arg9[%swap3A_152, %swap3A_153], %swap3A_156 {strides = array<i32>} : memref<128x128xf32, #tpu.memory_space<vmem>>, vector<1x16xf32>,
      %swap3A_157 = arith.index_cast %scan3A_142 : i32 to index
      %swap3A_158 = arith.constant 48 : index
      %swap3A_159 = tpu.vector_load %arg9[%swap3A_157, %swap3A_158] {strides = array<i32>} : memref<128x128xf32, #tpu.memory_space<vmem>>, vector<1x16xf32>,
      %swap3A_160 = vector.shape_cast %swap3A_159 : vector<1x16xf32> to vector<16xf32>
      %swap3A_161 = vector.shape_cast %broadcast_in_dim3A_21 : vector<16xf32> to vector<1x16xf32>
      tpu.vector_store %arg9[%swap3A_157, %swap3A_158], %swap3A_161 {strides = array<i32>} : memref<128x128xf32, #tpu.memory_space<vmem>>, vector<1x16xf32>,
      %swap3A_162 = arith.index_cast %scan3A_142 : i32 to index
      %swap3A_163 = arith.constant 64 : index
      %swap3A_164 = tpu.vector_load %arg9[%swap3A_162, %swap3A_163] {strides = array<i32>} : memref<128x128xf32, #tpu.memory_space<vmem>>, vector<1x16xf32>,
      %swap3A_165 = vector.shape_cast %swap3A_164 : vector<1x16xf32> to vector<16xf32>
      %swap3A_166 = vector.shape_cast %broadcast_in_dim3A_21 : vector<16xf32> to vector<1x16xf32>
      tpu.vector_store %arg9[%swap3A_162, %swap3A_163], %swap3A_166 {strides = array<i32>} : memref<128x128xf32, #tpu.memory_space<vmem>>, vector<1x16xf32>,
      %swap3A_167 = arith.index_cast %scan3A_142 : i32 to index
      %swap3A_168 = arith.constant 80 : index
      %swap3A_169 = tpu.vector_load %arg9[%swap3A_167, %swap3A_168] {strides = array<i32>} : memref<128x128xf32, #tpu.memory_space<vmem>>, vector<1x16xf32>,
      %swap3A_170 = vector.shape_cast %swap3A_169 : vector<1x16xf32> to vector<16xf32>
      %swap3A_171 = vector.shape_cast %broadcast_in_dim3A_21 : vector<16xf32> to vector<1x16xf32>
      tpu.vector_store %arg9[%swap3A_167, %swap3A_168], %swap3A_171 {strides = array<i32>} : memref<128x128xf32, #tpu.memory_space<vmem>>, vector<1x16xf32>,
      %swap3A_172 = arith.index_cast %scan3A_142 : i32 to index
      %swap3A_173 = arith.constant 96 : index
      %swap3A_174 = tpu.vector_load %arg9[%swap3A_172, %swap3A_173] {strides = array<i32>} : memref<128x128xf32, #tpu.memory_space<vmem>>, vector<1x16xf32>,
      %swap3A_175 = vector.shape_cast %swap3A_174 : vector<1x16xf32> to vector<16xf32>
      %swap3A_176 = vector.shape_cast %broadcast_in_dim3A_21 : vector<16xf32> to vector<1x16xf32>
      tpu.vector_store %arg9[%swap3A_172, %swap3A_173], %swap3A_176 {strides = array<i32>} : memref<128x128xf32, #tpu.memory_space<vmem>>, vector<1x16xf32>,
      %swap3A_177 = arith.index_cast %scan3A_142 : i32 to index
      %swap3A_178 = arith.constant 112 : index
      %swap3A_179 = tpu.vector_load %arg9[%swap3A_177, %swap3A_178] {strides = array<i32>} : memref<128x128xf32, #tpu.memory_space<vmem>>, vector<1x16xf32>,
      %swap3A_180 = vector.shape_cast %swap3A_179 : vector<1x16xf32> to vector<16xf32>
      %swap3A_181 = vector.shape_cast %broadcast_in_dim3A_21 : vector<16xf32> to vector<1x16xf32>
      tpu.vector_store %arg9[%swap3A_177, %swap3A_178], %swap3A_181 {strides = array<i32>} : memref<128x128xf32, #tpu.memory_space<vmem>>, vector<1x16xf32>,
    }
    %scan3A_27 = arith.constant 128 : i32
    %barrier3A = arith.constant 0 : index
    tpu.barrier barrier_id(%barrier3A)
    "tpu.region"() ({
      %run_scoped3A_142 = tpu.sem_alloc : memref<!tpu.dma_semaphore, #tpu.memory_space<semaphore_mem>>
      %dma_start3A_143 = arith.constant 0 : i32
      %dma_start3A_144 = arith.constant 0 : i32
      %dma_start3A_145 = tpu.memref_slice %arg4[%add3A, %dma_start3A_143, %dma_start3A_144] : memref<32x80x128xi32, #tpu.memory_space<hbm>> -> memref<1x80x128xi32, #tpu.memory_space<hbm>>
      %dma_start3A_146 = tpu.memref_squeeze %dma_start3A_145 : memref<1x80x128xi32, #tpu.memory_space<hbm>> -> memref<80x128xi32, #tpu.memory_space<hbm>>
      %dma_start3A_147 = arith.constant 0 : i32
      %dma_start3A_148 = arith.constant 0 : i32
      %dma_start3A_149 = tpu.memref_slice %dma_start3A_146[%dma_start3A_147, %dma_start3A_148] : memref<80x128xi32, #tpu.memory_space<hbm>> -> memref<40x128xi32, #tpu.memory_space<hbm>>
      %dma_start3A_150 = arith.constant 0 : i32
      %dma_start3A_151 = arith.constant 0 : i32
      %dma_start3A_152 = tpu.memref_slice %arg4[%add3A, %dma_start3A_150, %dma_start3A_151] : memref<32x80x128xi32, #tpu.memory_space<hbm>> -> memref<1x80x128xi32, #tpu.memory_space<hbm>>
      %dma_start3A_153 = tpu.memref_squeeze %dma_start3A_152 : memref<1x80x128xi32, #tpu.memory_space<hbm>> -> memref<80x128xi32, #tpu.memory_space<hbm>>
      %dma_start3A_154 = arith.constant 0 : i32
      %dma_start3A_155 = arith.constant 0 : i32
      %dma_start3A_156 = tpu.memref_slice %dma_start3A_153[%dma_start3A_154, %dma_start3A_155] : memref<80x128xi32, #tpu.memory_space<hbm>> -> memref<40x128xi32, #tpu.memory_space<hbm>>
      tpu.enqueue_dma source(%dma_start3A_156 : memref<40x128xi32, #tpu.memory_space<hbm>>) target(%arg8 : memref<40x128xi32, #tpu.memory_space<vmem>>) target_semaphore(%run_scoped3A_142 : memref<!tpu.dma_semaphore, #tpu.memory_space<semaphore_mem>>)
      %dma_wait3A_157 = arith.constant 0 : i32
      %dma_wait3A_158 = arith.constant 0 : i32
      %dma_wait3A_159 = tpu.memref_slice %arg4[%add3A, %dma_wait3A_157, %dma_wait3A_158] : memref<32x80x128xi32, #tpu.memory_space<hbm>> -> memref<1x80x128xi32, #tpu.memory_space<hbm>>
      %dma_wait3A_160 = tpu.memref_squeeze %dma_wait3A_159 : memref<1x80x128xi32, #tpu.memory_space<hbm>> -> memref<80x128xi32, #tpu.memory_space<hbm>>
      %dma_wait3A_161 = arith.constant 0 : i32
      %dma_wait3A_162 = arith.constant 0 : i32
      %dma_wait3A_163 = tpu.memref_slice %dma_wait3A_160[%dma_wait3A_161, %dma_wait3A_162] : memref<80x128xi32, #tpu.memory_space<hbm>> -> memref<40x128xi32, #tpu.memory_space<hbm>>
      %dma_wait3A_164 = arith.constant 0 : i32
      %dma_wait3A_165 = arith.constant 0 : i32
      %dma_wait3A_166 = tpu.memref_slice %arg4[%add3A, %dma_wait3A_164, %dma_wait3A_165] : memref<32x80x128xi32, #tpu.memory_space<hbm>> -> memref<1x80x128xi32, #tpu.memory_space<hbm>>
      %dma_wait3A_167 = tpu.memref_squeeze %dma_wait3A_166 : memref<1x80x128xi32, #tpu.memory_space<hbm>> -> memref<80x128xi32, #tpu.memory_space<hbm>>
      %dma_wait3A_168 = arith.constant 0 : i32
      %dma_wait3A_169 = arith.constant 0 : i32
      %dma_wait3A_170 = tpu.memref_slice %dma_wait3A_167[%dma_wait3A_168, %dma_wait3A_169] : memref<80x128xi32, #tpu.memory_space<hbm>> -> memref<40x128xi32, #tpu.memory_space<hbm>>
      tpu.wait_dma2 semaphore(%run_scoped3A_142 : memref<!tpu.dma_semaphore, #tpu.memory_space<semaphore_mem>>) src(%dma_wait3A_170 : memref<40x128xi32, #tpu.memory_space<hbm>>) dst(%arg8 : memref<40x128xi32, #tpu.memory_space<vmem>>)
      tpu.yield
    }) : () -> ()
    %scan3A_28 = arith.constant 0 : i32
    %scan3A_29 = arith.constant 0 : i32
    %scan3A_30 = arith.constant 40 : i32
    %scan3A_31 = arith.addi %scan3A_29, %scan3A_30 : i32
    %scan3A_32 = arith.constant 1 : i32
    scf.for %scan3A_142 = %scan3A_29 to %scan3A_31 step %scan3A_32  : i32 {
      "tpu.region"() ({
        %run_scoped3A_143 = tpu.sem_alloc : memref<!tpu.dma_semaphore, #tpu.memory_space<semaphore_mem>>
        %dma_start3A_144 = arith.constant 0 : i32
        %dma_start3A_145 = tpu.memref_slice %arg8[%scan3A_142, %dma_start3A_144] : memref<40x128xi32, #tpu.memory_space<vmem>> -> memref<1x128xi32, #tpu.memory_space<vmem>>
        %dma_start3A_146 = tpu.memref_squeeze %dma_start3A_145 : memref<1x128xi32, #tpu.memory_space<vmem>> -> memref<128xi32, #tpu.memory_space<vmem>>
        %dma_start3A_147 = arith.constant 0 : i32
        %dma_start3A_148 = arith.constant 0 : i32
        %dma_start3A_149 = tpu.memref_slice %arg11[%dma_start3A_147, %dma_start3A_148] : memref<10112x128xf32, #tpu.memory_space<vmem_shared>> -> memref<10112x128xf32, #tpu.memory_space<vmem_shared>>
        tpu.enqueue_indirect_dma source(%arg9 : memref<128x128xf32, #tpu.memory_space<vmem>>) target(%dma_start3A_149 : memref<10112x128xf32, #tpu.memory_space<vmem_shared>>) offsets(%dma_start3A_146 : memref<128xi32, #tpu.memory_space<vmem>>) semaphore(%run_scoped3A_143 : memref<!tpu.dma_semaphore, #tpu.memory_space<semaphore_mem>>) {add = true}
        %dma_wait3A_150 = arith.constant 0 : i32
        %dma_wait3A_151 = tpu.memref_slice %arg8[%scan3A_142, %dma_wait3A_150] : memref<40x128xi32, #tpu.memory_space<vmem>> -> memref<1x128xi32, #tpu.memory_space<vmem>>
        %dma_wait3A_152 = tpu.memref_squeeze %dma_wait3A_151 : memref<1x128xi32, #tpu.memory_space<vmem>> -> memref<128xi32, #tpu.memory_space<vmem>>
        %dma_wait3A_153 = arith.constant 0 : i32
        %dma_wait3A_154 = arith.constant 0 : i32
        %dma_wait3A_155 = tpu.memref_slice %arg11[%dma_wait3A_153, %dma_wait3A_154] : memref<10112x128xf32, #tpu.memory_space<vmem_shared>> -> memref<10112x128xf32, #tpu.memory_space<vmem_shared>>
        tpu.wait_indirect_dma semaphore(%run_scoped3A_143 : memref<!tpu.dma_semaphore, #tpu.memory_space<semaphore_mem>>) src(%arg9 : memref<128x128xf32, #tpu.memory_space<vmem>>) dst(%dma_wait3A_155 : memref<10112x128xf32, #tpu.memory_space<vmem_shared>>)
        tpu.yield
      }) : () -> ()
    }
    %scan3A_33 = arith.constant 40 : i32
    "tpu.region"() ({
      %run_scoped3A_142 = tpu.sem_alloc : memref<!tpu.dma_semaphore, #tpu.memory_space<semaphore_mem>>
      %dma_start3A_143 = arith.constant 0 : i32
      %dma_start3A_144 = arith.constant 0 : i32
      %dma_start3A_145 = tpu.memref_slice %arg4[%add3A, %dma_start3A_143, %dma_start3A_144] : memref<32x80x128xi32, #tpu.memory_space<hbm>> -> memref<1x80x128xi32, #tpu.memory_space<hbm>>
      %dma_start3A_146 = tpu.memref_squeeze %dma_start3A_145 : memref<1x80x128xi32, #tpu.memory_space<hbm>> -> memref<80x128xi32, #tpu.memory_space<hbm>>
      %dma_start3A_147 = arith.constant 40 : i32
      %dma_start3A_148 = arith.constant 0 : i32
      %dma_start3A_149 = tpu.memref_slice %dma_start3A_146[%dma_start3A_147, %dma_start3A_148] : memref<80x128xi32, #tpu.memory_space<hbm>> -> memref<40x128xi32, #tpu.memory_space<hbm>>
      %dma_start3A_150 = arith.constant 0 : i32
      %dma_start3A_151 = arith.constant 0 : i32
      %dma_start3A_152 = tpu.memref_slice %arg4[%add3A, %dma_start3A_150, %dma_start3A_151] : memref<32x80x128xi32, #tpu.memory_space<hbm>> -> memref<1x80x128xi32, #tpu.memory_space<hbm>>
      %dma_start3A_153 = tpu.memref_squeeze %dma_start3A_152 : memref<1x80x128xi32, #tpu.memory_space<hbm>> -> memref<80x128xi32, #tpu.memory_space<hbm>>
      %dma_start3A_154 = arith.constant 40 : i32
      %dma_start3A_155 = arith.constant 0 : i32
      %dma_start3A_156 = tpu.memref_slice %dma_start3A_153[%dma_start3A_154, %dma_start3A_155] : memref<80x128xi32, #tpu.memory_space<hbm>> -> memref<40x128xi32, #tpu.memory_space<hbm>>
      tpu.enqueue_dma source(%dma_start3A_156 : memref<40x128xi32, #tpu.memory_space<hbm>>) target(%arg8 : memref<40x128xi32, #tpu.memory_space<vmem>>) target_semaphore(%run_scoped3A_142 : memref<!tpu.dma_semaphore, #tpu.memory_space<semaphore_mem>>)
      %dma_wait3A_157 = arith.constant 0 : i32
      %dma_wait3A_158 = arith.constant 0 : i32
      %dma_wait3A_159 = tpu.memref_slice %arg4[%add3A, %dma_wait3A_157, %dma_wait3A_158] : memref<32x80x128xi32, #tpu.memory_space<hbm>> -> memref<1x80x128xi32, #tpu.memory_space<hbm>>
      %dma_wait3A_160 = tpu.memref_squeeze %dma_wait3A_159 : memref<1x80x128xi32, #tpu.memory_space<hbm>> -> memref<80x128xi32, #tpu.memory_space<hbm>>
      %dma_wait3A_161 = arith.constant 40 : i32
      %dma_wait3A_162 = arith.constant 0 : i32
      %dma_wait3A_163 = tpu.memref_slice %dma_wait3A_160[%dma_wait3A_161, %dma_wait3A_162] : memref<80x128xi32, #tpu.memory_space<hbm>> -> memref<40x128xi32, #tpu.memory_space<hbm>>
      %dma_wait3A_164 = arith.constant 0 : i32
      %dma_wait3A_165 = arith.constant 0 : i32
      %dma_wait3A_166 = tpu.memref_slice %arg4[%add3A, %dma_wait3A_164, %dma_wait3A_165] : memref<32x80x128xi32, #tpu.memory_space<hbm>> -> memref<1x80x128xi32, #tpu.memory_space<hbm>>
      %dma_wait3A_167 = tpu.memref_squeeze %dma_wait3A_166 : memref<1x80x128xi32, #tpu.memory_space<hbm>> -> memref<80x128xi32, #tpu.memory_space<hbm>>
      %dma_wait3A_168 = arith.constant 40 : i32
      %dma_wait3A_169 = arith.constant 0 : i32
      %dma_wait3A_170 = tpu.memref_slice %dma_wait3A_167[%dma_wait3A_168, %dma_wait3A_169] : memref<80x128xi32, #tpu.memory_space<hbm>> -> memref<40x128xi32, #tpu.memory_space<hbm>>
      tpu.wait_dma2 semaphore(%run_scoped3A_142 : memref<!tpu.dma_semaphore, #tpu.memory_space<semaphore_mem>>) src(%dma_wait3A_170 : memref<40x128xi32, #tpu.memory_space<hbm>>) dst(%arg8 : memref<40x128xi32, #tpu.memory_space<vmem>>)
      tpu.yield
    }) : () -> ()
    %scan3A_34 = arith.constant 0 : i32
    %scan3A_35 = arith.constant 0 : i32
    %scan3A_36 = arith.constant 40 : i32
    %scan3A_37 = arith.addi %scan3A_35, %scan3A_36 : i32
    %scan3A_38 = arith.constant 1 : i32
    scf.for %scan3A_142 = %scan3A_35 to %scan3A_37 step %scan3A_38  : i32 {
      "tpu.region"() ({
        %run_scoped3A_143 = tpu.sem_alloc : memref<!tpu.dma_semaphore, #tpu.memory_space<semaphore_mem>>
        %dma_start3A_144 = arith.constant 0 : i32
        %dma_start3A_145 = tpu.memref_slice %arg8[%scan3A_142, %dma_start3A_144] : memref<40x128xi32, #tpu.memory_space<vmem>> -> memref<1x128xi32, #tpu.memory_space<vmem>>
        %dma_start3A_146 = tpu.memref_squeeze %dma_start3A_145 : memref<1x128xi32, #tpu.memory_space<vmem>> -> memref<128xi32, #tpu.memory_space<vmem>>
        %dma_start3A_147 = arith.constant 0 : i32
        %dma_start3A_148 = arith.constant 0 : i32
        %dma_start3A_149 = tpu.memref_slice %arg11[%dma_start3A_147, %dma_start3A_148] : memref<10112x128xf32, #tpu.memory_space<vmem_shared>> -> memref<10112x128xf32, #tpu.memory_space<vmem_shared>>
        tpu.enqueue_indirect_dma source(%arg9 : memref<128x128xf32, #tpu.memory_space<vmem>>) target(%dma_start3A_149 : memref<10112x128xf32, #tpu.memory_space<vmem_shared>>) offsets(%dma_start3A_146 : memref<128xi32, #tpu.memory_space<vmem>>) semaphore(%run_scoped3A_143 : memref<!tpu.dma_semaphore, #tpu.memory_space<semaphore_mem>>) {add = true}
        %dma_wait3A_150 = arith.constant 0 : i32
        %dma_wait3A_151 = tpu.memref_slice %arg8[%scan3A_142, %dma_wait3A_150] : memref<40x128xi32, #tpu.memory_space<vmem>> -> memref<1x128xi32, #tpu.memory_space<vmem>>
        %dma_wait3A_152 = tpu.memref_squeeze %dma_wait3A_151 : memref<1x128xi32, #tpu.memory_space<vmem>> -> memref<128xi32, #tpu.memory_space<vmem>>
        %dma_wait3A_153 = arith.constant 0 : i32
        %dma_wait3A_154 = arith.constant 0 : i32
        %dma_wait3A_155 = tpu.memref_slice %arg11[%dma_wait3A_153, %dma_wait3A_154] : memref<10112x128xf32, #tpu.memory_space<vmem_shared>> -> memref<10112x128xf32, #tpu.memory_space<vmem_shared>>
        tpu.wait_indirect_dma semaphore(%run_scoped3A_143 : memref<!tpu.dma_semaphore, #tpu.memory_space<semaphore_mem>>) src(%arg9 : memref<128x128xf32, #tpu.memory_space<vmem>>) dst(%dma_wait3A_155 : memref<10112x128xf32, #tpu.memory_space<vmem_shared>>)
        tpu.yield
      }) : () -> ()
    }
    %scan3A_39 = arith.constant 40 : i32
    %barrier3A_40 = arith.constant 0 : index
    tpu.barrier barrier_id(%barrier3A_40)
    %mul3A_41 = arith.constant 632 : i32
    %mul3A_42 = arith.muli %arg1, %mul3A_41 : i32
    %mul3A_43 = arith.constant 632 : i32
    %mul3A_44 = arith.muli %arg1, %mul3A_43 : i32
    "tpu.region"() ({
      %run_scoped3A_142 = tpu.sem_alloc : memref<!tpu.dma_semaphore, #tpu.memory_space<semaphore_mem>>
      %dma_start3A_143 = arith.constant 0 : i32
      %dma_start3A_144 = arith.constant 0 : i32
      %dma_start3A_145 = tpu.memref_slice %arg6[%arg0, %dma_start3A_143, %dma_start3A_144] : memref<2x10112x128xf32, #tpu.memory_space<hbm>> -> memref<1x10112x128xf32, #tpu.memory_space<hbm>>
      %dma_start3A_146 = tpu.memref_squeeze %dma_start3A_145 : memref<1x10112x128xf32, #tpu.memory_space<hbm>> -> memref<10112x128xf32, #tpu.memory_space<hbm>>
      %dma_start3A_147 = arith.constant 0 : i32
      %dma_start3A_148 = tpu.memref_slice %dma_start3A_146[%mul3A_44, %dma_start3A_147] : memref<10112x128xf32, #tpu.memory_space<hbm>> -> memref<632x128xf32, #tpu.memory_space<hbm>>
      %dma_start3A_149 = arith.constant 0 : i32
      %dma_start3A_150 = tpu.memref_slice %arg11[%mul3A_42, %dma_start3A_149] : memref<10112x128xf32, #tpu.memory_space<vmem_shared>> -> memref<632x128xf32, #tpu.memory_space<vmem_shared>>
      tpu.enqueue_dma source(%dma_start3A_150 : memref<632x128xf32, #tpu.memory_space<vmem_shared>>) target(%dma_start3A_148 : memref<632x128xf32, #tpu.memory_space<hbm>>) target_semaphore(%run_scoped3A_142 : memref<!tpu.dma_semaphore, #tpu.memory_space<semaphore_mem>>)
      %dma_wait3A_151 = arith.constant 0 : i32
      %dma_wait3A_152 = arith.constant 0 : i32
      %dma_wait3A_153 = tpu.memref_slice %arg6[%arg0, %dma_wait3A_151, %dma_wait3A_152] : memref<2x10112x128xf32, #tpu.memory_space<hbm>> -> memref<1x10112x128xf32, #tpu.memory_space<hbm>>
      %dma_wait3A_154 = tpu.memref_squeeze %dma_wait3A_153 : memref<1x10112x128xf32, #tpu.memory_space<hbm>> -> memref<10112x128xf32, #tpu.memory_space<hbm>>
      %dma_wait3A_155 = arith.constant 0 : i32
      %dma_wait3A_156 = tpu.memref_slice %dma_wait3A_154[%mul3A_44, %dma_wait3A_155] : memref<10112x128xf32, #tpu.memory_space<hbm>> -> memref<632x128xf32, #tpu.memory_space<hbm>>
      %dma_wait3A_157 = arith.constant 0 : i32
      %dma_wait3A_158 = tpu.memref_slice %arg11[%mul3A_42, %dma_wait3A_157] : memref<10112x128xf32, #tpu.memory_space<vmem_shared>> -> memref<632x128xf32, #tpu.memory_space<vmem_shared>>
      tpu.wait_dma2 semaphore(%run_scoped3A_142 : memref<!tpu.dma_semaphore, #tpu.memory_space<semaphore_mem>>) src(%dma_wait3A_158 : memref<632x128xf32, #tpu.memory_space<vmem_shared>>) dst(%dma_wait3A_156 : memref<632x128xf32, #tpu.memory_space<hbm>>)
      tpu.yield
    }) : () -> ()
    %broadcast_in_dim3A_45 = arith.constant 0.000000e+00 : f32
    %broadcast_in_dim3A_46 = vector.broadcast %broadcast_in_dim3A_45 : f32 to vector<16xf32>
    %scan3A_47 = arith.constant 0 : i32
    %scan3A_48 = arith.constant 0 : i32
    %scan3A_49 = arith.constant 128 : i32
    %scan3A_50 = arith.addi %scan3A_48, %scan3A_49 : i32
    %scan3A_51 = arith.constant 1 : i32
    scf.for %scan3A_142 = %scan3A_48 to %scan3A_50 step %scan3A_51  : i32 {
      %swap3A = arith.index_cast %scan3A_142 : i32 to index
      %swap3A_143 = arith.constant 0 : index
      %swap3A_144 = tpu.vector_load %arg9[%swap3A, %swap3A_143] {strides = array<i32>} : memref<128x128xf32, #tpu.memory_space<vmem>>, vector<1x16xf32>,
      %swap3A_145 = vector.shape_cast %swap3A_144 : vector<1x16xf32> to vector<16xf32>
      %swap3A_146 = vector.shape_cast %broadcast_in_dim3A_46 : vector<16xf32> to vector<1x16xf32>
      tpu.vector_store %arg9[%swap3A, %swap3A_143], %swap3A_146 {strides = array<i32>} : memref<128x128xf32, #tpu.memory_space<vmem>>, vector<1x16xf32>,
      %swap3A_147 = arith.index_cast %scan3A_142 : i32 to index
      %swap3A_148 = arith.constant 16 : index
      %swap3A_149 = tpu.vector_load %arg9[%swap3A_147, %swap3A_148] {strides = array<i32>} : memref<128x128xf32, #tpu.memory_space<vmem>>, vector<1x16xf32>,
      %swap3A_150 = vector.shape_cast %swap3A_149 : vector<1x16xf32> to vector<16xf32>
      %swap3A_151 = vector.shape_cast %broadcast_in_dim3A_46 : vector<16xf32> to vector<1x16xf32>
      tpu.vector_store %arg9[%swap3A_147, %swap3A_148], %swap3A_151 {strides = array<i32>} : memref<128x128xf32, #tpu.memory_space<vmem>>, vector<1x16xf32>,
      %swap3A_152 = arith.index_cast %scan3A_142 : i32 to index
      %swap3A_153 = arith.constant 32 : index
      %swap3A_154 = tpu.vector_load %arg9[%swap3A_152, %swap3A_153] {strides = array<i32>} : memref<128x128xf32, #tpu.memory_space<vmem>>, vector<1x16xf32>,
      %swap3A_155 = vector.shape_cast %swap3A_154 : vector<1x16xf32> to vector<16xf32>
      %swap3A_156 = vector.shape_cast %broadcast_in_dim3A_46 : vector<16xf32> to vector<1x16xf32>
      tpu.vector_store %arg9[%swap3A_152, %swap3A_153], %swap3A_156 {strides = array<i32>} : memref<128x128xf32, #tpu.memory_space<vmem>>, vector<1x16xf32>,
      %swap3A_157 = arith.index_cast %scan3A_142 : i32 to index
      %swap3A_158 = arith.constant 48 : index
      %swap3A_159 = tpu.vector_load %arg9[%swap3A_157, %swap3A_158] {strides = array<i32>} : memref<128x128xf32, #tpu.memory_space<vmem>>, vector<1x16xf32>,
      %swap3A_160 = vector.shape_cast %swap3A_159 : vector<1x16xf32> to vector<16xf32>
      %swap3A_161 = vector.shape_cast %broadcast_in_dim3A_46 : vector<16xf32> to vector<1x16xf32>
      tpu.vector_store %arg9[%swap3A_157, %swap3A_158], %swap3A_161 {strides = array<i32>} : memref<128x128xf32, #tpu.memory_space<vmem>>, vector<1x16xf32>,
      %swap3A_162 = arith.index_cast %scan3A_142 : i32 to index
      %swap3A_163 = arith.constant 64 : index
      %swap3A_164 = tpu.vector_load %arg9[%swap3A_162, %swap3A_163] {strides = array<i32>} : memref<128x128xf32, #tpu.memory_space<vmem>>, vector<1x16xf32>,
      %swap3A_165 = vector.shape_cast %swap3A_164 : vector<1x16xf32> to vector<16xf32>
      %swap3A_166 = vector.shape_cast %broadcast_in_dim3A_46 : vector<16xf32> to vector<1x16xf32>
      tpu.vector_store %arg9[%swap3A_162, %swap3A_163], %swap3A_166 {strides = array<i32>} : memref<128x128xf32, #tpu.memory_space<vmem>>, vector<1x16xf32>,
      %swap3A_167 = arith.index_cast %scan3A_142 : i32 to index
      %swap3A_168 = arith.constant 80 : index
      %swap3A_169 = tpu.vector_load %arg9[%swap3A_167, %swap3A_168] {strides = array<i32>} : memref<128x128xf32, #tpu.memory_space<vmem>>, vector<1x16xf32>,
      %swap3A_170 = vector.shape_cast %swap3A_169 : vector<1x16xf32> to vector<16xf32>
      %swap3A_171 = vector.shape_cast %broadcast_in_dim3A_46 : vector<16xf32> to vector<1x16xf32>
      tpu.vector_store %arg9[%swap3A_167, %swap3A_168], %swap3A_171 {strides = array<i32>} : memref<128x128xf32, #tpu.memory_space<vmem>>, vector<1x16xf32>,
      %swap3A_172 = arith.index_cast %scan3A_142 : i32 to index
      %swap3A_173 = arith.constant 96 : index
      %swap3A_174 = tpu.vector_load %arg9[%swap3A_172, %swap3A_173] {strides = array<i32>} : memref<128x128xf32, #tpu.memory_space<vmem>>, vector<1x16xf32>,
      %swap3A_175 = vector.shape_cast %swap3A_174 : vector<1x16xf32> to vector<16xf32>
      %swap3A_176 = vector.shape_cast %broadcast_in_dim3A_46 : vector<16xf32> to vector<1x16xf32>
      tpu.vector_store %arg9[%swap3A_172, %swap3A_173], %swap3A_176 {strides = array<i32>} : memref<128x128xf32, #tpu.memory_space<vmem>>, vector<1x16xf32>,
      %swap3A_177 = arith.index_cast %scan3A_142 : i32 to index
      %swap3A_178 = arith.constant 112 : index
      %swap3A_179 = tpu.vector_load %arg9[%swap3A_177, %swap3A_178] {strides = array<i32>} : memref<128x128xf32, #tpu.memory_space<vmem>>, vector<1x16xf32>,
      %swap3A_180 = vector.shape_cast %swap3A_179 : vector<1x16xf32> to vector<16xf32>
      %swap3A_181 = vector.shape_cast %broadcast_in_dim3A_46 : vector<16xf32> to vector<1x16xf32>
      tpu.vector_store %arg9[%swap3A_177, %swap3A_178], %swap3A_181 {strides = array<i32>} : memref<128x128xf32, #tpu.memory_space<vmem>>, vector<1x16xf32>,
    }
    %scan3A_52 = arith.constant 128 : i32
    %mul3A_53 = arith.constant 632 : i32
    %mul3A_54 = arith.muli %arg1, %mul3A_53 : i32
    %add3A_55 = arith.constant 0 : i32
    %add3A_56 = arith.addi %mul3A_54, %add3A_55 : i32
    "tpu.region"() ({
      %run_scoped3A_142 = tpu.sem_alloc : memref<!tpu.dma_semaphore, #tpu.memory_space<semaphore_mem>>
      %dma_start3A_143 = arith.constant 0 : i32
      %dma_start3A_144 = tpu.memref_slice %arg11[%add3A_56, %dma_start3A_143] : memref<10112x128xf32, #tpu.memory_space<vmem_shared>> -> memref<128x128xf32, #tpu.memory_space<vmem_shared>>
      %dma_start3A_145 = arith.constant 0 : i32
      %dma_start3A_146 = tpu.memref_slice %arg11[%add3A_56, %dma_start3A_145] : memref<10112x128xf32, #tpu.memory_space<vmem_shared>> -> memref<128x128xf32, #tpu.memory_space<vmem_shared>>
      tpu.enqueue_dma source(%arg9 : memref<128x128xf32, #tpu.memory_space<vmem>>) target(%dma_start3A_146 : memref<128x128xf32, #tpu.memory_space<vmem_shared>>) target_semaphore(%run_scoped3A_142 : memref<!tpu.dma_semaphore, #tpu.memory_space<semaphore_mem>>)
      %dma_wait3A_147 = arith.constant 0 : i32
      %dma_wait3A_148 = tpu.memref_slice %arg11[%add3A_56, %dma_wait3A_147] : memref<10112x128xf32, #tpu.memory_space<vmem_shared>> -> memref<128x128xf32, #tpu.memory_space<vmem_shared>>
      %dma_wait3A_149 = arith.constant 0 : i32
      %dma_wait3A_150 = tpu.memref_slice %arg11[%add3A_56, %dma_wait3A_149] : memref<10112x128xf32, #tpu.memory_space<vmem_shared>> -> memref<128x128xf32, #tpu.memory_space<vmem_shared>>
      tpu.wait_dma2 semaphore(%run_scoped3A_142 : memref<!tpu.dma_semaphore, #tpu.memory_space<semaphore_mem>>) src(%arg9 : memref<128x128xf32, #tpu.memory_space<vmem>>) dst(%dma_wait3A_150 : memref<128x128xf32, #tpu.memory_space<vmem_shared>>)
      tpu.yield
    }) : () -> ()
    %add3A_57 = arith.constant 128 : i32
    %add3A_58 = arith.addi %mul3A_54, %add3A_57 : i32
    "tpu.region"() ({
      %run_scoped3A_142 = tpu.sem_alloc : memref<!tpu.dma_semaphore, #tpu.memory_space<semaphore_mem>>
      %dma_start3A_143 = arith.constant 0 : i32
      %dma_start3A_144 = tpu.memref_slice %arg11[%add3A_58, %dma_start3A_143] : memref<10112x128xf32, #tpu.memory_space<vmem_shared>> -> memref<128x128xf32, #tpu.memory_space<vmem_shared>>
      %dma_start3A_145 = arith.constant 0 : i32
      %dma_start3A_146 = tpu.memref_slice %arg11[%add3A_58, %dma_start3A_145] : memref<10112x128xf32, #tpu.memory_space<vmem_shared>> -> memref<128x128xf32, #tpu.memory_space<vmem_shared>>
      tpu.enqueue_dma source(%arg9 : memref<128x128xf32, #tpu.memory_space<vmem>>) target(%dma_start3A_146 : memref<128x128xf32, #tpu.memory_space<vmem_shared>>) target_semaphore(%run_scoped3A_142 : memref<!tpu.dma_semaphore, #tpu.memory_space<semaphore_mem>>)
      %dma_wait3A_147 = arith.constant 0 : i32
      %dma_wait3A_148 = tpu.memref_slice %arg11[%add3A_58, %dma_wait3A_147] : memref<10112x128xf32, #tpu.memory_space<vmem_shared>> -> memref<128x128xf32, #tpu.memory_space<vmem_shared>>
      %dma_wait3A_149 = arith.constant 0 : i32
      %dma_wait3A_150 = tpu.memref_slice %arg11[%add3A_58, %dma_wait3A_149] : memref<10112x128xf32, #tpu.memory_space<vmem_shared>> -> memref<128x128xf32, #tpu.memory_space<vmem_shared>>
      tpu.wait_dma2 semaphore(%run_scoped3A_142 : memref<!tpu.dma_semaphore, #tpu.memory_space<semaphore_mem>>) src(%arg9 : memref<128x128xf32, #tpu.memory_space<vmem>>) dst(%dma_wait3A_150 : memref<128x128xf32, #tpu.memory_space<vmem_shared>>)
      tpu.yield
    }) : () -> ()
    %add3A_59 = arith.constant 256 : i32
    %add3A_60 = arith.addi %mul3A_54, %add3A_59 : i32
    "tpu.region"() ({
      %run_scoped3A_142 = tpu.sem_alloc : memref<!tpu.dma_semaphore, #tpu.memory_space<semaphore_mem>>
      %dma_start3A_143 = arith.constant 0 : i32
      %dma_start3A_144 = tpu.memref_slice %arg11[%add3A_60, %dma_start3A_143] : memref<10112x128xf32, #tpu.memory_space<vmem_shared>> -> memref<128x128xf32, #tpu.memory_space<vmem_shared>>
      %dma_start3A_145 = arith.constant 0 : i32
      %dma_start3A_146 = tpu.memref_slice %arg11[%add3A_60, %dma_start3A_145] : memref<10112x128xf32, #tpu.memory_space<vmem_shared>> -> memref<128x128xf32, #tpu.memory_space<vmem_shared>>
      tpu.enqueue_dma source(%arg9 : memref<128x128xf32, #tpu.memory_space<vmem>>) target(%dma_start3A_146 : memref<128x128xf32, #tpu.memory_space<vmem_shared>>) target_semaphore(%run_scoped3A_142 : memref<!tpu.dma_semaphore, #tpu.memory_space<semaphore_mem>>)
      %dma_wait3A_147 = arith.constant 0 : i32
      %dma_wait3A_148 = tpu.memref_slice %arg11[%add3A_60, %dma_wait3A_147] : memref<10112x128xf32, #tpu.memory_space<vmem_shared>> -> memref<128x128xf32, #tpu.memory_space<vmem_shared>>
      %dma_wait3A_149 = arith.constant 0 : i32
      %dma_wait3A_150 = tpu.memref_slice %arg11[%add3A_60, %dma_wait3A_149] : memref<10112x128xf32, #tpu.memory_space<vmem_shared>> -> memref<128x128xf32, #tpu.memory_space<vmem_shared>>
      tpu.wait_dma2 semaphore(%run_scoped3A_142 : memref<!tpu.dma_semaphore, #tpu.memory_space<semaphore_mem>>) src(%arg9 : memref<128x128xf32, #tpu.memory_space<vmem>>) dst(%dma_wait3A_150 : memref<128x128xf32, #tpu.memory_space<vmem_shared>>)
      tpu.yield
    }) : () -> ()
    %add3A_61 = arith.constant 384 : i32
    %add3A_62 = arith.addi %mul3A_54, %add3A_61 : i32
    "tpu.region"() ({
      %run_scoped3A_142 = tpu.sem_alloc : memref<!tpu.dma_semaphore, #tpu.memory_space<semaphore_mem>>
      %dma_start3A_143 = arith.constant 0 : i32
      %dma_start3A_144 = tpu.memref_slice %arg11[%add3A_62, %dma_start3A_143] : memref<10112x128xf32, #tpu.memory_space<vmem_shared>> -> memref<128x128xf32, #tpu.memory_space<vmem_shared>>
      %dma_start3A_145 = arith.constant 0 : i32
      %dma_start3A_146 = tpu.memref_slice %arg11[%add3A_62, %dma_start3A_145] : memref<10112x128xf32, #tpu.memory_space<vmem_shared>> -> memref<128x128xf32, #tpu.memory_space<vmem_shared>>
      tpu.enqueue_dma source(%arg9 : memref<128x128xf32, #tpu.memory_space<vmem>>) target(%dma_start3A_146 : memref<128x128xf32, #tpu.memory_space<vmem_shared>>) target_semaphore(%run_scoped3A_142 : memref<!tpu.dma_semaphore, #tpu.memory_space<semaphore_mem>>)
      %dma_wait3A_147 = arith.constant 0 : i32
      %dma_wait3A_148 = tpu.memref_slice %arg11[%add3A_62, %dma_wait3A_147] : memref<10112x128xf32, #tpu.memory_space<vmem_shared>> -> memref<128x128xf32, #tpu.memory_space<vmem_shared>>
      %dma_wait3A_149 = arith.constant 0 : i32
      %dma_wait3A_150 = tpu.memref_slice %arg11[%add3A_62, %dma_wait3A_149] : memref<10112x128xf32, #tpu.memory_space<vmem_shared>> -> memref<128x128xf32, #tpu.memory_space<vmem_shared>>
      tpu.wait_dma2 semaphore(%run_scoped3A_142 : memref<!tpu.dma_semaphore, #tpu.memory_space<semaphore_mem>>) src(%arg9 : memref<128x128xf32, #tpu.memory_space<vmem>>) dst(%dma_wait3A_150 : memref<128x128xf32, #tpu.memory_space<vmem_shared>>)
      tpu.yield
    }) : () -> ()
    %add3A_63 = arith.constant 632 : i32
    %add3A_64 = arith.addi %mul3A_54, %add3A_63 : i32
    %sub3A_65 = arith.constant 120 : i32
    %sub3A_66 = arith.subi %add3A_64, %sub3A_65 : i32
    "tpu.region"() ({
      %run_scoped3A_142 = tpu.sem_alloc : memref<!tpu.dma_semaphore, #tpu.memory_space<semaphore_mem>>
      %dma_start3A_143 = arith.constant 0 : i32
      %dma_start3A_144 = arith.constant 0 : i32
      %dma_start3A_145 = tpu.memref_slice %arg9[%dma_start3A_143, %dma_start3A_144] : memref<128x128xf32, #tpu.memory_space<vmem>> -> memref<120x128xf32, #tpu.memory_space<vmem>>
      %dma_start3A_146 = arith.constant 0 : i32
      %dma_start3A_147 = tpu.memref_slice %arg11[%sub3A_66, %dma_start3A_146] : memref<10112x128xf32, #tpu.memory_space<vmem_shared>> -> memref<120x128xf32, #tpu.memory_space<vmem_shared>>
      %dma_start3A_148 = arith.constant 0 : i32
      %dma_start3A_149 = tpu.memref_slice %arg11[%sub3A_66, %dma_start3A_148] : memref<10112x128xf32, #tpu.memory_space<vmem_shared>> -> memref<120x128xf32, #tpu.memory_space<vmem_shared>>
      %dma_start3A_150 = arith.constant 0 : i32
      %dma_start3A_151 = arith.constant 0 : i32
      %dma_start3A_152 = tpu.memref_slice %arg9[%dma_start3A_150, %dma_start3A_151] : memref<128x128xf32, #tpu.memory_space<vmem>> -> memref<120x128xf32, #tpu.memory_space<vmem>>
      tpu.enqueue_dma source(%dma_start3A_152 : memref<120x128xf32, #tpu.memory_space<vmem>>) target(%dma_start3A_149 : memref<120x128xf32, #tpu.memory_space<vmem_shared>>) target_semaphore(%run_scoped3A_142 : memref<!tpu.dma_semaphore, #tpu.memory_space<semaphore_mem>>)
      %dma_wait3A_153 = arith.constant 0 : i32
      %dma_wait3A_154 = arith.constant 0 : i32
      %dma_wait3A_155 = tpu.memref_slice %arg9[%dma_wait3A_153, %dma_wait3A_154] : memref<128x128xf32, #tpu.memory_space<vmem>> -> memref<120x128xf32, #tpu.memory_space<vmem>>
      %dma_wait3A_156 = arith.constant 0 : i32
      %dma_wait3A_157 = tpu.memref_slice %arg11[%sub3A_66, %dma_wait3A_156] : memref<10112x128xf32, #tpu.memory_space<vmem_shared>> -> memref<120x128xf32, #tpu.memory_space<vmem_shared>>
      %dma_wait3A_158 = arith.constant 0 : i32
      %dma_wait3A_159 = tpu.memref_slice %arg11[%sub3A_66, %dma_wait3A_158] : memref<10112x128xf32, #tpu.memory_space<vmem_shared>> -> memref<120x128xf32, #tpu.memory_space<vmem_shared>>
      %dma_wait3A_160 = arith.constant 0 : i32
      %dma_wait3A_161 = arith.constant 0 : i32
      %dma_wait3A_162 = tpu.memref_slice %arg9[%dma_wait3A_160, %dma_wait3A_161] : memref<128x128xf32, #tpu.memory_space<vmem>> -> memref<120x128xf32, #tpu.memory_space<vmem>>
      tpu.wait_dma2 semaphore(%run_scoped3A_142 : memref<!tpu.dma_semaphore, #tpu.memory_space<semaphore_mem>>) src(%dma_wait3A_162 : memref<120x128xf32, #tpu.memory_space<vmem>>) dst(%dma_wait3A_159 : memref<120x128xf32, #tpu.memory_space<vmem_shared>>)
      tpu.yield
    }) : () -> ()
    %barrier3A_67 = arith.constant 0 : index
    tpu.barrier barrier_id(%barrier3A_67)
    "tpu.region"() ({
      %run_scoped3A_142 = tpu.sem_alloc : memref<!tpu.dma_semaphore, #tpu.memory_space<semaphore_mem>>
      %dma_start3A_143 = arith.constant 0 : i32
      %dma_start3A_144 = arith.constant 0 : i32
      %dma_start3A_145 = tpu.memref_slice %arg3[%add3A, %dma_start3A_143, %dma_start3A_144] : memref<32x80x128xi32, #tpu.memory_space<hbm>> -> memref<1x80x128xi32, #tpu.memory_space<hbm>>
      %dma_start3A_146 = tpu.memref_squeeze %dma_start3A_145 : memref<1x80x128xi32, #tpu.memory_space<hbm>> -> memref<80x128xi32, #tpu.memory_space<hbm>>
      %dma_start3A_147 = arith.constant 0 : i32
      %dma_start3A_148 = arith.constant 0 : i32
      %dma_start3A_149 = tpu.memref_slice %dma_start3A_146[%dma_start3A_147, %dma_start3A_148] : memref<80x128xi32, #tpu.memory_space<hbm>> -> memref<40x128xi32, #tpu.memory_space<hbm>>
      %dma_start3A_150 = arith.constant 0 : i32
      %dma_start3A_151 = arith.constant 0 : i32
      %dma_start3A_152 = tpu.memref_slice %arg3[%add3A, %dma_start3A_150, %dma_start3A_151] : memref<32x80x128xi32, #tpu.memory_space<hbm>> -> memref<1x80x128xi32, #tpu.memory_space<hbm>>
      %dma_start3A_153 = tpu.memref_squeeze %dma_start3A_152 : memref<1x80x128xi32, #tpu.memory_space<hbm>> -> memref<80x128xi32, #tpu.memory_space<hbm>>
      %dma_start3A_154 = arith.constant 0 : i32
      %dma_start3A_155 = arith.constant 0 : i32
      %dma_start3A_156 = tpu.memref_slice %dma_start3A_153[%dma_start3A_154, %dma_start3A_155] : memref<80x128xi32, #tpu.memory_space<hbm>> -> memref<40x128xi32, #tpu.memory_space<hbm>>
      tpu.enqueue_dma source(%dma_start3A_156 : memref<40x128xi32, #tpu.memory_space<hbm>>) target(%arg7 : memref<40x128xi32, #tpu.memory_space<vmem>>) target_semaphore(%run_scoped3A_142 : memref<!tpu.dma_semaphore, #tpu.memory_space<semaphore_mem>>)
      %dma_wait3A_157 = arith.constant 0 : i32
      %dma_wait3A_158 = arith.constant 0 : i32
      %dma_wait3A_159 = tpu.memref_slice %arg3[%add3A, %dma_wait3A_157, %dma_wait3A_158] : memref<32x80x128xi32, #tpu.memory_space<hbm>> -> memref<1x80x128xi32, #tpu.memory_space<hbm>>
      %dma_wait3A_160 = tpu.memref_squeeze %dma_wait3A_159 : memref<1x80x128xi32, #tpu.memory_space<hbm>> -> memref<80x128xi32, #tpu.memory_space<hbm>>
      %dma_wait3A_161 = arith.constant 0 : i32
      %dma_wait3A_162 = arith.constant 0 : i32
      %dma_wait3A_163 = tpu.memref_slice %dma_wait3A_160[%dma_wait3A_161, %dma_wait3A_162] : memref<80x128xi32, #tpu.memory_space<hbm>> -> memref<40x128xi32, #tpu.memory_space<hbm>>
      %dma_wait3A_164 = arith.constant 0 : i32
      %dma_wait3A_165 = arith.constant 0 : i32
      %dma_wait3A_166 = tpu.memref_slice %arg3[%add3A, %dma_wait3A_164, %dma_wait3A_165] : memref<32x80x128xi32, #tpu.memory_space<hbm>> -> memref<1x80x128xi32, #tpu.memory_space<hbm>>
      %dma_wait3A_167 = tpu.memref_squeeze %dma_wait3A_166 : memref<1x80x128xi32, #tpu.memory_space<hbm>> -> memref<80x128xi32, #tpu.memory_space<hbm>>
      %dma_wait3A_168 = arith.constant 0 : i32
      %dma_wait3A_169 = arith.constant 0 : i32
      %dma_wait3A_170 = tpu.memref_slice %dma_wait3A_167[%dma_wait3A_168, %dma_wait3A_169] : memref<80x128xi32, #tpu.memory_space<hbm>> -> memref<40x128xi32, #tpu.memory_space<hbm>>
      tpu.wait_dma2 semaphore(%run_scoped3A_142 : memref<!tpu.dma_semaphore, #tpu.memory_space<semaphore_mem>>) src(%dma_wait3A_170 : memref<40x128xi32, #tpu.memory_space<hbm>>) dst(%arg7 : memref<40x128xi32, #tpu.memory_space<vmem>>)
      tpu.yield
    }) : () -> ()
    "tpu.region"() ({
      %run_scoped3A_142 = tpu.sem_alloc : memref<!tpu.dma_semaphore, #tpu.memory_space<semaphore_mem>>
      %dma_start3A_143 = arith.constant 0 : i32
      %dma_start3A_144 = arith.constant 0 : i32
      %dma_start3A_145 = tpu.memref_slice %arg4[%add3A, %dma_start3A_143, %dma_start3A_144] : memref<32x80x128xi32, #tpu.memory_space<hbm>> -> memref<1x80x128xi32, #tpu.memory_space<hbm>>
      %dma_start3A_146 = tpu.memref_squeeze %dma_start3A_145 : memref<1x80x128xi32, #tpu.memory_space<hbm>> -> memref<80x128xi32, #tpu.memory_space<hbm>>
      %dma_start3A_147 = arith.constant 0 : i32
      %dma_start3A_148 = arith.constant 0 : i32
      %dma_start3A_149 = tpu.memref_slice %dma_start3A_146[%dma_start3A_147, %dma_start3A_148] : memref<80x128xi32, #tpu.memory_space<hbm>> -> memref<40x128xi32, #tpu.memory_space<hbm>>
      %dma_start3A_150 = arith.constant 0 : i32
      %dma_start3A_151 = arith.constant 0 : i32
      %dma_start3A_152 = tpu.memref_slice %arg4[%add3A, %dma_start3A_150, %dma_start3A_151] : memref<32x80x128xi32, #tpu.memory_space<hbm>> -> memref<1x80x128xi32, #tpu.memory_space<hbm>>
      %dma_start3A_153 = tpu.memref_squeeze %dma_start3A_152 : memref<1x80x128xi32, #tpu.memory_space<hbm>> -> memref<80x128xi32, #tpu.memory_space<hbm>>
      %dma_start3A_154 = arith.constant 0 : i32
      %dma_start3A_155 = arith.constant 0 : i32
      %dma_start3A_156 = tpu.memref_slice %dma_start3A_153[%dma_start3A_154, %dma_start3A_155] : memref<80x128xi32, #tpu.memory_space<hbm>> -> memref<40x128xi32, #tpu.memory_space<hbm>>
      tpu.enqueue_dma source(%dma_start3A_156 : memref<40x128xi32, #tpu.memory_space<hbm>>) target(%arg8 : memref<40x128xi32, #tpu.memory_space<vmem>>) target_semaphore(%run_scoped3A_142 : memref<!tpu.dma_semaphore, #tpu.memory_space<semaphore_mem>>)
      %dma_wait3A_157 = arith.constant 0 : i32
      %dma_wait3A_158 = arith.constant 0 : i32
      %dma_wait3A_159 = tpu.memref_slice %arg4[%add3A, %dma_wait3A_157, %dma_wait3A_158] : memref<32x80x128xi32, #tpu.memory_space<hbm>> -> memref<1x80x128xi32, #tpu.memory_space<hbm>>
      %dma_wait3A_160 = tpu.memref_squeeze %dma_wait3A_159 : memref<1x80x128xi32, #tpu.memory_space<hbm>> -> memref<80x128xi32, #tpu.memory_space<hbm>>
      %dma_wait3A_161 = arith.constant 0 : i32
      %dma_wait3A_162 = arith.constant 0 : i32
      %dma_wait3A_163 = tpu.memref_slice %dma_wait3A_160[%dma_wait3A_161, %dma_wait3A_162] : memref<80x128xi32, #tpu.memory_space<hbm>> -> memref<40x128xi32, #tpu.memory_space<hbm>>
      %dma_wait3A_164 = arith.constant 0 : i32
      %dma_wait3A_165 = arith.constant 0 : i32
      %dma_wait3A_166 = tpu.memref_slice %arg4[%add3A, %dma_wait3A_164, %dma_wait3A_165] : memref<32x80x128xi32, #tpu.memory_space<hbm>> -> memref<1x80x128xi32, #tpu.memory_space<hbm>>
      %dma_wait3A_167 = tpu.memref_squeeze %dma_wait3A_166 : memref<1x80x128xi32, #tpu.memory_space<hbm>> -> memref<80x128xi32, #tpu.memory_space<hbm>>
      %dma_wait3A_168 = arith.constant 0 : i32
      %dma_wait3A_169 = arith.constant 0 : i32
      %dma_wait3A_170 = tpu.memref_slice %dma_wait3A_167[%dma_wait3A_168, %dma_wait3A_169] : memref<80x128xi32, #tpu.memory_space<hbm>> -> memref<40x128xi32, #tpu.memory_space<hbm>>
      tpu.wait_dma2 semaphore(%run_scoped3A_142 : memref<!tpu.dma_semaphore, #tpu.memory_space<semaphore_mem>>) src(%dma_wait3A_170 : memref<40x128xi32, #tpu.memory_space<hbm>>) dst(%arg8 : memref<40x128xi32, #tpu.memory_space<vmem>>)
      tpu.yield
    }) : () -> ()
    %dma_start3A = arith.constant 0 : i32
    %dma_start3A_68 = arith.constant 0 : i32
    %dma_start3A_69 = tpu.memref_slice %arg7[%dma_start3A, %dma_start3A_68] : memref<40x128xi32, #tpu.memory_space<vmem>> -> memref<1x128xi32, #tpu.memory_space<vmem>>
    %dma_start3A_70 = tpu.memref_squeeze %dma_start3A_69 : memref<1x128xi32, #tpu.memory_space<vmem>> -> memref<128xi32, #tpu.memory_space<vmem>>
    %dma_start3A_71 = arith.constant 0 : i32
    %dma_start3A_72 = arith.constant 0 : i32
    %dma_start3A_73 = tpu.memref_slice %arg2[%dma_start3A_71, %dma_start3A_72] : memref<10000x128xf32, #tpu.memory_space<hbm>> -> memref<10000x128xf32, #tpu.memory_space<hbm>>
    tpu.enqueue_indirect_dma source(%dma_start3A_73 : memref<10000x128xf32, #tpu.memory_space<hbm>>) target(%arg9 : memref<128x128xf32, #tpu.memory_space<vmem>>) offsets(%dma_start3A_70 : memref<128xi32, #tpu.memory_space<vmem>>) semaphore(%arg12 : memref<!tpu.dma_semaphore, #tpu.memory_space<semaphore_mem>>)
    %scan3A_74 = arith.constant 0 : i32
    %scan3A_75 = arith.constant 0 : i32
    %scan3A_76 = arith.constant 19 : i32
    %scan3A_77 = arith.addi %scan3A_75, %scan3A_76 : i32
    %scan3A_78 = arith.constant 1 : i32
    scf.for %scan3A_142 = %scan3A_75 to %scan3A_77 step %scan3A_78  : i32 {
      %mul3A_143 = arith.constant 2 : i32
      %mul3A_144 = arith.muli %mul3A_143, %scan3A_142 : i32
      %add3A_145 = arith.constant 1 : i32
      %add3A_146 = arith.addi %mul3A_144, %add3A_145 : i32
      %dma_start3A_147 = arith.constant 0 : i32
      %dma_start3A_148 = tpu.memref_slice %arg7[%add3A_146, %dma_start3A_147] : memref<40x128xi32, #tpu.memory_space<vmem>> -> memref<1x128xi32, #tpu.memory_space<vmem>>
      %dma_start3A_149 = tpu.memref_squeeze %dma_start3A_148 : memref<1x128xi32, #tpu.memory_space<vmem>> -> memref<128xi32, #tpu.memory_space<vmem>>
      %dma_start3A_150 = arith.constant 0 : i32
      %dma_start3A_151 = arith.constant 0 : i32
      %dma_start3A_152 = tpu.memref_slice %arg2[%dma_start3A_150, %dma_start3A_151] : memref<10000x128xf32, #tpu.memory_space<hbm>> -> memref<10000x128xf32, #tpu.memory_space<hbm>>
      tpu.enqueue_indirect_dma source(%dma_start3A_152 : memref<10000x128xf32, #tpu.memory_space<hbm>>) target(%arg10 : memref<128x128xf32, #tpu.memory_space<vmem>>) offsets(%dma_start3A_149 : memref<128xi32, #tpu.memory_space<vmem>>) semaphore(%arg13 : memref<!tpu.dma_semaphore, #tpu.memory_space<semaphore_mem>>)
      %dma_wait3A_153 = arith.constant 0 : i32
      %dma_wait3A_154 = tpu.memref_slice %arg7[%mul3A_144, %dma_wait3A_153] : memref<40x128xi32, #tpu.memory_space<vmem>> -> memref<1x128xi32, #tpu.memory_space<vmem>>
      %dma_wait3A_155 = tpu.memref_squeeze %dma_wait3A_154 : memref<1x128xi32, #tpu.memory_space<vmem>> -> memref<128xi32, #tpu.memory_space<vmem>>
      %dma_wait3A_156 = arith.constant 0 : i32
      %dma_wait3A_157 = arith.constant 0 : i32
      %dma_wait3A_158 = tpu.memref_slice %arg2[%dma_wait3A_156, %dma_wait3A_157] : memref<10000x128xf32, #tpu.memory_space<hbm>> -> memref<10000x128xf32, #tpu.memory_space<hbm>>
      tpu.wait_indirect_dma semaphore(%arg12 : memref<!tpu.dma_semaphore, #tpu.memory_space<semaphore_mem>>) src(%dma_wait3A_158 : memref<10000x128xf32, #tpu.memory_space<hbm>>) dst(%arg9 : memref<128x128xf32, #tpu.memory_space<vmem>>)
      "tpu.region"() ({
        %run_scoped3A_177 = tpu.sem_alloc : memref<!tpu.dma_semaphore, #tpu.memory_space<semaphore_mem>>
        %dma_start3A_178 = arith.constant 0 : i32
        %dma_start3A_179 = tpu.memref_slice %arg8[%mul3A_144, %dma_start3A_178] : memref<40x128xi32, #tpu.memory_space<vmem>> -> memref<1x128xi32, #tpu.memory_space<vmem>>
        %dma_start3A_180 = tpu.memref_squeeze %dma_start3A_179 : memref<1x128xi32, #tpu.memory_space<vmem>> -> memref<128xi32, #tpu.memory_space<vmem>>
        %dma_start3A_181 = arith.constant 0 : i32
        %dma_start3A_182 = arith.constant 0 : i32
        %dma_start3A_183 = tpu.memref_slice %arg11[%dma_start3A_181, %dma_start3A_182] : memref<10112x128xf32, #tpu.memory_space<vmem_shared>> -> memref<10112x128xf32, #tpu.memory_space<vmem_shared>>
        tpu.enqueue_indirect_dma source(%arg9 : memref<128x128xf32, #tpu.memory_space<vmem>>) target(%dma_start3A_183 : memref<10112x128xf32, #tpu.memory_space<vmem_shared>>) offsets(%dma_start3A_180 : memref<128xi32, #tpu.memory_space<vmem>>) semaphore(%run_scoped3A_177 : memref<!tpu.dma_semaphore, #tpu.memory_space<semaphore_mem>>) {add = true}
        %dma_wait3A_184 = arith.constant 0 : i32
        %dma_wait3A_185 = tpu.memref_slice %arg8[%mul3A_144, %dma_wait3A_184] : memref<40x128xi32, #tpu.memory_space<vmem>> -> memref<1x128xi32, #tpu.memory_space<vmem>>
        %dma_wait3A_186 = tpu.memref_squeeze %dma_wait3A_185 : memref<1x128xi32, #tpu.memory_space<vmem>> -> memref<128xi32, #tpu.memory_space<vmem>>
        %dma_wait3A_187 = arith.constant 0 : i32
        %dma_wait3A_188 = arith.constant 0 : i32
        %dma_wait3A_189 = tpu.memref_slice %arg11[%dma_wait3A_187, %dma_wait3A_188] : memref<10112x128xf32, #tpu.memory_space<vmem_shared>> -> memref<10112x128xf32, #tpu.memory_space<vmem_shared>>
        tpu.wait_indirect_dma semaphore(%run_scoped3A_177 : memref<!tpu.dma_semaphore, #tpu.memory_space<semaphore_mem>>) src(%arg9 : memref<128x128xf32, #tpu.memory_space<vmem>>) dst(%dma_wait3A_189 : memref<10112x128xf32, #tpu.memory_space<vmem_shared>>)
        tpu.yield
      }) : () -> ()
      %add3A_159 = arith.constant 2 : i32
      %add3A_160 = arith.addi %mul3A_144, %add3A_159 : i32
      %dma_start3A_161 = arith.constant 0 : i32
      %dma_start3A_162 = tpu.memref_slice %arg7[%add3A_160, %dma_start3A_161] : memref<40x128xi32, #tpu.memory_space<vmem>> -> memref<1x128xi32, #tpu.memory_space<vmem>>
      %dma_start3A_163 = tpu.memref_squeeze %dma_start3A_162 : memref<1x128xi32, #tpu.memory_space<vmem>> -> memref<128xi32, #tpu.memory_space<vmem>>
      %dma_start3A_164 = arith.constant 0 : i32
      %dma_start3A_165 = arith.constant 0 : i32
      %dma_start3A_166 = tpu.memref_slice %arg2[%dma_start3A_164, %dma_start3A_165] : memref<10000x128xf32, #tpu.memory_space<hbm>> -> memref<10000x128xf32, #tpu.memory_space<hbm>>
      tpu.enqueue_indirect_dma source(%dma_start3A_166 : memref<10000x128xf32, #tpu.memory_space<hbm>>) target(%arg9 : memref<128x128xf32, #tpu.memory_space<vmem>>) offsets(%dma_start3A_163 : memref<128xi32, #tpu.memory_space<vmem>>) semaphore(%arg12 : memref<!tpu.dma_semaphore, #tpu.memory_space<semaphore_mem>>)
      %add3A_167 = arith.constant 1 : i32
      %add3A_168 = arith.addi %mul3A_144, %add3A_167 : i32
      %dma_wait3A_169 = arith.constant 0 : i32
      %dma_wait3A_170 = tpu.memref_slice %arg7[%add3A_168, %dma_wait3A_169] : memref<40x128xi32, #tpu.memory_space<vmem>> -> memref<1x128xi32, #tpu.memory_space<vmem>>
      %dma_wait3A_171 = tpu.memref_squeeze %dma_wait3A_170 : memref<1x128xi32, #tpu.memory_space<vmem>> -> memref<128xi32, #tpu.memory_space<vmem>>
      %dma_wait3A_172 = arith.constant 0 : i32
      %dma_wait3A_173 = arith.constant 0 : i32
      %dma_wait3A_174 = tpu.memref_slice %arg2[%dma_wait3A_172, %dma_wait3A_173] : memref<10000x128xf32, #tpu.memory_space<hbm>> -> memref<10000x128xf32, #tpu.memory_space<hbm>>
      tpu.wait_indirect_dma semaphore(%arg13 : memref<!tpu.dma_semaphore, #tpu.memory_space<semaphore_mem>>) src(%dma_wait3A_174 : memref<10000x128xf32, #tpu.memory_space<hbm>>) dst(%arg10 : memref<128x128xf32, #tpu.memory_space<vmem>>)
      %add3A_175 = arith.constant 1 : i32
      %add3A_176 = arith.addi %mul3A_144, %add3A_175 : i32
      "tpu.region"() ({
        %run_scoped3A_177 = tpu.sem_alloc : memref<!tpu.dma_semaphore, #tpu.memory_space<semaphore_mem>>
        %dma_start3A_178 = arith.constant 0 : i32
        %dma_start3A_179 = tpu.memref_slice %arg8[%add3A_176, %dma_start3A_178] : memref<40x128xi32, #tpu.memory_space<vmem>> -> memref<1x128xi32, #tpu.memory_space<vmem>>
        %dma_start3A_180 = tpu.memref_squeeze %dma_start3A_179 : memref<1x128xi32, #tpu.memory_space<vmem>> -> memref<128xi32, #tpu.memory_space<vmem>>
        %dma_start3A_181 = arith.constant 0 : i32
        %dma_start3A_182 = arith.constant 0 : i32
        %dma_start3A_183 = tpu.memref_slice %arg11[%dma_start3A_181, %dma_start3A_182] : memref<10112x128xf32, #tpu.memory_space<vmem_shared>> -> memref<10112x128xf32, #tpu.memory_space<vmem_shared>>
        tpu.enqueue_indirect_dma source(%arg10 : memref<128x128xf32, #tpu.memory_space<vmem>>) target(%dma_start3A_183 : memref<10112x128xf32, #tpu.memory_space<vmem_shared>>) offsets(%dma_start3A_180 : memref<128xi32, #tpu.memory_space<vmem>>) semaphore(%run_scoped3A_177 : memref<!tpu.dma_semaphore, #tpu.memory_space<semaphore_mem>>) {add = true}
        %dma_wait3A_184 = arith.constant 0 : i32
        %dma_wait3A_185 = tpu.memref_slice %arg8[%add3A_176, %dma_wait3A_184] : memref<40x128xi32, #tpu.memory_space<vmem>> -> memref<1x128xi32, #tpu.memory_space<vmem>>
        %dma_wait3A_186 = tpu.memref_squeeze %dma_wait3A_185 : memref<1x128xi32, #tpu.memory_space<vmem>> -> memref<128xi32, #tpu.memory_space<vmem>>
        %dma_wait3A_187 = arith.constant 0 : i32
        %dma_wait3A_188 = arith.constant 0 : i32
        %dma_wait3A_189 = tpu.memref_slice %arg11[%dma_wait3A_187, %dma_wait3A_188] : memref<10112x128xf32, #tpu.memory_space<vmem_shared>> -> memref<10112x128xf32, #tpu.memory_space<vmem_shared>>
        tpu.wait_indirect_dma semaphore(%run_scoped3A_177 : memref<!tpu.dma_semaphore, #tpu.memory_space<semaphore_mem>>) src(%arg10 : memref<128x128xf32, #tpu.memory_space<vmem>>) dst(%dma_wait3A_189 : memref<10112x128xf32, #tpu.memory_space<vmem_shared>>)
        tpu.yield
      }) : () -> ()
    }
    %scan3A_79 = arith.constant 19 : i32
    %dma_start3A_80 = arith.constant 39 : i32
    %dma_start3A_81 = arith.constant 0 : i32
    %dma_start3A_82 = tpu.memref_slice %arg7[%dma_start3A_80, %dma_start3A_81] : memref<40x128xi32, #tpu.memory_space<vmem>> -> memref<1x128xi32, #tpu.memory_space<vmem>>
    %dma_start3A_83 = tpu.memref_squeeze %dma_start3A_82 : memref<1x128xi32, #tpu.memory_space<vmem>> -> memref<128xi32, #tpu.memory_space<vmem>>
    %dma_start3A_84 = arith.constant 0 : i32
    %dma_start3A_85 = arith.constant 0 : i32
    %dma_start3A_86 = tpu.memref_slice %arg2[%dma_start3A_84, %dma_start3A_85] : memref<10000x128xf32, #tpu.memory_space<hbm>> -> memref<10000x128xf32, #tpu.memory_space<hbm>>
    tpu.enqueue_indirect_dma source(%dma_start3A_86 : memref<10000x128xf32, #tpu.memory_space<hbm>>) target(%arg10 : memref<128x128xf32, #tpu.memory_space<vmem>>) offsets(%dma_start3A_83 : memref<128xi32, #tpu.memory_space<vmem>>) semaphore(%arg13 : memref<!tpu.dma_semaphore, #tpu.memory_space<semaphore_mem>>)
    %dma_wait3A = arith.constant 38 : i32
    %dma_wait3A_87 = arith.constant 0 : i32
    %dma_wait3A_88 = tpu.memref_slice %arg7[%dma_wait3A, %dma_wait3A_87] : memref<40x128xi32, #tpu.memory_space<vmem>> -> memref<1x128xi32, #tpu.memory_space<vmem>>
    %dma_wait3A_89 = tpu.memref_squeeze %dma_wait3A_88 : memref<1x128xi32, #tpu.memory_space<vmem>> -> memref<128xi32, #tpu.memory_space<vmem>>
    %dma_wait3A_90 = arith.constant 0 : i32
    %dma_wait3A_91 = arith.constant 0 : i32
    %dma_wait3A_92 = tpu.memref_slice %arg2[%dma_wait3A_90, %dma_wait3A_91] : memref<10000x128xf32, #tpu.memory_space<hbm>> -> memref<10000x128xf32, #tpu.memory_space<hbm>>
    tpu.wait_indirect_dma semaphore(%arg12 : memref<!tpu.dma_semaphore, #tpu.memory_space<semaphore_mem>>) src(%dma_wait3A_92 : memref<10000x128xf32, #tpu.memory_space<hbm>>) dst(%arg9 : memref<128x128xf32, #tpu.memory_space<vmem>>)
    %run_scoped3A = arith.constant 38 : i32
    "tpu.region"() ({
      %run_scoped3A_142 = tpu.sem_alloc : memref<!tpu.dma_semaphore, #tpu.memory_space<semaphore_mem>>
      %dma_start3A_143 = arith.constant 0 : i32
      %dma_start3A_144 = tpu.memref_slice %arg8[%run_scoped3A, %dma_start3A_143] : memref<40x128xi32, #tpu.memory_space<vmem>> -> memref<1x128xi32, #tpu.memory_space<vmem>>
      %dma_start3A_145 = tpu.memref_squeeze %dma_start3A_144 : memref<1x128xi32, #tpu.memory_space<vmem>> -> memref<128xi32, #tpu.memory_space<vmem>>
      %dma_start3A_146 = arith.constant 0 : i32
      %dma_start3A_147 = arith.constant 0 : i32
      %dma_start3A_148 = tpu.memref_slice %arg11[%dma_start3A_146, %dma_start3A_147] : memref<10112x128xf32, #tpu.memory_space<vmem_shared>> -> memref<10112x128xf32, #tpu.memory_space<vmem_shared>>
      tpu.enqueue_indirect_dma source(%arg9 : memref<128x128xf32, #tpu.memory_space<vmem>>) target(%dma_start3A_148 : memref<10112x128xf32, #tpu.memory_space<vmem_shared>>) offsets(%dma_start3A_145 : memref<128xi32, #tpu.memory_space<vmem>>) semaphore(%run_scoped3A_142 : memref<!tpu.dma_semaphore, #tpu.memory_space<semaphore_mem>>) {add = true}
      %dma_wait3A_149 = arith.constant 0 : i32
      %dma_wait3A_150 = tpu.memref_slice %arg8[%run_scoped3A, %dma_wait3A_149] : memref<40x128xi32, #tpu.memory_space<vmem>> -> memref<1x128xi32, #tpu.memory_space<vmem>>
      %dma_wait3A_151 = tpu.memref_squeeze %dma_wait3A_150 : memref<1x128xi32, #tpu.memory_space<vmem>> -> memref<128xi32, #tpu.memory_space<vmem>>
      %dma_wait3A_152 = arith.constant 0 : i32
      %dma_wait3A_153 = arith.constant 0 : i32
      %dma_wait3A_154 = tpu.memref_slice %arg11[%dma_wait3A_152, %dma_wait3A_153] : memref<10112x128xf32, #tpu.memory_space<vmem_shared>> -> memref<10112x128xf32, #tpu.memory_space<vmem_shared>>
      tpu.wait_indirect_dma semaphore(%run_scoped3A_142 : memref<!tpu.dma_semaphore, #tpu.memory_space<semaphore_mem>>) src(%arg9 : memref<128x128xf32, #tpu.memory_space<vmem>>) dst(%dma_wait3A_154 : memref<10112x128xf32, #tpu.memory_space<vmem_shared>>)
      tpu.yield
    }) : () -> ()
    %dma_wait3A_93 = arith.constant 39 : i32
    %dma_wait3A_94 = arith.constant 0 : i32
    %dma_wait3A_95 = tpu.memref_slice %arg7[%dma_wait3A_93, %dma_wait3A_94] : memref<40x128xi32, #tpu.memory_space<vmem>> -> memref<1x128xi32, #tpu.memory_space<vmem>>
    %dma_wait3A_96 = tpu.memref_squeeze %dma_wait3A_95 : memref<1x128xi32, #tpu.memory_space<vmem>> -> memref<128xi32, #tpu.memory_space<vmem>>
    %dma_wait3A_97 = arith.constant 0 : i32
    %dma_wait3A_98 = arith.constant 0 : i32
    %dma_wait3A_99 = tpu.memref_slice %arg2[%dma_wait3A_97, %dma_wait3A_98] : memref<10000x128xf32, #tpu.memory_space<hbm>> -> memref<10000x128xf32, #tpu.memory_space<hbm>>
    tpu.wait_indirect_dma semaphore(%arg13 : memref<!tpu.dma_semaphore, #tpu.memory_space<semaphore_mem>>) src(%dma_wait3A_99 : memref<10000x128xf32, #tpu.memory_space<hbm>>) dst(%arg10 : memref<128x128xf32, #tpu.memory_space<vmem>>)
    %run_scoped3A_100 = arith.constant 39 : i32
    "tpu.region"() ({
      %run_scoped3A_142 = tpu.sem_alloc : memref<!tpu.dma_semaphore, #tpu.memory_space<semaphore_mem>>
      %dma_start3A_143 = arith.constant 0 : i32
      %dma_start3A_144 = tpu.memref_slice %arg8[%run_scoped3A_100, %dma_start3A_143] : memref<40x128xi32, #tpu.memory_space<vmem>> -> memref<1x128xi32, #tpu.memory_space<vmem>>
      %dma_start3A_145 = tpu.memref_squeeze %dma_start3A_144 : memref<1x128xi32, #tpu.memory_space<vmem>> -> memref<128xi32, #tpu.memory_space<vmem>>
      %dma_start3A_146 = arith.constant 0 : i32
      %dma_start3A_147 = arith.constant 0 : i32
      %dma_start3A_148 = tpu.memref_slice %arg11[%dma_start3A_146, %dma_start3A_147] : memref<10112x128xf32, #tpu.memory_space<vmem_shared>> -> memref<10112x128xf32, #tpu.memory_space<vmem_shared>>
      tpu.enqueue_indirect_dma source(%arg10 : memref<128x128xf32, #tpu.memory_space<vmem>>) target(%dma_start3A_148 : memref<10112x128xf32, #tpu.memory_space<vmem_shared>>) offsets(%dma_start3A_145 : memref<128xi32, #tpu.memory_space<vmem>>) semaphore(%run_scoped3A_142 : memref<!tpu.dma_semaphore, #tpu.memory_space<semaphore_mem>>) {add = true}
      %dma_wait3A_149 = arith.constant 0 : i32
      %dma_wait3A_150 = tpu.memref_slice %arg8[%run_scoped3A_100, %dma_wait3A_149] : memref<40x128xi32, #tpu.memory_space<vmem>> -> memref<1x128xi32, #tpu.memory_space<vmem>>
      %dma_wait3A_151 = tpu.memref_squeeze %dma_wait3A_150 : memref<1x128xi32, #tpu.memory_space<vmem>> -> memref<128xi32, #tpu.memory_space<vmem>>
      %dma_wait3A_152 = arith.constant 0 : i32
      %dma_wait3A_153 = arith.constant 0 : i32
      %dma_wait3A_154 = tpu.memref_slice %arg11[%dma_wait3A_152, %dma_wait3A_153] : memref<10112x128xf32, #tpu.memory_space<vmem_shared>> -> memref<10112x128xf32, #tpu.memory_space<vmem_shared>>
      tpu.wait_indirect_dma semaphore(%run_scoped3A_142 : memref<!tpu.dma_semaphore, #tpu.memory_space<semaphore_mem>>) src(%arg10 : memref<128x128xf32, #tpu.memory_space<vmem>>) dst(%dma_wait3A_154 : memref<10112x128xf32, #tpu.memory_space<vmem_shared>>)
      tpu.yield
    }) : () -> ()
    "tpu.region"() ({
      %run_scoped3A_142 = tpu.sem_alloc : memref<!tpu.dma_semaphore, #tpu.memory_space<semaphore_mem>>
      %dma_start3A_143 = arith.constant 0 : i32
      %dma_start3A_144 = arith.constant 0 : i32
      %dma_start3A_145 = tpu.memref_slice %arg3[%add3A, %dma_start3A_143, %dma_start3A_144] : memref<32x80x128xi32, #tpu.memory_space<hbm>> -> memref<1x80x128xi32, #tpu.memory_space<hbm>>
      %dma_start3A_146 = tpu.memref_squeeze %dma_start3A_145 : memref<1x80x128xi32, #tpu.memory_space<hbm>> -> memref<80x128xi32, #tpu.memory_space<hbm>>
      %dma_start3A_147 = arith.constant 40 : i32
      %dma_start3A_148 = arith.constant 0 : i32
      %dma_start3A_149 = tpu.memref_slice %dma_start3A_146[%dma_start3A_147, %dma_start3A_148] : memref<80x128xi32, #tpu.memory_space<hbm>> -> memref<40x128xi32, #tpu.memory_space<hbm>>
      %dma_start3A_150 = arith.constant 0 : i32
      %dma_start3A_151 = arith.constant 0 : i32
      %dma_start3A_152 = tpu.memref_slice %arg3[%add3A, %dma_start3A_150, %dma_start3A_151] : memref<32x80x128xi32, #tpu.memory_space<hbm>> -> memref<1x80x128xi32, #tpu.memory_space<hbm>>
      %dma_start3A_153 = tpu.memref_squeeze %dma_start3A_152 : memref<1x80x128xi32, #tpu.memory_space<hbm>> -> memref<80x128xi32, #tpu.memory_space<hbm>>
      %dma_start3A_154 = arith.constant 40 : i32
      %dma_start3A_155 = arith.constant 0 : i32
      %dma_start3A_156 = tpu.memref_slice %dma_start3A_153[%dma_start3A_154, %dma_start3A_155] : memref<80x128xi32, #tpu.memory_space<hbm>> -> memref<40x128xi32, #tpu.memory_space<hbm>>
      tpu.enqueue_dma source(%dma_start3A_156 : memref<40x128xi32, #tpu.memory_space<hbm>>) target(%arg7 : memref<40x128xi32, #tpu.memory_space<vmem>>) target_semaphore(%run_scoped3A_142 : memref<!tpu.dma_semaphore, #tpu.memory_space<semaphore_mem>>)
      %dma_wait3A_157 = arith.constant 0 : i32
      %dma_wait3A_158 = arith.constant 0 : i32
      %dma_wait3A_159 = tpu.memref_slice %arg3[%add3A, %dma_wait3A_157, %dma_wait3A_158] : memref<32x80x128xi32, #tpu.memory_space<hbm>> -> memref<1x80x128xi32, #tpu.memory_space<hbm>>
      %dma_wait3A_160 = tpu.memref_squeeze %dma_wait3A_159 : memref<1x80x128xi32, #tpu.memory_space<hbm>> -> memref<80x128xi32, #tpu.memory_space<hbm>>
      %dma_wait3A_161 = arith.constant 40 : i32
      %dma_wait3A_162 = arith.constant 0 : i32
      %dma_wait3A_163 = tpu.memref_slice %dma_wait3A_160[%dma_wait3A_161, %dma_wait3A_162] : memref<80x128xi32, #tpu.memory_space<hbm>> -> memref<40x128xi32, #tpu.memory_space<hbm>>
      %dma_wait3A_164 = arith.constant 0 : i32
      %dma_wait3A_165 = arith.constant 0 : i32
      %dma_wait3A_166 = tpu.memref_slice %arg3[%add3A, %dma_wait3A_164, %dma_wait3A_165] : memref<32x80x128xi32, #tpu.memory_space<hbm>> -> memref<1x80x128xi32, #tpu.memory_space<hbm>>
      %dma_wait3A_167 = tpu.memref_squeeze %dma_wait3A_166 : memref<1x80x128xi32, #tpu.memory_space<hbm>> -> memref<80x128xi32, #tpu.memory_space<hbm>>
      %dma_wait3A_168 = arith.constant 40 : i32
      %dma_wait3A_169 = arith.constant 0 : i32
      %dma_wait3A_170 = tpu.memref_slice %dma_wait3A_167[%dma_wait3A_168, %dma_wait3A_169] : memref<80x128xi32, #tpu.memory_space<hbm>> -> memref<40x128xi32, #tpu.memory_space<hbm>>
      tpu.wait_dma2 semaphore(%run_scoped3A_142 : memref<!tpu.dma_semaphore, #tpu.memory_space<semaphore_mem>>) src(%dma_wait3A_170 : memref<40x128xi32, #tpu.memory_space<hbm>>) dst(%arg7 : memref<40x128xi32, #tpu.memory_space<vmem>>)
      tpu.yield
    }) : () -> ()
    "tpu.region"() ({
      %run_scoped3A_142 = tpu.sem_alloc : memref<!tpu.dma_semaphore, #tpu.memory_space<semaphore_mem>>
      %dma_start3A_143 = arith.constant 0 : i32
      %dma_start3A_144 = arith.constant 0 : i32
      %dma_start3A_145 = tpu.memref_slice %arg4[%add3A, %dma_start3A_143, %dma_start3A_144] : memref<32x80x128xi32, #tpu.memory_space<hbm>> -> memref<1x80x128xi32, #tpu.memory_space<hbm>>
      %dma_start3A_146 = tpu.memref_squeeze %dma_start3A_145 : memref<1x80x128xi32, #tpu.memory_space<hbm>> -> memref<80x128xi32, #tpu.memory_space<hbm>>
      %dma_start3A_147 = arith.constant 40 : i32
      %dma_start3A_148 = arith.constant 0 : i32
      %dma_start3A_149 = tpu.memref_slice %dma_start3A_146[%dma_start3A_147, %dma_start3A_148] : memref<80x128xi32, #tpu.memory_space<hbm>> -> memref<40x128xi32, #tpu.memory_space<hbm>>
      %dma_start3A_150 = arith.constant 0 : i32
      %dma_start3A_151 = arith.constant 0 : i32
      %dma_start3A_152 = tpu.memref_slice %arg4[%add3A, %dma_start3A_150, %dma_start3A_151] : memref<32x80x128xi32, #tpu.memory_space<hbm>> -> memref<1x80x128xi32, #tpu.memory_space<hbm>>
      %dma_start3A_153 = tpu.memref_squeeze %dma_start3A_152 : memref<1x80x128xi32, #tpu.memory_space<hbm>> -> memref<80x128xi32, #tpu.memory_space<hbm>>
      %dma_start3A_154 = arith.constant 40 : i32
      %dma_start3A_155 = arith.constant 0 : i32
      %dma_start3A_156 = tpu.memref_slice %dma_start3A_153[%dma_start3A_154, %dma_start3A_155] : memref<80x128xi32, #tpu.memory_space<hbm>> -> memref<40x128xi32, #tpu.memory_space<hbm>>
      tpu.enqueue_dma source(%dma_start3A_156 : memref<40x128xi32, #tpu.memory_space<hbm>>) target(%arg8 : memref<40x128xi32, #tpu.memory_space<vmem>>) target_semaphore(%run_scoped3A_142 : memref<!tpu.dma_semaphore, #tpu.memory_space<semaphore_mem>>)
      %dma_wait3A_157 = arith.constant 0 : i32
      %dma_wait3A_158 = arith.constant 0 : i32
      %dma_wait3A_159 = tpu.memref_slice %arg4[%add3A, %dma_wait3A_157, %dma_wait3A_158] : memref<32x80x128xi32, #tpu.memory_space<hbm>> -> memref<1x80x128xi32, #tpu.memory_space<hbm>>
      %dma_wait3A_160 = tpu.memref_squeeze %dma_wait3A_159 : memref<1x80x128xi32, #tpu.memory_space<hbm>> -> memref<80x128xi32, #tpu.memory_space<hbm>>
      %dma_wait3A_161 = arith.constant 40 : i32
      %dma_wait3A_162 = arith.constant 0 : i32
      %dma_wait3A_163 = tpu.memref_slice %dma_wait3A_160[%dma_wait3A_161, %dma_wait3A_162] : memref<80x128xi32, #tpu.memory_space<hbm>> -> memref<40x128xi32, #tpu.memory_space<hbm>>
      %dma_wait3A_164 = arith.constant 0 : i32
      %dma_wait3A_165 = arith.constant 0 : i32
      %dma_wait3A_166 = tpu.memref_slice %arg4[%add3A, %dma_wait3A_164, %dma_wait3A_165] : memref<32x80x128xi32, #tpu.memory_space<hbm>> -> memref<1x80x128xi32, #tpu.memory_space<hbm>>
      %dma_wait3A_167 = tpu.memref_squeeze %dma_wait3A_166 : memref<1x80x128xi32, #tpu.memory_space<hbm>> -> memref<80x128xi32, #tpu.memory_space<hbm>>
      %dma_wait3A_168 = arith.constant 40 : i32
      %dma_wait3A_169 = arith.constant 0 : i32
      %dma_wait3A_170 = tpu.memref_slice %dma_wait3A_167[%dma_wait3A_168, %dma_wait3A_169] : memref<80x128xi32, #tpu.memory_space<hbm>> -> memref<40x128xi32, #tpu.memory_space<hbm>>
      tpu.wait_dma2 semaphore(%run_scoped3A_142 : memref<!tpu.dma_semaphore, #tpu.memory_space<semaphore_mem>>) src(%dma_wait3A_170 : memref<40x128xi32, #tpu.memory_space<hbm>>) dst(%arg8 : memref<40x128xi32, #tpu.memory_space<vmem>>)
      tpu.yield
    }) : () -> ()
    %dma_start3A_101 = arith.constant 0 : i32
    %dma_start3A_102 = arith.constant 0 : i32
    %dma_start3A_103 = tpu.memref_slice %arg7[%dma_start3A_101, %dma_start3A_102] : memref<40x128xi32, #tpu.memory_space<vmem>> -> memref<1x128xi32, #tpu.memory_space<vmem>>
    %dma_start3A_104 = tpu.memref_squeeze %dma_start3A_103 : memref<1x128xi32, #tpu.memory_space<vmem>> -> memref<128xi32, #tpu.memory_space<vmem>>
    %dma_start3A_105 = arith.constant 0 : i32
    %dma_start3A_106 = arith.constant 0 : i32
    %dma_start3A_107 = tpu.memref_slice %arg2[%dma_start3A_105, %dma_start3A_106] : memref<10000x128xf32, #tpu.memory_space<hbm>> -> memref<10000x128xf32, #tpu.memory_space<hbm>>
    tpu.enqueue_indirect_dma source(%dma_start3A_107 : memref<10000x128xf32, #tpu.memory_space<hbm>>) target(%arg9 : memref<128x128xf32, #tpu.memory_space<vmem>>) offsets(%dma_start3A_104 : memref<128xi32, #tpu.memory_space<vmem>>) semaphore(%arg12 : memref<!tpu.dma_semaphore, #tpu.memory_space<semaphore_mem>>)
    %scan3A_108 = arith.constant 0 : i32
    %scan3A_109 = arith.constant 0 : i32
    %scan3A_110 = arith.constant 19 : i32
    %scan3A_111 = arith.addi %scan3A_109, %scan3A_110 : i32
    %scan3A_112 = arith.constant 1 : i32
    scf.for %scan3A_142 = %scan3A_109 to %scan3A_111 step %scan3A_112  : i32 {
      %mul3A_143 = arith.constant 2 : i32
      %mul3A_144 = arith.muli %mul3A_143, %scan3A_142 : i32
      %add3A_145 = arith.constant 1 : i32
      %add3A_146 = arith.addi %mul3A_144, %add3A_145 : i32
      %dma_start3A_147 = arith.constant 0 : i32
      %dma_start3A_148 = tpu.memref_slice %arg7[%add3A_146, %dma_start3A_147] : memref<40x128xi32, #tpu.memory_space<vmem>> -> memref<1x128xi32, #tpu.memory_space<vmem>>
      %dma_start3A_149 = tpu.memref_squeeze %dma_start3A_148 : memref<1x128xi32, #tpu.memory_space<vmem>> -> memref<128xi32, #tpu.memory_space<vmem>>
      %dma_start3A_150 = arith.constant 0 : i32
      %dma_start3A_151 = arith.constant 0 : i32
      %dma_start3A_152 = tpu.memref_slice %arg2[%dma_start3A_150, %dma_start3A_151] : memref<10000x128xf32, #tpu.memory_space<hbm>> -> memref<10000x128xf32, #tpu.memory_space<hbm>>
      tpu.enqueue_indirect_dma source(%dma_start3A_152 : memref<10000x128xf32, #tpu.memory_space<hbm>>) target(%arg10 : memref<128x128xf32, #tpu.memory_space<vmem>>) offsets(%dma_start3A_149 : memref<128xi32, #tpu.memory_space<vmem>>) semaphore(%arg13 : memref<!tpu.dma_semaphore, #tpu.memory_space<semaphore_mem>>)
      %dma_wait3A_153 = arith.constant 0 : i32
      %dma_wait3A_154 = tpu.memref_slice %arg7[%mul3A_144, %dma_wait3A_153] : memref<40x128xi32, #tpu.memory_space<vmem>> -> memref<1x128xi32, #tpu.memory_space<vmem>>
      %dma_wait3A_155 = tpu.memref_squeeze %dma_wait3A_154 : memref<1x128xi32, #tpu.memory_space<vmem>> -> memref<128xi32, #tpu.memory_space<vmem>>
      %dma_wait3A_156 = arith.constant 0 : i32
      %dma_wait3A_157 = arith.constant 0 : i32
      %dma_wait3A_158 = tpu.memref_slice %arg2[%dma_wait3A_156, %dma_wait3A_157] : memref<10000x128xf32, #tpu.memory_space<hbm>> -> memref<10000x128xf32, #tpu.memory_space<hbm>>
      tpu.wait_indirect_dma semaphore(%arg12 : memref<!tpu.dma_semaphore, #tpu.memory_space<semaphore_mem>>) src(%dma_wait3A_158 : memref<10000x128xf32, #tpu.memory_space<hbm>>) dst(%arg9 : memref<128x128xf32, #tpu.memory_space<vmem>>)
      "tpu.region"() ({
        %run_scoped3A_177 = tpu.sem_alloc : memref<!tpu.dma_semaphore, #tpu.memory_space<semaphore_mem>>
        %dma_start3A_178 = arith.constant 0 : i32
        %dma_start3A_179 = tpu.memref_slice %arg8[%mul3A_144, %dma_start3A_178] : memref<40x128xi32, #tpu.memory_space<vmem>> -> memref<1x128xi32, #tpu.memory_space<vmem>>
        %dma_start3A_180 = tpu.memref_squeeze %dma_start3A_179 : memref<1x128xi32, #tpu.memory_space<vmem>> -> memref<128xi32, #tpu.memory_space<vmem>>
        %dma_start3A_181 = arith.constant 0 : i32
        %dma_start3A_182 = arith.constant 0 : i32
        %dma_start3A_183 = tpu.memref_slice %arg11[%dma_start3A_181, %dma_start3A_182] : memref<10112x128xf32, #tpu.memory_space<vmem_shared>> -> memref<10112x128xf32, #tpu.memory_space<vmem_shared>>
        tpu.enqueue_indirect_dma source(%arg9 : memref<128x128xf32, #tpu.memory_space<vmem>>) target(%dma_start3A_183 : memref<10112x128xf32, #tpu.memory_space<vmem_shared>>) offsets(%dma_start3A_180 : memref<128xi32, #tpu.memory_space<vmem>>) semaphore(%run_scoped3A_177 : memref<!tpu.dma_semaphore, #tpu.memory_space<semaphore_mem>>) {add = true}
        %dma_wait3A_184 = arith.constant 0 : i32
        %dma_wait3A_185 = tpu.memref_slice %arg8[%mul3A_144, %dma_wait3A_184] : memref<40x128xi32, #tpu.memory_space<vmem>> -> memref<1x128xi32, #tpu.memory_space<vmem>>
        %dma_wait3A_186 = tpu.memref_squeeze %dma_wait3A_185 : memref<1x128xi32, #tpu.memory_space<vmem>> -> memref<128xi32, #tpu.memory_space<vmem>>
        %dma_wait3A_187 = arith.constant 0 : i32
        %dma_wait3A_188 = arith.constant 0 : i32
        %dma_wait3A_189 = tpu.memref_slice %arg11[%dma_wait3A_187, %dma_wait3A_188] : memref<10112x128xf32, #tpu.memory_space<vmem_shared>> -> memref<10112x128xf32, #tpu.memory_space<vmem_shared>>
        tpu.wait_indirect_dma semaphore(%run_scoped3A_177 : memref<!tpu.dma_semaphore, #tpu.memory_space<semaphore_mem>>) src(%arg9 : memref<128x128xf32, #tpu.memory_space<vmem>>) dst(%dma_wait3A_189 : memref<10112x128xf32, #tpu.memory_space<vmem_shared>>)
        tpu.yield
      }) : () -> ()
      %add3A_159 = arith.constant 2 : i32
      %add3A_160 = arith.addi %mul3A_144, %add3A_159 : i32
      %dma_start3A_161 = arith.constant 0 : i32
      %dma_start3A_162 = tpu.memref_slice %arg7[%add3A_160, %dma_start3A_161] : memref<40x128xi32, #tpu.memory_space<vmem>> -> memref<1x128xi32, #tpu.memory_space<vmem>>
      %dma_start3A_163 = tpu.memref_squeeze %dma_start3A_162 : memref<1x128xi32, #tpu.memory_space<vmem>> -> memref<128xi32, #tpu.memory_space<vmem>>
      %dma_start3A_164 = arith.constant 0 : i32
      %dma_start3A_165 = arith.constant 0 : i32
      %dma_start3A_166 = tpu.memref_slice %arg2[%dma_start3A_164, %dma_start3A_165] : memref<10000x128xf32, #tpu.memory_space<hbm>> -> memref<10000x128xf32, #tpu.memory_space<hbm>>
      tpu.enqueue_indirect_dma source(%dma_start3A_166 : memref<10000x128xf32, #tpu.memory_space<hbm>>) target(%arg9 : memref<128x128xf32, #tpu.memory_space<vmem>>) offsets(%dma_start3A_163 : memref<128xi32, #tpu.memory_space<vmem>>) semaphore(%arg12 : memref<!tpu.dma_semaphore, #tpu.memory_space<semaphore_mem>>)
      %add3A_167 = arith.constant 1 : i32
      %add3A_168 = arith.addi %mul3A_144, %add3A_167 : i32
      %dma_wait3A_169 = arith.constant 0 : i32
      %dma_wait3A_170 = tpu.memref_slice %arg7[%add3A_168, %dma_wait3A_169] : memref<40x128xi32, #tpu.memory_space<vmem>> -> memref<1x128xi32, #tpu.memory_space<vmem>>
      %dma_wait3A_171 = tpu.memref_squeeze %dma_wait3A_170 : memref<1x128xi32, #tpu.memory_space<vmem>> -> memref<128xi32, #tpu.memory_space<vmem>>
      %dma_wait3A_172 = arith.constant 0 : i32
      %dma_wait3A_173 = arith.constant 0 : i32
      %dma_wait3A_174 = tpu.memref_slice %arg2[%dma_wait3A_172, %dma_wait3A_173] : memref<10000x128xf32, #tpu.memory_space<hbm>> -> memref<10000x128xf32, #tpu.memory_space<hbm>>
      tpu.wait_indirect_dma semaphore(%arg13 : memref<!tpu.dma_semaphore, #tpu.memory_space<semaphore_mem>>) src(%dma_wait3A_174 : memref<10000x128xf32, #tpu.memory_space<hbm>>) dst(%arg10 : memref<128x128xf32, #tpu.memory_space<vmem>>)
      %add3A_175 = arith.constant 1 : i32
      %add3A_176 = arith.addi %mul3A_144, %add3A_175 : i32
      "tpu.region"() ({
        %run_scoped3A_177 = tpu.sem_alloc : memref<!tpu.dma_semaphore, #tpu.memory_space<semaphore_mem>>
        %dma_start3A_178 = arith.constant 0 : i32
        %dma_start3A_179 = tpu.memref_slice %arg8[%add3A_176, %dma_start3A_178] : memref<40x128xi32, #tpu.memory_space<vmem>> -> memref<1x128xi32, #tpu.memory_space<vmem>>
        %dma_start3A_180 = tpu.memref_squeeze %dma_start3A_179 : memref<1x128xi32, #tpu.memory_space<vmem>> -> memref<128xi32, #tpu.memory_space<vmem>>
        %dma_start3A_181 = arith.constant 0 : i32
        %dma_start3A_182 = arith.constant 0 : i32
        %dma_start3A_183 = tpu.memref_slice %arg11[%dma_start3A_181, %dma_start3A_182] : memref<10112x128xf32, #tpu.memory_space<vmem_shared>> -> memref<10112x128xf32, #tpu.memory_space<vmem_shared>>
        tpu.enqueue_indirect_dma source(%arg10 : memref<128x128xf32, #tpu.memory_space<vmem>>) target(%dma_start3A_183 : memref<10112x128xf32, #tpu.memory_space<vmem_shared>>) offsets(%dma_start3A_180 : memref<128xi32, #tpu.memory_space<vmem>>) semaphore(%run_scoped3A_177 : memref<!tpu.dma_semaphore, #tpu.memory_space<semaphore_mem>>) {add = true}
        %dma_wait3A_184 = arith.constant 0 : i32
        %dma_wait3A_185 = tpu.memref_slice %arg8[%add3A_176, %dma_wait3A_184] : memref<40x128xi32, #tpu.memory_space<vmem>> -> memref<1x128xi32, #tpu.memory_space<vmem>>
        %dma_wait3A_186 = tpu.memref_squeeze %dma_wait3A_185 : memref<1x128xi32, #tpu.memory_space<vmem>> -> memref<128xi32, #tpu.memory_space<vmem>>
        %dma_wait3A_187 = arith.constant 0 : i32
        %dma_wait3A_188 = arith.constant 0 : i32
        %dma_wait3A_189 = tpu.memref_slice %arg11[%dma_wait3A_187, %dma_wait3A_188] : memref<10112x128xf32, #tpu.memory_space<vmem_shared>> -> memref<10112x128xf32, #tpu.memory_space<vmem_shared>>
        tpu.wait_indirect_dma semaphore(%run_scoped3A_177 : memref<!tpu.dma_semaphore, #tpu.memory_space<semaphore_mem>>) src(%arg10 : memref<128x128xf32, #tpu.memory_space<vmem>>) dst(%dma_wait3A_189 : memref<10112x128xf32, #tpu.memory_space<vmem_shared>>)
        tpu.yield
      }) : () -> ()
    }
    %scan3A_113 = arith.constant 19 : i32
    %dma_start3A_114 = arith.constant 39 : i32
    %dma_start3A_115 = arith.constant 0 : i32
    %dma_start3A_116 = tpu.memref_slice %arg7[%dma_start3A_114, %dma_start3A_115] : memref<40x128xi32, #tpu.memory_space<vmem>> -> memref<1x128xi32, #tpu.memory_space<vmem>>
    %dma_start3A_117 = tpu.memref_squeeze %dma_start3A_116 : memref<1x128xi32, #tpu.memory_space<vmem>> -> memref<128xi32, #tpu.memory_space<vmem>>
    %dma_start3A_118 = arith.constant 0 : i32
    %dma_start3A_119 = arith.constant 0 : i32
    %dma_start3A_120 = tpu.memref_slice %arg2[%dma_start3A_118, %dma_start3A_119] : memref<10000x128xf32, #tpu.memory_space<hbm>> -> memref<10000x128xf32, #tpu.memory_space<hbm>>
    tpu.enqueue_indirect_dma source(%dma_start3A_120 : memref<10000x128xf32, #tpu.memory_space<hbm>>) target(%arg10 : memref<128x128xf32, #tpu.memory_space<vmem>>) offsets(%dma_start3A_117 : memref<128xi32, #tpu.memory_space<vmem>>) semaphore(%arg13 : memref<!tpu.dma_semaphore, #tpu.memory_space<semaphore_mem>>)
    %dma_wait3A_121 = arith.constant 38 : i32
    %dma_wait3A_122 = arith.constant 0 : i32
    %dma_wait3A_123 = tpu.memref_slice %arg7[%dma_wait3A_121, %dma_wait3A_122] : memref<40x128xi32, #tpu.memory_space<vmem>> -> memref<1x128xi32, #tpu.memory_space<vmem>>
    %dma_wait3A_124 = tpu.memref_squeeze %dma_wait3A_123 : memref<1x128xi32, #tpu.memory_space<vmem>> -> memref<128xi32, #tpu.memory_space<vmem>>
    %dma_wait3A_125 = arith.constant 0 : i32
    %dma_wait3A_126 = arith.constant 0 : i32
    %dma_wait3A_127 = tpu.memref_slice %arg2[%dma_wait3A_125, %dma_wait3A_126] : memref<10000x128xf32, #tpu.memory_space<hbm>> -> memref<10000x128xf32, #tpu.memory_space<hbm>>
    tpu.wait_indirect_dma semaphore(%arg12 : memref<!tpu.dma_semaphore, #tpu.memory_space<semaphore_mem>>) src(%dma_wait3A_127 : memref<10000x128xf32, #tpu.memory_space<hbm>>) dst(%arg9 : memref<128x128xf32, #tpu.memory_space<vmem>>)
    %run_scoped3A_128 = arith.constant 38 : i32
    "tpu.region"() ({
      %run_scoped3A_142 = tpu.sem_alloc : memref<!tpu.dma_semaphore, #tpu.memory_space<semaphore_mem>>
      %dma_start3A_143 = arith.constant 0 : i32
      %dma_start3A_144 = tpu.memref_slice %arg8[%run_scoped3A_128, %dma_start3A_143] : memref<40x128xi32, #tpu.memory_space<vmem>> -> memref<1x128xi32, #tpu.memory_space<vmem>>
      %dma_start3A_145 = tpu.memref_squeeze %dma_start3A_144 : memref<1x128xi32, #tpu.memory_space<vmem>> -> memref<128xi32, #tpu.memory_space<vmem>>
      %dma_start3A_146 = arith.constant 0 : i32
      %dma_start3A_147 = arith.constant 0 : i32
      %dma_start3A_148 = tpu.memref_slice %arg11[%dma_start3A_146, %dma_start3A_147] : memref<10112x128xf32, #tpu.memory_space<vmem_shared>> -> memref<10112x128xf32, #tpu.memory_space<vmem_shared>>
      tpu.enqueue_indirect_dma source(%arg9 : memref<128x128xf32, #tpu.memory_space<vmem>>) target(%dma_start3A_148 : memref<10112x128xf32, #tpu.memory_space<vmem_shared>>) offsets(%dma_start3A_145 : memref<128xi32, #tpu.memory_space<vmem>>) semaphore(%run_scoped3A_142 : memref<!tpu.dma_semaphore, #tpu.memory_space<semaphore_mem>>) {add = true}
      %dma_wait3A_149 = arith.constant 0 : i32
      %dma_wait3A_150 = tpu.memref_slice %arg8[%run_scoped3A_128, %dma_wait3A_149] : memref<40x128xi32, #tpu.memory_space<vmem>> -> memref<1x128xi32, #tpu.memory_space<vmem>>
      %dma_wait3A_151 = tpu.memref_squeeze %dma_wait3A_150 : memref<1x128xi32, #tpu.memory_space<vmem>> -> memref<128xi32, #tpu.memory_space<vmem>>
      %dma_wait3A_152 = arith.constant 0 : i32
      %dma_wait3A_153 = arith.constant 0 : i32
      %dma_wait3A_154 = tpu.memref_slice %arg11[%dma_wait3A_152, %dma_wait3A_153] : memref<10112x128xf32, #tpu.memory_space<vmem_shared>> -> memref<10112x128xf32, #tpu.memory_space<vmem_shared>>
      tpu.wait_indirect_dma semaphore(%run_scoped3A_142 : memref<!tpu.dma_semaphore, #tpu.memory_space<semaphore_mem>>) src(%arg9 : memref<128x128xf32, #tpu.memory_space<vmem>>) dst(%dma_wait3A_154 : memref<10112x128xf32, #tpu.memory_space<vmem_shared>>)
      tpu.yield
    }) : () -> ()
    %dma_wait3A_129 = arith.constant 39 : i32
    %dma_wait3A_130 = arith.constant 0 : i32
    %dma_wait3A_131 = tpu.memref_slice %arg7[%dma_wait3A_129, %dma_wait3A_130] : memref<40x128xi32, #tpu.memory_space<vmem>> -> memref<1x128xi32, #tpu.memory_space<vmem>>
    %dma_wait3A_132 = tpu.memref_squeeze %dma_wait3A_131 : memref<1x128xi32, #tpu.memory_space<vmem>> -> memref<128xi32, #tpu.memory_space<vmem>>
    %dma_wait3A_133 = arith.constant 0 : i32
    %dma_wait3A_134 = arith.constant 0 : i32
    %dma_wait3A_135 = tpu.memref_slice %arg2[%dma_wait3A_133, %dma_wait3A_134] : memref<10000x128xf32, #tpu.memory_space<hbm>> -> memref<10000x128xf32, #tpu.memory_space<hbm>>
    tpu.wait_indirect_dma semaphore(%arg13 : memref<!tpu.dma_semaphore, #tpu.memory_space<semaphore_mem>>) src(%dma_wait3A_135 : memref<10000x128xf32, #tpu.memory_space<hbm>>) dst(%arg10 : memref<128x128xf32, #tpu.memory_space<vmem>>)
    %run_scoped3A_136 = arith.constant 39 : i32
    "tpu.region"() ({
      %run_scoped3A_142 = tpu.sem_alloc : memref<!tpu.dma_semaphore, #tpu.memory_space<semaphore_mem>>
      %dma_start3A_143 = arith.constant 0 : i32
      %dma_start3A_144 = tpu.memref_slice %arg8[%run_scoped3A_136, %dma_start3A_143] : memref<40x128xi32, #tpu.memory_space<vmem>> -> memref<1x128xi32, #tpu.memory_space<vmem>>
      %dma_start3A_145 = tpu.memref_squeeze %dma_start3A_144 : memref<1x128xi32, #tpu.memory_space<vmem>> -> memref<128xi32, #tpu.memory_space<vmem>>
      %dma_start3A_146 = arith.constant 0 : i32
      %dma_start3A_147 = arith.constant 0 : i32
      %dma_start3A_148 = tpu.memref_slice %arg11[%dma_start3A_146, %dma_start3A_147] : memref<10112x128xf32, #tpu.memory_space<vmem_shared>> -> memref<10112x128xf32, #tpu.memory_space<vmem_shared>>
      tpu.enqueue_indirect_dma source(%arg10 : memref<128x128xf32, #tpu.memory_space<vmem>>) target(%dma_start3A_148 : memref<10112x128xf32, #tpu.memory_space<vmem_shared>>) offsets(%dma_start3A_145 : memref<128xi32, #tpu.memory_space<vmem>>) semaphore(%run_scoped3A_142 : memref<!tpu.dma_semaphore, #tpu.memory_space<semaphore_mem>>) {add = true}
      %dma_wait3A_149 = arith.constant 0 : i32
      %dma_wait3A_150 = tpu.memref_slice %arg8[%run_scoped3A_136, %dma_wait3A_149] : memref<40x128xi32, #tpu.memory_space<vmem>> -> memref<1x128xi32, #tpu.memory_space<vmem>>
      %dma_wait3A_151 = tpu.memref_squeeze %dma_wait3A_150 : memref<1x128xi32, #tpu.memory_space<vmem>> -> memref<128xi32, #tpu.memory_space<vmem>>
      %dma_wait3A_152 = arith.constant 0 : i32
      %dma_wait3A_153 = arith.constant 0 : i32
      %dma_wait3A_154 = tpu.memref_slice %arg11[%dma_wait3A_152, %dma_wait3A_153] : memref<10112x128xf32, #tpu.memory_space<vmem_shared>> -> memref<10112x128xf32, #tpu.memory_space<vmem_shared>>
      tpu.wait_indirect_dma semaphore(%run_scoped3A_142 : memref<!tpu.dma_semaphore, #tpu.memory_space<semaphore_mem>>) src(%arg10 : memref<128x128xf32, #tpu.memory_space<vmem>>) dst(%dma_wait3A_154 : memref<10112x128xf32, #tpu.memory_space<vmem_shared>>)
      tpu.yield
    }) : () -> ()
    %barrier3A_137 = arith.constant 0 : index
    tpu.barrier barrier_id(%barrier3A_137)
    %mul3A_138 = arith.constant 632 : i32
    %mul3A_139 = arith.muli %arg1, %mul3A_138 : i32
    %mul3A_140 = arith.constant 632 : i32
    %mul3A_141 = arith.muli %arg1, %mul3A_140 : i32
    "tpu.region"() ({
      %run_scoped3A_142 = tpu.sem_alloc : memref<!tpu.dma_semaphore, #tpu.memory_space<semaphore_mem>>
      %dma_start3A_143 = arith.constant 0 : i32
      %dma_start3A_144 = arith.constant 0 : i32
      %dma_start3A_145 = tpu.memref_slice %arg5[%arg0, %dma_start3A_143, %dma_start3A_144] : memref<2x10112x128xf32, #tpu.memory_space<hbm>> -> memref<1x10112x128xf32, #tpu.memory_space<hbm>>
      %dma_start3A_146 = tpu.memref_squeeze %dma_start3A_145 : memref<1x10112x128xf32, #tpu.memory_space<hbm>> -> memref<10112x128xf32, #tpu.memory_space<hbm>>
      %dma_start3A_147 = arith.constant 0 : i32
      %dma_start3A_148 = tpu.memref_slice %dma_start3A_146[%mul3A_141, %dma_start3A_147] : memref<10112x128xf32, #tpu.memory_space<hbm>> -> memref<632x128xf32, #tpu.memory_space<hbm>>
      %dma_start3A_149 = arith.constant 0 : i32
      %dma_start3A_150 = tpu.memref_slice %arg11[%mul3A_139, %dma_start3A_149] : memref<10112x128xf32, #tpu.memory_space<vmem_shared>> -> memref<632x128xf32, #tpu.memory_space<vmem_shared>>
      tpu.enqueue_dma source(%dma_start3A_150 : memref<632x128xf32, #tpu.memory_space<vmem_shared>>) target(%dma_start3A_148 : memref<632x128xf32, #tpu.memory_space<hbm>>) target_semaphore(%run_scoped3A_142 : memref<!tpu.dma_semaphore, #tpu.memory_space<semaphore_mem>>)
      %dma_wait3A_151 = arith.constant 0 : i32
      %dma_wait3A_152 = arith.constant 0 : i32
      %dma_wait3A_153 = tpu.memref_slice %arg5[%arg0, %dma_wait3A_151, %dma_wait3A_152] : memref<2x10112x128xf32, #tpu.memory_space<hbm>> -> memref<1x10112x128xf32, #tpu.memory_space<hbm>>
      %dma_wait3A_154 = tpu.memref_squeeze %dma_wait3A_153 : memref<1x10112x128xf32, #tpu.memory_space<hbm>> -> memref<10112x128xf32, #tpu.memory_space<hbm>>
      %dma_wait3A_155 = arith.constant 0 : i32
      %dma_wait3A_156 = tpu.memref_slice %dma_wait3A_154[%mul3A_141, %dma_wait3A_155] : memref<10112x128xf32, #tpu.memory_space<hbm>> -> memref<632x128xf32, #tpu.memory_space<hbm>>
      %dma_wait3A_157 = arith.constant 0 : i32
      %dma_wait3A_158 = tpu.memref_slice %arg11[%mul3A_139, %dma_wait3A_157] : memref<10112x128xf32, #tpu.memory_space<vmem_shared>> -> memref<632x128xf32, #tpu.memory_space<vmem_shared>>
      tpu.wait_dma2 semaphore(%run_scoped3A_142 : memref<!tpu.dma_semaphore, #tpu.memory_space<semaphore_mem>>) src(%dma_wait3A_158 : memref<632x128xf32, #tpu.memory_space<vmem_shared>>) dst(%dma_wait3A_156 : memref<632x128xf32, #tpu.memory_space<hbm>>)
      tpu.yield
    }) : () -> ()
    return
  }
}

module attributes {stable_mosaic.version = 14 : i64} {
  func.func @_tc_pre_body(%arg0: i32, %arg1: memref<2000x128xf32, #tpu.memory_space<vmem>>, %arg2: memref<128x128xf32, #tpu.memory_space<vmem>>, %arg3: memref<1x128xf32, #tpu.memory_space<vmem>>, %arg4: memref<1x128xf32, #tpu.memory_space<vmem>>, %arg5: memref<1x128xf32, #tpu.memory_space<vmem>>, %arg6: memref<2000x128xf32, #tpu.memory_space<vmem>>, %arg7: memref<2000x128xf32, #tpu.memory_space<vmem>>) attributes {dimension_semantics = [#tpu.dimension_semantics<arbitrary>], iteration_bounds = array<i64: 5>, scalar_prefetch = 0 : i64, scratch_operands = 0 : i64, tpu.core_type = #tpu.core_type<tc>, window_params = [{transform_indices = @transform_0, window_bounds = array<i64: 2000, 128>}, {pipeline_mode = #tpu.pipeline_mode<synchronous>, transform_indices = @transform_1, window_bounds = array<i64: 128, 128>}, {pipeline_mode = #tpu.pipeline_mode<synchronous>, transform_indices = @transform_2, window_bounds = array<i64: 1, 128>}, {pipeline_mode = #tpu.pipeline_mode<synchronous>, transform_indices = @transform_3, window_bounds = array<i64: 1, 128>}, {pipeline_mode = #tpu.pipeline_mode<synchronous>, transform_indices = @transform_4, window_bounds = array<i64: 1, 128>}, {transform_indices = @transform_5, window_bounds = array<i64: 2000, 128>}, {transform_indices = @transform_6, window_bounds = array<i64: 2000, 128>}]} {
    %get3A = arith.constant 0 : index
    %get3A_0 = arith.constant 0 : index
    %get3A_1 = vector.load %arg1[%get3A, %get3A_0] : memref<2000x128xf32, #tpu.memory_space<vmem>>, vector<2000x128xf32>
    %get3A_2 = arith.constant 0 : index
    %get3A_3 = arith.constant 0 : index
    %get3A_4 = vector.load %arg2[%get3A_2, %get3A_3] : memref<128x128xf32, #tpu.memory_space<vmem>>, vector<128x128xf32>
    %dot_general3A = arith.constant dense<0.000000e+00> : vector<2000x128xf32>
    %dot_general3A_5 = tpu.matmul %get3A_1, %get3A_4, %dot_general3A {dimension_numbers = #tpu.dot_dimension_numbers<[1], [0], [0], [1], [0, 0, 1, 1], [], []>, precision = #tpu.contract_precision<fp32>, transpose_lhs_hint = false} : vector<2000x128xf32>, vector<128x128xf32>, vector<2000x128xf32> -> vector<2000x128xf32>
    %get3A_6 = arith.constant 0 : index
    %get3A_7 = arith.constant 0 : index
    %get3A_8 = vector.load %arg3[%get3A_6, %get3A_7] : memref<1x128xf32, #tpu.memory_space<vmem>>, vector<1x128xf32>
    %add3A = vector.broadcast %get3A_8 : vector<1x128xf32> to vector<2000x128xf32>
    %add3A_9 = arith.addf %dot_general3A_5, %add3A : vector<2000x128xf32>
    %swap3A = arith.constant 0 : index
    %swap3A_10 = arith.constant 0 : index
    %swap3A_11 = vector.load %arg6[%swap3A, %swap3A_10] : memref<2000x128xf32, #tpu.memory_space<vmem>>, vector<2000x128xf32>
    tpu.vector_store %arg6[%swap3A, %swap3A_10], %add3A_9 {strides = array<i32>} : memref<2000x128xf32, #tpu.memory_space<vmem>>, vector<2000x128xf32>,
    %get3A_12 = arith.constant 0 : index
    %get3A_13 = arith.constant 0 : index
    %get3A_14 = vector.load %arg4[%get3A_12, %get3A_13] : memref<1x128xf32, #tpu.memory_space<vmem>>, vector<1x128xf32>
    %get3A_15 = arith.constant 0 : index
    %get3A_16 = arith.constant 0 : index
    %get3A_17 = vector.load %arg5[%get3A_15, %get3A_16] : memref<1x128xf32, #tpu.memory_space<vmem>>, vector<1x128xf32>
    %reduce_sum3A = arith.constant dense<0.000000e+00> : vector<2000xf32>
    %reduce_sum3A_18 = vector.multi_reduction <add>, %add3A_9, %reduce_sum3A [1] : vector<2000x128xf32> to vector<2000xf32>
    %broadcast_in_dim3A = vector.shape_cast %reduce_sum3A_18 : vector<2000xf32> to vector<2000x1xf32>
    %div3A = arith.constant 1.280000e+02 : f32
    %div3A_19 = vector.broadcast %div3A : f32 to vector<2000x1xf32>
    %div3A_20 = arith.divf %broadcast_in_dim3A, %div3A_19 : vector<2000x1xf32>
    %sub3A = vector.broadcast %div3A_20 : vector<2000x1xf32> to vector<2000x128xf32>
    %sub3A_21 = arith.subf %add3A_9, %sub3A : vector<2000x128xf32>
    %mul3A = arith.mulf %sub3A_21, %sub3A_21 : vector<2000x128xf32>
    %reduce_sum3A_22 = arith.constant dense<0.000000e+00> : vector<2000xf32>
    %reduce_sum3A_23 = vector.multi_reduction <add>, %mul3A, %reduce_sum3A_22 [1] : vector<2000x128xf32> to vector<2000xf32>
    %broadcast_in_dim3A_24 = vector.shape_cast %reduce_sum3A_23 : vector<2000xf32> to vector<2000x1xf32>
    %div3A_25 = arith.constant 1.280000e+02 : f32
    %div3A_26 = vector.broadcast %div3A_25 : f32 to vector<2000x1xf32>
    %div3A_27 = arith.divf %broadcast_in_dim3A_24, %div3A_26 : vector<2000x1xf32>
    %add3A_28 = arith.constant 9.99999974E-6 : f32
    %add3A_29 = vector.broadcast %add3A_28 : f32 to vector<2000x1xf32>
    %add3A_30 = arith.addf %div3A_27, %add3A_29 : vector<2000x1xf32>
    %rsqrt3A = math.rsqrt %add3A_30 : vector<2000x1xf32>
    %mul3A_31 = vector.broadcast %rsqrt3A : vector<2000x1xf32> to vector<2000x128xf32>
    %mul3A_32 = arith.mulf %sub3A_21, %mul3A_31 : vector<2000x128xf32>
    %mul3A_33 = vector.broadcast %get3A_14 : vector<1x128xf32> to vector<2000x128xf32>
    %mul3A_34 = arith.mulf %mul3A_32, %mul3A_33 : vector<2000x128xf32>
    %add3A_35 = vector.broadcast %get3A_17 : vector<1x128xf32> to vector<2000x128xf32>
    %add3A_36 = arith.addf %mul3A_34, %add3A_35 : vector<2000x128xf32>
    %max3A = arith.constant 0.000000e+00 : f32
    %max3A_37 = vector.broadcast %max3A : f32 to vector<2000x128xf32>
    %max3A_38 = arith.maximumf %add3A_36, %max3A_37 : vector<2000x128xf32>
    %swap3A_39 = arith.constant 0 : index
    %swap3A_40 = arith.constant 0 : index
    %swap3A_41 = vector.load %arg7[%swap3A_39, %swap3A_40] : memref<2000x128xf32, #tpu.memory_space<vmem>>, vector<2000x128xf32>
    tpu.vector_store %arg7[%swap3A_39, %swap3A_40], %max3A_38 {strides = array<i32>} : memref<2000x128xf32, #tpu.memory_space<vmem>>, vector<2000x128xf32>,
    return
  }
  func.func @transform_0(%arg0: i32) -> (i32, i32) {
    %c0_i32 = arith.constant 0 : i32
    %c0_i32_0 = arith.constant 0 : i32
    return %arg0, %c0_i32 : i32, i32
  }
  func.func @transform_1(%arg0: i32) -> (i32, i32) {
    %c0_i32 = arith.constant 0 : i32
    %c0_i32_0 = arith.constant 0 : i32
    %c0_i32_1 = arith.constant 0 : i32
    return %c0_i32, %c0_i32_0 : i32, i32
  }
  func.func @transform_2(%arg0: i32) -> (i32, i32) {
    %c0_i32 = arith.constant 0 : i32
    %c0_i32_0 = arith.constant 0 : i32
    %c0_i32_1 = arith.constant 0 : i32
    return %c0_i32, %c0_i32_0 : i32, i32
  }
  func.func @transform_3(%arg0: i32) -> (i32, i32) {
    %c0_i32 = arith.constant 0 : i32
    %c0_i32_0 = arith.constant 0 : i32
    %c0_i32_1 = arith.constant 0 : i32
    return %c0_i32, %c0_i32_0 : i32, i32
  }
  func.func @transform_4(%arg0: i32) -> (i32, i32) {
    %c0_i32 = arith.constant 0 : i32
    %c0_i32_0 = arith.constant 0 : i32
    %c0_i32_1 = arith.constant 0 : i32
    return %c0_i32, %c0_i32_0 : i32, i32
  }
  func.func @transform_5(%arg0: i32) -> (i32, i32) {
    %c0_i32 = arith.constant 0 : i32
    %c0_i32_0 = arith.constant 0 : i32
    return %arg0, %c0_i32 : i32, i32
  }
  func.func @transform_6(%arg0: i32) -> (i32, i32) {
    %c0_i32 = arith.constant 0 : i32
    %c0_i32_0 = arith.constant 0 : i32
    return %arg0, %c0_i32 : i32, i32
  }
}

module attributes {stable_mosaic.version = 14 : i64} {
  func.func @_tc_mid_body(%arg0: i32, %arg1: memref<2x2000x128xf32, #tpu.memory_space<vmem>>, %arg2: memref<2x2000x16xf32, #tpu.memory_space<vmem>>, %arg3: memref<2000x128xf32, #tpu.memory_space<vmem>>, %arg4: memref<2000x128xf32, #tpu.memory_space<vmem>>, %arg5: memref<128x128xf32, #tpu.memory_space<vmem>>, %arg6: memref<1x128xf32, #tpu.memory_space<vmem>>, %arg7: memref<128x128xf32, #tpu.memory_space<vmem>>, %arg8: memref<1x128xf32, #tpu.memory_space<vmem>>, %arg9: memref<1x128xf32, #tpu.memory_space<vmem>>, %arg10: memref<2000x128xf32, #tpu.memory_space<vmem>>, %arg11: memref<2000x128xf32, #tpu.memory_space<vmem>>) attributes {dimension_semantics = [#tpu.dimension_semantics<arbitrary>], iteration_bounds = array<i64: 5>, scalar_prefetch = 0 : i64, scratch_operands = 0 : i64, tpu.core_type = #tpu.core_type<tc>, window_params = [{transform_indices = @transform_0, window_bounds = array<i64: 2, 2000, 128>}, {transform_indices = @transform_1, window_bounds = array<i64: 2, 2000, 16>}, {transform_indices = @transform_2, window_bounds = array<i64: 2000, 128>}, {transform_indices = @transform_3, window_bounds = array<i64: 2000, 128>}, {pipeline_mode = #tpu.pipeline_mode<synchronous>, transform_indices = @transform_4, window_bounds = array<i64: 128, 128>}, {pipeline_mode = #tpu.pipeline_mode<synchronous>, transform_indices = @transform_5, window_bounds = array<i64: 1, 128>}, {pipeline_mode = #tpu.pipeline_mode<synchronous>, transform_indices = @transform_6, window_bounds = array<i64: 128, 128>}, {pipeline_mode = #tpu.pipeline_mode<synchronous>, transform_indices = @transform_7, window_bounds = array<i64: 1, 128>}, {pipeline_mode = #tpu.pipeline_mode<synchronous>, transform_indices = @transform_8, window_bounds = array<i64: 1, 128>}, {transform_indices = @transform_9, window_bounds = array<i64: 2000, 128>}, {transform_indices = @transform_10, window_bounds = array<i64: 2000, 128>}]} {
    %get3A = arith.constant 0 : index
    %get3A_0 = arith.constant 0 : index
    %get3A_1 = vector.load %arg3[%get3A, %get3A_0] : memref<2000x128xf32, #tpu.memory_space<vmem>>, vector<2000x128xf32>
    %get3A_2 = arith.constant 0 : index
    %get3A_3 = arith.constant 0 : index
    %get3A_4 = vector.load %arg4[%get3A_2, %get3A_3] : memref<2000x128xf32, #tpu.memory_space<vmem>>, vector<2000x128xf32>
    %get3A_5 = arith.constant 0 : index
    %get3A_6 = arith.constant 0 : index
    %get3A_7 = vector.load %arg5[%get3A_5, %get3A_6] : memref<128x128xf32, #tpu.memory_space<vmem>>, vector<128x128xf32>
    %get3A_8 = arith.constant 0 : index
    %get3A_9 = arith.constant 0 : index
    %get3A_10 = vector.load %arg6[%get3A_8, %get3A_9] : memref<1x128xf32, #tpu.memory_space<vmem>>, vector<1x128xf32>
    %get3A_11 = arith.constant 0 : index
    %get3A_12 = arith.constant 0 : index
    %get3A_13 = vector.load %arg7[%get3A_11, %get3A_12] : memref<128x128xf32, #tpu.memory_space<vmem>>, vector<128x128xf32>
    %get3A_14 = arith.constant 0 : index
    %get3A_15 = arith.constant 0 : index
    %get3A_16 = arith.constant 0 : index
    %get3A_17 = vector.load %arg2[%get3A_14, %get3A_15, %get3A_16] : memref<2x2000x16xf32, #tpu.memory_space<vmem>>, vector<1x2000x16xf32>
    %get3A_18 = vector.shape_cast %get3A_17 : vector<1x2000x16xf32> to vector<2000x16xf32>
    %slice3A = vector.extract_strided_slice %get3A_18 {offsets = [0, 0], sizes = [2000, 1], strides = [1, 1]} : vector<2000x16xf32> to vector<2000x1xf32>
    %get3A_19 = arith.constant 1 : index
    %get3A_20 = arith.constant 0 : index
    %get3A_21 = arith.constant 0 : index
    %get3A_22 = vector.load %arg2[%get3A_19, %get3A_20, %get3A_21] : memref<2x2000x16xf32, #tpu.memory_space<vmem>>, vector<1x2000x16xf32>
    %get3A_23 = vector.shape_cast %get3A_22 : vector<1x2000x16xf32> to vector<2000x16xf32>
    %slice3A_24 = vector.extract_strided_slice %get3A_23 {offsets = [0, 0], sizes = [2000, 1], strides = [1, 1]} : vector<2000x16xf32> to vector<2000x1xf32>
    %add3A = arith.addf %slice3A, %slice3A_24 : vector<2000x1xf32>
    %max3A = arith.constant 1.000000e+00 : f32
    %max3A_25 = vector.broadcast %max3A : f32 to vector<2000x1xf32>
    %max3A_26 = arith.maximumf %add3A, %max3A_25 : vector<2000x1xf32>
    %div3A = arith.constant 1.000000e+00 : f32
    %div3A_27 = vector.broadcast %div3A : f32 to vector<2000x1xf32>
    %div3A_28 = arith.divf %div3A_27, %max3A_26 : vector<2000x1xf32>
    %get3A_29 = arith.constant 0 : index
    %get3A_30 = arith.constant 0 : index
    %get3A_31 = arith.constant 0 : index
    %get3A_32 = vector.load %arg1[%get3A_29, %get3A_30, %get3A_31] : memref<2x2000x128xf32, #tpu.memory_space<vmem>>, vector<1x2000x128xf32>
    %get3A_33 = vector.shape_cast %get3A_32 : vector<1x2000x128xf32> to vector<2000x128xf32>
    %get3A_34 = arith.constant 1 : index
    %get3A_35 = arith.constant 0 : index
    %get3A_36 = arith.constant 0 : index
    %get3A_37 = vector.load %arg1[%get3A_34, %get3A_35, %get3A_36] : memref<2x2000x128xf32, #tpu.memory_space<vmem>>, vector<1x2000x128xf32>
    %get3A_38 = vector.shape_cast %get3A_37 : vector<1x2000x128xf32> to vector<2000x128xf32>
    %add3A_39 = arith.addf %get3A_33, %get3A_38 : vector<2000x128xf32>
    %mul3A = vector.broadcast %div3A_28 : vector<2000x1xf32> to vector<2000x128xf32>
    %mul3A_40 = arith.mulf %add3A_39, %mul3A : vector<2000x128xf32>
    %dot_general3A = arith.constant dense<0.000000e+00> : vector<2000x128xf32>
    %dot_general3A_41 = tpu.matmul %mul3A_40, %get3A_7, %dot_general3A {dimension_numbers = #tpu.dot_dimension_numbers<[1], [0], [0], [1], [0, 0, 1, 1], [], []>, precision = #tpu.contract_precision<fp32>, transpose_lhs_hint = false} : vector<2000x128xf32>, vector<128x128xf32>, vector<2000x128xf32> -> vector<2000x128xf32>
    %add3A_42 = vector.broadcast %get3A_10 : vector<1x128xf32> to vector<2000x128xf32>
    %add3A_43 = arith.addf %dot_general3A_41, %add3A_42 : vector<2000x128xf32>
    %dot_general3A_44 = arith.constant dense<0.000000e+00> : vector<2000x128xf32>
    %dot_general3A_45 = tpu.matmul %get3A_1, %get3A_13, %dot_general3A_44 {dimension_numbers = #tpu.dot_dimension_numbers<[1], [0], [0], [1], [0, 0, 1, 1], [], []>, precision = #tpu.contract_precision<fp32>, transpose_lhs_hint = false} : vector<2000x128xf32>, vector<128x128xf32>, vector<2000x128xf32> -> vector<2000x128xf32>
    %add3A_46 = arith.addf %add3A_43, %dot_general3A_45 : vector<2000x128xf32>
    %add3A_47 = arith.addf %add3A_46, %get3A_4 : vector<2000x128xf32>
    %swap3A = arith.constant 0 : index
    %swap3A_48 = arith.constant 0 : index
    %swap3A_49 = vector.load %arg10[%swap3A, %swap3A_48] : memref<2000x128xf32, #tpu.memory_space<vmem>>, vector<2000x128xf32>
    tpu.vector_store %arg10[%swap3A, %swap3A_48], %add3A_47 {strides = array<i32>} : memref<2000x128xf32, #tpu.memory_space<vmem>>, vector<2000x128xf32>,
    %get3A_50 = arith.constant 0 : index
    %get3A_51 = arith.constant 0 : index
    %get3A_52 = vector.load %arg8[%get3A_50, %get3A_51] : memref<1x128xf32, #tpu.memory_space<vmem>>, vector<1x128xf32>
    %get3A_53 = arith.constant 0 : index
    %get3A_54 = arith.constant 0 : index
    %get3A_55 = vector.load %arg9[%get3A_53, %get3A_54] : memref<1x128xf32, #tpu.memory_space<vmem>>, vector<1x128xf32>
    %reduce_sum3A = arith.constant dense<0.000000e+00> : vector<2000xf32>
    %reduce_sum3A_56 = vector.multi_reduction <add>, %add3A_47, %reduce_sum3A [1] : vector<2000x128xf32> to vector<2000xf32>
    %broadcast_in_dim3A = vector.shape_cast %reduce_sum3A_56 : vector<2000xf32> to vector<2000x1xf32>
    %div3A_57 = arith.constant 1.280000e+02 : f32
    %div3A_58 = vector.broadcast %div3A_57 : f32 to vector<2000x1xf32>
    %div3A_59 = arith.divf %broadcast_in_dim3A, %div3A_58 : vector<2000x1xf32>
    %sub3A = vector.broadcast %div3A_59 : vector<2000x1xf32> to vector<2000x128xf32>
    %sub3A_60 = arith.subf %add3A_47, %sub3A : vector<2000x128xf32>
    %mul3A_61 = arith.mulf %sub3A_60, %sub3A_60 : vector<2000x128xf32>
    %reduce_sum3A_62 = arith.constant dense<0.000000e+00> : vector<2000xf32>
    %reduce_sum3A_63 = vector.multi_reduction <add>, %mul3A_61, %reduce_sum3A_62 [1] : vector<2000x128xf32> to vector<2000xf32>
    %broadcast_in_dim3A_64 = vector.shape_cast %reduce_sum3A_63 : vector<2000xf32> to vector<2000x1xf32>
    %div3A_65 = arith.constant 1.280000e+02 : f32
    %div3A_66 = vector.broadcast %div3A_65 : f32 to vector<2000x1xf32>
    %div3A_67 = arith.divf %broadcast_in_dim3A_64, %div3A_66 : vector<2000x1xf32>
    %add3A_68 = arith.constant 9.99999974E-6 : f32
    %add3A_69 = vector.broadcast %add3A_68 : f32 to vector<2000x1xf32>
    %add3A_70 = arith.addf %div3A_67, %add3A_69 : vector<2000x1xf32>
    %rsqrt3A = math.rsqrt %add3A_70 : vector<2000x1xf32>
    %mul3A_71 = vector.broadcast %rsqrt3A : vector<2000x1xf32> to vector<2000x128xf32>
    %mul3A_72 = arith.mulf %sub3A_60, %mul3A_71 : vector<2000x128xf32>
    %mul3A_73 = vector.broadcast %get3A_52 : vector<1x128xf32> to vector<2000x128xf32>
    %mul3A_74 = arith.mulf %mul3A_72, %mul3A_73 : vector<2000x128xf32>
    %add3A_75 = vector.broadcast %get3A_55 : vector<1x128xf32> to vector<2000x128xf32>
    %add3A_76 = arith.addf %mul3A_74, %add3A_75 : vector<2000x128xf32>
    %max3A_77 = arith.constant 0.000000e+00 : f32
    %max3A_78 = vector.broadcast %max3A_77 : f32 to vector<2000x128xf32>
    %max3A_79 = arith.maximumf %add3A_76, %max3A_78 : vector<2000x128xf32>
    %swap3A_80 = arith.constant 0 : index
    %swap3A_81 = arith.constant 0 : index
    %swap3A_82 = vector.load %arg11[%swap3A_80, %swap3A_81] : memref<2000x128xf32, #tpu.memory_space<vmem>>, vector<2000x128xf32>
    tpu.vector_store %arg11[%swap3A_80, %swap3A_81], %max3A_79 {strides = array<i32>} : memref<2000x128xf32, #tpu.memory_space<vmem>>, vector<2000x128xf32>,
    return
  }
  func.func @transform_0(%arg0: i32) -> (i32, i32, i32) {
    %c0_i32 = arith.constant 0 : i32
    %c0_i32_0 = arith.constant 0 : i32
    %c0_i32_1 = arith.constant 0 : i32
    return %c0_i32, %arg0, %c0_i32_0 : i32, i32, i32
  }
  func.func @transform_1(%arg0: i32) -> (i32, i32, i32) {
    %c0_i32 = arith.constant 0 : i32
    %c0_i32_0 = arith.constant 0 : i32
    %c0_i32_1 = arith.constant 0 : i32
    return %c0_i32, %arg0, %c0_i32_0 : i32, i32, i32
  }
  func.func @transform_2(%arg0: i32) -> (i32, i32) {
    %c0_i32 = arith.constant 0 : i32
    %c0_i32_0 = arith.constant 0 : i32
    return %arg0, %c0_i32 : i32, i32
  }
  func.func @transform_3(%arg0: i32) -> (i32, i32) {
    %c0_i32 = arith.constant 0 : i32
    %c0_i32_0 = arith.constant 0 : i32
    return %arg0, %c0_i32 : i32, i32
  }
  func.func @transform_4(%arg0: i32) -> (i32, i32) {
    %c0_i32 = arith.constant 0 : i32
    %c0_i32_0 = arith.constant 0 : i32
    %c0_i32_1 = arith.constant 0 : i32
    return %c0_i32, %c0_i32_0 : i32, i32
  }
  func.func @transform_5(%arg0: i32) -> (i32, i32) {
    %c0_i32 = arith.constant 0 : i32
    %c0_i32_0 = arith.constant 0 : i32
    %c0_i32_1 = arith.constant 0 : i32
    return %c0_i32, %c0_i32_0 : i32, i32
  }
  func.func @transform_6(%arg0: i32) -> (i32, i32) {
    %c0_i32 = arith.constant 0 : i32
    %c0_i32_0 = arith.constant 0 : i32
    %c0_i32_1 = arith.constant 0 : i32
    return %c0_i32, %c0_i32_0 : i32, i32
  }
  func.func @transform_7(%arg0: i32) -> (i32, i32) {
    %c0_i32 = arith.constant 0 : i32
    %c0_i32_0 = arith.constant 0 : i32
    %c0_i32_1 = arith.constant 0 : i32
    return %c0_i32, %c0_i32_0 : i32, i32
  }
  func.func @transform_8(%arg0: i32) -> (i32, i32) {
    %c0_i32 = arith.constant 0 : i32
    %c0_i32_0 = arith.constant 0 : i32
    %c0_i32_1 = arith.constant 0 : i32
    return %c0_i32, %c0_i32_0 : i32, i32
  }
  func.func @transform_9(%arg0: i32) -> (i32, i32) {
    %c0_i32 = arith.constant 0 : i32
    %c0_i32_0 = arith.constant 0 : i32
    return %arg0, %c0_i32 : i32, i32
  }
  func.func @transform_10(%arg0: i32) -> (i32, i32) {
    %c0_i32 = arith.constant 0 : i32
    %c0_i32_0 = arith.constant 0 : i32
    return %arg0, %c0_i32 : i32, i32
  }
}

module attributes {stable_mosaic.version = 14 : i64} {
  func.func @_tc_final_body(%arg0: i32, %arg1: memref<2x2000x128xf32, #tpu.memory_space<vmem>>, %arg2: memref<2x2000x16xf32, #tpu.memory_space<vmem>>, %arg3: memref<2000x128xf32, #tpu.memory_space<vmem>>, %arg4: memref<2000x128xf32, #tpu.memory_space<vmem>>, %arg5: memref<128x128xf32, #tpu.memory_space<vmem>>, %arg6: memref<1x128xf32, #tpu.memory_space<vmem>>, %arg7: memref<128x128xf32, #tpu.memory_space<vmem>>, %arg8: memref<1x128xf32, #tpu.memory_space<vmem>>, %arg9: memref<1x128xf32, #tpu.memory_space<vmem>>, %arg10: memref<128x128xf32, #tpu.memory_space<vmem>>, %arg11: memref<1x128xf32, #tpu.memory_space<vmem>>, %arg12: memref<2000x128xf32, #tpu.memory_space<vmem>>) attributes {dimension_semantics = [#tpu.dimension_semantics<arbitrary>], iteration_bounds = array<i64: 5>, scalar_prefetch = 0 : i64, scratch_operands = 0 : i64, tpu.core_type = #tpu.core_type<tc>, window_params = [{transform_indices = @transform_0, window_bounds = array<i64: 2, 2000, 128>}, {transform_indices = @transform_1, window_bounds = array<i64: 2, 2000, 16>}, {transform_indices = @transform_2, window_bounds = array<i64: 2000, 128>}, {transform_indices = @transform_3, window_bounds = array<i64: 2000, 128>}, {pipeline_mode = #tpu.pipeline_mode<synchronous>, transform_indices = @transform_4, window_bounds = array<i64: 128, 128>}, {pipeline_mode = #tpu.pipeline_mode<synchronous>, transform_indices = @transform_5, window_bounds = array<i64: 1, 128>}, {pipeline_mode = #tpu.pipeline_mode<synchronous>, transform_indices = @transform_6, window_bounds = array<i64: 128, 128>}, {pipeline_mode = #tpu.pipeline_mode<synchronous>, transform_indices = @transform_7, window_bounds = array<i64: 1, 128>}, {pipeline_mode = #tpu.pipeline_mode<synchronous>, transform_indices = @transform_8, window_bounds = array<i64: 1, 128>}, {pipeline_mode = #tpu.pipeline_mode<synchronous>, transform_indices = @transform_9, window_bounds = array<i64: 128, 128>}, {pipeline_mode = #tpu.pipeline_mode<synchronous>, transform_indices = @transform_10, window_bounds = array<i64: 1, 128>}, {transform_indices = @transform_11, window_bounds = array<i64: 2000, 128>}]} {
    %get3A = arith.constant 0 : index
    %get3A_0 = arith.constant 0 : index
    %get3A_1 = vector.load %arg3[%get3A, %get3A_0] : memref<2000x128xf32, #tpu.memory_space<vmem>>, vector<2000x128xf32>
    %get3A_2 = arith.constant 0 : index
    %get3A_3 = arith.constant 0 : index
    %get3A_4 = vector.load %arg4[%get3A_2, %get3A_3] : memref<2000x128xf32, #tpu.memory_space<vmem>>, vector<2000x128xf32>
    %get3A_5 = arith.constant 0 : index
    %get3A_6 = arith.constant 0 : index
    %get3A_7 = vector.load %arg5[%get3A_5, %get3A_6] : memref<128x128xf32, #tpu.memory_space<vmem>>, vector<128x128xf32>
    %get3A_8 = arith.constant 0 : index
    %get3A_9 = arith.constant 0 : index
    %get3A_10 = vector.load %arg6[%get3A_8, %get3A_9] : memref<1x128xf32, #tpu.memory_space<vmem>>, vector<1x128xf32>
    %get3A_11 = arith.constant 0 : index
    %get3A_12 = arith.constant 0 : index
    %get3A_13 = vector.load %arg7[%get3A_11, %get3A_12] : memref<128x128xf32, #tpu.memory_space<vmem>>, vector<128x128xf32>
    %get3A_14 = arith.constant 0 : index
    %get3A_15 = arith.constant 0 : index
    %get3A_16 = arith.constant 0 : index
    %get3A_17 = vector.load %arg2[%get3A_14, %get3A_15, %get3A_16] : memref<2x2000x16xf32, #tpu.memory_space<vmem>>, vector<1x2000x16xf32>
    %get3A_18 = vector.shape_cast %get3A_17 : vector<1x2000x16xf32> to vector<2000x16xf32>
    %slice3A = vector.extract_strided_slice %get3A_18 {offsets = [0, 0], sizes = [2000, 1], strides = [1, 1]} : vector<2000x16xf32> to vector<2000x1xf32>
    %get3A_19 = arith.constant 1 : index
    %get3A_20 = arith.constant 0 : index
    %get3A_21 = arith.constant 0 : index
    %get3A_22 = vector.load %arg2[%get3A_19, %get3A_20, %get3A_21] : memref<2x2000x16xf32, #tpu.memory_space<vmem>>, vector<1x2000x16xf32>
    %get3A_23 = vector.shape_cast %get3A_22 : vector<1x2000x16xf32> to vector<2000x16xf32>
    %slice3A_24 = vector.extract_strided_slice %get3A_23 {offsets = [0, 0], sizes = [2000, 1], strides = [1, 1]} : vector<2000x16xf32> to vector<2000x1xf32>
    %add3A = arith.addf %slice3A, %slice3A_24 : vector<2000x1xf32>
    %max3A = arith.constant 1.000000e+00 : f32
    %max3A_25 = vector.broadcast %max3A : f32 to vector<2000x1xf32>
    %max3A_26 = arith.maximumf %add3A, %max3A_25 : vector<2000x1xf32>
    %div3A = arith.constant 1.000000e+00 : f32
    %div3A_27 = vector.broadcast %div3A : f32 to vector<2000x1xf32>
    %div3A_28 = arith.divf %div3A_27, %max3A_26 : vector<2000x1xf32>
    %get3A_29 = arith.constant 0 : index
    %get3A_30 = arith.constant 0 : index
    %get3A_31 = arith.constant 0 : index
    %get3A_32 = vector.load %arg1[%get3A_29, %get3A_30, %get3A_31] : memref<2x2000x128xf32, #tpu.memory_space<vmem>>, vector<1x2000x128xf32>
    %get3A_33 = vector.shape_cast %get3A_32 : vector<1x2000x128xf32> to vector<2000x128xf32>
    %get3A_34 = arith.constant 1 : index
    %get3A_35 = arith.constant 0 : index
    %get3A_36 = arith.constant 0 : index
    %get3A_37 = vector.load %arg1[%get3A_34, %get3A_35, %get3A_36] : memref<2x2000x128xf32, #tpu.memory_space<vmem>>, vector<1x2000x128xf32>
    %get3A_38 = vector.shape_cast %get3A_37 : vector<1x2000x128xf32> to vector<2000x128xf32>
    %add3A_39 = arith.addf %get3A_33, %get3A_38 : vector<2000x128xf32>
    %mul3A = vector.broadcast %div3A_28 : vector<2000x1xf32> to vector<2000x128xf32>
    %mul3A_40 = arith.mulf %add3A_39, %mul3A : vector<2000x128xf32>
    %dot_general3A = arith.constant dense<0.000000e+00> : vector<2000x128xf32>
    %dot_general3A_41 = tpu.matmul %mul3A_40, %get3A_7, %dot_general3A {dimension_numbers = #tpu.dot_dimension_numbers<[1], [0], [0], [1], [0, 0, 1, 1], [], []>, precision = #tpu.contract_precision<fp32>, transpose_lhs_hint = false} : vector<2000x128xf32>, vector<128x128xf32>, vector<2000x128xf32> -> vector<2000x128xf32>
    %add3A_42 = vector.broadcast %get3A_10 : vector<1x128xf32> to vector<2000x128xf32>
    %add3A_43 = arith.addf %dot_general3A_41, %add3A_42 : vector<2000x128xf32>
    %dot_general3A_44 = arith.constant dense<0.000000e+00> : vector<2000x128xf32>
    %dot_general3A_45 = tpu.matmul %get3A_1, %get3A_13, %dot_general3A_44 {dimension_numbers = #tpu.dot_dimension_numbers<[1], [0], [0], [1], [0, 0, 1, 1], [], []>, precision = #tpu.contract_precision<fp32>, transpose_lhs_hint = false} : vector<2000x128xf32>, vector<128x128xf32>, vector<2000x128xf32> -> vector<2000x128xf32>
    %add3A_46 = arith.addf %add3A_43, %dot_general3A_45 : vector<2000x128xf32>
    %add3A_47 = arith.addf %add3A_46, %get3A_4 : vector<2000x128xf32>
    %get3A_48 = arith.constant 0 : index
    %get3A_49 = arith.constant 0 : index
    %get3A_50 = vector.load %arg8[%get3A_48, %get3A_49] : memref<1x128xf32, #tpu.memory_space<vmem>>, vector<1x128xf32>
    %get3A_51 = arith.constant 0 : index
    %get3A_52 = arith.constant 0 : index
    %get3A_53 = vector.load %arg9[%get3A_51, %get3A_52] : memref<1x128xf32, #tpu.memory_space<vmem>>, vector<1x128xf32>
    %reduce_sum3A = arith.constant dense<0.000000e+00> : vector<2000xf32>
    %reduce_sum3A_54 = vector.multi_reduction <add>, %add3A_47, %reduce_sum3A [1] : vector<2000x128xf32> to vector<2000xf32>
    %broadcast_in_dim3A = vector.shape_cast %reduce_sum3A_54 : vector<2000xf32> to vector<2000x1xf32>
    %div3A_55 = arith.constant 1.280000e+02 : f32
    %div3A_56 = vector.broadcast %div3A_55 : f32 to vector<2000x1xf32>
    %div3A_57 = arith.divf %broadcast_in_dim3A, %div3A_56 : vector<2000x1xf32>
    %sub3A = vector.broadcast %div3A_57 : vector<2000x1xf32> to vector<2000x128xf32>
    %sub3A_58 = arith.subf %add3A_47, %sub3A : vector<2000x128xf32>
    %mul3A_59 = arith.mulf %sub3A_58, %sub3A_58 : vector<2000x128xf32>
    %reduce_sum3A_60 = arith.constant dense<0.000000e+00> : vector<2000xf32>
    %reduce_sum3A_61 = vector.multi_reduction <add>, %mul3A_59, %reduce_sum3A_60 [1] : vector<2000x128xf32> to vector<2000xf32>
    %broadcast_in_dim3A_62 = vector.shape_cast %reduce_sum3A_61 : vector<2000xf32> to vector<2000x1xf32>
    %div3A_63 = arith.constant 1.280000e+02 : f32
    %div3A_64 = vector.broadcast %div3A_63 : f32 to vector<2000x1xf32>
    %div3A_65 = arith.divf %broadcast_in_dim3A_62, %div3A_64 : vector<2000x1xf32>
    %add3A_66 = arith.constant 9.99999974E-6 : f32
    %add3A_67 = vector.broadcast %add3A_66 : f32 to vector<2000x1xf32>
    %add3A_68 = arith.addf %div3A_65, %add3A_67 : vector<2000x1xf32>
    %rsqrt3A = math.rsqrt %add3A_68 : vector<2000x1xf32>
    %mul3A_69 = vector.broadcast %rsqrt3A : vector<2000x1xf32> to vector<2000x128xf32>
    %mul3A_70 = arith.mulf %sub3A_58, %mul3A_69 : vector<2000x128xf32>
    %mul3A_71 = vector.broadcast %get3A_50 : vector<1x128xf32> to vector<2000x128xf32>
    %mul3A_72 = arith.mulf %mul3A_70, %mul3A_71 : vector<2000x128xf32>
    %add3A_73 = vector.broadcast %get3A_53 : vector<1x128xf32> to vector<2000x128xf32>
    %add3A_74 = arith.addf %mul3A_72, %add3A_73 : vector<2000x128xf32>
    %max3A_75 = arith.constant 0.000000e+00 : f32
    %max3A_76 = vector.broadcast %max3A_75 : f32 to vector<2000x128xf32>
    %max3A_77 = arith.maximumf %add3A_74, %max3A_76 : vector<2000x128xf32>
    %get3A_78 = arith.constant 0 : index
    %get3A_79 = arith.constant 0 : index
    %get3A_80 = vector.load %arg10[%get3A_78, %get3A_79] : memref<128x128xf32, #tpu.memory_space<vmem>>, vector<128x128xf32>
    %dot_general3A_81 = arith.constant dense<0.000000e+00> : vector<2000x128xf32>
    %dot_general3A_82 = tpu.matmul %max3A_77, %get3A_80, %dot_general3A_81 {dimension_numbers = #tpu.dot_dimension_numbers<[1], [0], [0], [1], [0, 0, 1, 1], [], []>, precision = #tpu.contract_precision<fp32>, transpose_lhs_hint = false} : vector<2000x128xf32>, vector<128x128xf32>, vector<2000x128xf32> -> vector<2000x128xf32>
    %get3A_83 = arith.constant 0 : index
    %get3A_84 = arith.constant 0 : index
    %get3A_85 = vector.load %arg11[%get3A_83, %get3A_84] : memref<1x128xf32, #tpu.memory_space<vmem>>, vector<1x128xf32>
    %add3A_86 = vector.broadcast %get3A_85 : vector<1x128xf32> to vector<2000x128xf32>
    %add3A_87 = arith.addf %dot_general3A_82, %add3A_86 : vector<2000x128xf32>
    %swap3A = arith.constant 0 : index
    %swap3A_88 = arith.constant 0 : index
    %swap3A_89 = vector.load %arg12[%swap3A, %swap3A_88] : memref<2000x128xf32, #tpu.memory_space<vmem>>, vector<2000x128xf32>
    tpu.vector_store %arg12[%swap3A, %swap3A_88], %add3A_87 {strides = array<i32>} : memref<2000x128xf32, #tpu.memory_space<vmem>>, vector<2000x128xf32>,
    return
  }
  func.func @transform_0(%arg0: i32) -> (i32, i32, i32) {
    %c0_i32 = arith.constant 0 : i32
    %c0_i32_0 = arith.constant 0 : i32
    %c0_i32_1 = arith.constant 0 : i32
    return %c0_i32, %arg0, %c0_i32_0 : i32, i32, i32
  }
  func.func @transform_1(%arg0: i32) -> (i32, i32, i32) {
    %c0_i32 = arith.constant 0 : i32
    %c0_i32_0 = arith.constant 0 : i32
    %c0_i32_1 = arith.constant 0 : i32
    return %c0_i32, %arg0, %c0_i32_0 : i32, i32, i32
  }
  func.func @transform_2(%arg0: i32) -> (i32, i32) {
    %c0_i32 = arith.constant 0 : i32
    %c0_i32_0 = arith.constant 0 : i32
    return %arg0, %c0_i32 : i32, i32
  }
  func.func @transform_3(%arg0: i32) -> (i32, i32) {
    %c0_i32 = arith.constant 0 : i32
    %c0_i32_0 = arith.constant 0 : i32
    return %arg0, %c0_i32 : i32, i32
  }
  func.func @transform_4(%arg0: i32) -> (i32, i32) {
    %c0_i32 = arith.constant 0 : i32
    %c0_i32_0 = arith.constant 0 : i32
    %c0_i32_1 = arith.constant 0 : i32
    return %c0_i32, %c0_i32_0 : i32, i32
  }
  func.func @transform_5(%arg0: i32) -> (i32, i32) {
    %c0_i32 = arith.constant 0 : i32
    %c0_i32_0 = arith.constant 0 : i32
    %c0_i32_1 = arith.constant 0 : i32
    return %c0_i32, %c0_i32_0 : i32, i32
  }
  func.func @transform_6(%arg0: i32) -> (i32, i32) {
    %c0_i32 = arith.constant 0 : i32
    %c0_i32_0 = arith.constant 0 : i32
    %c0_i32_1 = arith.constant 0 : i32
    return %c0_i32, %c0_i32_0 : i32, i32
  }
  func.func @transform_7(%arg0: i32) -> (i32, i32) {
    %c0_i32 = arith.constant 0 : i32
    %c0_i32_0 = arith.constant 0 : i32
    %c0_i32_1 = arith.constant 0 : i32
    return %c0_i32, %c0_i32_0 : i32, i32
  }
  func.func @transform_8(%arg0: i32) -> (i32, i32) {
    %c0_i32 = arith.constant 0 : i32
    %c0_i32_0 = arith.constant 0 : i32
    %c0_i32_1 = arith.constant 0 : i32
    return %c0_i32, %c0_i32_0 : i32, i32
  }
  func.func @transform_9(%arg0: i32) -> (i32, i32) {
    %c0_i32 = arith.constant 0 : i32
    %c0_i32_0 = arith.constant 0 : i32
    %c0_i32_1 = arith.constant 0 : i32
    return %c0_i32, %c0_i32_0 : i32, i32
  }
  func.func @transform_10(%arg0: i32) -> (i32, i32) {
    %c0_i32 = arith.constant 0 : i32
    %c0_i32_0 = arith.constant 0 : i32
    %c0_i32_1 = arith.constant 0 : i32
    return %c0_i32, %c0_i32_0 : i32, i32
  }
  func.func @transform_11(%arg0: i32) -> (i32, i32) {
    %c0_i32 = arith.constant 0 : i32
    %c0_i32_0 = arith.constant 0 : i32
    return %arg0, %c0_i32 : i32, i32
  }
}

</mosaic_0001>

<sc_bundles>
// kernel: kernel.12.cloned.1.call-start
scs
__scs_entry_jumppad:
0x0: {  	(pc) =	sbr.rel $0x88, $3  }
0x1: {  	(tag) =	ssettag $0x0;
	lr =	simm.s32 $0x1  }
0x2: {  	[smem:$0x3F94] =	sst lr;
	_ =	strace $0xD0000000  }
0x3: {  	_ = 	snop  }
0x4: {  	_ = 	snop  }
0x5: {  	_ = 	snop  }
0x6: {  	_ = 	snop  }
0x7: {  	_ = 	snop  }
__scs_overlays_trampoline_lowered:
0x8: {  	[smem:$0x3FA3] =	sst s0  }
0x9: {  	[smem:$0x3FA4] =	sst s1  }
0xa: {  	[smem:$0x3FA5] =	sst s2  }
0xb: {  	[smem:$0x3FA6] =	sst s3  }
0xc: {  	[smem:$0x3FA7] =	sst s4  }
0xd: {  	[smem:$0x3FA8] =	sst s5  }
0xe: {  	[smem:$0x3FA9] =	sst s6  }
0xf: {  	[smem:$0x3FAA] =	sst s7  }
0x10: {  	[smem:$0x3FAB] =	sst s8  }
0x11: {  	[smem:$0x3FAC] =	sst s9;
	s0 =	simm.s32 @!p0 $0x0  }
0x12: {  	s1 =	sld [smem:$0x3F92];
	s0 =	simm.s32 @p0 $0x1  }
0x13: {  	[smem:$0x3FAD] =	sst s0;
	s0 =	simm.s32 @!p1 $0x0  }
0x14: {  	s2 =	sld [smem:$0x3F91];
	s0 =	simm.s32 @p1 $0x1  }
0x15: {  	[smem:$0x3FAE] =	sst s0;
	s0 =	simm.s32 @!p2 $0x0  }
0x16: {  	s3 =	sld [smem:$0x3FDB];
	s0 =	simm.s32 @p2 $0x1  }
0x17: {  	s4 =	simm.s32 $0x1BF5;
	[smem:$0x3FB0] =	sst s0  }
0x18: {  	s0 =	sld [smem:$0x3F93];
	_ =	swait.ge [sflag:s4], $0x0  }
0x19: {  	s7 =	sld [smem:$0x3F94]  }
0x1a: {  	s8 =	sadd.s32 $0xFFFFE003, lr  }
0x1b: {  	s9 =	sadd.s32 $0xFFFFFEF7, lr;
	s5 =	simm.s32 $0xFFFFFFFF;
	p2 =	slt.u32 s8, $0xFFFFF086  }
0x1c: {  	p1 =	slt.u32 s9, $0xF7A;
	s5 =	simm.s32 @!p2 $0x0  }
0x1d: {  	s5 =	simm.s32 @p1 $0x1;
	p0 =	seq.s32 s7, s2  }
0x1e: {  	s7 =	smul.u32 @!p0 $0xF7A, s2;
	p2 =	seq.s32 @!p0 s5, $0x0  }
0x1f: {  	s9 =	smul.u32 $0xF7A, s1;
	s8 =	simm.s32 @!p0 $0x1BF5;
	p2 =	por !p2, p0  }
0x20: {  	[sflag:s8] =	ssyncset.s32 @!p0 $0xFFFFF086;
	s6 =	sadd.s32 @!p0 s3, s7;
	s7 =	simm.s32 @!p0 $0x108  }
0x21: {  	s3 =	sadd.s32 s3, s9;
	s6 =	sadd.s32 @!p0 $0x88, s6;
	s7 =	simm.s32 @p2 $0x1082  }
0x22: {  	[simem:s7], [sflag:s8] =	dma.local @!p0 [hbm:s6], $0xF7A  }
0x23: {  	s9 =	sor.u32 $0xD0000000, s2;
	s6 =	simm.s32 $0x108;
	_ =	swait.ge @!p0 [sflag:s8], $0x0  }
0x24: {  	s3 =	sadd.s32 $0x88, s3;
	s6 =	simm.s32 @!p1 $0x1082;
	[sflag:s4] =	ssyncset.s32 $0xFFFFF086  }
0x25: {  	[simem:s6], [sflag:s4] =	dma.local [hbm:s3], $0xF7A  }
0x26: {  	[smem:$0x3F94] =	sst s1;
	(tag) =	ssettag s2;
	_ =	strace s9  }
0x27: {  	s1 =	sld [smem:$0x3FA4]  }
0x28: {  	s2 =	sld [smem:$0x3FA5]  }
0x29: {  	s4 =	sld [smem:$0x3FA7]  }
0x2a: {  	p0 =	seq.s32 s5, $0x0;
	s5 =	sld [smem:$0x3FA8]  }
0x2b: {  	s6 =	sld [smem:$0x3FA9]  }
0x2c: {  	s7 =	sld [smem:$0x3FAA]  }
0x2d: {  	s3 =	simm.s32 $0x108;
	s8 =	sld [smem:$0x3FAB]  }
0x2e: {  	s3 =	simm.s32 @!p0 $0x1082;
	s9 =	sld [smem:$0x3FAC]  }
0x2f: {  	lr =	sadd.s32 s0, s3;
	s0 =	sld [smem:$0x3FA3]  }
0x30: {  	s3 =	sld [smem:$0x3FA6]  }
0x31: {  	[smem:$0x3FAF] =	sst s10  }
0x32: {  	s10 =	sld [smem:$0x3FAD];
	_ =	sdelay $0x3  }
0x33: {  	p0 =	seq.s32 s10, $0x1;
	s10 =	sld [smem:$0x3FAF];
	_ =	sdelay $0x3  }
0x34: {  	[smem:$0x3FAF] =	sst s10  }
0x35: {  	s10 =	sld [smem:$0x3FAE];
	_ =	sdelay $0x3  }
0x36: {  	p1 =	seq.s32 s10, $0x1;
	s10 =	sld [smem:$0x3FAF];
	_ =	sdelay $0x3  }
0x37: {  	[smem:$0x3FAF] =	sst s10  }
0x38: {  	s10 =	sld [smem:$0x3FB0]  }
0x39: {  	_ = 	snop;
	(pc) =	sbr.ind lr, $3  }
0x3a: {  	_ = 	snop  }
0x3b: {  	_ = 	snop  }
0x3c: {  	p2 =	seq.s32 s10, $0x1;
	s10 =	sld [smem:$0x3FAF]  }
0x3d: {  	_ =	shalt  }
0x3e: {  	_ =	shalt  }
0x3f: {  	_ =	shalt  }
0x40: {  	_ =	shalt  }
0x41: {  	_ =	shalt  }
0x42: {  	_ =	shalt  }
0x43: {  	_ =	shalt  }
0x44: {  	_ =	shalt  }
0x45: {  	_ =	shalt  }
0x46: {  	_ =	shalt  }
0x47: {  	_ =	shalt  }
0x48: {  	_ =	shalt  }
0x49: {  	_ =	shalt  }
0x4a: {  	_ =	shalt  }
0x4b: {  	_ =	shalt  }
0x4c: {  	_ =	shalt  }
0x4d: {  	_ =	shalt  }
0x4e: {  	_ =	shalt  }
0x4f: {  	_ =	shalt  }
0x50: {  	_ =	shalt  }
0x51: {  	_ =	shalt  }
0x52: {  	_ =	shalt  }
0x53: {  	_ =	shalt  }
0x54: {  	_ =	shalt  }
0x55: {  	_ =	shalt  }
0x56: {  	_ =	shalt  }
0x57: {  	_ =	shalt  }
0x58: {  	_ =	shalt  }
0x59: {  	_ =	shalt  }
0x5a: {  	_ =	shalt  }
0x5b: {  	_ =	shalt  }
0x5c: {  	_ =	shalt  }
0x5d: {  	_ =	shalt  }
0x5e: {  	_ =	shalt  }
0x5f: {  	_ =	shalt  }
0x60: {  	_ =	shalt  }
0x61: {  	_ =	shalt  }
0x62: {  	_ =	shalt  }
0x63: {  	_ =	shalt  }
0x64: {  	_ =	shalt  }
0x65: {  	_ =	shalt  }
0x66: {  	_ =	shalt  }
0x67: {  	_ =	shalt  }
0x68: {  	_ =	shalt  }
0x69: {  	_ =	shalt  }
0x6a: {  	_ =	shalt  }
0x6b: {  	_ =	shalt  }
0x6c: {  	_ =	shalt  }
0x6d: {  	_ =	shalt  }
0x6e: {  	_ =	shalt  }
0x6f: {  	_ =	shalt  }
0x70: {  	_ =	shalt  }
0x71: {  	_ =	shalt  }
0x72: {  	_ =	shalt  }
0x73: {  	_ =	shalt  }
0x74: {  	_ =	shalt  }
0x75: {  	_ =	shalt  }
0x76: {  	_ =	shalt  }
0x77: {  	_ =	shalt  }
0x78: {  	_ =	shalt  }
0x79: {  	_ =	shalt  }
0x7a: {  	_ =	shalt  }
0x7b: {  	_ =	shalt  }
0x7c: {  	_ =	shalt  }
0x7d: {  	_ =	shalt  }
0x7e: {  	_ =	shalt  }
0x7f: {  	_ =	shalt  }
0x80: {  	_ =	shalt  }
0x81: {  	_ =	shalt  }
0x82: {  	_ =	shalt  }
0x83: {  	_ =	shalt  }
0x84: {  	_ =	shalt  }
0x85: {  	_ =	shalt  }
0x86: {  	_ =	shalt  }
0x87: {  	_ =	shalt  }
.Lfunc_end0:
.L_simem_size_0:
called_computation.1_lowered:
.L_overlay_start_0:
0x88: {  	s2 =	sld [smem:$0x3FD9]  }
0x89: {  	s3 =	sld [smem:$0x3FFE];
	_ =	sdelay $0x1  }
0x8a: {  	s1 =	srdreg.scid  }
0x8b: {  	s0 =	sand.u32 $0x1, s1  }
0x8c: {  	s17 =	sshll.u32 s0, $0xA;
	s2 =	sadd.s32 s3, s2  }
0x8d: {  	s2 =	sadd.s32 s2, s17  }
0x8e: {  	[smem:$0x3FBB] =	sst s2  }
0x8f: {  	_ = 	snop  }
0x90: {  	s2 =	sld [smem:$0x3FD0];
	(tm) =	ssettm $0x1  }
0x91: {  	s18 =	sld [smem:$0x3FFB];
	_ =	sdelay $0x3  }
0x92: {  	_ =	strace s18  }
0x93: {  	s3 =	sld [smem:$0x3FFC];
	_ =	sdelay $0x3  }
0x94: {  	_ =	strace s3  }
0x95: {  	s3 =	sld [smem:$0x3FFD];
	_ =	sdelay $0x3  }
0x96: {  	_ =	strace s3  }
0x97: {  	_ =	strace $0x8FFFFFFF  }
0x98: {  	s19 =	sld [smem:$0x3FDB];
	_ =	sdelay $0x1  }
0x99: {  	s4 =	simm.s32 $_scs_section_size  }
0x9a: {  	s5 =	simm.s32 $_size__tile_overlayer_lowered;
	s6 =	simm.s32 $_tile_overlayer_lowered  }
0x9b: {  	s22 =	simm.s32 $0x1BFF;
	s21 =	sshll.u32 s6, $0x1;
	s3 =	sadd.s32 s4, s19  }
0x9c: {  	s7 =	simm.s32 $0x0;
	s20 =	sshll.u32 s5, $0x1;
	s5 =	sadd.s32 s21, s3  }
0x9d: {  	[timem:s7], [sflag:s22] =	dma.local [hbm:s5], s20  }
0x9e: {  	_ =	swait.ge [sflag:s22], s20  }
0x9f: {  	s4 =	ssub.s32 $0x0, s20;
	[sflag:s22] =	ssyncset.done $0x0  }
0xa0: {  	[sflag:s22] =	ssyncadd.s32 s4;
	_ =	sdelay $0x1  }
0xa1: {  	s23 =	simm.s32 $0x1B8B  }
0xa2: {  	_ =	swait.ge [sflag:s23], $0x1  }
0xa3: {  	[sflag:s23] =	ssyncset.done $0x0  }
0xa4: {  	s25 =	simm.s32 $0x1B8E;
	s24 =	sld [smem:$0x3FFE];
	[sflag:s23] =	ssyncadd.s32 $0xFFFFFFFF  }
0xa5: {  	s26 =	simm.s32 $execute0_lowered;
	[smem:$0x3FD2] =	sst s25  }
0xa6: {  	s5 =	sshll.u32 s26, $0x1;
	_ =	strace $0x80000049;
	[dreg:$0x1] =	wrdreg $0xFFFFFFFF  }
0xa7: {  	s28 =	simm.s32 $_size_execute0_lowered;
	s3 =	sadd.s32 s3, s5;
	[dreg:$0x0] =	wrdreg $0x0  }
0xa8: {  	s5 =	sshll.u32 s28, $0x1;
	[dreg:$0x2] =	wrdreg s3  }
0xa9: {  	[dreg:$0x3] =	wrdreg s5  }
0xaa: {  	[dreg:$0x4] =	wrdreg $0xC0  }
0xab: {  	_ =	task [dreg:s7], $0x5FFFF  }
0xac: {  	[dreg:$0x1] =	wrdreg $0xFFFFFFFF  }
0xad: {  	[dreg:$0x0] =	wrdreg $0x60  }
0xae: {  	[dreg:$0x2] =	wrdreg s2  }
0xaf: {  	[dreg:$0x3] =	wrdreg s24  }
0xb0: {  	[dreg:$0x4] =	wrdreg $0xA8000  }
0xb1: {  	[dreg:$0x5] =	wrdreg $0x9  }
0xb2: {  	_ =	task.clear_ibuf [dreg:s7], $0x6FFFF;
	_ =	strace $0x90000049  }
0xb3: {  	s29 =	simm.s32 $0x9;
	_ =	strace $0x8000004B  }
0xb4: {  	_ =	swait.ge [sflag:s29], $0x1  }
0xb5: {  	[sflag:s29] =	ssyncadd.s32 $0xFFFFFFFF  }
0xb6: {  	_ =	strace $0x9000004B  }
0xb7: {  	_ =	sfence  }
0xb8: {  	s30 =	sld [smem:$0x0];
	_ =	sdelay $0x2  }
0xb9: {  	s31 =	sshll.u32 s1, $0xD;
	s1 =	sshrl.u32 s1, $0x2  }
0xba: {  	s3 =	sand.u32 $0x4000, s31;
	s1 =	sadd.s32 s1, s30  }
0xbb: {  	s0 =	sor.u32 s3, s0;
	s1 =	sshll.u32 s1, $0x11  }
0xbc: {  	s0 =	sor.u32 s1, s0  }
0xbd: {  	s0 =	sadd.s32 $0x8F2B, s0  }
0xbe: {  	[sflag:s0] =	ssyncadd.remote.s32 $0x1  }
0xbf: {  	_ =	sfence.sel $0xFFFF  }
0xc0: {  	[dreg:$0x0] =	wrdreg $0xFFFFFFFF;
	(pc) =	sbr.abs _section_cstart, $3  }
0xc1: {  	[dreg:$0x1] =	wrdreg $0xFFFFFFFF  }
0xc2: {  	_ =	task.clear_ibuf [dreg:s7], $0x2FFFF;
	_ =	strace $0x9FFFFFFF  }
0xc3: {  	(tm) =	ssettm $0x7FFFFFFF  }
tec
execute0_lowered:
.L_overlay_start_1:
0x0: {  	(tag) =	ssettag $0x1  }
0x1: {  	s1 =	rddreg [dreg:$0x0]  }
0x2: {  	s2 =	srdreg.scid;
	s5 =	rddreg [dreg:$0x1]  }
0x3: {  	s0 =	stileid.u32;
	s3 =	rddreg [dreg:$0x2];
	s4 =	simm.s32 $0x0  }
0x4: {  	s14 =	simm.s32 $0x3;
	s15 =	simm.s32 $0x1400;
	s16 =	simm.s32 $0x80  }
0x5: {  	s17 =	simm.s32 $0x6800;
	s18 =	simm.s32 $0x1;
	s19 =	simm.s32 $0x2  }
0x6: {  	s20 =	simm.s32 $0x1380;
	s21 =	simm.s32 $0x2700;
	s22 =	simm.s32 $0x2780  }
0x7: {  	s6 =	sand.u32 $0x1, s2;
	s2 =	rddreg [dreg:$0x3];
	s8 =	smul.u32 $0x4F000, s0  }
0x8: {  	s29 =	sshll.u32 s0, $0x1;
	[smem:$0x7FF] =	sst s4;
	s24 =	smul.u32 $0x2780, s0  }
0x9: {  	s7 =	sor.u32 s6, s29;
	s9 =	smul.u32 $0x27800, s6;
	s6 =	ssub.s32 $0x2, s6  }
0xa: {  	_ =	strace $0x8000004A;
	s7 =	smul.u32 $0x500, s7;
	s31 =	sshrl.u32 s6, $0x1  }
0xb: {  	s30 =	sshrl.u32 s8, $0x2;
	s12 =	sadd.s32 s9, s5;
	s13 =	ssub.s32 s6, s31  }
0xc: {  	s11 =	sadd.s32 s7, s5;
	s5 =	sadd.s32 s30, s3;
	s23 =	sadd.s32 $0x19200, s12  }
0xd: {  	s12 =	smax.u32 s13, $0x1;
	s13 =	simm.s32 $0x2800;
	s6 =	sadd.s32 $0x4000, s5  }
0xe: {  	s7 =	sadd.s32 $0x8000, s5;
	s8 =	sadd.s32 $0xC000, s5;
	s9 =	sadd.s32 $0x10000, s5  }
0xf: {  	v0 =	vimm.f32 $0.0e+00;
	s10 =	sadd.s32 $0xF200, s11;
	s11 =	sadd.s32 $0x5200, s11;
	s23 =	sadd.s32 s24, s23  }
.LBB2_1:
0x10: {  	s24 =	simm.s32 $0x0;
	s25 =	simm.s32 $0x200  }
.LBB2_2:
0x11: {  	p0 =	sne.s32 s25, $0xFE00;
	[tilespmem:s24+$0x2870] =	vst v0  }
0x12: {  	[tilespmem:s24+$0x2800] =	vst v0  }
0x13: {  	[tilespmem:s24+$0x2810] =	vst v0  }
.Ltmp0:
0x14: {  	[tilespmem:s24+$0x2820] =	vst v0;
	(pc) =	sbr.rel @p0 .LBB2_2-.Ltmp0, $4  }
0x15: {  	[tilespmem:s24+$0x2830] =	vst v0  }
0x16: {  	[tilespmem:s24+$0x2840] =	vst v0  }
0x17: {  	[tilespmem:s24+$0x2850] =	vst v0  }
0x18: {  	[tilespmem:s24+$0x2860] =	vst v0;
	s24 =	sshra.s32 s25, $0x2;
	s25 =	sadd.s32 $0x200, s25  }
0x19: {  	[tilespmem:s24+$0x2870] =	vst v0  }
0x1a: {  	[tilespmem:s24+$0x2800] =	vst v0  }
0x1b: {  	[tilespmem:s24+$0x2810] =	vst v0  }
0x1c: {  	[tilespmem:s24+$0x2820] =	vst v0  }
0x1d: {  	[tilespmem:s24+$0x2830] =	vst v0  }
0x1e: {  	[tilespmem:s24+$0x2840] =	vst v0  }
0x1f: {  	[tilespmem:s24+$0x2850] =	vst v0  }
0x20: {  	[tilespmem:s24+$0x2860] =	vst v0  }
0x21: {  	[spmem:s5] =	stream.linear.scatter [tilespmem:s13], [sflag:$0x3], $0x4000, $0x38;
	[tilespmem:$0x1E400] =	vst v63  }
0x22: {  	_ =	swait.ge [sflag:s14], $0x4000  }
0x23: {  	[sflag:s14] =	ssyncset.done $0x0  }
0x24: {  	[sflag:s14] =	ssyncadd.s32 $0xFFFFC000  }
0x25: {  	[spmem:s6] =	stream.linear.scatter [tilespmem:s13], [sflag:$0x3], $0x4000, $0x38;
	[tilespmem:$0x1E400] =	vst v63  }
0x26: {  	_ =	swait.ge [sflag:s14], $0x4000  }
0x27: {  	[sflag:s14] =	ssyncset.done $0x0  }
0x28: {  	[sflag:s14] =	ssyncadd.s32 $0xFFFFC000  }
0x29: {  	[spmem:s7] =	stream.linear.scatter [tilespmem:s13], [sflag:$0x3], $0x4000, $0x38;
	[tilespmem:$0x1E400] =	vst v63  }
0x2a: {  	_ =	swait.ge [sflag:s14], $0x4000  }
0x2b: {  	[sflag:s14] =	ssyncset.done $0x0  }
0x2c: {  	[sflag:s14] =	ssyncadd.s32 $0xFFFFC000  }
0x2d: {  	[spmem:s8] =	stream.linear.scatter [tilespmem:s13], [sflag:$0x3], $0x4000, $0x38;
	[tilespmem:$0x1E400] =	vst v63  }
0x2e: {  	_ =	swait.ge [sflag:s14], $0x4000  }
0x2f: {  	[sflag:s14] =	ssyncset.done $0x0  }
0x30: {  	[sflag:s14] =	ssyncadd.s32 $0xFFFFC000  }
0x31: {  	[spmem:s9] =	stream.linear.scatter [tilespmem:s13], [sflag:$0x3], $0x3C00, $0x38;
	[tilespmem:$0x1E400] =	vst v63  }
0x32: {  	_ =	swait.ge [sflag:s14], $0x3C00  }
0x33: {  	[sflag:s14] =	ssyncset.done $0x0  }
0x34: {  	[sflag:s14] =	ssyncadd.s32 $0xFFFFC400  }
0x35: {  	s26 =	simm.s32 $0x0;
	[bflag:$0x0] =	sbarrier.arrive $0xFFFF  }
0x36: {  	[tilespmem:s26], [sflag:$0x3] =	stream.linear.gather [hbm4b:s10+s26], $0x1400, $0x38;
	[tilespmem:$0x1E400] =	vst v63  }
0x37: {  	_ =	swait.ge [sflag:s14], $0x1400  }
0x38: {  	[sflag:s14] =	ssyncset.done $0x0  }
0x39: {  	[sflag:s14] =	ssyncadd.s32 $0xFFFFEC00  }
0x3a: {  	[tilespmem:s15], [sflag:$0x3] =	stream.linear.gather [hbm4b:s11+s26], $0x1400, $0x38;
	[tilespmem:$0x1E400] =	vst v63  }
0x3b: {  	_ =	swait.ge [sflag:s14], $0x1400  }
0x3c: {  	[sflag:s14] =	ssyncset.done $0x0  }
0x3d: {  	[sflag:s14] =	ssyncadd.s32 $0xFFFFEC00  }
0x3e: {  	[tilespmem:s13], [sflag:$0x1] =	stream.indirect.gather [hbm4b:s1+s16], $0x80, s26, s16, $0xb8;
	[tilespmem:$0x1E400] =	vst v63  }
0x3f: {  	s28 =	simm.s32 $0x80  }
0x40: {  	[tilespmem:s17], [sflag:$0x2] =	stream.indirect.gather [hbm4b:s1+s16], $0x80, s28, s16, $0xb8;
	[tilespmem:$0x1E400] =	vst v63  }
0x41: {  	_ =	swait.ge [sflag:s18], $0x4000  }
0x42: {  	[sflag:s18] =	ssyncset.done $0x0  }
0x43: {  	s29 =	simm.s32 $0x1400;
	[sflag:s18] =	ssyncadd.s32 $0xFFFFC000  }
0x44: {  	[spmem:s3] =	stream.indirect.scatter.add.f32 [tilespmem:s13], [sflag:$0x3], $0x80, s29, s16, $0xb8;
	[tilespmem:$0x1E400] =	vst v63  }
0x45: {  	_ =	swait.ge [sflag:s14], $0x4000  }
0x46: {  	[sflag:s14] =	ssyncset.done $0x0  }
0x47: {  	s30 =	simm.s32 $0x100;
	[sflag:s14] =	ssyncadd.s32 $0xFFFFC000  }
0x48: {  	[tilespmem:s13], [sflag:$0x1] =	stream.indirect.gather [hbm4b:s1+s16], $0x80, s30, s16, $0xb8;
	[tilespmem:$0x1E400] =	vst v63  }
0x49: {  	_ =	swait.ge [sflag:s19], $0x4000  }
0x4a: {  	[sflag:s19] =	ssyncset.done $0x0  }
0x4b: {  	s31 =	simm.s32 $0x1480;
	[sflag:s19] =	ssyncadd.s32 $0xFFFFC000  }
0x4c: {  	[spmem:s3] =	stream.indirect.scatter.add.f32 [tilespmem:s17], [sflag:$0x3], $0x80, s31, s16, $0xb8;
	[tilespmem:$0x1E400] =	vst v63  }
0x4d: {  	_ =	swait.ge [sflag:s14], $0x4000  }
0x4e: {  	s25 =	simm.s32 $0x800;
	s24 =	simm.s32 $0x100;
	[sflag:s14] =	ssyncset.done $0x0  }
.LBB2_4:
0x4f: {  	s26 =	sadd.s32 $0x80, s24  }
0x50: {  	[sflag:s14] =	ssyncadd.s32 $0xFFFFC000;
	s28 =	smov.u32 s25;
	s29 =	sadd.s32 $0x400, s25  }
0x51: {  	[tilespmem:s17], [sflag:$0x2] =	stream.indirect.gather [hbm4b:s1+s16], $0x80, s26, s16, $0xb8;
	[tilespmem:$0x1E400] =	vst v63  }
0x52: {  	p0 =	sne.s32 s25, $0x4800;
	_ =	swait.ge [sflag:s18], $0x4000  }
0x53: {  	[sflag:s18] =	ssyncset.done $0x0  }
0x54: {  	s25 =	sadd.s32 $0x1400, s24;
	[sflag:s18] =	ssyncadd.s32 $0xFFFFC000  }
0x55: {  	[spmem:s3] =	stream.indirect.scatter.add.f32 [tilespmem:s13], [sflag:$0x3], $0x80, s25, s16, $0xb8;
	[tilespmem:$0x1E400] =	vst v63  }
0x56: {  	_ =	swait.ge [sflag:s14], $0x4000  }
0x57: {  	[sflag:s14] =	ssyncset.done $0x0  }
0x58: {  	s25 =	sadd.s32 $0x100, s24;
	[sflag:s14] =	ssyncadd.s32 $0xFFFFC000  }
0x59: {  	[tilespmem:s13], [sflag:$0x1] =	stream.indirect.gather [hbm4b:s1+s16], $0x80, s25, s16, $0xb8;
	[tilespmem:$0x1E400] =	vst v63  }
0x5a: {  	_ =	swait.ge [sflag:s19], $0x4000  }
.Ltmp1:
0x5b: {  	[sflag:s19] =	ssyncset.done $0x0;
	(pc) =	sbr.rel @p0 .LBB2_4-.Ltmp1, $4  }
0x5c: {  	s24 =	sadd.s32 $0x1480, s24;
	[sflag:s19] =	ssyncadd.s32 $0xFFFFC000  }
0x5d: {  	[spmem:s3] =	stream.indirect.scatter.add.f32 [tilespmem:s17], [sflag:$0x3], $0x80, s24, s16, $0xb8;
	[tilespmem:$0x1E400] =	vst v63  }
0x5e: {  	_ =	swait.ge [sflag:s14], $0x4000  }
0x5f: {  	s25 =	smov.u32 s29;
	s24 =	sshra.s32 s28, $0x2;
	[sflag:s14] =	ssyncset.done $0x0  }
0x60: {  	s25 =	sadd.s32 $0x80, s24;
	[sflag:s14] =	ssyncadd.s32 $0xFFFFC000  }
0x61: {  	[tilespmem:s17], [sflag:$0x2] =	stream.indirect.gather [hbm4b:s1+s16], $0x80, s25, s16, $0xb8;
	[tilespmem:$0x1E400] =	vst v63  }
0x62: {  	_ =	swait.ge [sflag:s18], $0x4000  }
0x63: {  	[sflag:s18] =	ssyncset.done $0x0  }
0x64: {  	s26 =	sadd.s32 $0x1400, s24;
	[sflag:s18] =	ssyncadd.s32 $0xFFFFC000  }
0x65: {  	[spmem:s3] =	stream.indirect.scatter.add.f32 [tilespmem:s13], [sflag:$0x3], $0x80, s26, s16, $0xb8;
	[tilespmem:$0x1E400] =	vst v63  }
0x66: {  	_ =	swait.ge [sflag:s14], $0x4000  }
0x67: {  	[sflag:s14] =	ssyncset.done $0x0  }
0x68: {  	s28 =	sadd.s32 $0x100, s24;
	[sflag:s14] =	ssyncadd.s32 $0xFFFFC000  }
0x69: {  	[tilespmem:s13], [sflag:$0x1] =	stream.indirect.gather [hbm4b:s1+s16], $0x80, s28, s16, $0xb8;
	[tilespmem:$0x1E400] =	vst v63  }
0x6a: {  	_ =	swait.ge [sflag:s19], $0x4000  }
0x6b: {  	[sflag:s19] =	ssyncset.done $0x0  }
0x6c: {  	s29 =	sadd.s32 $0x1480, s24;
	[sflag:s19] =	ssyncadd.s32 $0xFFFFC000  }
0x6d: {  	[spmem:s3] =	stream.indirect.scatter.add.f32 [tilespmem:s17], [sflag:$0x3], $0x80, s29, s16, $0xb8;
	[tilespmem:$0x1E400] =	vst v63  }
0x6e: {  	_ =	swait.ge [sflag:s14], $0x4000  }
0x6f: {  	[sflag:s14] =	ssyncset.done $0x0  }
0x70: {  	[sflag:s14] =	ssyncadd.s32 $0xFFFFC000  }
0x71: {  	[tilespmem:s17], [sflag:$0x2] =	stream.indirect.gather [hbm4b:s1+s16], $0x80, s20, s16, $0xb8;
	[tilespmem:$0x1E400] =	vst v63  }
0x72: {  	_ =	swait.ge [sflag:s18], $0x4000  }
0x73: {  	[sflag:s18] =	ssyncset.done $0x0  }
0x74: {  	[sflag:s18] =	ssyncadd.s32 $0xFFFFC000  }
0x75: {  	[spmem:s3] =	stream.indirect.scatter.add.f32 [tilespmem:s13], [sflag:$0x3], $0x80, s21, s16, $0xb8;
	[tilespmem:$0x1E400] =	vst v63  }
0x76: {  	_ =	swait.ge [sflag:s14], $0x4000  }
0x77: {  	[sflag:s14] =	ssyncset.done $0x0  }
0x78: {  	[sflag:s14] =	ssyncadd.s32 $0xFFFFC000  }
0x79: {  	_ =	swait.ge [sflag:s19], $0x4000  }
0x7a: {  	[sflag:s19] =	ssyncset.done $0x0  }
0x7b: {  	[sflag:s19] =	ssyncadd.s32 $0xFFFFC000  }
0x7c: {  	[spmem:s3] =	stream.indirect.scatter.add.f32 [tilespmem:s17], [sflag:$0x3], $0x80, s22, s16, $0xb8;
	[tilespmem:$0x1E400] =	vst v63  }
0x7d: {  	_ =	swait.ge [sflag:s14], $0x4000  }
0x7e: {  	[sflag:s14] =	ssyncset.done $0x0  }
0x7f: {  	s30 =	sadd.s32 $0x280, s10;
	s31 =	simm.s32 $0x0;
	[sflag:s14] =	ssyncadd.s32 $0xFFFFC000  }
0x80: {  	[tilespmem:s31], [sflag:$0x3] =	stream.linear.gather [hbm4b:s30+s31], $0x1400, $0x38;
	[tilespmem:$0x1E400] =	vst v63  }
0x81: {  	_ =	swait.ge [sflag:s14], $0x1400  }
0x82: {  	[sflag:s14] =	ssyncset.done $0x0  }
0x83: {  	s26 =	sadd.s32 $0x280, s11;
	[sflag:s14] =	ssyncadd.s32 $0xFFFFEC00  }
0x84: {  	[tilespmem:s15], [sflag:$0x3] =	stream.linear.gather [hbm4b:s26+s31], $0x1400, $0x38;
	[tilespmem:$0x1E400] =	vst v63  }
0x85: {  	_ =	swait.ge [sflag:s14], $0x1400  }
0x86: {  	[sflag:s14] =	ssyncset.done $0x0  }
0x87: {  	[sflag:s14] =	ssyncadd.s32 $0xFFFFEC00  }
0x88: {  	[tilespmem:s13], [sflag:$0x1] =	stream.indirect.gather [hbm4b:s1+s16], $0x80, s31, s16, $0xb8;
	[tilespmem:$0x1E400] =	vst v63  }
0x89: {  	s28 =	simm.s32 $0x80  }
0x8a: {  	[tilespmem:s17], [sflag:$0x2] =	stream.indirect.gather [hbm4b:s1+s16], $0x80, s28, s16, $0xb8;
	[tilespmem:$0x1E400] =	vst v63  }
0x8b: {  	_ =	swait.ge [sflag:s18], $0x4000  }
0x8c: {  	[sflag:s18] =	ssyncset.done $0x0  }
0x8d: {  	s29 =	simm.s32 $0x1400;
	[sflag:s18] =	ssyncadd.s32 $0xFFFFC000  }
0x8e: {  	[spmem:s3] =	stream.indirect.scatter.add.f32 [tilespmem:s13], [sflag:$0x3], $0x80, s29, s16, $0xb8;
	[tilespmem:$0x1E400] =	vst v63  }
0x8f: {  	_ =	swait.ge [sflag:s14], $0x4000  }
0x90: {  	[sflag:s14] =	ssyncset.done $0x0  }
0x91: {  	s30 =	simm.s32 $0x100;
	[sflag:s14] =	ssyncadd.s32 $0xFFFFC000  }
0x92: {  	[tilespmem:s13], [sflag:$0x1] =	stream.indirect.gather [hbm4b:s1+s16], $0x80, s30, s16, $0xb8;
	[tilespmem:$0x1E400] =	vst v63  }
0x93: {  	_ =	swait.ge [sflag:s19], $0x4000  }
0x94: {  	[sflag:s19] =	ssyncset.done $0x0  }
0x95: {  	s31 =	simm.s32 $0x1480;
	[sflag:s19] =	ssyncadd.s32 $0xFFFFC000  }
0x96: {  	[spmem:s3] =	stream.indirect.scatter.add.f32 [tilespmem:s17], [sflag:$0x3], $0x80, s31, s16, $0xb8;
	[tilespmem:$0x1E400] =	vst v63  }
0x97: {  	_ =	swait.ge [sflag:s14], $0x4000  }
0x98: {  	s24 =	simm.s32 $0x100;
	s25 =	simm.s32 $0x800;
	[sflag:s14] =	ssyncset.done $0x0  }
.LBB2_6:
0x99: {  	s26 =	sadd.s32 $0x80, s24  }
0x9a: {  	[sflag:s14] =	ssyncadd.s32 $0xFFFFC000;
	s28 =	smov.u32 s25;
	s29 =	sadd.s32 $0x400, s25  }
0x9b: {  	[tilespmem:s17], [sflag:$0x2] =	stream.indirect.gather [hbm4b:s1+s16], $0x80, s26, s16, $0xb8;
	[tilespmem:$0x1E400] =	vst v63  }
0x9c: {  	p0 =	sne.s32 s25, $0x4800;
	_ =	swait.ge [sflag:s18], $0x4000  }
0x9d: {  	[sflag:s18] =	ssyncset.done $0x0  }
0x9e: {  	s25 =	sadd.s32 $0x1400, s24;
	[sflag:s18] =	ssyncadd.s32 $0xFFFFC000  }
0x9f: {  	[spmem:s3] =	stream.indirect.scatter.add.f32 [tilespmem:s13], [sflag:$0x3], $0x80, s25, s16, $0xb8;
	[tilespmem:$0x1E400] =	vst v63  }
0xa0: {  	_ =	swait.ge [sflag:s14], $0x4000  }
0xa1: {  	[sflag:s14] =	ssyncset.done $0x0  }
0xa2: {  	s25 =	sadd.s32 $0x100, s24;
	[sflag:s14] =	ssyncadd.s32 $0xFFFFC000  }
0xa3: {  	[tilespmem:s13], [sflag:$0x1] =	stream.indirect.gather [hbm4b:s1+s16], $0x80, s25, s16, $0xb8;
	[tilespmem:$0x1E400] =	vst v63  }
0xa4: {  	_ =	swait.ge [sflag:s19], $0x4000  }
.Ltmp2:
0xa5: {  	[sflag:s19] =	ssyncset.done $0x0;
	(pc) =	sbr.rel @p0 .LBB2_6-.Ltmp2, $4  }
0xa6: {  	s24 =	sadd.s32 $0x1480, s24;
	[sflag:s19] =	ssyncadd.s32 $0xFFFFC000  }
0xa7: {  	[spmem:s3] =	stream.indirect.scatter.add.f32 [tilespmem:s17], [sflag:$0x3], $0x80, s24, s16, $0xb8;
	[tilespmem:$0x1E400] =	vst v63  }
0xa8: {  	_ =	swait.ge [sflag:s14], $0x4000  }
0xa9: {  	s25 =	smov.u32 s29;
	s24 =	sshra.s32 s28, $0x2;
	[sflag:s14] =	ssyncset.done $0x0  }
0xaa: {  	s25 =	sadd.s32 $0x80, s24;
	[sflag:s14] =	ssyncadd.s32 $0xFFFFC000  }
0xab: {  	[tilespmem:s17], [sflag:$0x2] =	stream.indirect.gather [hbm4b:s1+s16], $0x80, s25, s16, $0xb8;
	[tilespmem:$0x1E400] =	vst v63  }
0xac: {  	_ =	swait.ge [sflag:s18], $0x4000  }
0xad: {  	[sflag:s18] =	ssyncset.done $0x0  }
0xae: {  	s26 =	sadd.s32 $0x1400, s24;
	[sflag:s18] =	ssyncadd.s32 $0xFFFFC000  }
0xaf: {  	[spmem:s3] =	stream.indirect.scatter.add.f32 [tilespmem:s13], [sflag:$0x3], $0x80, s26, s16, $0xb8;
	[tilespmem:$0x1E400] =	vst v63  }
0xb0: {  	_ =	swait.ge [sflag:s14], $0x4000  }
0xb1: {  	[sflag:s14] =	ssyncset.done $0x0  }
0xb2: {  	s28 =	sadd.s32 $0x100, s24;
	[sflag:s14] =	ssyncadd.s32 $0xFFFFC000  }
0xb3: {  	[tilespmem:s13], [sflag:$0x1] =	stream.indirect.gather [hbm4b:s1+s16], $0x80, s28, s16, $0xb8;
	[tilespmem:$0x1E400] =	vst v63  }
0xb4: {  	_ =	swait.ge [sflag:s19], $0x4000  }
0xb5: {  	[sflag:s19] =	ssyncset.done $0x0  }
0xb6: {  	s29 =	sadd.s32 $0x1480, s24;
	[sflag:s19] =	ssyncadd.s32 $0xFFFFC000  }
0xb7: {  	[spmem:s3] =	stream.indirect.scatter.add.f32 [tilespmem:s17], [sflag:$0x3], $0x80, s29, s16, $0xb8;
	[tilespmem:$0x1E400] =	vst v63  }
0xb8: {  	_ =	swait.ge [sflag:s14], $0x4000  }
0xb9: {  	[sflag:s14] =	ssyncset.done $0x0  }
0xba: {  	[sflag:s14] =	ssyncadd.s32 $0xFFFFC000  }
0xbb: {  	[tilespmem:s17], [sflag:$0x2] =	stream.indirect.gather [hbm4b:s1+s16], $0x80, s20, s16, $0xb8;
	[tilespmem:$0x1E400] =	vst v63  }
0xbc: {  	_ =	swait.ge [sflag:s18], $0x4000  }
0xbd: {  	[sflag:s18] =	ssyncset.done $0x0  }
0xbe: {  	[sflag:s18] =	ssyncadd.s32 $0xFFFFC000  }
0xbf: {  	[spmem:s3] =	stream.indirect.scatter.add.f32 [tilespmem:s13], [sflag:$0x3], $0x80, s21, s16, $0xb8;
	[tilespmem:$0x1E400] =	vst v63  }
0xc0: {  	_ =	swait.ge [sflag:s14], $0x4000  }
0xc1: {  	[sflag:s14] =	ssyncset.done $0x0  }
0xc2: {  	[sflag:s14] =	ssyncadd.s32 $0xFFFFC000  }
0xc3: {  	_ =	swait.ge [sflag:s19], $0x4000  }
0xc4: {  	[sflag:s19] =	ssyncset.done $0x0  }
0xc5: {  	[sflag:s19] =	ssyncadd.s32 $0xFFFFC000  }
0xc6: {  	[spmem:s3] =	stream.indirect.scatter.add.f32 [tilespmem:s17], [sflag:$0x3], $0x80, s22, s16, $0xb8;
	[tilespmem:$0x1E400] =	vst v63  }
0xc7: {  	_ =	swait.ge [sflag:s14], $0x4000  }
0xc8: {  	s30 =	sshll.u32 s0, $0x6;
	s4 =	sadd.s32 $0x1, s4;
	[sflag:s14] =	ssyncset.done $0x0  }
0xc9: {  	s31 =	sshrl.u32 s5, $0x3;
	p0 =	sne.s32 s4, s12;
	[sflag:s14] =	ssyncadd.s32 $0xFFFFC000  }
.Ltmp3:
0xca: {  	s24 =	sor.u32 $0x1C03, s30;
	[bflag:$0x0] =	sbarrier.arrive $0xFFFF;
	(pc) =	sbr.rel @p0 .LBB2_1-.Ltmp3, $4  }
0xcb: {  	[hbm:s23], [sflag:s24] =	dma.local [spmem:s31], $0x2780  }
0xcc: {  	_ =	swait.ge [sflag:s14], $0x2780  }
0xcd: {  	[sflag:s14] =	ssyncset.done $0x0  }
0xce: {  	[sflag:s14] =	ssyncadd.s32 $0xFFFFD880  }
0xcf: {  	_ =	sfence.sel $0x180000  }
0xd0: {  	[bflag:$0x0] =	sbarrier.arrive $0xFFFF  }
0xd1: {  	p0 =	sne.s32 s0, $0x0;
	_ =	strace $0x9000004A  }
0xd2: {  	s0 =	sadd.s32 @!p0 $0x100000, s2;
	[bflag:$0x2] =	sbarrier.arrive $0xFFFF  }
0xd3: {  	[sflag:s0] =	ssyncadd.tile.s32 @!p0 $0x1;
	_ =	shalt  }
.Lfunc_end2:
_tile_overlayer_lowered:
.L_overlay_start_2:
0xd4: {  	(tag) =	ssettag $0x2  }
0xd5: {  	s0 =	rddreg [dreg:$0x0];
	s2 =	stileid.u32  }
0xd6: {  	s1 =	rddreg [dreg:$0x1];
	p0 =	sne.s32 s2, $0x0  }
0xd7: {  	s3 =	rddreg [dreg:$0x2];
	[bflag:$0x3] =	sbarrier.arrive $0xFFFF;
	s2 =	simm.s32 @!p0 $0x1C03  }
0xd8: {  	[timem:s3], [sflag:s2] =	dma.local @!p0 [hbm:s0], s1  }
0xd9: {  	s0 =	simm.s32 @!p0 $0x3  }
0xda: {  	_ =	swait.ge @!p0 [sflag:s0], s1  }
0xdb: {  	s1 =	ssub.s32 @!p0 $0x0, s1;
	[sflag:s0] =	ssyncset.done @!p0 $0x0  }
0xdc: {  	[sflag:s0] =	ssyncadd.s32 @!p0 s1  }
0xdd: {  	[bflag:$0x3] =	sbarrier.arrive $0xFFFF  }
0xde: {  	_ =	shalt  }

// kernel: kernel.15.cloned.1.call-start
scs
__scs_entry_jumppad:
0x0: {  	(pc) =	sbr.rel $0x88, $3  }
0x1: {  	(tag) =	ssettag $0x0;
	lr =	simm.s32 $0x1  }
0x2: {  	[smem:$0x3F94] =	sst lr;
	_ =	strace $0xD0000000  }
0x3: {  	_ = 	snop  }
0x4: {  	_ = 	snop  }
0x5: {  	_ = 	snop  }
0x6: {  	_ = 	snop  }
0x7: {  	_ = 	snop  }
__scs_overlays_trampoline_lowered:
0x8: {  	[smem:$0x3FA3] =	sst s0  }
0x9: {  	[smem:$0x3FA4] =	sst s1  }
0xa: {  	[smem:$0x3FA5] =	sst s2  }
0xb: {  	[smem:$0x3FA6] =	sst s3  }
0xc: {  	[smem:$0x3FA7] =	sst s4  }
0xd: {  	[smem:$0x3FA8] =	sst s5  }
0xe: {  	[smem:$0x3FA9] =	sst s6  }
0xf: {  	[smem:$0x3FAA] =	sst s7  }
0x10: {  	[smem:$0x3FAB] =	sst s8  }
0x11: {  	[smem:$0x3FAC] =	sst s9;
	s0 =	simm.s32 @!p0 $0x0  }
0x12: {  	s1 =	sld [smem:$0x3F92];
	s0 =	simm.s32 @p0 $0x1  }
0x13: {  	[smem:$0x3FAD] =	sst s0;
	s0 =	simm.s32 @!p1 $0x0  }
0x14: {  	s2 =	sld [smem:$0x3F91];
	s0 =	simm.s32 @p1 $0x1  }
0x15: {  	[smem:$0x3FAE] =	sst s0;
	s0 =	simm.s32 @!p2 $0x0  }
0x16: {  	s3 =	sld [smem:$0x3FDB];
	s0 =	simm.s32 @p2 $0x1  }
0x17: {  	s4 =	simm.s32 $0x1BF5;
	[smem:$0x3FB0] =	sst s0  }
0x18: {  	s0 =	sld [smem:$0x3F93];
	_ =	swait.ge [sflag:s4], $0x0  }
0x19: {  	s7 =	sld [smem:$0x3F94]  }
0x1a: {  	s8 =	sadd.s32 $0xFFFFE003, lr  }
0x1b: {  	s9 =	sadd.s32 $0xFFFFFEF7, lr;
	s5 =	simm.s32 $0xFFFFFFFF;
	p2 =	slt.u32 s8, $0xFFFFF086  }
0x1c: {  	p1 =	slt.u32 s9, $0xF7A;
	s5 =	simm.s32 @!p2 $0x0  }
0x1d: {  	s5 =	simm.s32 @p1 $0x1;
	p0 =	seq.s32 s7, s2  }
0x1e: {  	s7 =	smul.u32 @!p0 $0xF7A, s2;
	p2 =	seq.s32 @!p0 s5, $0x0  }
0x1f: {  	s9 =	smul.u32 $0xF7A, s1;
	s8 =	simm.s32 @!p0 $0x1BF5;
	p2 =	por !p2, p0  }
0x20: {  	[sflag:s8] =	ssyncset.s32 @!p0 $0xFFFFF086;
	s6 =	sadd.s32 @!p0 s3, s7;
	s7 =	simm.s32 @!p0 $0x108  }
0x21: {  	s3 =	sadd.s32 s3, s9;
	s6 =	sadd.s32 @!p0 $0x88, s6;
	s7 =	simm.s32 @p2 $0x1082  }
0x22: {  	[simem:s7], [sflag:s8] =	dma.local @!p0 [hbm:s6], $0xF7A  }
0x23: {  	s9 =	sor.u32 $0xD0000000, s2;
	s6 =	simm.s32 $0x108;
	_ =	swait.ge @!p0 [sflag:s8], $0x0  }
0x24: {  	s3 =	sadd.s32 $0x88, s3;
	s6 =	simm.s32 @!p1 $0x1082;
	[sflag:s4] =	ssyncset.s32 $0xFFFFF086  }
0x25: {  	[simem:s6], [sflag:s4] =	dma.local [hbm:s3], $0xF7A  }
0x26: {  	[smem:$0x3F94] =	sst s1;
	(tag) =	ssettag s2;
	_ =	strace s9  }
0x27: {  	s1 =	sld [smem:$0x3FA4]  }
0x28: {  	s2 =	sld [smem:$0x3FA5]  }
0x29: {  	s4 =	sld [smem:$0x3FA7]  }
0x2a: {  	p0 =	seq.s32 s5, $0x0;
	s5 =	sld [smem:$0x3FA8]  }
0x2b: {  	s6 =	sld [smem:$0x3FA9]  }
0x2c: {  	s7 =	sld [smem:$0x3FAA]  }
0x2d: {  	s3 =	simm.s32 $0x108;
	s8 =	sld [smem:$0x3FAB]  }
0x2e: {  	s3 =	simm.s32 @!p0 $0x1082;
	s9 =	sld [smem:$0x3FAC]  }
0x2f: {  	lr =	sadd.s32 s0, s3;
	s0 =	sld [smem:$0x3FA3]  }
0x30: {  	s3 =	sld [smem:$0x3FA6]  }
0x31: {  	[smem:$0x3FAF] =	sst s10  }
0x32: {  	s10 =	sld [smem:$0x3FAD];
	_ =	sdelay $0x3  }
0x33: {  	p0 =	seq.s32 s10, $0x1;
	s10 =	sld [smem:$0x3FAF];
	_ =	sdelay $0x3  }
0x34: {  	[smem:$0x3FAF] =	sst s10  }
0x35: {  	s10 =	sld [smem:$0x3FAE];
	_ =	sdelay $0x3  }
0x36: {  	p1 =	seq.s32 s10, $0x1;
	s10 =	sld [smem:$0x3FAF];
	_ =	sdelay $0x3  }
0x37: {  	[smem:$0x3FAF] =	sst s10  }
0x38: {  	s10 =	sld [smem:$0x3FB0]  }
0x39: {  	_ = 	snop;
	(pc) =	sbr.ind lr, $3  }
0x3a: {  	_ = 	snop  }
0x3b: {  	_ = 	snop  }
0x3c: {  	p2 =	seq.s32 s10, $0x1;
	s10 =	sld [smem:$0x3FAF]  }
0x3d: {  	_ =	shalt  }
0x3e: {  	_ =	shalt  }
0x3f: {  	_ =	shalt  }
0x40: {  	_ =	shalt  }
0x41: {  	_ =	shalt  }
0x42: {  	_ =	shalt  }
0x43: {  	_ =	shalt  }
0x44: {  	_ =	shalt  }
0x45: {  	_ =	shalt  }
0x46: {  	_ =	shalt  }
0x47: {  	_ =	shalt  }
0x48: {  	_ =	shalt  }
0x49: {  	_ =	shalt  }
0x4a: {  	_ =	shalt  }
0x4b: {  	_ =	shalt  }
0x4c: {  	_ =	shalt  }
0x4d: {  	_ =	shalt  }
0x4e: {  	_ =	shalt  }
0x4f: {  	_ =	shalt  }
0x50: {  	_ =	shalt  }
0x51: {  	_ =	shalt  }
0x52: {  	_ =	shalt  }
0x53: {  	_ =	shalt  }
0x54: {  	_ =	shalt  }
0x55: {  	_ =	shalt  }
0x56: {  	_ =	shalt  }
0x57: {  	_ =	shalt  }
0x58: {  	_ =	shalt  }
0x59: {  	_ =	shalt  }
0x5a: {  	_ =	shalt  }
0x5b: {  	_ =	shalt  }
0x5c: {  	_ =	shalt  }
0x5d: {  	_ =	shalt  }
0x5e: {  	_ =	shalt  }
0x5f: {  	_ =	shalt  }
0x60: {  	_ =	shalt  }
0x61: {  	_ =	shalt  }
0x62: {  	_ =	shalt  }
0x63: {  	_ =	shalt  }
0x64: {  	_ =	shalt  }
0x65: {  	_ =	shalt  }
0x66: {  	_ =	shalt  }
0x67: {  	_ =	shalt  }
0x68: {  	_ =	shalt  }
0x69: {  	_ =	shalt  }
0x6a: {  	_ =	shalt  }
0x6b: {  	_ =	shalt  }
0x6c: {  	_ =	shalt  }
0x6d: {  	_ =	shalt  }
0x6e: {  	_ =	shalt  }
0x6f: {  	_ =	shalt  }
0x70: {  	_ =	shalt  }
0x71: {  	_ =	shalt  }
0x72: {  	_ =	shalt  }
0x73: {  	_ =	shalt  }
0x74: {  	_ =	shalt  }
0x75: {  	_ =	shalt  }
0x76: {  	_ =	shalt  }
0x77: {  	_ =	shalt  }
0x78: {  	_ =	shalt  }
0x79: {  	_ =	shalt  }
0x7a: {  	_ =	shalt  }
0x7b: {  	_ =	shalt  }
0x7c: {  	_ =	shalt  }
0x7d: {  	_ =	shalt  }
0x7e: {  	_ =	shalt  }
0x7f: {  	_ =	shalt  }
0x80: {  	_ =	shalt  }
0x81: {  	_ =	shalt  }
0x82: {  	_ =	shalt  }
0x83: {  	_ =	shalt  }
0x84: {  	_ =	shalt  }
0x85: {  	_ =	shalt  }
0x86: {  	_ =	shalt  }
0x87: {  	_ =	shalt  }
.Lfunc_end0:
.L_simem_size_0:
called_computation.2_lowered:
.L_overlay_start_0:
0x88: {  	s2 =	sld [smem:$0x3FD9]  }
0x89: {  	s3 =	sld [smem:$0x3FFE];
	_ =	sdelay $0x1  }
0x8a: {  	s1 =	srdreg.scid  }
0x8b: {  	s0 =	sand.u32 $0x1, s1  }
0x8c: {  	s17 =	sshll.u32 s0, $0xA;
	s2 =	sadd.s32 s3, s2  }
0x8d: {  	s2 =	sadd.s32 s2, s17  }
0x8e: {  	[smem:$0x3FBB] =	sst s2  }
0x8f: {  	_ = 	snop  }
0x90: {  	s2 =	sld [smem:$0x3FD0];
	(tm) =	ssettm $0x1  }
0x91: {  	s18 =	sld [smem:$0x3FFB];
	_ =	sdelay $0x3  }
0x92: {  	_ =	strace s18  }
0x93: {  	s3 =	sld [smem:$0x3FFC];
	_ =	sdelay $0x3  }
0x94: {  	_ =	strace s3  }
0x95: {  	s3 =	sld [smem:$0x3FFD];
	_ =	sdelay $0x3  }
0x96: {  	_ =	strace s3  }
0x97: {  	_ =	strace $0x8FFFFFFF  }
0x98: {  	s19 =	sld [smem:$0x3FDB];
	_ =	sdelay $0x1  }
0x99: {  	s4 =	simm.s32 $_scs_section_size  }
0x9a: {  	s5 =	simm.s32 $_size__tile_overlayer_lowered;
	s6 =	simm.s32 $_tile_overlayer_lowered  }
0x9b: {  	s22 =	simm.s32 $0x1BFF;
	s21 =	sshll.u32 s6, $0x1;
	s3 =	sadd.s32 s4, s19  }
0x9c: {  	s7 =	simm.s32 $0x0;
	s20 =	sshll.u32 s5, $0x1;
	s5 =	sadd.s32 s21, s3  }
0x9d: {  	[timem:s7], [sflag:s22] =	dma.local [hbm:s5], s20  }
0x9e: {  	_ =	swait.ge [sflag:s22], s20  }
0x9f: {  	s4 =	ssub.s32 $0x0, s20;
	[sflag:s22] =	ssyncset.done $0x0  }
0xa0: {  	[sflag:s22] =	ssyncadd.s32 s4;
	_ =	sdelay $0x1  }
0xa1: {  	s23 =	simm.s32 $0x1B8B  }
0xa2: {  	_ =	swait.ge [sflag:s23], $0x1  }
0xa3: {  	[sflag:s23] =	ssyncset.done $0x0  }
0xa4: {  	s25 =	simm.s32 $0x1B8E;
	s24 =	sld [smem:$0x3FFE];
	[sflag:s23] =	ssyncadd.s32 $0xFFFFFFFF  }
0xa5: {  	s26 =	simm.s32 $execute0_lowered;
	[smem:$0x3FD2] =	sst s25  }
0xa6: {  	s5 =	sshll.u32 s26, $0x1;
	_ =	strace $0x8000004C;
	[dreg:$0x1] =	wrdreg $0xFFFFFFFF  }
0xa7: {  	s28 =	simm.s32 $_size_execute0_lowered;
	s3 =	sadd.s32 s3, s5;
	[dreg:$0x0] =	wrdreg $0x0  }
0xa8: {  	s5 =	sshll.u32 s28, $0x1;
	[dreg:$0x2] =	wrdreg s3  }
0xa9: {  	[dreg:$0x3] =	wrdreg s5  }
0xaa: {  	[dreg:$0x4] =	wrdreg $0xC0  }
0xab: {  	_ =	task [dreg:s7], $0x5FFFF  }
0xac: {  	[dreg:$0x1] =	wrdreg $0xFFFFFFFF  }
0xad: {  	[dreg:$0x0] =	wrdreg $0x60  }
0xae: {  	[dreg:$0x2] =	wrdreg s2  }
0xaf: {  	[dreg:$0x3] =	wrdreg s24  }
0xb0: {  	[dreg:$0x4] =	wrdreg $0xA8000  }
0xb1: {  	[dreg:$0x5] =	wrdreg $0x9  }
0xb2: {  	_ =	task.clear_ibuf [dreg:s7], $0x6FFFF;
	_ =	strace $0x9000004C  }
0xb3: {  	s29 =	simm.s32 $0x9;
	_ =	strace $0x8000004E  }
0xb4: {  	_ =	swait.ge [sflag:s29], $0x1  }
0xb5: {  	[sflag:s29] =	ssyncadd.s32 $0xFFFFFFFF  }
0xb6: {  	_ =	strace $0x9000004E  }
0xb7: {  	_ =	sfence  }
0xb8: {  	s30 =	sld [smem:$0x0];
	_ =	sdelay $0x2  }
0xb9: {  	s31 =	sshll.u32 s1, $0xD;
	s1 =	sshrl.u32 s1, $0x2  }
0xba: {  	s3 =	sand.u32 $0x4000, s31;
	s1 =	sadd.s32 s1, s30  }
0xbb: {  	s0 =	sor.u32 s3, s0;
	s1 =	sshll.u32 s1, $0x11  }
0xbc: {  	s0 =	sor.u32 s1, s0  }
0xbd: {  	s0 =	sadd.s32 $0x8F2B, s0  }
0xbe: {  	[sflag:s0] =	ssyncadd.remote.s32 $0x1  }
0xbf: {  	_ =	sfence.sel $0xFFFF  }
0xc0: {  	[dreg:$0x0] =	wrdreg $0xFFFFFFFF;
	(pc) =	sbr.abs _section_cstart, $3  }
0xc1: {  	[dreg:$0x1] =	wrdreg $0xFFFFFFFF  }
0xc2: {  	_ =	task.clear_ibuf [dreg:s7], $0x2FFFF;
	_ =	strace $0x9FFFFFFF  }
0xc3: {  	(tm) =	ssettm $0x7FFFFFFF  }
tec
execute0_lowered:
.L_overlay_start_1:
0x0: {  	(tag) =	ssettag $0x1  }
0x1: {  	s1 =	rddreg [dreg:$0x0]  }
0x2: {  	s2 =	srdreg.scid;
	s5 =	rddreg [dreg:$0x1]  }
0x3: {  	s0 =	stileid.u32;
	s3 =	rddreg [dreg:$0x2];
	s4 =	simm.s32 $0x0  }
0x4: {  	s14 =	simm.s32 $0x3;
	s15 =	simm.s32 $0x1400;
	s16 =	simm.s32 $0x80  }
0x5: {  	s17 =	simm.s32 $0x6800;
	s18 =	simm.s32 $0x1;
	s19 =	simm.s32 $0x2  }
0x6: {  	s20 =	simm.s32 $0x1380;
	s21 =	simm.s32 $0x2700;
	s22 =	simm.s32 $0x2780  }
0x7: {  	s6 =	sand.u32 $0x1, s2;
	s2 =	rddreg [dreg:$0x3];
	s8 =	smul.u32 $0x4F000, s0  }
0x8: {  	s29 =	sshll.u32 s0, $0x1;
	[smem:$0x7FF] =	sst s4;
	s24 =	smul.u32 $0x2780, s0  }
0x9: {  	s7 =	sor.u32 s6, s29;
	s9 =	smul.u32 $0x27800, s6;
	s6 =	ssub.s32 $0x2, s6  }
0xa: {  	_ =	strace $0x8000004D;
	s7 =	smul.u32 $0x500, s7;
	s31 =	sshrl.u32 s6, $0x1  }
0xb: {  	s30 =	sshrl.u32 s8, $0x2;
	s12 =	sadd.s32 s9, s5;
	s13 =	ssub.s32 s6, s31  }
0xc: {  	s11 =	sadd.s32 s7, s5;
	s5 =	sadd.s32 s30, s3;
	s23 =	sadd.s32 $0x19200, s12  }
0xd: {  	s12 =	smax.u32 s13, $0x1;
	s13 =	simm.s32 $0x2800;
	s6 =	sadd.s32 $0x4000, s5  }
0xe: {  	s7 =	sadd.s32 $0x8000, s5;
	s8 =	sadd.s32 $0xC000, s5;
	s9 =	sadd.s32 $0x10000, s5  }
0xf: {  	v0 =	vimm.f32 $0.0e+00;
	s10 =	sadd.s32 $0xF200, s11;
	s11 =	sadd.s32 $0x5200, s11;
	s23 =	sadd.s32 s24, s23  }
.LBB2_1:
0x10: {  	s24 =	simm.s32 $0x0;
	s25 =	simm.s32 $0x200  }
.LBB2_2:
0x11: {  	p0 =	sne.s32 s25, $0xFE00;
	[tilespmem:s24+$0x2870] =	vst v0  }
0x12: {  	[tilespmem:s24+$0x2800] =	vst v0  }
0x13: {  	[tilespmem:s24+$0x2810] =	vst v0  }
.Ltmp0:
0x14: {  	[tilespmem:s24+$0x2820] =	vst v0;
	(pc) =	sbr.rel @p0 .LBB2_2-.Ltmp0, $4  }
0x15: {  	[tilespmem:s24+$0x2830] =	vst v0  }
0x16: {  	[tilespmem:s24+$0x2840] =	vst v0  }
0x17: {  	[tilespmem:s24+$0x2850] =	vst v0  }
0x18: {  	[tilespmem:s24+$0x2860] =	vst v0;
	s24 =	sshra.s32 s25, $0x2;
	s25 =	sadd.s32 $0x200, s25  }
0x19: {  	[tilespmem:s24+$0x2870] =	vst v0  }
0x1a: {  	[tilespmem:s24+$0x2800] =	vst v0  }
0x1b: {  	[tilespmem:s24+$0x2810] =	vst v0  }
0x1c: {  	[tilespmem:s24+$0x2820] =	vst v0  }
0x1d: {  	[tilespmem:s24+$0x2830] =	vst v0  }
0x1e: {  	[tilespmem:s24+$0x2840] =	vst v0  }
0x1f: {  	[tilespmem:s24+$0x2850] =	vst v0  }
0x20: {  	[tilespmem:s24+$0x2860] =	vst v0  }
0x21: {  	[spmem:s5] =	stream.linear.scatter [tilespmem:s13], [sflag:$0x3], $0x4000, $0x38;
	[tilespmem:$0x1E400] =	vst v63  }
0x22: {  	_ =	swait.ge [sflag:s14], $0x4000  }
0x23: {  	[sflag:s14] =	ssyncset.done $0x0  }
0x24: {  	[sflag:s14] =	ssyncadd.s32 $0xFFFFC000  }
0x25: {  	[spmem:s6] =	stream.linear.scatter [tilespmem:s13], [sflag:$0x3], $0x4000, $0x38;
	[tilespmem:$0x1E400] =	vst v63  }
0x26: {  	_ =	swait.ge [sflag:s14], $0x4000  }
0x27: {  	[sflag:s14] =	ssyncset.done $0x0  }
0x28: {  	[sflag:s14] =	ssyncadd.s32 $0xFFFFC000  }
0x29: {  	[spmem:s7] =	stream.linear.scatter [tilespmem:s13], [sflag:$0x3], $0x4000, $0x38;
	[tilespmem:$0x1E400] =	vst v63  }
0x2a: {  	_ =	swait.ge [sflag:s14], $0x4000  }
0x2b: {  	[sflag:s14] =	ssyncset.done $0x0  }
0x2c: {  	[sflag:s14] =	ssyncadd.s32 $0xFFFFC000  }
0x2d: {  	[spmem:s8] =	stream.linear.scatter [tilespmem:s13], [sflag:$0x3], $0x4000, $0x38;
	[tilespmem:$0x1E400] =	vst v63  }
0x2e: {  	_ =	swait.ge [sflag:s14], $0x4000  }
0x2f: {  	[sflag:s14] =	ssyncset.done $0x0  }
0x30: {  	[sflag:s14] =	ssyncadd.s32 $0xFFFFC000  }
0x31: {  	[spmem:s9] =	stream.linear.scatter [tilespmem:s13], [sflag:$0x3], $0x3C00, $0x38;
	[tilespmem:$0x1E400] =	vst v63  }
0x32: {  	_ =	swait.ge [sflag:s14], $0x3C00  }
0x33: {  	[sflag:s14] =	ssyncset.done $0x0  }
0x34: {  	[sflag:s14] =	ssyncadd.s32 $0xFFFFC400  }
0x35: {  	s26 =	simm.s32 $0x0;
	[bflag:$0x0] =	sbarrier.arrive $0xFFFF  }
0x36: {  	[tilespmem:s26], [sflag:$0x3] =	stream.linear.gather [hbm4b:s10+s26], $0x1400, $0x38;
	[tilespmem:$0x1E400] =	vst v63  }
0x37: {  	_ =	swait.ge [sflag:s14], $0x1400  }
0x38: {  	[sflag:s14] =	ssyncset.done $0x0  }
0x39: {  	[sflag:s14] =	ssyncadd.s32 $0xFFFFEC00  }
0x3a: {  	[tilespmem:s15], [sflag:$0x3] =	stream.linear.gather [hbm4b:s11+s26], $0x1400, $0x38;
	[tilespmem:$0x1E400] =	vst v63  }
0x3b: {  	_ =	swait.ge [sflag:s14], $0x1400  }
0x3c: {  	[sflag:s14] =	ssyncset.done $0x0  }
0x3d: {  	[sflag:s14] =	ssyncadd.s32 $0xFFFFEC00  }
0x3e: {  	[tilespmem:s13], [sflag:$0x1] =	stream.indirect.gather [hbm4b:s1+s16], $0x80, s26, s16, $0xb8;
	[tilespmem:$0x1E400] =	vst v63  }
0x3f: {  	s28 =	simm.s32 $0x80  }
0x40: {  	[tilespmem:s17], [sflag:$0x2] =	stream.indirect.gather [hbm4b:s1+s16], $0x80, s28, s16, $0xb8;
	[tilespmem:$0x1E400] =	vst v63  }
0x41: {  	_ =	swait.ge [sflag:s18], $0x4000  }
0x42: {  	[sflag:s18] =	ssyncset.done $0x0  }
0x43: {  	s29 =	simm.s32 $0x1400;
	[sflag:s18] =	ssyncadd.s32 $0xFFFFC000  }
0x44: {  	[spmem:s3] =	stream.indirect.scatter.add.f32 [tilespmem:s13], [sflag:$0x3], $0x80, s29, s16, $0xb8;
	[tilespmem:$0x1E400] =	vst v63  }
0x45: {  	_ =	swait.ge [sflag:s14], $0x4000  }
0x46: {  	[sflag:s14] =	ssyncset.done $0x0  }
0x47: {  	s30 =	simm.s32 $0x100;
	[sflag:s14] =	ssyncadd.s32 $0xFFFFC000  }
0x48: {  	[tilespmem:s13], [sflag:$0x1] =	stream.indirect.gather [hbm4b:s1+s16], $0x80, s30, s16, $0xb8;
	[tilespmem:$0x1E400] =	vst v63  }
0x49: {  	_ =	swait.ge [sflag:s19], $0x4000  }
0x4a: {  	[sflag:s19] =	ssyncset.done $0x0  }
0x4b: {  	s31 =	simm.s32 $0x1480;
	[sflag:s19] =	ssyncadd.s32 $0xFFFFC000  }
0x4c: {  	[spmem:s3] =	stream.indirect.scatter.add.f32 [tilespmem:s17], [sflag:$0x3], $0x80, s31, s16, $0xb8;
	[tilespmem:$0x1E400] =	vst v63  }
0x4d: {  	_ =	swait.ge [sflag:s14], $0x4000  }
0x4e: {  	s25 =	simm.s32 $0x800;
	s24 =	simm.s32 $0x100;
	[sflag:s14] =	ssyncset.done $0x0  }
.LBB2_4:
0x4f: {  	s26 =	sadd.s32 $0x80, s24  }
0x50: {  	[sflag:s14] =	ssyncadd.s32 $0xFFFFC000;
	s28 =	smov.u32 s25;
	s29 =	sadd.s32 $0x400, s25  }
0x51: {  	[tilespmem:s17], [sflag:$0x2] =	stream.indirect.gather [hbm4b:s1+s16], $0x80, s26, s16, $0xb8;
	[tilespmem:$0x1E400] =	vst v63  }
0x52: {  	p0 =	sne.s32 s25, $0x4800;
	_ =	swait.ge [sflag:s18], $0x4000  }
0x53: {  	[sflag:s18] =	ssyncset.done $0x0  }
0x54: {  	s25 =	sadd.s32 $0x1400, s24;
	[sflag:s18] =	ssyncadd.s32 $0xFFFFC000  }
0x55: {  	[spmem:s3] =	stream.indirect.scatter.add.f32 [tilespmem:s13], [sflag:$0x3], $0x80, s25, s16, $0xb8;
	[tilespmem:$0x1E400] =	vst v63  }
0x56: {  	_ =	swait.ge [sflag:s14], $0x4000  }
0x57: {  	[sflag:s14] =	ssyncset.done $0x0  }
0x58: {  	s25 =	sadd.s32 $0x100, s24;
	[sflag:s14] =	ssyncadd.s32 $0xFFFFC000  }
0x59: {  	[tilespmem:s13], [sflag:$0x1] =	stream.indirect.gather [hbm4b:s1+s16], $0x80, s25, s16, $0xb8;
	[tilespmem:$0x1E400] =	vst v63  }
0x5a: {  	_ =	swait.ge [sflag:s19], $0x4000  }
.Ltmp1:
0x5b: {  	[sflag:s19] =	ssyncset.done $0x0;
	(pc) =	sbr.rel @p0 .LBB2_4-.Ltmp1, $4  }
0x5c: {  	s24 =	sadd.s32 $0x1480, s24;
	[sflag:s19] =	ssyncadd.s32 $0xFFFFC000  }
0x5d: {  	[spmem:s3] =	stream.indirect.scatter.add.f32 [tilespmem:s17], [sflag:$0x3], $0x80, s24, s16, $0xb8;
	[tilespmem:$0x1E400] =	vst v63  }
0x5e: {  	_ =	swait.ge [sflag:s14], $0x4000  }
0x5f: {  	s25 =	smov.u32 s29;
	s24 =	sshra.s32 s28, $0x2;
	[sflag:s14] =	ssyncset.done $0x0  }
0x60: {  	s25 =	sadd.s32 $0x80, s24;
	[sflag:s14] =	ssyncadd.s32 $0xFFFFC000  }
0x61: {  	[tilespmem:s17], [sflag:$0x2] =	stream.indirect.gather [hbm4b:s1+s16], $0x80, s25, s16, $0xb8;
	[tilespmem:$0x1E400] =	vst v63  }
0x62: {  	_ =	swait.ge [sflag:s18], $0x4000  }
0x63: {  	[sflag:s18] =	ssyncset.done $0x0  }
0x64: {  	s26 =	sadd.s32 $0x1400, s24;
	[sflag:s18] =	ssyncadd.s32 $0xFFFFC000  }
0x65: {  	[spmem:s3] =	stream.indirect.scatter.add.f32 [tilespmem:s13], [sflag:$0x3], $0x80, s26, s16, $0xb8;
	[tilespmem:$0x1E400] =	vst v63  }
0x66: {  	_ =	swait.ge [sflag:s14], $0x4000  }
0x67: {  	[sflag:s14] =	ssyncset.done $0x0  }
0x68: {  	s28 =	sadd.s32 $0x100, s24;
	[sflag:s14] =	ssyncadd.s32 $0xFFFFC000  }
0x69: {  	[tilespmem:s13], [sflag:$0x1] =	stream.indirect.gather [hbm4b:s1+s16], $0x80, s28, s16, $0xb8;
	[tilespmem:$0x1E400] =	vst v63  }
0x6a: {  	_ =	swait.ge [sflag:s19], $0x4000  }
0x6b: {  	[sflag:s19] =	ssyncset.done $0x0  }
0x6c: {  	s29 =	sadd.s32 $0x1480, s24;
	[sflag:s19] =	ssyncadd.s32 $0xFFFFC000  }
0x6d: {  	[spmem:s3] =	stream.indirect.scatter.add.f32 [tilespmem:s17], [sflag:$0x3], $0x80, s29, s16, $0xb8;
	[tilespmem:$0x1E400] =	vst v63  }
0x6e: {  	_ =	swait.ge [sflag:s14], $0x4000  }
0x6f: {  	[sflag:s14] =	ssyncset.done $0x0  }
0x70: {  	[sflag:s14] =	ssyncadd.s32 $0xFFFFC000  }
0x71: {  	[tilespmem:s17], [sflag:$0x2] =	stream.indirect.gather [hbm4b:s1+s16], $0x80, s20, s16, $0xb8;
	[tilespmem:$0x1E400] =	vst v63  }
0x72: {  	_ =	swait.ge [sflag:s18], $0x4000  }
0x73: {  	[sflag:s18] =	ssyncset.done $0x0  }
0x74: {  	[sflag:s18] =	ssyncadd.s32 $0xFFFFC000  }
0x75: {  	[spmem:s3] =	stream.indirect.scatter.add.f32 [tilespmem:s13], [sflag:$0x3], $0x80, s21, s16, $0xb8;
	[tilespmem:$0x1E400] =	vst v63  }
0x76: {  	_ =	swait.ge [sflag:s14], $0x4000  }
0x77: {  	[sflag:s14] =	ssyncset.done $0x0  }
0x78: {  	[sflag:s14] =	ssyncadd.s32 $0xFFFFC000  }
0x79: {  	_ =	swait.ge [sflag:s19], $0x4000  }
0x7a: {  	[sflag:s19] =	ssyncset.done $0x0  }
0x7b: {  	[sflag:s19] =	ssyncadd.s32 $0xFFFFC000  }
0x7c: {  	[spmem:s3] =	stream.indirect.scatter.add.f32 [tilespmem:s17], [sflag:$0x3], $0x80, s22, s16, $0xb8;
	[tilespmem:$0x1E400] =	vst v63  }
0x7d: {  	_ =	swait.ge [sflag:s14], $0x4000  }
0x7e: {  	[sflag:s14] =	ssyncset.done $0x0  }
0x7f: {  	s30 =	sadd.s32 $0x280, s10;
	s31 =	simm.s32 $0x0;
	[sflag:s14] =	ssyncadd.s32 $0xFFFFC000  }
0x80: {  	[tilespmem:s31], [sflag:$0x3] =	stream.linear.gather [hbm4b:s30+s31], $0x1400, $0x38;
	[tilespmem:$0x1E400] =	vst v63  }
0x81: {  	_ =	swait.ge [sflag:s14], $0x1400  }
0x82: {  	[sflag:s14] =	ssyncset.done $0x0  }
0x83: {  	s26 =	sadd.s32 $0x280, s11;
	[sflag:s14] =	ssyncadd.s32 $0xFFFFEC00  }
0x84: {  	[tilespmem:s15], [sflag:$0x3] =	stream.linear.gather [hbm4b:s26+s31], $0x1400, $0x38;
	[tilespmem:$0x1E400] =	vst v63  }
0x85: {  	_ =	swait.ge [sflag:s14], $0x1400  }
0x86: {  	[sflag:s14] =	ssyncset.done $0x0  }
0x87: {  	[sflag:s14] =	ssyncadd.s32 $0xFFFFEC00  }
0x88: {  	[tilespmem:s13], [sflag:$0x1] =	stream.indirect.gather [hbm4b:s1+s16], $0x80, s31, s16, $0xb8;
	[tilespmem:$0x1E400] =	vst v63  }
0x89: {  	s28 =	simm.s32 $0x80  }
0x8a: {  	[tilespmem:s17], [sflag:$0x2] =	stream.indirect.gather [hbm4b:s1+s16], $0x80, s28, s16, $0xb8;
	[tilespmem:$0x1E400] =	vst v63  }
0x8b: {  	_ =	swait.ge [sflag:s18], $0x4000  }
0x8c: {  	[sflag:s18] =	ssyncset.done $0x0  }
0x8d: {  	s29 =	simm.s32 $0x1400;
	[sflag:s18] =	ssyncadd.s32 $0xFFFFC000  }
0x8e: {  	[spmem:s3] =	stream.indirect.scatter.add.f32 [tilespmem:s13], [sflag:$0x3], $0x80, s29, s16, $0xb8;
	[tilespmem:$0x1E400] =	vst v63  }
0x8f: {  	_ =	swait.ge [sflag:s14], $0x4000  }
0x90: {  	[sflag:s14] =	ssyncset.done $0x0  }
0x91: {  	s30 =	simm.s32 $0x100;
	[sflag:s14] =	ssyncadd.s32 $0xFFFFC000  }
0x92: {  	[tilespmem:s13], [sflag:$0x1] =	stream.indirect.gather [hbm4b:s1+s16], $0x80, s30, s16, $0xb8;
	[tilespmem:$0x1E400] =	vst v63  }
0x93: {  	_ =	swait.ge [sflag:s19], $0x4000  }
0x94: {  	[sflag:s19] =	ssyncset.done $0x0  }
0x95: {  	s31 =	simm.s32 $0x1480;
	[sflag:s19] =	ssyncadd.s32 $0xFFFFC000  }
0x96: {  	[spmem:s3] =	stream.indirect.scatter.add.f32 [tilespmem:s17], [sflag:$0x3], $0x80, s31, s16, $0xb8;
	[tilespmem:$0x1E400] =	vst v63  }
0x97: {  	_ =	swait.ge [sflag:s14], $0x4000  }
0x98: {  	s24 =	simm.s32 $0x100;
	s25 =	simm.s32 $0x800;
	[sflag:s14] =	ssyncset.done $0x0  }
.LBB2_6:
0x99: {  	s26 =	sadd.s32 $0x80, s24  }
0x9a: {  	[sflag:s14] =	ssyncadd.s32 $0xFFFFC000;
	s28 =	smov.u32 s25;
	s29 =	sadd.s32 $0x400, s25  }
0x9b: {  	[tilespmem:s17], [sflag:$0x2] =	stream.indirect.gather [hbm4b:s1+s16], $0x80, s26, s16, $0xb8;
	[tilespmem:$0x1E400] =	vst v63  }
0x9c: {  	p0 =	sne.s32 s25, $0x4800;
	_ =	swait.ge [sflag:s18], $0x4000  }
0x9d: {  	[sflag:s18] =	ssyncset.done $0x0  }
0x9e: {  	s25 =	sadd.s32 $0x1400, s24;
	[sflag:s18] =	ssyncadd.s32 $0xFFFFC000  }
0x9f: {  	[spmem:s3] =	stream.indirect.scatter.add.f32 [tilespmem:s13], [sflag:$0x3], $0x80, s25, s16, $0xb8;
	[tilespmem:$0x1E400] =	vst v63  }
0xa0: {  	_ =	swait.ge [sflag:s14], $0x4000  }
0xa1: {  	[sflag:s14] =	ssyncset.done $0x0  }
0xa2: {  	s25 =	sadd.s32 $0x100, s24;
	[sflag:s14] =	ssyncadd.s32 $0xFFFFC000  }
0xa3: {  	[tilespmem:s13], [sflag:$0x1] =	stream.indirect.gather [hbm4b:s1+s16], $0x80, s25, s16, $0xb8;
	[tilespmem:$0x1E400] =	vst v63  }
0xa4: {  	_ =	swait.ge [sflag:s19], $0x4000  }
.Ltmp2:
0xa5: {  	[sflag:s19] =	ssyncset.done $0x0;
	(pc) =	sbr.rel @p0 .LBB2_6-.Ltmp2, $4  }
0xa6: {  	s24 =	sadd.s32 $0x1480, s24;
	[sflag:s19] =	ssyncadd.s32 $0xFFFFC000  }
0xa7: {  	[spmem:s3] =	stream.indirect.scatter.add.f32 [tilespmem:s17], [sflag:$0x3], $0x80, s24, s16, $0xb8;
	[tilespmem:$0x1E400] =	vst v63  }
0xa8: {  	_ =	swait.ge [sflag:s14], $0x4000  }
0xa9: {  	s25 =	smov.u32 s29;
	s24 =	sshra.s32 s28, $0x2;
	[sflag:s14] =	ssyncset.done $0x0  }
0xaa: {  	s25 =	sadd.s32 $0x80, s24;
	[sflag:s14] =	ssyncadd.s32 $0xFFFFC000  }
0xab: {  	[tilespmem:s17], [sflag:$0x2] =	stream.indirect.gather [hbm4b:s1+s16], $0x80, s25, s16, $0xb8;
	[tilespmem:$0x1E400] =	vst v63  }
0xac: {  	_ =	swait.ge [sflag:s18], $0x4000  }
0xad: {  	[sflag:s18] =	ssyncset.done $0x0  }
0xae: {  	s26 =	sadd.s32 $0x1400, s24;
	[sflag:s18] =	ssyncadd.s32 $0xFFFFC000  }
0xaf: {  	[spmem:s3] =	stream.indirect.scatter.add.f32 [tilespmem:s13], [sflag:$0x3], $0x80, s26, s16, $0xb8;
	[tilespmem:$0x1E400] =	vst v63  }
0xb0: {  	_ =	swait.ge [sflag:s14], $0x4000  }
0xb1: {  	[sflag:s14] =	ssyncset.done $0x0  }
0xb2: {  	s28 =	sadd.s32 $0x100, s24;
	[sflag:s14] =	ssyncadd.s32 $0xFFFFC000  }
0xb3: {  	[tilespmem:s13], [sflag:$0x1] =	stream.indirect.gather [hbm4b:s1+s16], $0x80, s28, s16, $0xb8;
	[tilespmem:$0x1E400] =	vst v63  }
0xb4: {  	_ =	swait.ge [sflag:s19], $0x4000  }
0xb5: {  	[sflag:s19] =	ssyncset.done $0x0  }
0xb6: {  	s29 =	sadd.s32 $0x1480, s24;
	[sflag:s19] =	ssyncadd.s32 $0xFFFFC000  }
0xb7: {  	[spmem:s3] =	stream.indirect.scatter.add.f32 [tilespmem:s17], [sflag:$0x3], $0x80, s29, s16, $0xb8;
	[tilespmem:$0x1E400] =	vst v63  }
0xb8: {  	_ =	swait.ge [sflag:s14], $0x4000  }
0xb9: {  	[sflag:s14] =	ssyncset.done $0x0  }
0xba: {  	[sflag:s14] =	ssyncadd.s32 $0xFFFFC000  }
0xbb: {  	[tilespmem:s17], [sflag:$0x2] =	stream.indirect.gather [hbm4b:s1+s16], $0x80, s20, s16, $0xb8;
	[tilespmem:$0x1E400] =	vst v63  }
0xbc: {  	_ =	swait.ge [sflag:s18], $0x4000  }
0xbd: {  	[sflag:s18] =	ssyncset.done $0x0  }
0xbe: {  	[sflag:s18] =	ssyncadd.s32 $0xFFFFC000  }
0xbf: {  	[spmem:s3] =	stream.indirect.scatter.add.f32 [tilespmem:s13], [sflag:$0x3], $0x80, s21, s16, $0xb8;
	[tilespmem:$0x1E400] =	vst v63  }
0xc0: {  	_ =	swait.ge [sflag:s14], $0x4000  }
0xc1: {  	[sflag:s14] =	ssyncset.done $0x0  }
0xc2: {  	[sflag:s14] =	ssyncadd.s32 $0xFFFFC000  }
0xc3: {  	_ =	swait.ge [sflag:s19], $0x4000  }
0xc4: {  	[sflag:s19] =	ssyncset.done $0x0  }
0xc5: {  	[sflag:s19] =	ssyncadd.s32 $0xFFFFC000  }
0xc6: {  	[spmem:s3] =	stream.indirect.scatter.add.f32 [tilespmem:s17], [sflag:$0x3], $0x80, s22, s16, $0xb8;
	[tilespmem:$0x1E400] =	vst v63  }
0xc7: {  	_ =	swait.ge [sflag:s14], $0x4000  }
0xc8: {  	s30 =	sshll.u32 s0, $0x6;
	s4 =	sadd.s32 $0x1, s4;
	[sflag:s14] =	ssyncset.done $0x0  }
0xc9: {  	s31 =	sshrl.u32 s5, $0x3;
	p0 =	sne.s32 s4, s12;
	[sflag:s14] =	ssyncadd.s32 $0xFFFFC000  }
.Ltmp3:
0xca: {  	s24 =	sor.u32 $0x1C03, s30;
	[bflag:$0x0] =	sbarrier.arrive $0xFFFF;
	(pc) =	sbr.rel @p0 .LBB2_1-.Ltmp3, $4  }
0xcb: {  	[hbm:s23], [sflag:s24] =	dma.local [spmem:s31], $0x2780  }
0xcc: {  	_ =	swait.ge [sflag:s14], $0x2780  }
0xcd: {  	[sflag:s14] =	ssyncset.done $0x0  }
0xce: {  	[sflag:s14] =	ssyncadd.s32 $0xFFFFD880  }
0xcf: {  	_ =	sfence.sel $0x180000  }
0xd0: {  	[bflag:$0x0] =	sbarrier.arrive $0xFFFF  }
0xd1: {  	p0 =	sne.s32 s0, $0x0;
	_ =	strace $0x9000004D  }
0xd2: {  	s0 =	sadd.s32 @!p0 $0x100000, s2;
	[bflag:$0x2] =	sbarrier.arrive $0xFFFF  }
0xd3: {  	[sflag:s0] =	ssyncadd.tile.s32 @!p0 $0x1;
	_ =	shalt  }
.Lfunc_end2:
_tile_overlayer_lowered:
.L_overlay_start_2:
0xd4: {  	(tag) =	ssettag $0x2  }
0xd5: {  	s0 =	rddreg [dreg:$0x0];
	s2 =	stileid.u32  }
0xd6: {  	s1 =	rddreg [dreg:$0x1];
	p0 =	sne.s32 s2, $0x0  }
0xd7: {  	s3 =	rddreg [dreg:$0x2];
	[bflag:$0x3] =	sbarrier.arrive $0xFFFF;
	s2 =	simm.s32 @!p0 $0x1C03  }
0xd8: {  	[timem:s3], [sflag:s2] =	dma.local @!p0 [hbm:s0], s1  }
0xd9: {  	s0 =	simm.s32 @!p0 $0x3  }
0xda: {  	_ =	swait.ge @!p0 [sflag:s0], s1  }
0xdb: {  	s1 =	ssub.s32 @!p0 $0x0, s1;
	[sflag:s0] =	ssyncset.done @!p0 $0x0  }
0xdc: {  	[sflag:s0] =	ssyncadd.s32 @!p0 s1  }
0xdd: {  	[bflag:$0x3] =	sbarrier.arrive $0xFFFF  }
0xde: {  	_ =	shalt  }

// kernel: kernel.9.cloned.1.call-start
scs
__scs_entry_jumppad:
0x0: {  	(pc) =	sbr.rel $0x88, $3  }
0x1: {  	(tag) =	ssettag $0x0;
	lr =	simm.s32 $0x1  }
0x2: {  	[smem:$0x3F94] =	sst lr;
	_ =	strace $0xD0000000  }
0x3: {  	_ = 	snop  }
0x4: {  	_ = 	snop  }
0x5: {  	_ = 	snop  }
0x6: {  	_ = 	snop  }
0x7: {  	_ = 	snop  }
__scs_overlays_trampoline_lowered:
0x8: {  	[smem:$0x3FA3] =	sst s0  }
0x9: {  	[smem:$0x3FA4] =	sst s1  }
0xa: {  	[smem:$0x3FA5] =	sst s2  }
0xb: {  	[smem:$0x3FA6] =	sst s3  }
0xc: {  	[smem:$0x3FA7] =	sst s4  }
0xd: {  	[smem:$0x3FA8] =	sst s5  }
0xe: {  	[smem:$0x3FA9] =	sst s6  }
0xf: {  	[smem:$0x3FAA] =	sst s7  }
0x10: {  	[smem:$0x3FAB] =	sst s8  }
0x11: {  	[smem:$0x3FAC] =	sst s9;
	s0 =	simm.s32 @!p0 $0x0  }
0x12: {  	s1 =	sld [smem:$0x3F92];
	s0 =	simm.s32 @p0 $0x1  }
0x13: {  	[smem:$0x3FAD] =	sst s0;
	s0 =	simm.s32 @!p1 $0x0  }
0x14: {  	s2 =	sld [smem:$0x3F91];
	s0 =	simm.s32 @p1 $0x1  }
0x15: {  	[smem:$0x3FAE] =	sst s0;
	s0 =	simm.s32 @!p2 $0x0  }
0x16: {  	s3 =	sld [smem:$0x3FDB];
	s0 =	simm.s32 @p2 $0x1  }
0x17: {  	s4 =	simm.s32 $0x1BF5;
	[smem:$0x3FB0] =	sst s0  }
0x18: {  	s0 =	sld [smem:$0x3F93];
	_ =	swait.ge [sflag:s4], $0x0  }
0x19: {  	s7 =	sld [smem:$0x3F94]  }
0x1a: {  	s8 =	sadd.s32 $0xFFFFE003, lr  }
0x1b: {  	s9 =	sadd.s32 $0xFFFFFEF7, lr;
	s5 =	simm.s32 $0xFFFFFFFF;
	p2 =	slt.u32 s8, $0xFFFFF086  }
0x1c: {  	p1 =	slt.u32 s9, $0xF7A;
	s5 =	simm.s32 @!p2 $0x0  }
0x1d: {  	s5 =	simm.s32 @p1 $0x1;
	p0 =	seq.s32 s7, s2  }
0x1e: {  	s7 =	smul.u32 @!p0 $0xF7A, s2;
	p2 =	seq.s32 @!p0 s5, $0x0  }
0x1f: {  	s9 =	smul.u32 $0xF7A, s1;
	s8 =	simm.s32 @!p0 $0x1BF5;
	p2 =	por !p2, p0  }
0x20: {  	[sflag:s8] =	ssyncset.s32 @!p0 $0xFFFFF086;
	s6 =	sadd.s32 @!p0 s3, s7;
	s7 =	simm.s32 @!p0 $0x108  }
0x21: {  	s3 =	sadd.s32 s3, s9;
	s6 =	sadd.s32 @!p0 $0x88, s6;
	s7 =	simm.s32 @p2 $0x1082  }
0x22: {  	[simem:s7], [sflag:s8] =	dma.local @!p0 [hbm:s6], $0xF7A  }
0x23: {  	s9 =	sor.u32 $0xD0000000, s2;
	s6 =	simm.s32 $0x108;
	_ =	swait.ge @!p0 [sflag:s8], $0x0  }
0x24: {  	s3 =	sadd.s32 $0x88, s3;
	s6 =	simm.s32 @!p1 $0x1082;
	[sflag:s4] =	ssyncset.s32 $0xFFFFF086  }
0x25: {  	[simem:s6], [sflag:s4] =	dma.local [hbm:s3], $0xF7A  }
0x26: {  	[smem:$0x3F94] =	sst s1;
	(tag) =	ssettag s2;
	_ =	strace s9  }
0x27: {  	s1 =	sld [smem:$0x3FA4]  }
0x28: {  	s2 =	sld [smem:$0x3FA5]  }
0x29: {  	s4 =	sld [smem:$0x3FA7]  }
0x2a: {  	p0 =	seq.s32 s5, $0x0;
	s5 =	sld [smem:$0x3FA8]  }
0x2b: {  	s6 =	sld [smem:$0x3FA9]  }
0x2c: {  	s7 =	sld [smem:$0x3FAA]  }
0x2d: {  	s3 =	simm.s32 $0x108;
	s8 =	sld [smem:$0x3FAB]  }
0x2e: {  	s3 =	simm.s32 @!p0 $0x1082;
	s9 =	sld [smem:$0x3FAC]  }
0x2f: {  	lr =	sadd.s32 s0, s3;
	s0 =	sld [smem:$0x3FA3]  }
0x30: {  	s3 =	sld [smem:$0x3FA6]  }
0x31: {  	[smem:$0x3FAF] =	sst s10  }
0x32: {  	s10 =	sld [smem:$0x3FAD];
	_ =	sdelay $0x3  }
0x33: {  	p0 =	seq.s32 s10, $0x1;
	s10 =	sld [smem:$0x3FAF];
	_ =	sdelay $0x3  }
0x34: {  	[smem:$0x3FAF] =	sst s10  }
0x35: {  	s10 =	sld [smem:$0x3FAE];
	_ =	sdelay $0x3  }
0x36: {  	p1 =	seq.s32 s10, $0x1;
	s10 =	sld [smem:$0x3FAF];
	_ =	sdelay $0x3  }
0x37: {  	[smem:$0x3FAF] =	sst s10  }
0x38: {  	s10 =	sld [smem:$0x3FB0]  }
0x39: {  	_ = 	snop;
	(pc) =	sbr.ind lr, $3  }
0x3a: {  	_ = 	snop  }
0x3b: {  	_ = 	snop  }
0x3c: {  	p2 =	seq.s32 s10, $0x1;
	s10 =	sld [smem:$0x3FAF]  }
0x3d: {  	_ =	shalt  }
0x3e: {  	_ =	shalt  }
0x3f: {  	_ =	shalt  }
0x40: {  	_ =	shalt  }
0x41: {  	_ =	shalt  }
0x42: {  	_ =	shalt  }
0x43: {  	_ =	shalt  }
0x44: {  	_ =	shalt  }
0x45: {  	_ =	shalt  }
0x46: {  	_ =	shalt  }
0x47: {  	_ =	shalt  }
0x48: {  	_ =	shalt  }
0x49: {  	_ =	shalt  }
0x4a: {  	_ =	shalt  }
0x4b: {  	_ =	shalt  }
0x4c: {  	_ =	shalt  }
0x4d: {  	_ =	shalt  }
0x4e: {  	_ =	shalt  }
0x4f: {  	_ =	shalt  }
0x50: {  	_ =	shalt  }
0x51: {  	_ =	shalt  }
0x52: {  	_ =	shalt  }
0x53: {  	_ =	shalt  }
0x54: {  	_ =	shalt  }
0x55: {  	_ =	shalt  }
0x56: {  	_ =	shalt  }
0x57: {  	_ =	shalt  }
0x58: {  	_ =	shalt  }
0x59: {  	_ =	shalt  }
0x5a: {  	_ =	shalt  }
0x5b: {  	_ =	shalt  }
0x5c: {  	_ =	shalt  }
0x5d: {  	_ =	shalt  }
0x5e: {  	_ =	shalt  }
0x5f: {  	_ =	shalt  }
0x60: {  	_ =	shalt  }
0x61: {  	_ =	shalt  }
0x62: {  	_ =	shalt  }
0x63: {  	_ =	shalt  }
0x64: {  	_ =	shalt  }
0x65: {  	_ =	shalt  }
0x66: {  	_ =	shalt  }
0x67: {  	_ =	shalt  }
0x68: {  	_ =	shalt  }
0x69: {  	_ =	shalt  }
0x6a: {  	_ =	shalt  }
0x6b: {  	_ =	shalt  }
0x6c: {  	_ =	shalt  }
0x6d: {  	_ =	shalt  }
0x6e: {  	_ =	shalt  }
0x6f: {  	_ =	shalt  }
0x70: {  	_ =	shalt  }
0x71: {  	_ =	shalt  }
0x72: {  	_ =	shalt  }
0x73: {  	_ =	shalt  }
0x74: {  	_ =	shalt  }
0x75: {  	_ =	shalt  }
0x76: {  	_ =	shalt  }
0x77: {  	_ =	shalt  }
0x78: {  	_ =	shalt  }
0x79: {  	_ =	shalt  }
0x7a: {  	_ =	shalt  }
0x7b: {  	_ =	shalt  }
0x7c: {  	_ =	shalt  }
0x7d: {  	_ =	shalt  }
0x7e: {  	_ =	shalt  }
0x7f: {  	_ =	shalt  }
0x80: {  	_ =	shalt  }
0x81: {  	_ =	shalt  }
0x82: {  	_ =	shalt  }
0x83: {  	_ =	shalt  }
0x84: {  	_ =	shalt  }
0x85: {  	_ =	shalt  }
0x86: {  	_ =	shalt  }
0x87: {  	_ =	shalt  }
.Lfunc_end0:
.L_simem_size_0:
called_computation_lowered:
.L_overlay_start_0:
0x88: {  	s2 =	sld [smem:$0x3FD9]  }
0x89: {  	s3 =	sld [smem:$0x3FFE];
	_ =	sdelay $0x1  }
0x8a: {  	s1 =	srdreg.scid  }
0x8b: {  	s0 =	sand.u32 $0x1, s1  }
0x8c: {  	s17 =	sshll.u32 s0, $0xA;
	s2 =	sadd.s32 s3, s2  }
0x8d: {  	s2 =	sadd.s32 s2, s17  }
0x8e: {  	[smem:$0x3FBB] =	sst s2  }
0x8f: {  	_ = 	snop  }
0x90: {  	s2 =	sld [smem:$0x3FD0];
	(tm) =	ssettm $0x1  }
0x91: {  	s18 =	sld [smem:$0x3FFB];
	_ =	sdelay $0x3  }
0x92: {  	_ =	strace s18  }
0x93: {  	s3 =	sld [smem:$0x3FFC];
	_ =	sdelay $0x3  }
0x94: {  	_ =	strace s3  }
0x95: {  	s3 =	sld [smem:$0x3FFD];
	_ =	sdelay $0x3  }
0x96: {  	_ =	strace s3  }
0x97: {  	_ =	strace $0x8FFFFFFF  }
0x98: {  	s19 =	sld [smem:$0x3FDB];
	_ =	sdelay $0x1  }
0x99: {  	s4 =	simm.s32 $_scs_section_size  }
0x9a: {  	s5 =	simm.s32 $_size__tile_overlayer_lowered;
	s6 =	simm.s32 $_tile_overlayer_lowered  }
0x9b: {  	s22 =	simm.s32 $0x1BFF;
	s21 =	sshll.u32 s6, $0x1;
	s3 =	sadd.s32 s4, s19  }
0x9c: {  	s7 =	simm.s32 $0x0;
	s20 =	sshll.u32 s5, $0x1;
	s5 =	sadd.s32 s21, s3  }
0x9d: {  	[timem:s7], [sflag:s22] =	dma.local [hbm:s5], s20  }
0x9e: {  	_ =	swait.ge [sflag:s22], s20  }
0x9f: {  	s4 =	ssub.s32 $0x0, s20;
	[sflag:s22] =	ssyncset.done $0x0  }
0xa0: {  	[sflag:s22] =	ssyncadd.s32 s4;
	_ =	sdelay $0x1  }
0xa1: {  	s23 =	simm.s32 $0x1B8B  }
0xa2: {  	_ =	swait.ge [sflag:s23], $0x1  }
0xa3: {  	[sflag:s23] =	ssyncset.done $0x0  }
0xa4: {  	s25 =	simm.s32 $0x1B8E;
	s24 =	sld [smem:$0x3FFE];
	[sflag:s23] =	ssyncadd.s32 $0xFFFFFFFF  }
0xa5: {  	s26 =	simm.s32 $execute0_lowered;
	[smem:$0x3FD2] =	sst s25  }
0xa6: {  	s5 =	sshll.u32 s26, $0x1;
	_ =	strace $0x80000046;
	[dreg:$0x1] =	wrdreg $0xFFFFFFFF  }
0xa7: {  	s28 =	simm.s32 $_size_execute0_lowered;
	s3 =	sadd.s32 s3, s5;
	[dreg:$0x0] =	wrdreg $0x0  }
0xa8: {  	s5 =	sshll.u32 s28, $0x1;
	[dreg:$0x2] =	wrdreg s3  }
0xa9: {  	[dreg:$0x3] =	wrdreg s5  }
0xaa: {  	[dreg:$0x4] =	wrdreg $0xC0  }
0xab: {  	_ =	task [dreg:s7], $0x5FFFF  }
0xac: {  	[dreg:$0x1] =	wrdreg $0xFFFFFFFF  }
0xad: {  	[dreg:$0x0] =	wrdreg $0x60  }
0xae: {  	[dreg:$0x2] =	wrdreg s2  }
0xaf: {  	[dreg:$0x3] =	wrdreg s24  }
0xb0: {  	[dreg:$0x4] =	wrdreg $0xA8000  }
0xb1: {  	[dreg:$0x5] =	wrdreg $0x9  }
0xb2: {  	_ =	task.clear_ibuf [dreg:s7], $0x6FFFF;
	_ =	strace $0x90000046  }
0xb3: {  	s29 =	simm.s32 $0x9;
	_ =	strace $0x80000048  }
0xb4: {  	_ =	swait.ge [sflag:s29], $0x1  }
0xb5: {  	[sflag:s29] =	ssyncadd.s32 $0xFFFFFFFF  }
0xb6: {  	_ =	strace $0x90000048  }
0xb7: {  	_ =	sfence  }
0xb8: {  	s30 =	sld [smem:$0x0];
	_ =	sdelay $0x2  }
0xb9: {  	s31 =	sshll.u32 s1, $0xD;
	s1 =	sshrl.u32 s1, $0x2  }
0xba: {  	s3 =	sand.u32 $0x4000, s31;
	s1 =	sadd.s32 s1, s30  }
0xbb: {  	s0 =	sor.u32 s3, s0;
	s1 =	sshll.u32 s1, $0x11  }
0xbc: {  	s0 =	sor.u32 s1, s0  }
0xbd: {  	s0 =	sadd.s32 $0x8F2B, s0  }
0xbe: {  	[sflag:s0] =	ssyncadd.remote.s32 $0x1  }
0xbf: {  	_ =	sfence.sel $0xFFFF  }
0xc0: {  	[dreg:$0x0] =	wrdreg $0xFFFFFFFF;
	(pc) =	sbr.abs _section_cstart, $3  }
0xc1: {  	[dreg:$0x1] =	wrdreg $0xFFFFFFFF  }
0xc2: {  	_ =	task.clear_ibuf [dreg:s7], $0x2FFFF;
	_ =	strace $0x9FFFFFFF  }
0xc3: {  	(tm) =	ssettm $0x7FFFFFFF  }
tec
execute0_lowered:
.L_overlay_start_1:
0x0: {  	(tag) =	ssettag $0x1  }
0x1: {  	s1 =	rddreg [dreg:$0x0]  }
0x2: {  	s6 =	rddreg [dreg:$0x1]  }
0x3: {  	s3 =	rddreg [dreg:$0x2];
	s5 =	srdreg.scid  }
0x4: {  	s0 =	stileid.u32;
	s4 =	simm.s32 $0x0;
	s14 =	simm.s32 $0x3  }
0x5: {  	s15 =	simm.s32 $0x1400;
	s16 =	simm.s32 $0x80;
	s18 =	simm.s32 $0x6800  }
0x6: {  	s19 =	simm.s32 $0x1;
	s20 =	simm.s32 $0x2;
	s21 =	simm.s32 $0x1380  }
0x7: {  	s22 =	simm.s32 $0x2700;
	s23 =	simm.s32 $0x2780;
	s8 =	smul.u32 $0x4F000, s0  }
0x8: {  	s5 =	sand.u32 $0x1, s5;
	s7 =	sshll.u32 s0, $0x1;
	s24 =	smul.u32 $0x2780, s0  }
0x9: {  	[smem:$0x7FF] =	sst s4;
	s7 =	sor.u32 s5, s7;
	s9 =	smul.u32 $0x27800, s5  }
0xa: {  	s10 =	ssub.s32 $0x2, s5;
	s7 =	smul.u32 $0x500, s7;
	s30 =	sshrl.u32 s8, $0x2  }
0xb: {  	_ =	strace $0x80000047;
	s31 =	sshrl.u32 s10, $0x1;
	s5 =	sadd.s32 s30, s3  }
0xc: {  	s12 =	sadd.s32 s9, s6;
	s13 =	ssub.s32 s10, s31;
	s11 =	sadd.s32 s7, s6  }
0xd: {  	s6 =	sadd.s32 $0x4000, s5;
	s7 =	sadd.s32 $0x8000, s5;
	s8 =	sadd.s32 $0xC000, s5  }
0xe: {  	s9 =	sadd.s32 $0x10000, s5;
	s17 =	sadd.s32 $0x68200, s12;
	s25 =	sadd.s32 $0x19200, s12  }
0xf: {  	s12 =	smax.u32 s13, $0x1;
	s13 =	simm.s32 $0x2800;
	s10 =	sadd.s32 $0x5200, s11  }
0x10: {  	v0 =	vimm.f32 $0.0e+00;
	v1 =	vimm.f32 $1.000000000e+00;
	s11 =	sadd.s32 $0xF200, s11;
	s17 =	sadd.s32 s24, s17;
	s24 =	sadd.s32 s24, s25  }
.LBB2_1:
0x11: {  	s25 =	simm.s32 $0x0;
	s26 =	simm.s32 $0x200  }
.LBB2_2:
0x12: {  	p0 =	sne.s32 s26, $0xFE00;
	[tilespmem:s25+$0x2870] =	vst v0  }
0x13: {  	[tilespmem:s25+$0x2800] =	vst v0  }
0x14: {  	[tilespmem:s25+$0x2810] =	vst v0  }
.Ltmp0:
0x15: {  	[tilespmem:s25+$0x2820] =	vst v0;
	(pc) =	sbr.rel @p0 .LBB2_2-.Ltmp0, $4  }
0x16: {  	[tilespmem:s25+$0x2830] =	vst v0  }
0x17: {  	[tilespmem:s25+$0x2840] =	vst v0  }
0x18: {  	[tilespmem:s25+$0x2850] =	vst v0  }
0x19: {  	[tilespmem:s25+$0x2860] =	vst v0;
	s25 =	sshra.s32 s26, $0x2;
	s26 =	sadd.s32 $0x200, s26  }
0x1a: {  	[tilespmem:s25+$0x2870] =	vst v0  }
0x1b: {  	[tilespmem:s25+$0x2800] =	vst v0  }
0x1c: {  	[tilespmem:s25+$0x2810] =	vst v0  }
0x1d: {  	[tilespmem:s25+$0x2820] =	vst v0  }
0x1e: {  	[tilespmem:s25+$0x2830] =	vst v0  }
0x1f: {  	[tilespmem:s25+$0x2840] =	vst v0  }
0x20: {  	[tilespmem:s25+$0x2850] =	vst v0  }
0x21: {  	[tilespmem:s25+$0x2860] =	vst v0  }
0x22: {  	[spmem:s5] =	stream.linear.scatter [tilespmem:s13], [sflag:$0x3], $0x4000, $0x38;
	[tilespmem:$0x1E400] =	vst v63  }
0x23: {  	_ =	swait.ge [sflag:s14], $0x4000  }
0x24: {  	[sflag:s14] =	ssyncset.done $0x0  }
0x25: {  	[sflag:s14] =	ssyncadd.s32 $0xFFFFC000  }
0x26: {  	[spmem:s6] =	stream.linear.scatter [tilespmem:s13], [sflag:$0x3], $0x4000, $0x38;
	[tilespmem:$0x1E400] =	vst v63  }
0x27: {  	_ =	swait.ge [sflag:s14], $0x4000  }
0x28: {  	[sflag:s14] =	ssyncset.done $0x0  }
0x29: {  	[sflag:s14] =	ssyncadd.s32 $0xFFFFC000  }
0x2a: {  	[spmem:s7] =	stream.linear.scatter [tilespmem:s13], [sflag:$0x3], $0x4000, $0x38;
	[tilespmem:$0x1E400] =	vst v63  }
0x2b: {  	_ =	swait.ge [sflag:s14], $0x4000  }
0x2c: {  	[sflag:s14] =	ssyncset.done $0x0  }
0x2d: {  	[sflag:s14] =	ssyncadd.s32 $0xFFFFC000  }
0x2e: {  	[spmem:s8] =	stream.linear.scatter [tilespmem:s13], [sflag:$0x3], $0x4000, $0x38;
	[tilespmem:$0x1E400] =	vst v63  }
0x2f: {  	_ =	swait.ge [sflag:s14], $0x4000  }
0x30: {  	[sflag:s14] =	ssyncset.done $0x0  }
0x31: {  	[sflag:s14] =	ssyncadd.s32 $0xFFFFC000  }
0x32: {  	[spmem:s9] =	stream.linear.scatter [tilespmem:s13], [sflag:$0x3], $0x3C00, $0x38;
	[tilespmem:$0x1E400] =	vst v63  }
0x33: {  	_ =	swait.ge [sflag:s14], $0x3C00  }
0x34: {  	[sflag:s14] =	ssyncset.done $0x0  }
0x35: {  	s25 =	simm.s32 $0x0;
	s26 =	simm.s32 $0x200;
	[sflag:s14] =	ssyncadd.s32 $0xFFFFC400  }
.LBB2_4:
0x36: {  	p0 =	sne.s32 s26, $0xFE00;
	[tilespmem:s25+$0x2870] =	vst v1  }
0x37: {  	[tilespmem:s25+$0x2800] =	vst v1  }
0x38: {  	[tilespmem:s25+$0x2810] =	vst v1  }
.Ltmp1:
0x39: {  	[tilespmem:s25+$0x2820] =	vst v1;
	(pc) =	sbr.rel @p0 .LBB2_4-.Ltmp1, $4  }
0x3a: {  	[tilespmem:s25+$0x2830] =	vst v1  }
0x3b: {  	[tilespmem:s25+$0x2840] =	vst v1  }
0x3c: {  	[tilespmem:s25+$0x2850] =	vst v1  }
0x3d: {  	[tilespmem:s25+$0x2860] =	vst v1;
	s25 =	sshra.s32 s26, $0x2;
	s26 =	sadd.s32 $0x200, s26  }
0x3e: {  	[tilespmem:s25+$0x2870] =	vst v1  }
0x3f: {  	[tilespmem:s25+$0x2800] =	vst v1  }
0x40: {  	[tilespmem:s25+$0x2810] =	vst v1  }
0x41: {  	[tilespmem:s25+$0x2820] =	vst v1  }
0x42: {  	[tilespmem:s25+$0x2830] =	vst v1  }
0x43: {  	[tilespmem:s25+$0x2840] =	vst v1  }
0x44: {  	[tilespmem:s25+$0x2850] =	vst v1  }
0x45: {  	[tilespmem:s25+$0x2860] =	vst v1  }
0x46: {  	s30 =	simm.s32 $0x0;
	[bflag:$0x0] =	sbarrier.arrive $0xFFFF  }
0x47: {  	[tilespmem:s15], [sflag:$0x3] =	stream.linear.gather [hbm4b:s10+s30], $0x1400, $0x38;
	[tilespmem:$0x1E400] =	vst v63  }
0x48: {  	_ =	swait.ge [sflag:s14], $0x1400  }
0x49: {  	[sflag:s14] =	ssyncset.done $0x0  }
0x4a: {  	s31 =	simm.s32 $0x1400;
	[sflag:s14] =	ssyncadd.s32 $0xFFFFEC00  }
0x4b: {  	[spmem:s3] =	stream.indirect.scatter.add.f32 [tilespmem:s13], [sflag:$0x3], $0x80, s31, s16, $0xb8;
	[tilespmem:$0x1E400] =	vst v63  }
0x4c: {  	s25 =	simm.s32 $0x200;
	_ =	swait.ge [sflag:s14], $0x4000  }
.LBB2_6:
0x4d: {  	s26 =	sshra.s32 s25, $0x2;
	[sflag:s14] =	ssyncset.done $0x0;
	p0 =	sne.s32 s25, $0x4E00  }
.Ltmp2:
0x4e: {  	s26 =	sadd.s32 $0x1400, s26;
	[sflag:s14] =	ssyncadd.s32 $0xFFFFC000;
	(pc) =	sbr.rel @p0 .LBB2_6-.Ltmp2, $3  }
0x4f: {  	[spmem:s3] =	stream.indirect.scatter.add.f32 [tilespmem:s13], [sflag:$0x3], $0x80, s26, s16, $0xb8;
	[tilespmem:$0x1E400] =	vst v63  }
0x50: {  	s25 =	sadd.s32 $0x200, s25;
	_ =	sdelay $0x1  }
0x51: {  	_ =	swait.ge [sflag:s14], $0x4000  }
0x52: {  	[sflag:s14] =	ssyncset.done $0x0  }
0x53: {  	s28 =	sadd.s32 $0x280, s10;
	s25 =	simm.s32 $0x0;
	[sflag:s14] =	ssyncadd.s32 $0xFFFFC000  }
0x54: {  	[tilespmem:s15], [sflag:$0x3] =	stream.linear.gather [hbm4b:s28+s25], $0x1400, $0x38;
	[tilespmem:$0x1E400] =	vst v63  }
0x55: {  	_ =	swait.ge [sflag:s14], $0x1400  }
0x56: {  	[sflag:s14] =	ssyncset.done $0x0  }
0x57: {  	s31 =	simm.s32 $0x1400;
	[sflag:s14] =	ssyncadd.s32 $0xFFFFEC00  }
0x58: {  	[spmem:s3] =	stream.indirect.scatter.add.f32 [tilespmem:s13], [sflag:$0x3], $0x80, s31, s16, $0xb8;
	[tilespmem:$0x1E400] =	vst v63  }
0x59: {  	s25 =	simm.s32 $0x200;
	_ =	swait.ge [sflag:s14], $0x4000  }
.LBB2_8:
0x5a: {  	s26 =	sshra.s32 s25, $0x2;
	[sflag:s14] =	ssyncset.done $0x0;
	p0 =	sne.s32 s25, $0x4E00  }
.Ltmp3:
0x5b: {  	s26 =	sadd.s32 $0x1400, s26;
	[sflag:s14] =	ssyncadd.s32 $0xFFFFC000;
	(pc) =	sbr.rel @p0 .LBB2_8-.Ltmp3, $3  }
0x5c: {  	[spmem:s3] =	stream.indirect.scatter.add.f32 [tilespmem:s13], [sflag:$0x3], $0x80, s26, s16, $0xb8;
	[tilespmem:$0x1E400] =	vst v63  }
0x5d: {  	s25 =	sadd.s32 $0x200, s25;
	_ =	sdelay $0x1  }
0x5e: {  	_ =	swait.ge [sflag:s14], $0x4000  }
0x5f: {  	[sflag:s14] =	ssyncset.done $0x0;
	s0 =	stileid.u32  }
0x60: {  	[sflag:s14] =	ssyncadd.s32 $0xFFFFC000;
	s25 =	sshll.u32 s0, $0x6  }
0x61: {  	s26 =	sshrl.u32 s5, $0x3;
	[bflag:$0x0] =	sbarrier.arrive $0xFFFF;
	s25 =	sor.u32 $0x1C03, s25  }
0x62: {  	[hbm:s17], [sflag:s25] =	dma.local [spmem:s26], $0x2780  }
0x63: {  	_ =	swait.ge [sflag:s14], $0x2780  }
0x64: {  	[sflag:s14] =	ssyncset.done $0x0  }
0x65: {  	s29 =	simm.s32 $0x0;
	s30 =	simm.s32 $0x200;
	[sflag:s14] =	ssyncadd.s32 $0xFFFFD880  }
.LBB2_10:
0x66: {  	p0 =	sne.s32 s30, $0xFE00;
	[tilespmem:s29+$0x2870] =	vst v0  }
0x67: {  	[tilespmem:s29+$0x2800] =	vst v0  }
0x68: {  	[tilespmem:s29+$0x2810] =	vst v0  }
.Ltmp4:
0x69: {  	[tilespmem:s29+$0x2820] =	vst v0;
	(pc) =	sbr.rel @p0 .LBB2_10-.Ltmp4, $4  }
0x6a: {  	[tilespmem:s29+$0x2830] =	vst v0  }
0x6b: {  	[tilespmem:s29+$0x2840] =	vst v0  }
0x6c: {  	[tilespmem:s29+$0x2850] =	vst v0  }
0x6d: {  	[tilespmem:s29+$0x2860] =	vst v0;
	s29 =	sshra.s32 s30, $0x2;
	s30 =	sadd.s32 $0x200, s30  }
0x6e: {  	[tilespmem:s29+$0x2870] =	vst v0  }
0x6f: {  	[tilespmem:s29+$0x2800] =	vst v0  }
0x70: {  	[tilespmem:s29+$0x2810] =	vst v0  }
0x71: {  	[tilespmem:s29+$0x2820] =	vst v0  }
0x72: {  	[tilespmem:s29+$0x2830] =	vst v0  }
0x73: {  	[tilespmem:s29+$0x2840] =	vst v0  }
0x74: {  	[tilespmem:s29+$0x2850] =	vst v0  }
0x75: {  	[tilespmem:s29+$0x2860] =	vst v0  }
0x76: {  	[spmem:s5] =	stream.linear.scatter [tilespmem:s13], [sflag:$0x3], $0x4000, $0x38;
	[tilespmem:$0x1E400] =	vst v63  }
0x77: {  	_ =	swait.ge [sflag:s14], $0x4000  }
0x78: {  	[sflag:s14] =	ssyncset.done $0x0  }
0x79: {  	[sflag:s14] =	ssyncadd.s32 $0xFFFFC000  }
0x7a: {  	[spmem:s6] =	stream.linear.scatter [tilespmem:s13], [sflag:$0x3], $0x4000, $0x38;
	[tilespmem:$0x1E400] =	vst v63  }
0x7b: {  	_ =	swait.ge [sflag:s14], $0x4000  }
0x7c: {  	[sflag:s14] =	ssyncset.done $0x0  }
0x7d: {  	[sflag:s14] =	ssyncadd.s32 $0xFFFFC000  }
0x7e: {  	[spmem:s7] =	stream.linear.scatter [tilespmem:s13], [sflag:$0x3], $0x4000, $0x38;
	[tilespmem:$0x1E400] =	vst v63  }
0x7f: {  	_ =	swait.ge [sflag:s14], $0x4000  }
0x80: {  	[sflag:s14] =	ssyncset.done $0x0  }
0x81: {  	[sflag:s14] =	ssyncadd.s32 $0xFFFFC000  }
0x82: {  	[spmem:s8] =	stream.linear.scatter [tilespmem:s13], [sflag:$0x3], $0x4000, $0x38;
	[tilespmem:$0x1E400] =	vst v63  }
0x83: {  	_ =	swait.ge [sflag:s14], $0x4000  }
0x84: {  	[sflag:s14] =	ssyncset.done $0x0  }
0x85: {  	[sflag:s14] =	ssyncadd.s32 $0xFFFFC000  }
0x86: {  	[spmem:s9] =	stream.linear.scatter [tilespmem:s13], [sflag:$0x3], $0x3C00, $0x38;
	[tilespmem:$0x1E400] =	vst v63  }
0x87: {  	_ =	swait.ge [sflag:s14], $0x3C00  }
0x88: {  	[sflag:s14] =	ssyncset.done $0x0  }
0x89: {  	[sflag:s14] =	ssyncadd.s32 $0xFFFFC400  }
0x8a: {  	s29 =	simm.s32 $0x0;
	[bflag:$0x0] =	sbarrier.arrive $0xFFFF  }
0x8b: {  	[tilespmem:s29], [sflag:$0x3] =	stream.linear.gather [hbm4b:s11+s29], $0x1400, $0x38;
	[tilespmem:$0x1E400] =	vst v63  }
0x8c: {  	_ =	swait.ge [sflag:s14], $0x1400  }
0x8d: {  	[sflag:s14] =	ssyncset.done $0x0  }
0x8e: {  	[sflag:s14] =	ssyncadd.s32 $0xFFFFEC00  }
0x8f: {  	[tilespmem:s15], [sflag:$0x3] =	stream.linear.gather [hbm4b:s10+s29], $0x1400, $0x38;
	[tilespmem:$0x1E400] =	vst v63  }
0x90: {  	_ =	swait.ge [sflag:s14], $0x1400  }
0x91: {  	[sflag:s14] =	ssyncset.done $0x0  }
0x92: {  	[sflag:s14] =	ssyncadd.s32 $0xFFFFEC00  }
0x93: {  	[tilespmem:s13], [sflag:$0x1] =	stream.indirect.gather [hbm4b:s1+s16], $0x80, s29, s16, $0xb8;
	[tilespmem:$0x1E400] =	vst v63  }
0x94: {  	s29 =	simm.s32 $0x80  }
0x95: {  	[tilespmem:s18], [sflag:$0x2] =	stream.indirect.gather [hbm4b:s1+s16], $0x80, s29, s16, $0xb8;
	[tilespmem:$0x1E400] =	vst v63  }
0x96: {  	_ =	swait.ge [sflag:s19], $0x4000  }
0x97: {  	[sflag:s19] =	ssyncset.done $0x0  }
0x98: {  	s29 =	simm.s32 $0x1400;
	[sflag:s19] =	ssyncadd.s32 $0xFFFFC000  }
0x99: {  	[spmem:s3] =	stream.indirect.scatter.add.f32 [tilespmem:s13], [sflag:$0x3], $0x80, s29, s16, $0xb8;
	[tilespmem:$0x1E400] =	vst v63  }
0x9a: {  	_ =	swait.ge [sflag:s14], $0x4000  }
0x9b: {  	[sflag:s14] =	ssyncset.done $0x0  }
0x9c: {  	s29 =	simm.s32 $0x100;
	[sflag:s14] =	ssyncadd.s32 $0xFFFFC000  }
0x9d: {  	[tilespmem:s13], [sflag:$0x1] =	stream.indirect.gather [hbm4b:s1+s16], $0x80, s29, s16, $0xb8;
	[tilespmem:$0x1E400] =	vst v63  }
0x9e: {  	_ =	swait.ge [sflag:s20], $0x4000  }
0x9f: {  	[sflag:s20] =	ssyncset.done $0x0  }
0xa0: {  	s29 =	simm.s32 $0x1480;
	[sflag:s20] =	ssyncadd.s32 $0xFFFFC000  }
0xa1: {  	[spmem:s3] =	stream.indirect.scatter.add.f32 [tilespmem:s18], [sflag:$0x3], $0x80, s29, s16, $0xb8;
	[tilespmem:$0x1E400] =	vst v63  }
0xa2: {  	_ =	swait.ge [sflag:s14], $0x4000  }
0xa3: {  	s30 =	simm.s32 $0x800;
	s29 =	simm.s32 $0x100;
	[sflag:s14] =	ssyncset.done $0x0  }
.LBB2_12:
0xa4: {  	s31 =	sadd.s32 $0x80, s29  }
0xa5: {  	[sflag:s14] =	ssyncadd.s32 $0xFFFFC000;
	s0 =	smov.u32 s30;
	s2 =	sadd.s32 $0x400, s30  }
0xa6: {  	[tilespmem:s18], [sflag:$0x2] =	stream.indirect.gather [hbm4b:s1+s16], $0x80, s31, s16, $0xb8;
	[tilespmem:$0x1E400] =	vst v63  }
0xa7: {  	p0 =	sne.s32 s30, $0x4800;
	_ =	swait.ge [sflag:s19], $0x4000  }
0xa8: {  	[sflag:s19] =	ssyncset.done $0x0  }
0xa9: {  	s30 =	sadd.s32 $0x1400, s29;
	[sflag:s19] =	ssyncadd.s32 $0xFFFFC000  }
0xaa: {  	[spmem:s3] =	stream.indirect.scatter.add.f32 [tilespmem:s13], [sflag:$0x3], $0x80, s30, s16, $0xb8;
	[tilespmem:$0x1E400] =	vst v63  }
0xab: {  	_ =	swait.ge [sflag:s14], $0x4000  }
0xac: {  	[sflag:s14] =	ssyncset.done $0x0  }
0xad: {  	s30 =	sadd.s32 $0x100, s29;
	[sflag:s14] =	ssyncadd.s32 $0xFFFFC000  }
0xae: {  	[tilespmem:s13], [sflag:$0x1] =	stream.indirect.gather [hbm4b:s1+s16], $0x80, s30, s16, $0xb8;
	[tilespmem:$0x1E400] =	vst v63  }
0xaf: {  	_ =	swait.ge [sflag:s20], $0x4000  }
.Ltmp5:
0xb0: {  	[sflag:s20] =	ssyncset.done $0x0;
	(pc) =	sbr.rel @p0 .LBB2_12-.Ltmp5, $4  }
0xb1: {  	s29 =	sadd.s32 $0x1480, s29;
	[sflag:s20] =	ssyncadd.s32 $0xFFFFC000  }
0xb2: {  	[spmem:s3] =	stream.indirect.scatter.add.f32 [tilespmem:s18], [sflag:$0x3], $0x80, s29, s16, $0xb8;
	[tilespmem:$0x1E400] =	vst v63  }
0xb3: {  	_ =	swait.ge [sflag:s14], $0x4000  }
0xb4: {  	s30 =	smov.u32 s2;
	s29 =	sshra.s32 s0, $0x2;
	[sflag:s14] =	ssyncset.done $0x0  }
0xb5: {  	s0 =	sadd.s32 $0x80, s29;
	[sflag:s14] =	ssyncadd.s32 $0xFFFFC000  }
0xb6: {  	[tilespmem:s18], [sflag:$0x2] =	stream.indirect.gather [hbm4b:s1+s16], $0x80, s0, s16, $0xb8;
	[tilespmem:$0x1E400] =	vst v63  }
0xb7: {  	_ =	swait.ge [sflag:s19], $0x4000  }
0xb8: {  	[sflag:s19] =	ssyncset.done $0x0  }
0xb9: {  	s30 =	sadd.s32 $0x1400, s29;
	[sflag:s19] =	ssyncadd.s32 $0xFFFFC000  }
0xba: {  	[spmem:s3] =	stream.indirect.scatter.add.f32 [tilespmem:s13], [sflag:$0x3], $0x80, s30, s16, $0xb8;
	[tilespmem:$0x1E400] =	vst v63  }
0xbb: {  	_ =	swait.ge [sflag:s14], $0x4000  }
0xbc: {  	[sflag:s14] =	ssyncset.done $0x0  }
0xbd: {  	s31 =	sadd.s32 $0x100, s29;
	[sflag:s14] =	ssyncadd.s32 $0xFFFFC000  }
0xbe: {  	[tilespmem:s13], [sflag:$0x1] =	stream.indirect.gather [hbm4b:s1+s16], $0x80, s31, s16, $0xb8;
	[tilespmem:$0x1E400] =	vst v63  }
0xbf: {  	_ =	swait.ge [sflag:s20], $0x4000  }
0xc0: {  	[sflag:s20] =	ssyncset.done $0x0  }
0xc1: {  	s2 =	sadd.s32 $0x1480, s29;
	[sflag:s20] =	ssyncadd.s32 $0xFFFFC000  }
0xc2: {  	[spmem:s3] =	stream.indirect.scatter.add.f32 [tilespmem:s18], [sflag:$0x3], $0x80, s2, s16, $0xb8;
	[tilespmem:$0x1E400] =	vst v63  }
0xc3: {  	_ =	swait.ge [sflag:s14], $0x4000  }
0xc4: {  	[sflag:s14] =	ssyncset.done $0x0  }
0xc5: {  	[sflag:s14] =	ssyncadd.s32 $0xFFFFC000  }
0xc6: {  	[tilespmem:s18], [sflag:$0x2] =	stream.indirect.gather [hbm4b:s1+s16], $0x80, s21, s16, $0xb8;
	[tilespmem:$0x1E400] =	vst v63  }
0xc7: {  	_ =	swait.ge [sflag:s19], $0x4000  }
0xc8: {  	[sflag:s19] =	ssyncset.done $0x0  }
0xc9: {  	[sflag:s19] =	ssyncadd.s32 $0xFFFFC000  }
0xca: {  	[spmem:s3] =	stream.indirect.scatter.add.f32 [tilespmem:s13], [sflag:$0x3], $0x80, s22, s16, $0xb8;
	[tilespmem:$0x1E400] =	vst v63  }
0xcb: {  	_ =	swait.ge [sflag:s14], $0x4000  }
0xcc: {  	[sflag:s14] =	ssyncset.done $0x0  }
0xcd: {  	[sflag:s14] =	ssyncadd.s32 $0xFFFFC000  }
0xce: {  	_ =	swait.ge [sflag:s20], $0x4000  }
0xcf: {  	[sflag:s20] =	ssyncset.done $0x0  }
0xd0: {  	[sflag:s20] =	ssyncadd.s32 $0xFFFFC000  }
0xd1: {  	[spmem:s3] =	stream.indirect.scatter.add.f32 [tilespmem:s18], [sflag:$0x3], $0x80, s23, s16, $0xb8;
	[tilespmem:$0x1E400] =	vst v63  }
0xd2: {  	_ =	swait.ge [sflag:s14], $0x4000  }
0xd3: {  	[sflag:s14] =	ssyncset.done $0x0  }
0xd4: {  	s30 =	sadd.s32 $0x280, s11;
	s2 =	simm.s32 $0x0;
	[sflag:s14] =	ssyncadd.s32 $0xFFFFC000  }
0xd5: {  	[tilespmem:s2], [sflag:$0x3] =	stream.linear.gather [hbm4b:s30+s2], $0x1400, $0x38;
	[tilespmem:$0x1E400] =	vst v63  }
0xd6: {  	_ =	swait.ge [sflag:s14], $0x1400  }
0xd7: {  	[sflag:s14] =	ssyncset.done $0x0  }
0xd8: {  	[sflag:s14] =	ssyncadd.s32 $0xFFFFEC00  }
0xd9: {  	[tilespmem:s15], [sflag:$0x3] =	stream.linear.gather [hbm4b:s28+s2], $0x1400, $0x38;
	[tilespmem:$0x1E400] =	vst v63  }
0xda: {  	_ =	swait.ge [sflag:s14], $0x1400  }
0xdb: {  	[sflag:s14] =	ssyncset.done $0x0  }
0xdc: {  	[sflag:s14] =	ssyncadd.s32 $0xFFFFEC00  }
0xdd: {  	[tilespmem:s13], [sflag:$0x1] =	stream.indirect.gather [hbm4b:s1+s16], $0x80, s2, s16, $0xb8;
	[tilespmem:$0x1E400] =	vst v63  }
0xde: {  	s31 =	simm.s32 $0x80  }
0xdf: {  	[tilespmem:s18], [sflag:$0x2] =	stream.indirect.gather [hbm4b:s1+s16], $0x80, s31, s16, $0xb8;
	[tilespmem:$0x1E400] =	vst v63  }
0xe0: {  	_ =	swait.ge [sflag:s19], $0x4000  }
0xe1: {  	[sflag:s19] =	ssyncset.done $0x0  }
0xe2: {  	s2 =	simm.s32 $0x1400;
	[sflag:s19] =	ssyncadd.s32 $0xFFFFC000  }
0xe3: {  	[spmem:s3] =	stream.indirect.scatter.add.f32 [tilespmem:s13], [sflag:$0x3], $0x80, s2, s16, $0xb8;
	[tilespmem:$0x1E400] =	vst v63  }
0xe4: {  	_ =	swait.ge [sflag:s14], $0x4000  }
0xe5: {  	[sflag:s14] =	ssyncset.done $0x0  }
0xe6: {  	s30 =	simm.s32 $0x100;
	[sflag:s14] =	ssyncadd.s32 $0xFFFFC000  }
0xe7: {  	[tilespmem:s13], [sflag:$0x1] =	stream.indirect.gather [hbm4b:s1+s16], $0x80, s30, s16, $0xb8;
	[tilespmem:$0x1E400] =	vst v63  }
0xe8: {  	_ =	swait.ge [sflag:s20], $0x4000  }
0xe9: {  	[sflag:s20] =	ssyncset.done $0x0  }
0xea: {  	s31 =	simm.s32 $0x1480;
	[sflag:s20] =	ssyncadd.s32 $0xFFFFC000  }
0xeb: {  	[spmem:s3] =	stream.indirect.scatter.add.f32 [tilespmem:s18], [sflag:$0x3], $0x80, s31, s16, $0xb8;
	[tilespmem:$0x1E400] =	vst v63  }
0xec: {  	_ =	swait.ge [sflag:s14], $0x4000  }
0xed: {  	s29 =	simm.s32 $0x800;
	s28 =	simm.s32 $0x100;
	[sflag:s14] =	ssyncset.done $0x0  }
.LBB2_14:
0xee: {  	s0 =	sadd.s32 $0x80, s28  }
0xef: {  	[sflag:s14] =	ssyncadd.s32 $0xFFFFC000;
	s2 =	smov.u32 s29;
	s30 =	sadd.s32 $0x400, s29  }
0xf0: {  	[tilespmem:s18], [sflag:$0x2] =	stream.indirect.gather [hbm4b:s1+s16], $0x80, s0, s16, $0xb8;
	[tilespmem:$0x1E400] =	vst v63  }
0xf1: {  	p0 =	sne.s32 s29, $0x4800;
	_ =	swait.ge [sflag:s19], $0x4000  }
0xf2: {  	[sflag:s19] =	ssyncset.done $0x0  }
0xf3: {  	s0 =	sadd.s32 $0x1400, s28;
	[sflag:s19] =	ssyncadd.s32 $0xFFFFC000  }
0xf4: {  	[spmem:s3] =	stream.indirect.scatter.add.f32 [tilespmem:s13], [sflag:$0x3], $0x80, s0, s16, $0xb8;
	[tilespmem:$0x1E400] =	vst v63  }
0xf5: {  	_ =	swait.ge [sflag:s14], $0x4000  }
0xf6: {  	[sflag:s14] =	ssyncset.done $0x0  }
0xf7: {  	s0 =	sadd.s32 $0x100, s28;
	[sflag:s14] =	ssyncadd.s32 $0xFFFFC000  }
0xf8: {  	[tilespmem:s13], [sflag:$0x1] =	stream.indirect.gather [hbm4b:s1+s16], $0x80, s0, s16, $0xb8;
	[tilespmem:$0x1E400] =	vst v63  }
0xf9: {  	_ =	swait.ge [sflag:s20], $0x4000  }
.Ltmp6:
0xfa: {  	[sflag:s20] =	ssyncset.done $0x0;
	(pc) =	sbr.rel @p0 .LBB2_14-.Ltmp6, $4  }
0xfb: {  	s0 =	sadd.s32 $0x1480, s28;
	[sflag:s20] =	ssyncadd.s32 $0xFFFFC000  }
0xfc: {  	[spmem:s3] =	stream.indirect.scatter.add.f32 [tilespmem:s18], [sflag:$0x3], $0x80, s0, s16, $0xb8;
	[tilespmem:$0x1E400] =	vst v63  }
0xfd: {  	_ =	swait.ge [sflag:s14], $0x4000  }
0xfe: {  	s29 =	smov.u32 s30;
	s28 =	sshra.s32 s2, $0x2;
	[sflag:s14] =	ssyncset.done $0x0  }
0xff: {  	s0 =	sadd.s32 $0x80, s28;
	[sflag:s14] =	ssyncadd.s32 $0xFFFFC000  }
0x100: {  	[tilespmem:s18], [sflag:$0x2] =	stream.indirect.gather [hbm4b:s1+s16], $0x80, s0, s16, $0xb8;
	[tilespmem:$0x1E400] =	vst v63  }
0x101: {  	_ =	swait.ge [sflag:s19], $0x4000  }
0x102: {  	[sflag:s19] =	ssyncset.done $0x0  }
0x103: {  	s29 =	sadd.s32 $0x1400, s28;
	[sflag:s19] =	ssyncadd.s32 $0xFFFFC000  }
0x104: {  	[spmem:s3] =	stream.indirect.scatter.add.f32 [tilespmem:s13], [sflag:$0x3], $0x80, s29, s16, $0xb8;
	[tilespmem:$0x1E400] =	vst v63  }
0x105: {  	_ =	swait.ge [sflag:s14], $0x4000  }
0x106: {  	[sflag:s14] =	ssyncset.done $0x0  }
0x107: {  	s30 =	sadd.s32 $0x100, s28;
	[sflag:s14] =	ssyncadd.s32 $0xFFFFC000  }
0x108: {  	[tilespmem:s13], [sflag:$0x1] =	stream.indirect.gather [hbm4b:s1+s16], $0x80, s30, s16, $0xb8;
	[tilespmem:$0x1E400] =	vst v63  }
0x109: {  	_ =	swait.ge [sflag:s20], $0x4000  }
0x10a: {  	[sflag:s20] =	ssyncset.done $0x0  }
0x10b: {  	s31 =	sadd.s32 $0x1480, s28;
	[sflag:s20] =	ssyncadd.s32 $0xFFFFC000  }
0x10c: {  	[spmem:s3] =	stream.indirect.scatter.add.f32 [tilespmem:s18], [sflag:$0x3], $0x80, s31, s16, $0xb8;
	[tilespmem:$0x1E400] =	vst v63  }
0x10d: {  	_ =	swait.ge [sflag:s14], $0x4000  }
0x10e: {  	[sflag:s14] =	ssyncset.done $0x0  }
0x10f: {  	[sflag:s14] =	ssyncadd.s32 $0xFFFFC000  }
0x110: {  	[tilespmem:s18], [sflag:$0x2] =	stream.indirect.gather [hbm4b:s1+s16], $0x80, s21, s16, $0xb8;
	[tilespmem:$0x1E400] =	vst v63  }
0x111: {  	_ =	swait.ge [sflag:s19], $0x4000  }
0x112: {  	[sflag:s19] =	ssyncset.done $0x0  }
0x113: {  	[sflag:s19] =	ssyncadd.s32 $0xFFFFC000  }
0x114: {  	[spmem:s3] =	stream.indirect.scatter.add.f32 [tilespmem:s13], [sflag:$0x3], $0x80, s22, s16, $0xb8;
	[tilespmem:$0x1E400] =	vst v63  }
0x115: {  	_ =	swait.ge [sflag:s14], $0x4000  }
0x116: {  	[sflag:s14] =	ssyncset.done $0x0  }
0x117: {  	[sflag:s14] =	ssyncadd.s32 $0xFFFFC000  }
0x118: {  	_ =	swait.ge [sflag:s20], $0x4000  }
0x119: {  	[sflag:s20] =	ssyncset.done $0x0  }
0x11a: {  	[sflag:s20] =	ssyncadd.s32 $0xFFFFC000  }
0x11b: {  	[spmem:s3] =	stream.indirect.scatter.add.f32 [tilespmem:s18], [sflag:$0x3], $0x80, s23, s16, $0xb8;
	[tilespmem:$0x1E400] =	vst v63  }
0x11c: {  	_ =	swait.ge [sflag:s14], $0x4000  }
0x11d: {  	s4 =	sadd.s32 $0x1, s4;
	[sflag:s14] =	ssyncset.done $0x0  }
0x11e: {  	p0 =	sne.s32 s4, s12;
	[sflag:s14] =	ssyncadd.s32 $0xFFFFC000  }
.Ltmp7:
0x11f: {  	[bflag:$0x0] =	sbarrier.arrive $0xFFFF;
	(pc) =	sbr.rel @p0 .LBB2_1-.Ltmp7, $4  }
0x120: {  	[hbm:s24], [sflag:s25] =	dma.local [spmem:s26], $0x2780  }
0x121: {  	_ =	swait.ge [sflag:s14], $0x2780  }
0x122: {  	[sflag:s14] =	ssyncset.done $0x0  }
0x123: {  	[sflag:s14] =	ssyncadd.s32 $0xFFFFD880  }
0x124: {  	_ =	sfence.sel $0x180000  }
0x125: {  	[bflag:$0x0] =	sbarrier.arrive $0xFFFF  }
0x126: {  	_ =	strace $0x90000047  }
0x127: {  	s0 =	stileid.u32;
	[bflag:$0x2] =	sbarrier.arrive $0xFFFF  }
0x128: {  	p0 =	sne.s32 s0, $0x0;
	s0 =	rddreg [dreg:$0x3]  }
0x129: {  	s0 =	sadd.s32 @!p0 $0x100000, s0  }
0x12a: {  	[sflag:s0] =	ssyncadd.tile.s32 @!p0 $0x1;
	_ =	shalt  }
.Lfunc_end2:
_tile_overlayer_lowered:
.L_overlay_start_2:
0x12b: {  	(tag) =	ssettag $0x2  }
0x12c: {  	s0 =	rddreg [dreg:$0x0];
	s2 =	stileid.u32  }
0x12d: {  	s1 =	rddreg [dreg:$0x1];
	p0 =	sne.s32 s2, $0x0  }
0x12e: {  	s3 =	rddreg [dreg:$0x2];
	[bflag:$0x3] =	sbarrier.arrive $0xFFFF;
	s2 =	simm.s32 @!p0 $0x1C03  }
0x12f: {  	[timem:s3], [sflag:s2] =	dma.local @!p0 [hbm:s0], s1  }
0x130: {  	s0 =	simm.s32 @!p0 $0x3  }
0x131: {  	_ =	swait.ge @!p0 [sflag:s0], s1  }
0x132: {  	s1 =	ssub.s32 @!p0 $0x0, s1;
	[sflag:s0] =	ssyncset.done @!p0 $0x0  }
0x133: {  	[sflag:s0] =	ssyncadd.s32 @!p0 s1  }
0x134: {  	[bflag:$0x3] =	sbarrier.arrive $0xFFFF  }
0x135: {  	_ =	shalt  }

</sc_bundles>
